<compile_context>
chip_gen: v7x
topology: tpu7x:2x2x1
jax: 0.10.2.dev20260603
libtpu: 0.0.44.dev20260713+nightly
codegen_flags: <defaults>
</compile_context>

<pallas_src>
import jax
import jax.numpy as jnp
from jax import lax
from jax.experimental import pallas as pl
from jax.experimental.pallas import tpu as pltpu
from jax.experimental.pallas import tpu_sc as plsc

f32 = jnp.float32
i32 = jnp.int32

NC = 2
NS = 16
NT = NC * NS
LANES = 16
EB = 1600
FW = 16

_MESH = plsc.VectorSubcoreMesh(core_axis_name="c", subcore_axis_name="s")

_CP = pltpu.CompilerParams(needs_layout_passes=False)


def _ring_scratch():
    return [
        [pltpu.VMEM((EB,), i32)] * 4,
        [pltpu.VMEM((EB,), i32)] * 4,
        [pltpu.VMEM((EB,), f32)] * 2,
        [pltpu.SemaphoreType.DMA] * 4,
        [pltpu.SemaphoreType.DMA] * 2,
    ]


def _edge_ring(src_ref, dst_ref, h_tile, agg_sh, sbufs, dbufs, vbufs, sl, ss,
               ebase, ept):
    NBLK = ept // EB
    MAIN = (NBLK - 4) // 4 * 4
    assert NBLK >= 6

    def start_loads(blk, b4):
        off = ebase + blk * EB
        pltpu.async_copy(src_ref.at[pl.ds(off, EB)], sbufs[b4], sl[b4])
        pltpu.async_copy(dst_ref.at[pl.ds(off, EB)], dbufs[b4], sl[b4])

    def wait_loads(b4):
        pltpu.make_async_copy(
            src_ref.at[pl.ds(0, EB)], sbufs[b4], sl[b4]).wait()
        pltpu.make_async_copy(
            dst_ref.at[pl.ds(0, EB)], dbufs[b4], sl[b4]).wait()

    def gather(b4, b2):
        @plsc.parallel_loop(0, EB, LANES, unroll=4)
        def _(i):
            idx = sbufs[b4][pl.ds(i, LANES)]
            vbufs[b2][pl.ds(i, LANES)] = plsc.load_gather(h_tile, [idx])

    def start_scatter(b4, b2):
        pltpu.async_copy(vbufs[b2], agg_sh.at[dbufs[b4]], ss[b2], add=True)

    def wait_scatter(b4, b2):
        pltpu.make_async_copy(vbufs[b2], agg_sh.at[dbufs[b4]], ss[b2]).wait()

    start_loads(0, 0)
    start_loads(1, 1)
    for blk in (0, 1):
        wait_loads(blk)
        gather(blk, blk)
        start_scatter(blk, blk)
        start_loads(blk + 2, blk + 2)

    @pl.loop(2, 2 + MAIN, step=4)
    def _(g):
        for j in range(4):
            blk_s = 2 + j
            b4, b2 = blk_s % 4, blk_s % 2
            wait_loads(b4)
            wait_scatter((blk_s - 2) % 4, b2)
            gather(b4, b2)
            start_scatter(b4, b2)
            start_loads(g + j + 2, (blk_s + 2) % 4)

    for blk in range(2 + MAIN, NBLK):
        b4, b2 = blk % 4, blk % 2
        wait_loads(b4)
        wait_scatter((blk - 2) % 4, b2)
        gather(b4, b2)
        start_scatter(b4, b2)
        if blk + 2 < NBLK:
            start_loads(blk + 2, (blk + 2) % 4)
    wait_scatter((NBLK - 2) % 4, (NBLK - 2) % 2)
    wait_scatter((NBLK - 1) % 4, (NBLK - 1) % 2)


def _all_hops(n_pad, e, num_hop):
    C = n_pad // NS
    EPT = e // NT
    n_flag_slots = num_hop

    out_type = tuple(
        [jax.ShapeDtypeStruct((n_pad,), f32)]
        + [jax.ShapeDtypeStruct((2 * n_pad,), f32)] * (n_flag_slots + 1))
    scratch = [
        pltpu.VMEM_SHARED((n_pad,), f32),
        pltpu.VMEM((n_pad,), f32),
        pltpu.VMEM((C,), f32),
        pltpu.VMEM((LANES,), f32),
        pltpu.VMEM((FW,), i32),
        pltpu.SemaphoreType.DMA,
    ] + _ring_scratch()

    def body(*refs):
        (h_ref, w_ref, src_ref, dst_ref, flags_ref,
         out_ref, *rest) = refs
        pouts = rest[:n_flag_slots]
        hrep_ref = rest[n_flag_slots]
        (agg_sh, h_tile, q0, wbuf, fbuf, sf,
         sbufs, dbufs, vbufs, sl, ss) = rest[n_flag_slots + 1:]
        c = lax.axis_index("c")
        s = lax.axis_index("s")
        base = s * C

        def combine(psrc, k):
            pltpu.sync_copy(w_ref.at[pl.ds(k * LANES, LANES)], wbuf)
            pltpu.sync_copy(psrc.at[pl.ds(base, C)], q0)

            @pl.loop(0, C, step=LANES)
            def _(i):
                hs = pl.ds(base + i, LANES)
                h_tile[hs] = h_tile[hs] + q0[pl.ds(i, LANES)]

            pltpu.sync_copy(psrc.at[pl.ds(n_pad + base, C)], q0)
            wv = wbuf[...]

            @pl.loop(0, C, step=LANES)
            def _(i):
                hs = pl.ds(base + i, LANES)
                sl_ = pl.ds(i, LANES)
                h_tile[hs] = (h_tile[hs] + q0[sl_]) * wv
                q0[sl_] = jnp.zeros((LANES,), f32)

        def flag_wait(k):
            off = ((1 - c) * n_flag_slots + k) * FW

            def cond(carry):
                it, done = carry
                return jnp.logical_and(done == 0, it < jnp.int32(200000))

            def poll(carry):
                it, _ = carry
                pltpu.async_copy(flags_ref.at[pl.ds(off, FW)], fbuf, sf
                                 ).wait()
                got = jnp.max(
                    jnp.where(fbuf[...] == k + 1, 1, 0).astype(i32))
                return (it + jnp.int32(1), got)

            lax.while_loop(cond, poll, (jnp.int32(0), jnp.int32(0)))

        pltpu.sync_copy(h_ref, h_tile)

        @pl.loop(0, C, step=LANES)
        def _(i):
            q0[pl.ds(i, LANES)] = jnp.zeros((LANES,), f32)

        for k in range(num_hop):
            if k > 0:
                flag_wait(k - 1)
                combine(pouts[k - 1], k - 1)
                pltpu.sync_copy(h_tile.at[pl.ds(base, C)],
                                hrep_ref.at[pl.ds(c * n_pad + base, C)])
            pltpu.sync_copy(q0, agg_sh.at[pl.ds(base, C)])
            plsc.subcore_barrier()
            if k > 0:
                pltpu.sync_copy(hrep_ref.at[pl.ds(c * n_pad, n_pad)], h_tile)
            _edge_ring(src_ref, dst_ref, h_tile, agg_sh,
                       sbufs, dbufs, vbufs, sl, ss, (c * NS + s) * EPT, EPT)
            plsc.subcore_barrier()
            pltpu.sync_copy(agg_sh.at[pl.ds(base, C)], q0)
            pltpu.sync_copy(q0, pouts[k].at[pl.ds(c * n_pad + base, C)])
            plsc.subcore_barrier()

            @pl.when(s == 0)
            def _():
                fbuf[...] = jnp.full((FW,), k + 1, i32)
                pltpu.sync_copy(
                    fbuf,
                    flags_ref.at[pl.ds((c * n_flag_slots + k) * FW, FW)])

        flag_wait(num_hop - 1)
        combine(pouts[num_hop - 1], num_hop - 1)

        @pl.when(c == 0)
        def _():
            pltpu.sync_copy(h_tile.at[pl.ds(base, C)],
                            out_ref.at[pl.ds(base, C)])

    return pl.kernel(body, out_type=out_type, mesh=_MESH,
                     scratch_types=scratch, compiler_params=_CP)


def kernel(x, edge_index, W):
    n = x.shape[0]
    e = edge_index.shape[1]
    num_hop = W.shape[0]
    n_pad = -(-n // (NS * LANES)) * (NS * LANES)
    assert e % (NT * EB) == 0 and num_hop >= 1

    src = edge_index[0].astype(i32)
    dst = edge_index[1].astype(i32)
    wvec = jnp.broadcast_to(W[:, 0, 0].astype(f32)[:, None],
                            (num_hop, LANES)).reshape(-1)

    h = jnp.zeros((n_pad,), f32).at[:n].set(x[:, 0])

    flags = jnp.where(src[:2 * num_hop * FW] > jnp.int32(2**30),
                      jnp.int32(1), jnp.int32(0)) * jnp.int32(2 ** 20)

    out = _all_hops(n_pad, e, num_hop)(h, wvec, src, dst, flags)[0]

    return out[:n].reshape(n, 1)

# --- scband reference (transcript-rebuilt; emitter-appended) ---
"""Pipeline reference for scband-simple-agg-78907139162590 (READ-ONLY COPY).

The authoritative reference and input builder live on the scoring server;
editing this copy changes nothing except your own understanding.
"""

import jax, jax.numpy as jnp
import numpy as np

NUM_NODES = 100000
NUM_EDGES = 6400000
NUM_HOP = 3

def setup_inputs(seed: int = 0) -> dict:
    key = jax.random.key(seed)
    k1, k2 = jax.random.split(key)
    # graph.ndata['one'] is an all-ones feature per the model's usage
    x = jnp.ones((NUM_NODES, 1), dtype=jnp.float32)
    edge_index = jax.random.randint(k1, (2, NUM_EDGES), 0, NUM_NODES, dtype=jnp.int64)
    # One SAGEConv weight per hop, initialized to ones per reset_parameters()
    W = jnp.ones((NUM_HOP, 1, 1), dtype=jnp.float32)
    return {"x": x, "edge_index": edge_index, "W": W}

def reference(x, edge_index, W):
    # SAGEConv(aggregator_type='add', bias=False, feat_drop=0), weight=ones, dropout=0
    # out_i = W * ( h_i + sum_{j in N(i)} h_j )
    src = edge_index[0]
    dst = edge_index[1]
    h = x
    num_hop = W.shape[0]
    for i in range(num_hop):
        agg = jnp.zeros_like(h).at[dst].add(h[src])  # sum aggregation over incoming edges
        h = (h + agg) @ W[i]
        # dropout=0 -> identity between layers
    return h

if __name__ == "__main__":
    import jax
    _d = setup_inputs()
    print(jax.jit(kernel)(*tuple(_d.values())))

</pallas_src>

<mosaic_0001>
#map = affine_map<(d0, d1) -> (0)>
module attributes {stable_mosaic.version = 14 : i64} {
  func.func @body(%arg0: i32, %arg1: i32, %arg2: memref<100096xf32, #tpu.memory_space<hbm>>, %arg3: memref<48xf32, #tpu.memory_space<hbm>>, %arg4: memref<6400000xi32, #tpu.memory_space<hbm>>, %arg5: memref<6400000xi32, #tpu.memory_space<hbm>>, %arg6: memref<96xi32, #tpu.memory_space<hbm>>, %arg7: memref<100096xf32, #tpu.memory_space<hbm>>, %arg8: memref<200192xf32, #tpu.memory_space<hbm>>, %arg9: memref<200192xf32, #tpu.memory_space<hbm>>, %arg10: memref<200192xf32, #tpu.memory_space<hbm>>, %arg11: memref<200192xf32, #tpu.memory_space<hbm>>, %arg12: memref<100096xf32, #tpu.memory_space<vmem_shared>>, %arg13: memref<100096xf32, #tpu.memory_space<vmem>>, %arg14: memref<6256xf32, #tpu.memory_space<vmem>>, %arg15: memref<16xf32, #tpu.memory_space<vmem>>, %arg16: memref<16xi32, #tpu.memory_space<vmem>>, %arg17: memref<!tpu.dma_semaphore, #tpu.memory_space<semaphore_mem>>, %arg18: memref<1600xi32, #tpu.memory_space<vmem>>, %arg19: memref<1600xi32, #tpu.memory_space<vmem>>, %arg20: memref<1600xi32, #tpu.memory_space<vmem>>, %arg21: memref<1600xi32, #tpu.memory_space<vmem>>, %arg22: memref<1600xi32, #tpu.memory_space<vmem>>, %arg23: memref<1600xi32, #tpu.memory_space<vmem>>, %arg24: memref<1600xi32, #tpu.memory_space<vmem>>, %arg25: memref<1600xi32, #tpu.memory_space<vmem>>, %arg26: memref<1600xf32, #tpu.memory_space<vmem>>, %arg27: memref<1600xf32, #tpu.memory_space<vmem>>, %arg28: memref<!tpu.dma_semaphore, #tpu.memory_space<semaphore_mem>>, %arg29: memref<!tpu.dma_semaphore, #tpu.memory_space<semaphore_mem>>, %arg30: memref<!tpu.dma_semaphore, #tpu.memory_space<semaphore_mem>>, %arg31: memref<!tpu.dma_semaphore, #tpu.memory_space<semaphore_mem>>, %arg32: memref<!tpu.dma_semaphore, #tpu.memory_space<semaphore_mem>>, %arg33: memref<!tpu.dma_semaphore, #tpu.memory_space<semaphore_mem>>) attributes {dimension_semantics = [#tpu.dimension_semantics<core_parallel>, #tpu.dimension_semantics<subcore_parallel>], iteration_bounds = array<i64: 2, 16>, scalar_prefetch = 0 : i64, scratch_operands = 22 : i64, tpu.core_type = #tpu.core_type<sc_vector_subcore>, window_params = [{transform_indices = #map}, {transform_indices = #map}, {transform_indices = #map}, {transform_indices = #map}, {transform_indices = #map}, {transform_indices = #map}, {transform_indices = #map}, {transform_indices = #map}, {transform_indices = #map}, {transform_indices = #map}]} {
    %mul3A = arith.constant 6256 : i32
    %mul3A_0 = arith.muli %arg1, %mul3A : i32
    "tpu.region"() ({
      %run_scoped3A = tpu.sem_alloc : memref<!tpu.dma_semaphore, #tpu.memory_space<semaphore_mem>>
      tpu.enqueue_dma source(%arg2 : memref<100096xf32, #tpu.memory_space<hbm>>) target(%arg13 : memref<100096xf32, #tpu.memory_space<vmem>>) target_semaphore(%run_scoped3A : memref<!tpu.dma_semaphore, #tpu.memory_space<semaphore_mem>>)
      tpu.wait_dma2 semaphore(%run_scoped3A : memref<!tpu.dma_semaphore, #tpu.memory_space<semaphore_mem>>) src(%arg2 : memref<100096xf32, #tpu.memory_space<hbm>>) dst(%arg13 : memref<100096xf32, #tpu.memory_space<vmem>>)
      tpu.yield
    }) : () -> ()
    %scan3A = arith.constant 0 : i32
    %scan3A_1 = arith.constant 391 : i32
    %scan3A_2 = arith.addi %scan3A, %scan3A_1 : i32
    %scan3A_3 = arith.constant 1 : i32
    scf.for %scan3A_462 = %scan3A to %scan3A_2 step %scan3A_3  : i32 {
      %mul3A_463 = arith.constant 16 : i32
      %mul3A_464 = arith.muli %scan3A_462, %mul3A_463 : i32
      %add3A_465 = arith.constant 0 : i32
      %add3A_466 = arith.addi %add3A_465, %mul3A_464 : i32
      %broadcast_in_dim3A = arith.constant 0.000000e+00 : f32
      %broadcast_in_dim3A_467 = vector.broadcast %broadcast_in_dim3A : f32 to vector<16xf32>
      %swap3A = arith.index_cast %add3A_466 : i32 to index
      %swap3A_468 = tpu.vector_load %arg14[%swap3A] {strides = array<i32>} : memref<6256xf32, #tpu.memory_space<vmem>>, vector<16xf32>,
      tpu.vector_store %arg14[%swap3A], %broadcast_in_dim3A_467 {strides = array<i32>} : memref<6256xf32, #tpu.memory_space<vmem>>, vector<16xf32>,
    }
    %scan3A_4 = arith.constant 391 : i32
    "tpu.region"() ({
      %run_scoped3A = tpu.sem_alloc : memref<!tpu.dma_semaphore, #tpu.memory_space<semaphore_mem>>
      %dma_start3A_462 = tpu.memref_slice %arg12[%mul3A_0] : memref<100096xf32, #tpu.memory_space<vmem_shared>> -> memref<6256xf32, #tpu.memory_space<vmem_shared>>
      %dma_start3A_463 = tpu.memref_slice %arg12[%mul3A_0] : memref<100096xf32, #tpu.memory_space<vmem_shared>> -> memref<6256xf32, #tpu.memory_space<vmem_shared>>
      tpu.enqueue_dma source(%arg14 : memref<6256xf32, #tpu.memory_space<vmem>>) target(%dma_start3A_463 : memref<6256xf32, #tpu.memory_space<vmem_shared>>) target_semaphore(%run_scoped3A : memref<!tpu.dma_semaphore, #tpu.memory_space<semaphore_mem>>)
      %dma_wait3A_464 = tpu.memref_slice %arg12[%mul3A_0] : memref<100096xf32, #tpu.memory_space<vmem_shared>> -> memref<6256xf32, #tpu.memory_space<vmem_shared>>
      %dma_wait3A_465 = tpu.memref_slice %arg12[%mul3A_0] : memref<100096xf32, #tpu.memory_space<vmem_shared>> -> memref<6256xf32, #tpu.memory_space<vmem_shared>>
      tpu.wait_dma2 semaphore(%run_scoped3A : memref<!tpu.dma_semaphore, #tpu.memory_space<semaphore_mem>>) src(%arg14 : memref<6256xf32, #tpu.memory_space<vmem>>) dst(%dma_wait3A_465 : memref<6256xf32, #tpu.memory_space<vmem_shared>>)
      tpu.yield
    }) : () -> ()
    %barrier3A = arith.constant 0 : index
    tpu.barrier barrier_id(%barrier3A)
    %mul3A_5 = arith.constant 16 : i32
    %mul3A_6 = arith.muli %arg0, %mul3A_5 : i32
    %add3A = arith.addi %mul3A_6, %arg1 : i32
    %mul3A_7 = arith.constant 200000 : i32
    %mul3A_8 = arith.muli %add3A, %mul3A_7 : i32
    %add3A_9 = arith.constant 0 : i32
    %add3A_10 = arith.addi %mul3A_8, %add3A_9 : i32
    %dma_start3A = tpu.memref_slice %arg4[%add3A_10] : memref<6400000xi32, #tpu.memory_space<hbm>> -> memref<1600xi32, #tpu.memory_space<hbm>>
    %dma_start3A_11 = tpu.memref_slice %arg4[%add3A_10] : memref<6400000xi32, #tpu.memory_space<hbm>> -> memref<1600xi32, #tpu.memory_space<hbm>>
    tpu.enqueue_dma source(%dma_start3A_11 : memref<1600xi32, #tpu.memory_space<hbm>>) target(%arg18 : memref<1600xi32, #tpu.memory_space<vmem>>) target_semaphore(%arg28 : memref<!tpu.dma_semaphore, #tpu.memory_space<semaphore_mem>>)
    %dma_start3A_12 = tpu.memref_slice %arg5[%add3A_10] : memref<6400000xi32, #tpu.memory_space<hbm>> -> memref<1600xi32, #tpu.memory_space<hbm>>
    %dma_start3A_13 = tpu.memref_slice %arg5[%add3A_10] : memref<6400000xi32, #tpu.memory_space<hbm>> -> memref<1600xi32, #tpu.memory_space<hbm>>
    tpu.enqueue_dma source(%dma_start3A_13 : memref<1600xi32, #tpu.memory_space<hbm>>) target(%arg22 : memref<1600xi32, #tpu.memory_space<vmem>>) target_semaphore(%arg28 : memref<!tpu.dma_semaphore, #tpu.memory_space<semaphore_mem>>)
    %add3A_14 = arith.constant 1600 : i32
    %add3A_15 = arith.addi %mul3A_8, %add3A_14 : i32
    %dma_start3A_16 = tpu.memref_slice %arg4[%add3A_15] : memref<6400000xi32, #tpu.memory_space<hbm>> -> memref<1600xi32, #tpu.memory_space<hbm>>
    %dma_start3A_17 = tpu.memref_slice %arg4[%add3A_15] : memref<6400000xi32, #tpu.memory_space<hbm>> -> memref<1600xi32, #tpu.memory_space<hbm>>
    tpu.enqueue_dma source(%dma_start3A_17 : memref<1600xi32, #tpu.memory_space<hbm>>) target(%arg19 : memref<1600xi32, #tpu.memory_space<vmem>>) target_semaphore(%arg29 : memref<!tpu.dma_semaphore, #tpu.memory_space<semaphore_mem>>)
    %dma_start3A_18 = tpu.memref_slice %arg5[%add3A_15] : memref<6400000xi32, #tpu.memory_space<hbm>> -> memref<1600xi32, #tpu.memory_space<hbm>>
    %dma_start3A_19 = tpu.memref_slice %arg5[%add3A_15] : memref<6400000xi32, #tpu.memory_space<hbm>> -> memref<1600xi32, #tpu.memory_space<hbm>>
    tpu.enqueue_dma source(%dma_start3A_19 : memref<1600xi32, #tpu.memory_space<hbm>>) target(%arg23 : memref<1600xi32, #tpu.memory_space<vmem>>) target_semaphore(%arg29 : memref<!tpu.dma_semaphore, #tpu.memory_space<semaphore_mem>>)
    %dma_wait3A = arith.constant 0 : i32
    %dma_wait3A_20 = tpu.memref_slice %arg4[%dma_wait3A] : memref<6400000xi32, #tpu.memory_space<hbm>> -> memref<1600xi32, #tpu.memory_space<hbm>>
    %dma_wait3A_21 = arith.constant 0 : i32
    %dma_wait3A_22 = tpu.memref_slice %arg4[%dma_wait3A_21] : memref<6400000xi32, #tpu.memory_space<hbm>> -> memref<1600xi32, #tpu.memory_space<hbm>>
    tpu.wait_dma2 semaphore(%arg28 : memref<!tpu.dma_semaphore, #tpu.memory_space<semaphore_mem>>) src(%dma_wait3A_22 : memref<1600xi32, #tpu.memory_space<hbm>>) dst(%arg18 : memref<1600xi32, #tpu.memory_space<vmem>>)
    %dma_wait3A_23 = arith.constant 0 : i32
    %dma_wait3A_24 = tpu.memref_slice %arg5[%dma_wait3A_23] : memref<6400000xi32, #tpu.memory_space<hbm>> -> memref<1600xi32, #tpu.memory_space<hbm>>
    %dma_wait3A_25 = arith.constant 0 : i32
    %dma_wait3A_26 = tpu.memref_slice %arg5[%dma_wait3A_25] : memref<6400000xi32, #tpu.memory_space<hbm>> -> memref<1600xi32, #tpu.memory_space<hbm>>
    tpu.wait_dma2 semaphore(%arg28 : memref<!tpu.dma_semaphore, #tpu.memory_space<semaphore_mem>>) src(%dma_wait3A_26 : memref<1600xi32, #tpu.memory_space<hbm>>) dst(%arg22 : memref<1600xi32, #tpu.memory_space<vmem>>)
    %parallel_loop3A = arith.constant 0 : i32
    %parallel_loop3A_27 = arith.constant 1600 : i32
    %parallel_loop3A_28 = arith.constant 16 : i32
    scf.for %parallel_loop3A_462 = %parallel_loop3A to %parallel_loop3A_27 step %parallel_loop3A_28  : i32 {
      %parallel_loop3A_463 = arith.index_cast %parallel_loop3A_462 : i32 to index
      %parallel_loop3A_464 = tpu.vector_load %arg18[%parallel_loop3A_463] {strides = array<i32>} : memref<1600xi32, #tpu.memory_space<vmem>>, vector<16xi32>,
      %parallel_loop3A_465 = tpu.vector_load_idx %arg13[%parallel_loop3A_464] : memref<100096xf32, #tpu.memory_space<vmem>>[vector<16xi32>], vector<16xf32>,
      %parallel_loop3A_466 = arith.index_cast %parallel_loop3A_462 : i32 to index
      %parallel_loop3A_467 = tpu.vector_load %arg26[%parallel_loop3A_466] {strides = array<i32>} : memref<1600xf32, #tpu.memory_space<vmem>>, vector<16xf32>,
      tpu.vector_store %arg26[%parallel_loop3A_466], %parallel_loop3A_465 {strides = array<i32>} : memref<1600xf32, #tpu.memory_space<vmem>>, vector<16xf32>,
    } {sc.loop_unroll_factor = 4 : i64, sc.parallel_access}
    %dma_start3A_29 = arith.constant 0 : i32
    %dma_start3A_30 = tpu.memref_slice %arg12[%dma_start3A_29] : memref<100096xf32, #tpu.memory_space<vmem_shared>> -> memref<100096xf32, #tpu.memory_space<vmem_shared>>
    tpu.enqueue_indirect_dma source(%arg26 : memref<1600xf32, #tpu.memory_space<vmem>>) target(%dma_start3A_30 : memref<100096xf32, #tpu.memory_space<vmem_shared>>) offsets(%arg22 : memref<1600xi32, #tpu.memory_space<vmem>>) semaphore(%arg32 : memref<!tpu.dma_semaphore, #tpu.memory_space<semaphore_mem>>) {add = true}
    %add3A_31 = arith.constant 3200 : i32
    %add3A_32 = arith.addi %mul3A_8, %add3A_31 : i32
    %dma_start3A_33 = tpu.memref_slice %arg4[%add3A_32] : memref<6400000xi32, #tpu.memory_space<hbm>> -> memref<1600xi32, #tpu.memory_space<hbm>>
    %dma_start3A_34 = tpu.memref_slice %arg4[%add3A_32] : memref<6400000xi32, #tpu.memory_space<hbm>> -> memref<1600xi32, #tpu.memory_space<hbm>>
    tpu.enqueue_dma source(%dma_start3A_34 : memref<1600xi32, #tpu.memory_space<hbm>>) target(%arg20 : memref<1600xi32, #tpu.memory_space<vmem>>) target_semaphore(%arg30 : memref<!tpu.dma_semaphore, #tpu.memory_space<semaphore_mem>>)
    %dma_start3A_35 = tpu.memref_slice %arg5[%add3A_32] : memref<6400000xi32, #tpu.memory_space<hbm>> -> memref<1600xi32, #tpu.memory_space<hbm>>
    %dma_start3A_36 = tpu.memref_slice %arg5[%add3A_32] : memref<6400000xi32, #tpu.memory_space<hbm>> -> memref<1600xi32, #tpu.memory_space<hbm>>
    tpu.enqueue_dma source(%dma_start3A_36 : memref<1600xi32, #tpu.memory_space<hbm>>) target(%arg24 : memref<1600xi32, #tpu.memory_space<vmem>>) target_semaphore(%arg30 : memref<!tpu.dma_semaphore, #tpu.memory_space<semaphore_mem>>)
    %dma_wait3A_37 = arith.constant 0 : i32
    %dma_wait3A_38 = tpu.memref_slice %arg4[%dma_wait3A_37] : memref<6400000xi32, #tpu.memory_space<hbm>> -> memref<1600xi32, #tpu.memory_space<hbm>>
    %dma_wait3A_39 = arith.constant 0 : i32
    %dma_wait3A_40 = tpu.memref_slice %arg4[%dma_wait3A_39] : memref<6400000xi32, #tpu.memory_space<hbm>> -> memref<1600xi32, #tpu.memory_space<hbm>>
    tpu.wait_dma2 semaphore(%arg29 : memref<!tpu.dma_semaphore, #tpu.memory_space<semaphore_mem>>) src(%dma_wait3A_40 : memref<1600xi32, #tpu.memory_space<hbm>>) dst(%arg19 : memref<1600xi32, #tpu.memory_space<vmem>>)
    %dma_wait3A_41 = arith.constant 0 : i32
    %dma_wait3A_42 = tpu.memref_slice %arg5[%dma_wait3A_41] : memref<6400000xi32, #tpu.memory_space<hbm>> -> memref<1600xi32, #tpu.memory_space<hbm>>
    %dma_wait3A_43 = arith.constant 0 : i32
    %dma_wait3A_44 = tpu.memref_slice %arg5[%dma_wait3A_43] : memref<6400000xi32, #tpu.memory_space<hbm>> -> memref<1600xi32, #tpu.memory_space<hbm>>
    tpu.wait_dma2 semaphore(%arg29 : memref<!tpu.dma_semaphore, #tpu.memory_space<semaphore_mem>>) src(%dma_wait3A_44 : memref<1600xi32, #tpu.memory_space<hbm>>) dst(%arg23 : memref<1600xi32, #tpu.memory_space<vmem>>)
    %parallel_loop3A_45 = arith.constant 0 : i32
    %parallel_loop3A_46 = arith.constant 1600 : i32
    %parallel_loop3A_47 = arith.constant 16 : i32
    scf.for %parallel_loop3A_462 = %parallel_loop3A_45 to %parallel_loop3A_46 step %parallel_loop3A_47  : i32 {
      %parallel_loop3A_463 = arith.index_cast %parallel_loop3A_462 : i32 to index
      %parallel_loop3A_464 = tpu.vector_load %arg19[%parallel_loop3A_463] {strides = array<i32>} : memref<1600xi32, #tpu.memory_space<vmem>>, vector<16xi32>,
      %parallel_loop3A_465 = tpu.vector_load_idx %arg13[%parallel_loop3A_464] : memref<100096xf32, #tpu.memory_space<vmem>>[vector<16xi32>], vector<16xf32>,
      %parallel_loop3A_466 = arith.index_cast %parallel_loop3A_462 : i32 to index
      %parallel_loop3A_467 = tpu.vector_load %arg27[%parallel_loop3A_466] {strides = array<i32>} : memref<1600xf32, #tpu.memory_space<vmem>>, vector<16xf32>,
      tpu.vector_store %arg27[%parallel_loop3A_466], %parallel_loop3A_465 {strides = array<i32>} : memref<1600xf32, #tpu.memory_space<vmem>>, vector<16xf32>,
    } {sc.loop_unroll_factor = 4 : i64, sc.parallel_access}
    %dma_start3A_48 = arith.constant 0 : i32
    %dma_start3A_49 = tpu.memref_slice %arg12[%dma_start3A_48] : memref<100096xf32, #tpu.memory_space<vmem_shared>> -> memref<100096xf32, #tpu.memory_space<vmem_shared>>
    tpu.enqueue_indirect_dma source(%arg27 : memref<1600xf32, #tpu.memory_space<vmem>>) target(%dma_start3A_49 : memref<100096xf32, #tpu.memory_space<vmem_shared>>) offsets(%arg23 : memref<1600xi32, #tpu.memory_space<vmem>>) semaphore(%arg33 : memref<!tpu.dma_semaphore, #tpu.memory_space<semaphore_mem>>) {add = true}
    %add3A_50 = arith.constant 4800 : i32
    %add3A_51 = arith.addi %mul3A_8, %add3A_50 : i32
    %dma_start3A_52 = tpu.memref_slice %arg4[%add3A_51] : memref<6400000xi32, #tpu.memory_space<hbm>> -> memref<1600xi32, #tpu.memory_space<hbm>>
    %dma_start3A_53 = tpu.memref_slice %arg4[%add3A_51] : memref<6400000xi32, #tpu.memory_space<hbm>> -> memref<1600xi32, #tpu.memory_space<hbm>>
    tpu.enqueue_dma source(%dma_start3A_53 : memref<1600xi32, #tpu.memory_space<hbm>>) target(%arg21 : memref<1600xi32, #tpu.memory_space<vmem>>) target_semaphore(%arg31 : memref<!tpu.dma_semaphore, #tpu.memory_space<semaphore_mem>>)
    %dma_start3A_54 = tpu.memref_slice %arg5[%add3A_51] : memref<6400000xi32, #tpu.memory_space<hbm>> -> memref<1600xi32, #tpu.memory_space<hbm>>
    %dma_start3A_55 = tpu.memref_slice %arg5[%add3A_51] : memref<6400000xi32, #tpu.memory_space<hbm>> -> memref<1600xi32, #tpu.memory_space<hbm>>
    tpu.enqueue_dma source(%dma_start3A_55 : memref<1600xi32, #tpu.memory_space<hbm>>) target(%arg25 : memref<1600xi32, #tpu.memory_space<vmem>>) target_semaphore(%arg31 : memref<!tpu.dma_semaphore, #tpu.memory_space<semaphore_mem>>)
    %scan3A_56 = arith.constant 0 : i32
    %scan3A_57 = arith.constant 30 : i32
    %scan3A_58 = arith.addi %scan3A_56, %scan3A_57 : i32
    %scan3A_59 = arith.constant 1 : i32
    scf.for %scan3A_462 = %scan3A_56 to %scan3A_58 step %scan3A_59  : i32 {
      %mul3A_463 = arith.constant 4 : i32
      %mul3A_464 = arith.muli %scan3A_462, %mul3A_463 : i32
      %add3A_465 = arith.constant 2 : i32
      %add3A_466 = arith.addi %add3A_465, %mul3A_464 : i32
      %dma_wait3A_467 = arith.constant 0 : i32
      %dma_wait3A_468 = tpu.memref_slice %arg4[%dma_wait3A_467] : memref<6400000xi32, #tpu.memory_space<hbm>> -> memref<1600xi32, #tpu.memory_space<hbm>>
      %dma_wait3A_469 = arith.constant 0 : i32
      %dma_wait3A_470 = tpu.memref_slice %arg4[%dma_wait3A_469] : memref<6400000xi32, #tpu.memory_space<hbm>> -> memref<1600xi32, #tpu.memory_space<hbm>>
      tpu.wait_dma2 semaphore(%arg30 : memref<!tpu.dma_semaphore, #tpu.memory_space<semaphore_mem>>) src(%dma_wait3A_470 : memref<1600xi32, #tpu.memory_space<hbm>>) dst(%arg20 : memref<1600xi32, #tpu.memory_space<vmem>>)
      %dma_wait3A_471 = arith.constant 0 : i32
      %dma_wait3A_472 = tpu.memref_slice %arg5[%dma_wait3A_471] : memref<6400000xi32, #tpu.memory_space<hbm>> -> memref<1600xi32, #tpu.memory_space<hbm>>
      %dma_wait3A_473 = arith.constant 0 : i32
      %dma_wait3A_474 = tpu.memref_slice %arg5[%dma_wait3A_473] : memref<6400000xi32, #tpu.memory_space<hbm>> -> memref<1600xi32, #tpu.memory_space<hbm>>
      tpu.wait_dma2 semaphore(%arg30 : memref<!tpu.dma_semaphore, #tpu.memory_space<semaphore_mem>>) src(%dma_wait3A_474 : memref<1600xi32, #tpu.memory_space<hbm>>) dst(%arg24 : memref<1600xi32, #tpu.memory_space<vmem>>)
      %dma_wait3A_475 = arith.constant 0 : i32
      %dma_wait3A_476 = tpu.memref_slice %arg12[%dma_wait3A_475] : memref<100096xf32, #tpu.memory_space<vmem_shared>> -> memref<100096xf32, #tpu.memory_space<vmem_shared>>
      tpu.wait_indirect_dma semaphore(%arg32 : memref<!tpu.dma_semaphore, #tpu.memory_space<semaphore_mem>>) src(%arg26 : memref<1600xf32, #tpu.memory_space<vmem>>) dst(%dma_wait3A_476 : memref<100096xf32, #tpu.memory_space<vmem_shared>>)
      %parallel_loop3A_477 = arith.constant 0 : i32
      %parallel_loop3A_478 = arith.constant 1600 : i32
      %parallel_loop3A_479 = arith.constant 16 : i32
      scf.for %parallel_loop3A_571 = %parallel_loop3A_477 to %parallel_loop3A_478 step %parallel_loop3A_479  : i32 {
        %parallel_loop3A_572 = arith.index_cast %parallel_loop3A_571 : i32 to index
        %parallel_loop3A_573 = tpu.vector_load %arg20[%parallel_loop3A_572] {strides = array<i32>} : memref<1600xi32, #tpu.memory_space<vmem>>, vector<16xi32>,
        %parallel_loop3A_574 = tpu.vector_load_idx %arg13[%parallel_loop3A_573] : memref<100096xf32, #tpu.memory_space<vmem>>[vector<16xi32>], vector<16xf32>,
        %parallel_loop3A_575 = arith.index_cast %parallel_loop3A_571 : i32 to index
        %parallel_loop3A_576 = tpu.vector_load %arg26[%parallel_loop3A_575] {strides = array<i32>} : memref<1600xf32, #tpu.memory_space<vmem>>, vector<16xf32>,
        tpu.vector_store %arg26[%parallel_loop3A_575], %parallel_loop3A_574 {strides = array<i32>} : memref<1600xf32, #tpu.memory_space<vmem>>, vector<16xf32>,
      } {sc.loop_unroll_factor = 4 : i64, sc.parallel_access}
      %dma_start3A_480 = arith.constant 0 : i32
      %dma_start3A_481 = tpu.memref_slice %arg12[%dma_start3A_480] : memref<100096xf32, #tpu.memory_space<vmem_shared>> -> memref<100096xf32, #tpu.memory_space<vmem_shared>>
      tpu.enqueue_indirect_dma source(%arg26 : memref<1600xf32, #tpu.memory_space<vmem>>) target(%dma_start3A_481 : memref<100096xf32, #tpu.memory_space<vmem_shared>>) offsets(%arg24 : memref<1600xi32, #tpu.memory_space<vmem>>) semaphore(%arg32 : memref<!tpu.dma_semaphore, #tpu.memory_space<semaphore_mem>>) {add = true}
      %add3A_482 = arith.constant 0 : i32
      %add3A_483 = arith.addi %add3A_466, %add3A_482 : i32
      %add3A_484 = arith.constant 2 : i32
      %add3A_485 = arith.addi %add3A_483, %add3A_484 : i32
      %mul3A_486 = arith.constant 1600 : i32
      %mul3A_487 = arith.muli %add3A_485, %mul3A_486 : i32
      %add3A_488 = arith.addi %mul3A_8, %mul3A_487 : i32
      %dma_start3A_489 = tpu.memref_slice %arg4[%add3A_488] : memref<6400000xi32, #tpu.memory_space<hbm>> -> memref<1600xi32, #tpu.memory_space<hbm>>
      %dma_start3A_490 = tpu.memref_slice %arg4[%add3A_488] : memref<6400000xi32, #tpu.memory_space<hbm>> -> memref<1600xi32, #tpu.memory_space<hbm>>
      tpu.enqueue_dma source(%dma_start3A_490 : memref<1600xi32, #tpu.memory_space<hbm>>) target(%arg18 : memref<1600xi32, #tpu.memory_space<vmem>>) target_semaphore(%arg28 : memref<!tpu.dma_semaphore, #tpu.memory_space<semaphore_mem>>)
      %dma_start3A_491 = tpu.memref_slice %arg5[%add3A_488] : memref<6400000xi32, #tpu.memory_space<hbm>> -> memref<1600xi32, #tpu.memory_space<hbm>>
      %dma_start3A_492 = tpu.memref_slice %arg5[%add3A_488] : memref<6400000xi32, #tpu.memory_space<hbm>> -> memref<1600xi32, #tpu.memory_space<hbm>>
      tpu.enqueue_dma source(%dma_start3A_492 : memref<1600xi32, #tpu.memory_space<hbm>>) target(%arg22 : memref<1600xi32, #tpu.memory_space<vmem>>) target_semaphore(%arg28 : memref<!tpu.dma_semaphore, #tpu.memory_space<semaphore_mem>>)
      %dma_wait3A_493 = arith.constant 0 : i32
      %dma_wait3A_494 = tpu.memref_slice %arg4[%dma_wait3A_493] : memref<6400000xi32, #tpu.memory_space<hbm>> -> memref<1600xi32, #tpu.memory_space<hbm>>
      %dma_wait3A_495 = arith.constant 0 : i32
      %dma_wait3A_496 = tpu.memref_slice %arg4[%dma_wait3A_495] : memref<6400000xi32, #tpu.memory_space<hbm>> -> memref<1600xi32, #tpu.memory_space<hbm>>
      tpu.wait_dma2 semaphore(%arg31 : memref<!tpu.dma_semaphore, #tpu.memory_space<semaphore_mem>>) src(%dma_wait3A_496 : memref<1600xi32, #tpu.memory_space<hbm>>) dst(%arg21 : memref<1600xi32, #tpu.memory_space<vmem>>)
      %dma_wait3A_497 = arith.constant 0 : i32
      %dma_wait3A_498 = tpu.memref_slice %arg5[%dma_wait3A_497] : memref<6400000xi32, #tpu.memory_space<hbm>> -> memref<1600xi32, #tpu.memory_space<hbm>>
      %dma_wait3A_499 = arith.constant 0 : i32
      %dma_wait3A_500 = tpu.memref_slice %arg5[%dma_wait3A_499] : memref<6400000xi32, #tpu.memory_space<hbm>> -> memref<1600xi32, #tpu.memory_space<hbm>>
      tpu.wait_dma2 semaphore(%arg31 : memref<!tpu.dma_semaphore, #tpu.memory_space<semaphore_mem>>) src(%dma_wait3A_500 : memref<1600xi32, #tpu.memory_space<hbm>>) dst(%arg25 : memref<1600xi32, #tpu.memory_space<vmem>>)
      %dma_wait3A_501 = arith.constant 0 : i32
      %dma_wait3A_502 = tpu.memref_slice %arg12[%dma_wait3A_501] : memref<100096xf32, #tpu.memory_space<vmem_shared>> -> memref<100096xf32, #tpu.memory_space<vmem_shared>>
      tpu.wait_indirect_dma semaphore(%arg33 : memref<!tpu.dma_semaphore, #tpu.memory_space<semaphore_mem>>) src(%arg27 : memref<1600xf32, #tpu.memory_space<vmem>>) dst(%dma_wait3A_502 : memref<100096xf32, #tpu.memory_space<vmem_shared>>)
      %parallel_loop3A_503 = arith.constant 0 : i32
      %parallel_loop3A_504 = arith.constant 1600 : i32
      %parallel_loop3A_505 = arith.constant 16 : i32
      scf.for %parallel_loop3A_571 = %parallel_loop3A_503 to %parallel_loop3A_504 step %parallel_loop3A_505  : i32 {
        %parallel_loop3A_572 = arith.index_cast %parallel_loop3A_571 : i32 to index
        %parallel_loop3A_573 = tpu.vector_load %arg21[%parallel_loop3A_572] {strides = array<i32>} : memref<1600xi32, #tpu.memory_space<vmem>>, vector<16xi32>,
        %parallel_loop3A_574 = tpu.vector_load_idx %arg13[%parallel_loop3A_573] : memref<100096xf32, #tpu.memory_space<vmem>>[vector<16xi32>], vector<16xf32>,
        %parallel_loop3A_575 = arith.index_cast %parallel_loop3A_571 : i32 to index
        %parallel_loop3A_576 = tpu.vector_load %arg27[%parallel_loop3A_575] {strides = array<i32>} : memref<1600xf32, #tpu.memory_space<vmem>>, vector<16xf32>,
        tpu.vector_store %arg27[%parallel_loop3A_575], %parallel_loop3A_574 {strides = array<i32>} : memref<1600xf32, #tpu.memory_space<vmem>>, vector<16xf32>,
      } {sc.loop_unroll_factor = 4 : i64, sc.parallel_access}
      %dma_start3A_506 = arith.constant 0 : i32
      %dma_start3A_507 = tpu.memref_slice %arg12[%dma_start3A_506] : memref<100096xf32, #tpu.memory_space<vmem_shared>> -> memref<100096xf32, #tpu.memory_space<vmem_shared>>
      tpu.enqueue_indirect_dma source(%arg27 : memref<1600xf32, #tpu.memory_space<vmem>>) target(%dma_start3A_507 : memref<100096xf32, #tpu.memory_space<vmem_shared>>) offsets(%arg25 : memref<1600xi32, #tpu.memory_space<vmem>>) semaphore(%arg33 : memref<!tpu.dma_semaphore, #tpu.memory_space<semaphore_mem>>) {add = true}
      %add3A_508 = arith.constant 1 : i32
      %add3A_509 = arith.addi %add3A_466, %add3A_508 : i32
      %add3A_510 = arith.constant 2 : i32
      %add3A_511 = arith.addi %add3A_509, %add3A_510 : i32
      %mul3A_512 = arith.constant 1600 : i32
      %mul3A_513 = arith.muli %add3A_511, %mul3A_512 : i32
      %add3A_514 = arith.addi %mul3A_8, %mul3A_513 : i32
      %dma_start3A_515 = tpu.memref_slice %arg4[%add3A_514] : memref<6400000xi32, #tpu.memory_space<hbm>> -> memref<1600xi32, #tpu.memory_space<hbm>>
      %dma_start3A_516 = tpu.memref_slice %arg4[%add3A_514] : memref<6400000xi32, #tpu.memory_space<hbm>> -> memref<1600xi32, #tpu.memory_space<hbm>>
      tpu.enqueue_dma source(%dma_start3A_516 : memref<1600xi32, #tpu.memory_space<hbm>>) target(%arg19 : memref<1600xi32, #tpu.memory_space<vmem>>) target_semaphore(%arg29 : memref<!tpu.dma_semaphore, #tpu.memory_space<semaphore_mem>>)
      %dma_start3A_517 = tpu.memref_slice %arg5[%add3A_514] : memref<6400000xi32, #tpu.memory_space<hbm>> -> memref<1600xi32, #tpu.memory_space<hbm>>
      %dma_start3A_518 = tpu.memref_slice %arg5[%add3A_514] : memref<6400000xi32, #tpu.memory_space<hbm>> -> memref<1600xi32, #tpu.memory_space<hbm>>
      tpu.enqueue_dma source(%dma_start3A_518 : memref<1600xi32, #tpu.memory_space<hbm>>) target(%arg23 : memref<1600xi32, #tpu.memory_space<vmem>>) target_semaphore(%arg29 : memref<!tpu.dma_semaphore, #tpu.memory_space<semaphore_mem>>)
      %dma_wait3A_519 = arith.constant 0 : i32
      %dma_wait3A_520 = tpu.memref_slice %arg4[%dma_wait3A_519] : memref<6400000xi32, #tpu.memory_space<hbm>> -> memref<1600xi32, #tpu.memory_space<hbm>>
      %dma_wait3A_521 = arith.constant 0 : i32
      %dma_wait3A_522 = tpu.memref_slice %arg4[%dma_wait3A_521] : memref<6400000xi32, #tpu.memory_space<hbm>> -> memref<1600xi32, #tpu.memory_space<hbm>>
      tpu.wait_dma2 semaphore(%arg28 : memref<!tpu.dma_semaphore, #tpu.memory_space<semaphore_mem>>) src(%dma_wait3A_522 : memref<1600xi32, #tpu.memory_space<hbm>>) dst(%arg18 : memref<1600xi32, #tpu.memory_space<vmem>>)
      %dma_wait3A_523 = arith.constant 0 : i32
      %dma_wait3A_524 = tpu.memref_slice %arg5[%dma_wait3A_523] : memref<6400000xi32, #tpu.memory_space<hbm>> -> memref<1600xi32, #tpu.memory_space<hbm>>
      %dma_wait3A_525 = arith.constant 0 : i32
      %dma_wait3A_526 = tpu.memref_slice %arg5[%dma_wait3A_525] : memref<6400000xi32, #tpu.memory_space<hbm>> -> memref<1600xi32, #tpu.memory_space<hbm>>
      tpu.wait_dma2 semaphore(%arg28 : memref<!tpu.dma_semaphore, #tpu.memory_space<semaphore_mem>>) src(%dma_wait3A_526 : memref<1600xi32, #tpu.memory_space<hbm>>) dst(%arg22 : memref<1600xi32, #tpu.memory_space<vmem>>)
      %dma_wait3A_527 = arith.constant 0 : i32
      %dma_wait3A_528 = tpu.memref_slice %arg12[%dma_wait3A_527] : memref<100096xf32, #tpu.memory_space<vmem_shared>> -> memref<100096xf32, #tpu.memory_space<vmem_shared>>
      tpu.wait_indirect_dma semaphore(%arg32 : memref<!tpu.dma_semaphore, #tpu.memory_space<semaphore_mem>>) src(%arg26 : memref<1600xf32, #tpu.memory_space<vmem>>) dst(%dma_wait3A_528 : memref<100096xf32, #tpu.memory_space<vmem_shared>>)
      %parallel_loop3A_529 = arith.constant 0 : i32
      %parallel_loop3A_530 = arith.constant 1600 : i32
      %parallel_loop3A_531 = arith.constant 16 : i32
      scf.for %parallel_loop3A_571 = %parallel_loop3A_529 to %parallel_loop3A_530 step %parallel_loop3A_531  : i32 {
        %parallel_loop3A_572 = arith.index_cast %parallel_loop3A_571 : i32 to index
        %parallel_loop3A_573 = tpu.vector_load %arg18[%parallel_loop3A_572] {strides = array<i32>} : memref<1600xi32, #tpu.memory_space<vmem>>, vector<16xi32>,
        %parallel_loop3A_574 = tpu.vector_load_idx %arg13[%parallel_loop3A_573] : memref<100096xf32, #tpu.memory_space<vmem>>[vector<16xi32>], vector<16xf32>,
        %parallel_loop3A_575 = arith.index_cast %parallel_loop3A_571 : i32 to index
        %parallel_loop3A_576 = tpu.vector_load %arg26[%parallel_loop3A_575] {strides = array<i32>} : memref<1600xf32, #tpu.memory_space<vmem>>, vector<16xf32>,
        tpu.vector_store %arg26[%parallel_loop3A_575], %parallel_loop3A_574 {strides = array<i32>} : memref<1600xf32, #tpu.memory_space<vmem>>, vector<16xf32>,
      } {sc.loop_unroll_factor = 4 : i64, sc.parallel_access}
      %dma_start3A_532 = arith.constant 0 : i32
      %dma_start3A_533 = tpu.memref_slice %arg12[%dma_start3A_532] : memref<100096xf32, #tpu.memory_space<vmem_shared>> -> memref<100096xf32, #tpu.memory_space<vmem_shared>>
      tpu.enqueue_indirect_dma source(%arg26 : memref<1600xf32, #tpu.memory_space<vmem>>) target(%dma_start3A_533 : memref<100096xf32, #tpu.memory_space<vmem_shared>>) offsets(%arg22 : memref<1600xi32, #tpu.memory_space<vmem>>) semaphore(%arg32 : memref<!tpu.dma_semaphore, #tpu.memory_space<semaphore_mem>>) {add = true}
      %add3A_534 = arith.constant 2 : i32
      %add3A_535 = arith.addi %add3A_466, %add3A_534 : i32
      %add3A_536 = arith.constant 2 : i32
      %add3A_537 = arith.addi %add3A_535, %add3A_536 : i32
      %mul3A_538 = arith.constant 1600 : i32
      %mul3A_539 = arith.muli %add3A_537, %mul3A_538 : i32
      %add3A_540 = arith.addi %mul3A_8, %mul3A_539 : i32
      %dma_start3A_541 = tpu.memref_slice %arg4[%add3A_540] : memref<6400000xi32, #tpu.memory_space<hbm>> -> memref<1600xi32, #tpu.memory_space<hbm>>
      %dma_start3A_542 = tpu.memref_slice %arg4[%add3A_540] : memref<6400000xi32, #tpu.memory_space<hbm>> -> memref<1600xi32, #tpu.memory_space<hbm>>
      tpu.enqueue_dma source(%dma_start3A_542 : memref<1600xi32, #tpu.memory_space<hbm>>) target(%arg20 : memref<1600xi32, #tpu.memory_space<vmem>>) target_semaphore(%arg30 : memref<!tpu.dma_semaphore, #tpu.memory_space<semaphore_mem>>)
      %dma_start3A_543 = tpu.memref_slice %arg5[%add3A_540] : memref<6400000xi32, #tpu.memory_space<hbm>> -> memref<1600xi32, #tpu.memory_space<hbm>>
      %dma_start3A_544 = tpu.memref_slice %arg5[%add3A_540] : memref<6400000xi32, #tpu.memory_space<hbm>> -> memref<1600xi32, #tpu.memory_space<hbm>>
      tpu.enqueue_dma source(%dma_start3A_544 : memref<1600xi32, #tpu.memory_space<hbm>>) target(%arg24 : memref<1600xi32, #tpu.memory_space<vmem>>) target_semaphore(%arg30 : memref<!tpu.dma_semaphore, #tpu.memory_space<semaphore_mem>>)
      %dma_wait3A_545 = arith.constant 0 : i32
      %dma_wait3A_546 = tpu.memref_slice %arg4[%dma_wait3A_545] : memref<6400000xi32, #tpu.memory_space<hbm>> -> memref<1600xi32, #tpu.memory_space<hbm>>
      %dma_wait3A_547 = arith.constant 0 : i32
      %dma_wait3A_548 = tpu.memref_slice %arg4[%dma_wait3A_547] : memref<6400000xi32, #tpu.memory_space<hbm>> -> memref<1600xi32, #tpu.memory_space<hbm>>
      tpu.wait_dma2 semaphore(%arg29 : memref<!tpu.dma_semaphore, #tpu.memory_space<semaphore_mem>>) src(%dma_wait3A_548 : memref<1600xi32, #tpu.memory_space<hbm>>) dst(%arg19 : memref<1600xi32, #tpu.memory_space<vmem>>)
      %dma_wait3A_549 = arith.constant 0 : i32
      %dma_wait3A_550 = tpu.memref_slice %arg5[%dma_wait3A_549] : memref<6400000xi32, #tpu.memory_space<hbm>> -> memref<1600xi32, #tpu.memory_space<hbm>>
      %dma_wait3A_551 = arith.constant 0 : i32
      %dma_wait3A_552 = tpu.memref_slice %arg5[%dma_wait3A_551] : memref<6400000xi32, #tpu.memory_space<hbm>> -> memref<1600xi32, #tpu.memory_space<hbm>>
      tpu.wait_dma2 semaphore(%arg29 : memref<!tpu.dma_semaphore, #tpu.memory_space<semaphore_mem>>) src(%dma_wait3A_552 : memref<1600xi32, #tpu.memory_space<hbm>>) dst(%arg23 : memref<1600xi32, #tpu.memory_space<vmem>>)
      %dma_wait3A_553 = arith.constant 0 : i32
      %dma_wait3A_554 = tpu.memref_slice %arg12[%dma_wait3A_553] : memref<100096xf32, #tpu.memory_space<vmem_shared>> -> memref<100096xf32, #tpu.memory_space<vmem_shared>>
      tpu.wait_indirect_dma semaphore(%arg33 : memref<!tpu.dma_semaphore, #tpu.memory_space<semaphore_mem>>) src(%arg27 : memref<1600xf32, #tpu.memory_space<vmem>>) dst(%dma_wait3A_554 : memref<100096xf32, #tpu.memory_space<vmem_shared>>)
      %parallel_loop3A_555 = arith.constant 0 : i32
      %parallel_loop3A_556 = arith.constant 1600 : i32
      %parallel_loop3A_557 = arith.constant 16 : i32
      scf.for %parallel_loop3A_571 = %parallel_loop3A_555 to %parallel_loop3A_556 step %parallel_loop3A_557  : i32 {
        %parallel_loop3A_572 = arith.index_cast %parallel_loop3A_571 : i32 to index
        %parallel_loop3A_573 = tpu.vector_load %arg19[%parallel_loop3A_572] {strides = array<i32>} : memref<1600xi32, #tpu.memory_space<vmem>>, vector<16xi32>,
        %parallel_loop3A_574 = tpu.vector_load_idx %arg13[%parallel_loop3A_573] : memref<100096xf32, #tpu.memory_space<vmem>>[vector<16xi32>], vector<16xf32>,
        %parallel_loop3A_575 = arith.index_cast %parallel_loop3A_571 : i32 to index
        %parallel_loop3A_576 = tpu.vector_load %arg27[%parallel_loop3A_575] {strides = array<i32>} : memref<1600xf32, #tpu.memory_space<vmem>>, vector<16xf32>,
        tpu.vector_store %arg27[%parallel_loop3A_575], %parallel_loop3A_574 {strides = array<i32>} : memref<1600xf32, #tpu.memory_space<vmem>>, vector<16xf32>,
      } {sc.loop_unroll_factor = 4 : i64, sc.parallel_access}
      %dma_start3A_558 = arith.constant 0 : i32
      %dma_start3A_559 = tpu.memref_slice %arg12[%dma_start3A_558] : memref<100096xf32, #tpu.memory_space<vmem_shared>> -> memref<100096xf32, #tpu.memory_space<vmem_shared>>
      tpu.enqueue_indirect_dma source(%arg27 : memref<1600xf32, #tpu.memory_space<vmem>>) target(%dma_start3A_559 : memref<100096xf32, #tpu.memory_space<vmem_shared>>) offsets(%arg23 : memref<1600xi32, #tpu.memory_space<vmem>>) semaphore(%arg33 : memref<!tpu.dma_semaphore, #tpu.memory_space<semaphore_mem>>) {add = true}
      %add3A_560 = arith.constant 3 : i32
      %add3A_561 = arith.addi %add3A_466, %add3A_560 : i32
      %add3A_562 = arith.constant 2 : i32
      %add3A_563 = arith.addi %add3A_561, %add3A_562 : i32
      %mul3A_564 = arith.constant 1600 : i32
      %mul3A_565 = arith.muli %add3A_563, %mul3A_564 : i32
      %add3A_566 = arith.addi %mul3A_8, %mul3A_565 : i32
      %dma_start3A_567 = tpu.memref_slice %arg4[%add3A_566] : memref<6400000xi32, #tpu.memory_space<hbm>> -> memref<1600xi32, #tpu.memory_space<hbm>>
      %dma_start3A_568 = tpu.memref_slice %arg4[%add3A_566] : memref<6400000xi32, #tpu.memory_space<hbm>> -> memref<1600xi32, #tpu.memory_space<hbm>>
      tpu.enqueue_dma source(%dma_start3A_568 : memref<1600xi32, #tpu.memory_space<hbm>>) target(%arg21 : memref<1600xi32, #tpu.memory_space<vmem>>) target_semaphore(%arg31 : memref<!tpu.dma_semaphore, #tpu.memory_space<semaphore_mem>>)
      %dma_start3A_569 = tpu.memref_slice %arg5[%add3A_566] : memref<6400000xi32, #tpu.memory_space<hbm>> -> memref<1600xi32, #tpu.memory_space<hbm>>
      %dma_start3A_570 = tpu.memref_slice %arg5[%add3A_566] : memref<6400000xi32, #tpu.memory_space<hbm>> -> memref<1600xi32, #tpu.memory_space<hbm>>
      tpu.enqueue_dma source(%dma_start3A_570 : memref<1600xi32, #tpu.memory_space<hbm>>) target(%arg25 : memref<1600xi32, #tpu.memory_space<vmem>>) target_semaphore(%arg31 : memref<!tpu.dma_semaphore, #tpu.memory_space<semaphore_mem>>)
    }
    %scan3A_60 = arith.constant 30 : i32
    %dma_wait3A_61 = arith.constant 0 : i32
    %dma_wait3A_62 = tpu.memref_slice %arg4[%dma_wait3A_61] : memref<6400000xi32, #tpu.memory_space<hbm>> -> memref<1600xi32, #tpu.memory_space<hbm>>
    %dma_wait3A_63 = arith.constant 0 : i32
    %dma_wait3A_64 = tpu.memref_slice %arg4[%dma_wait3A_63] : memref<6400000xi32, #tpu.memory_space<hbm>> -> memref<1600xi32, #tpu.memory_space<hbm>>
    tpu.wait_dma2 semaphore(%arg30 : memref<!tpu.dma_semaphore, #tpu.memory_space<semaphore_mem>>) src(%dma_wait3A_64 : memref<1600xi32, #tpu.memory_space<hbm>>) dst(%arg20 : memref<1600xi32, #tpu.memory_space<vmem>>)
    %dma_wait3A_65 = arith.constant 0 : i32
    %dma_wait3A_66 = tpu.memref_slice %arg5[%dma_wait3A_65] : memref<6400000xi32, #tpu.memory_space<hbm>> -> memref<1600xi32, #tpu.memory_space<hbm>>
    %dma_wait3A_67 = arith.constant 0 : i32
    %dma_wait3A_68 = tpu.memref_slice %arg5[%dma_wait3A_67] : memref<6400000xi32, #tpu.memory_space<hbm>> -> memref<1600xi32, #tpu.memory_space<hbm>>
    tpu.wait_dma2 semaphore(%arg30 : memref<!tpu.dma_semaphore, #tpu.memory_space<semaphore_mem>>) src(%dma_wait3A_68 : memref<1600xi32, #tpu.memory_space<hbm>>) dst(%arg24 : memref<1600xi32, #tpu.memory_space<vmem>>)
    %dma_wait3A_69 = arith.constant 0 : i32
    %dma_wait3A_70 = tpu.memref_slice %arg12[%dma_wait3A_69] : memref<100096xf32, #tpu.memory_space<vmem_shared>> -> memref<100096xf32, #tpu.memory_space<vmem_shared>>
    tpu.wait_indirect_dma semaphore(%arg32 : memref<!tpu.dma_semaphore, #tpu.memory_space<semaphore_mem>>) src(%arg26 : memref<1600xf32, #tpu.memory_space<vmem>>) dst(%dma_wait3A_70 : memref<100096xf32, #tpu.memory_space<vmem_shared>>)
    %parallel_loop3A_71 = arith.constant 0 : i32
    %parallel_loop3A_72 = arith.constant 1600 : i32
    %parallel_loop3A_73 = arith.constant 16 : i32
    scf.for %parallel_loop3A_462 = %parallel_loop3A_71 to %parallel_loop3A_72 step %parallel_loop3A_73  : i32 {
      %parallel_loop3A_463 = arith.index_cast %parallel_loop3A_462 : i32 to index
      %parallel_loop3A_464 = tpu.vector_load %arg20[%parallel_loop3A_463] {strides = array<i32>} : memref<1600xi32, #tpu.memory_space<vmem>>, vector<16xi32>,
      %parallel_loop3A_465 = tpu.vector_load_idx %arg13[%parallel_loop3A_464] : memref<100096xf32, #tpu.memory_space<vmem>>[vector<16xi32>], vector<16xf32>,
      %parallel_loop3A_466 = arith.index_cast %parallel_loop3A_462 : i32 to index
      %parallel_loop3A_467 = tpu.vector_load %arg26[%parallel_loop3A_466] {strides = array<i32>} : memref<1600xf32, #tpu.memory_space<vmem>>, vector<16xf32>,
      tpu.vector_store %arg26[%parallel_loop3A_466], %parallel_loop3A_465 {strides = array<i32>} : memref<1600xf32, #tpu.memory_space<vmem>>, vector<16xf32>,
    } {sc.loop_unroll_factor = 4 : i64, sc.parallel_access}
    %dma_start3A_74 = arith.constant 0 : i32
    %dma_start3A_75 = tpu.memref_slice %arg12[%dma_start3A_74] : memref<100096xf32, #tpu.memory_space<vmem_shared>> -> memref<100096xf32, #tpu.memory_space<vmem_shared>>
    tpu.enqueue_indirect_dma source(%arg26 : memref<1600xf32, #tpu.memory_space<vmem>>) target(%dma_start3A_75 : memref<100096xf32, #tpu.memory_space<vmem_shared>>) offsets(%arg24 : memref<1600xi32, #tpu.memory_space<vmem>>) semaphore(%arg32 : memref<!tpu.dma_semaphore, #tpu.memory_space<semaphore_mem>>) {add = true}
    %add3A_76 = arith.constant 198400 : i32
    %add3A_77 = arith.addi %mul3A_8, %add3A_76 : i32
    %dma_start3A_78 = tpu.memref_slice %arg4[%add3A_77] : memref<6400000xi32, #tpu.memory_space<hbm>> -> memref<1600xi32, #tpu.memory_space<hbm>>
    %dma_start3A_79 = tpu.memref_slice %arg4[%add3A_77] : memref<6400000xi32, #tpu.memory_space<hbm>> -> memref<1600xi32, #tpu.memory_space<hbm>>
    tpu.enqueue_dma source(%dma_start3A_79 : memref<1600xi32, #tpu.memory_space<hbm>>) target(%arg18 : memref<1600xi32, #tpu.memory_space<vmem>>) target_semaphore(%arg28 : memref<!tpu.dma_semaphore, #tpu.memory_space<semaphore_mem>>)
    %dma_start3A_80 = tpu.memref_slice %arg5[%add3A_77] : memref<6400000xi32, #tpu.memory_space<hbm>> -> memref<1600xi32, #tpu.memory_space<hbm>>
    %dma_start3A_81 = tpu.memref_slice %arg5[%add3A_77] : memref<6400000xi32, #tpu.memory_space<hbm>> -> memref<1600xi32, #tpu.memory_space<hbm>>
    tpu.enqueue_dma source(%dma_start3A_81 : memref<1600xi32, #tpu.memory_space<hbm>>) target(%arg22 : memref<1600xi32, #tpu.memory_space<vmem>>) target_semaphore(%arg28 : memref<!tpu.dma_semaphore, #tpu.memory_space<semaphore_mem>>)
    %dma_wait3A_82 = arith.constant 0 : i32
    %dma_wait3A_83 = tpu.memref_slice %arg4[%dma_wait3A_82] : memref<6400000xi32, #tpu.memory_space<hbm>> -> memref<1600xi32, #tpu.memory_space<hbm>>
    %dma_wait3A_84 = arith.constant 0 : i32
    %dma_wait3A_85 = tpu.memref_slice %arg4[%dma_wait3A_84] : memref<6400000xi32, #tpu.memory_space<hbm>> -> memref<1600xi32, #tpu.memory_space<hbm>>
    tpu.wait_dma2 semaphore(%arg31 : memref<!tpu.dma_semaphore, #tpu.memory_space<semaphore_mem>>) src(%dma_wait3A_85 : memref<1600xi32, #tpu.memory_space<hbm>>) dst(%arg21 : memref<1600xi32, #tpu.memory_space<vmem>>)
    %dma_wait3A_86 = arith.constant 0 : i32
    %dma_wait3A_87 = tpu.memref_slice %arg5[%dma_wait3A_86] : memref<6400000xi32, #tpu.memory_space<hbm>> -> memref<1600xi32, #tpu.memory_space<hbm>>
    %dma_wait3A_88 = arith.constant 0 : i32
    %dma_wait3A_89 = tpu.memref_slice %arg5[%dma_wait3A_88] : memref<6400000xi32, #tpu.memory_space<hbm>> -> memref<1600xi32, #tpu.memory_space<hbm>>
    tpu.wait_dma2 semaphore(%arg31 : memref<!tpu.dma_semaphore, #tpu.memory_space<semaphore_mem>>) src(%dma_wait3A_89 : memref<1600xi32, #tpu.memory_space<hbm>>) dst(%arg25 : memref<1600xi32, #tpu.memory_space<vmem>>)
    %dma_wait3A_90 = arith.constant 0 : i32
    %dma_wait3A_91 = tpu.memref_slice %arg12[%dma_wait3A_90] : memref<100096xf32, #tpu.memory_space<vmem_shared>> -> memref<100096xf32, #tpu.memory_space<vmem_shared>>
    tpu.wait_indirect_dma semaphore(%arg33 : memref<!tpu.dma_semaphore, #tpu.memory_space<semaphore_mem>>) src(%arg27 : memref<1600xf32, #tpu.memory_space<vmem>>) dst(%dma_wait3A_91 : memref<100096xf32, #tpu.memory_space<vmem_shared>>)
    %parallel_loop3A_92 = arith.constant 0 : i32
    %parallel_loop3A_93 = arith.constant 1600 : i32
    %parallel_loop3A_94 = arith.constant 16 : i32
    scf.for %parallel_loop3A_462 = %parallel_loop3A_92 to %parallel_loop3A_93 step %parallel_loop3A_94  : i32 {
      %parallel_loop3A_463 = arith.index_cast %parallel_loop3A_462 : i32 to index
      %parallel_loop3A_464 = tpu.vector_load %arg21[%parallel_loop3A_463] {strides = array<i32>} : memref<1600xi32, #tpu.memory_space<vmem>>, vector<16xi32>,
      %parallel_loop3A_465 = tpu.vector_load_idx %arg13[%parallel_loop3A_464] : memref<100096xf32, #tpu.memory_space<vmem>>[vector<16xi32>], vector<16xf32>,
      %parallel_loop3A_466 = arith.index_cast %parallel_loop3A_462 : i32 to index
      %parallel_loop3A_467 = tpu.vector_load %arg27[%parallel_loop3A_466] {strides = array<i32>} : memref<1600xf32, #tpu.memory_space<vmem>>, vector<16xf32>,
      tpu.vector_store %arg27[%parallel_loop3A_466], %parallel_loop3A_465 {strides = array<i32>} : memref<1600xf32, #tpu.memory_space<vmem>>, vector<16xf32>,
    } {sc.loop_unroll_factor = 4 : i64, sc.parallel_access}
    %dma_start3A_95 = arith.constant 0 : i32
    %dma_start3A_96 = tpu.memref_slice %arg12[%dma_start3A_95] : memref<100096xf32, #tpu.memory_space<vmem_shared>> -> memref<100096xf32, #tpu.memory_space<vmem_shared>>
    tpu.enqueue_indirect_dma source(%arg27 : memref<1600xf32, #tpu.memory_space<vmem>>) target(%dma_start3A_96 : memref<100096xf32, #tpu.memory_space<vmem_shared>>) offsets(%arg25 : memref<1600xi32, #tpu.memory_space<vmem>>) semaphore(%arg33 : memref<!tpu.dma_semaphore, #tpu.memory_space<semaphore_mem>>) {add = true}
    %dma_wait3A_97 = arith.constant 0 : i32
    %dma_wait3A_98 = tpu.memref_slice %arg4[%dma_wait3A_97] : memref<6400000xi32, #tpu.memory_space<hbm>> -> memref<1600xi32, #tpu.memory_space<hbm>>
    %dma_wait3A_99 = arith.constant 0 : i32
    %dma_wait3A_100 = tpu.memref_slice %arg4[%dma_wait3A_99] : memref<6400000xi32, #tpu.memory_space<hbm>> -> memref<1600xi32, #tpu.memory_space<hbm>>
    tpu.wait_dma2 semaphore(%arg28 : memref<!tpu.dma_semaphore, #tpu.memory_space<semaphore_mem>>) src(%dma_wait3A_100 : memref<1600xi32, #tpu.memory_space<hbm>>) dst(%arg18 : memref<1600xi32, #tpu.memory_space<vmem>>)
    %dma_wait3A_101 = arith.constant 0 : i32
    %dma_wait3A_102 = tpu.memref_slice %arg5[%dma_wait3A_101] : memref<6400000xi32, #tpu.memory_space<hbm>> -> memref<1600xi32, #tpu.memory_space<hbm>>
    %dma_wait3A_103 = arith.constant 0 : i32
    %dma_wait3A_104 = tpu.memref_slice %arg5[%dma_wait3A_103] : memref<6400000xi32, #tpu.memory_space<hbm>> -> memref<1600xi32, #tpu.memory_space<hbm>>
    tpu.wait_dma2 semaphore(%arg28 : memref<!tpu.dma_semaphore, #tpu.memory_space<semaphore_mem>>) src(%dma_wait3A_104 : memref<1600xi32, #tpu.memory_space<hbm>>) dst(%arg22 : memref<1600xi32, #tpu.memory_space<vmem>>)
    %dma_wait3A_105 = arith.constant 0 : i32
    %dma_wait3A_106 = tpu.memref_slice %arg12[%dma_wait3A_105] : memref<100096xf32, #tpu.memory_space<vmem_shared>> -> memref<100096xf32, #tpu.memory_space<vmem_shared>>
    tpu.wait_indirect_dma semaphore(%arg32 : memref<!tpu.dma_semaphore, #tpu.memory_space<semaphore_mem>>) src(%arg26 : memref<1600xf32, #tpu.memory_space<vmem>>) dst(%dma_wait3A_106 : memref<100096xf32, #tpu.memory_space<vmem_shared>>)
    %parallel_loop3A_107 = arith.constant 0 : i32
    %parallel_loop3A_108 = arith.constant 1600 : i32
    %parallel_loop3A_109 = arith.constant 16 : i32
    scf.for %parallel_loop3A_462 = %parallel_loop3A_107 to %parallel_loop3A_108 step %parallel_loop3A_109  : i32 {
      %parallel_loop3A_463 = arith.index_cast %parallel_loop3A_462 : i32 to index
      %parallel_loop3A_464 = tpu.vector_load %arg18[%parallel_loop3A_463] {strides = array<i32>} : memref<1600xi32, #tpu.memory_space<vmem>>, vector<16xi32>,
      %parallel_loop3A_465 = tpu.vector_load_idx %arg13[%parallel_loop3A_464] : memref<100096xf32, #tpu.memory_space<vmem>>[vector<16xi32>], vector<16xf32>,
      %parallel_loop3A_466 = arith.index_cast %parallel_loop3A_462 : i32 to index
      %parallel_loop3A_467 = tpu.vector_load %arg26[%parallel_loop3A_466] {strides = array<i32>} : memref<1600xf32, #tpu.memory_space<vmem>>, vector<16xf32>,
      tpu.vector_store %arg26[%parallel_loop3A_466], %parallel_loop3A_465 {strides = array<i32>} : memref<1600xf32, #tpu.memory_space<vmem>>, vector<16xf32>,
    } {sc.loop_unroll_factor = 4 : i64, sc.parallel_access}
    %dma_start3A_110 = arith.constant 0 : i32
    %dma_start3A_111 = tpu.memref_slice %arg12[%dma_start3A_110] : memref<100096xf32, #tpu.memory_space<vmem_shared>> -> memref<100096xf32, #tpu.memory_space<vmem_shared>>
    tpu.enqueue_indirect_dma source(%arg26 : memref<1600xf32, #tpu.memory_space<vmem>>) target(%dma_start3A_111 : memref<100096xf32, #tpu.memory_space<vmem_shared>>) offsets(%arg22 : memref<1600xi32, #tpu.memory_space<vmem>>) semaphore(%arg32 : memref<!tpu.dma_semaphore, #tpu.memory_space<semaphore_mem>>) {add = true}
    %dma_wait3A_112 = arith.constant 0 : i32
    %dma_wait3A_113 = tpu.memref_slice %arg12[%dma_wait3A_112] : memref<100096xf32, #tpu.memory_space<vmem_shared>> -> memref<100096xf32, #tpu.memory_space<vmem_shared>>
    tpu.wait_indirect_dma semaphore(%arg33 : memref<!tpu.dma_semaphore, #tpu.memory_space<semaphore_mem>>) src(%arg27 : memref<1600xf32, #tpu.memory_space<vmem>>) dst(%dma_wait3A_113 : memref<100096xf32, #tpu.memory_space<vmem_shared>>)
    %dma_wait3A_114 = arith.constant 0 : i32
    %dma_wait3A_115 = tpu.memref_slice %arg12[%dma_wait3A_114] : memref<100096xf32, #tpu.memory_space<vmem_shared>> -> memref<100096xf32, #tpu.memory_space<vmem_shared>>
    tpu.wait_indirect_dma semaphore(%arg32 : memref<!tpu.dma_semaphore, #tpu.memory_space<semaphore_mem>>) src(%arg26 : memref<1600xf32, #tpu.memory_space<vmem>>) dst(%dma_wait3A_115 : memref<100096xf32, #tpu.memory_space<vmem_shared>>)
    %barrier3A_116 = arith.constant 0 : index
    tpu.barrier barrier_id(%barrier3A_116)
    "tpu.region"() ({
      %run_scoped3A = tpu.sem_alloc : memref<!tpu.dma_semaphore, #tpu.memory_space<semaphore_mem>>
      %dma_start3A_462 = tpu.memref_slice %arg12[%mul3A_0] : memref<100096xf32, #tpu.memory_space<vmem_shared>> -> memref<6256xf32, #tpu.memory_space<vmem_shared>>
      %dma_start3A_463 = tpu.memref_slice %arg12[%mul3A_0] : memref<100096xf32, #tpu.memory_space<vmem_shared>> -> memref<6256xf32, #tpu.memory_space<vmem_shared>>
      tpu.enqueue_dma source(%dma_start3A_463 : memref<6256xf32, #tpu.memory_space<vmem_shared>>) target(%arg14 : memref<6256xf32, #tpu.memory_space<vmem>>) target_semaphore(%run_scoped3A : memref<!tpu.dma_semaphore, #tpu.memory_space<semaphore_mem>>)
      %dma_wait3A_464 = tpu.memref_slice %arg12[%mul3A_0] : memref<100096xf32, #tpu.memory_space<vmem_shared>> -> memref<6256xf32, #tpu.memory_space<vmem_shared>>
      %dma_wait3A_465 = tpu.memref_slice %arg12[%mul3A_0] : memref<100096xf32, #tpu.memory_space<vmem_shared>> -> memref<6256xf32, #tpu.memory_space<vmem_shared>>
      tpu.wait_dma2 semaphore(%run_scoped3A : memref<!tpu.dma_semaphore, #tpu.memory_space<semaphore_mem>>) src(%dma_wait3A_465 : memref<6256xf32, #tpu.memory_space<vmem_shared>>) dst(%arg14 : memref<6256xf32, #tpu.memory_space<vmem>>)
      tpu.yield
    }) : () -> ()
    %mul3A_117 = arith.constant 100096 : i32
    %mul3A_118 = arith.muli %arg0, %mul3A_117 : i32
    %add3A_119 = arith.addi %mul3A_118, %mul3A_0 : i32
    "tpu.region"() ({
      %run_scoped3A = tpu.sem_alloc : memref<!tpu.dma_semaphore, #tpu.memory_space<semaphore_mem>>
      %dma_start3A_462 = tpu.memref_slice %arg8[%add3A_119] : memref<200192xf32, #tpu.memory_space<hbm>> -> memref<6256xf32, #tpu.memory_space<hbm>>
      %dma_start3A_463 = tpu.memref_slice %arg8[%add3A_119] : memref<200192xf32, #tpu.memory_space<hbm>> -> memref<6256xf32, #tpu.memory_space<hbm>>
      tpu.enqueue_dma source(%arg14 : memref<6256xf32, #tpu.memory_space<vmem>>) target(%dma_start3A_463 : memref<6256xf32, #tpu.memory_space<hbm>>) target_semaphore(%run_scoped3A : memref<!tpu.dma_semaphore, #tpu.memory_space<semaphore_mem>>)
      %dma_wait3A_464 = tpu.memref_slice %arg8[%add3A_119] : memref<200192xf32, #tpu.memory_space<hbm>> -> memref<6256xf32, #tpu.memory_space<hbm>>
      %dma_wait3A_465 = tpu.memref_slice %arg8[%add3A_119] : memref<200192xf32, #tpu.memory_space<hbm>> -> memref<6256xf32, #tpu.memory_space<hbm>>
      tpu.wait_dma2 semaphore(%run_scoped3A : memref<!tpu.dma_semaphore, #tpu.memory_space<semaphore_mem>>) src(%arg14 : memref<6256xf32, #tpu.memory_space<vmem>>) dst(%dma_wait3A_465 : memref<6256xf32, #tpu.memory_space<hbm>>)
      tpu.yield
    }) : () -> ()
    %barrier3A_120 = arith.constant 0 : index
    tpu.barrier barrier_id(%barrier3A_120)
    %eq3A = arith.constant 0 : i32
    %eq3A_121 = arith.cmpi eq, %arg1, %eq3A : i32
    %convert_element_type3A = arith.extui %eq3A_121 : i1 to i32
    %cond3A = arith.constant 0 : i32
    %cond3A_122 = arith.cmpi ne, %convert_element_type3A, %cond3A : i32
    scf.if %cond3A_122 {
      %broadcast_in_dim3A = arith.constant 1 : i32
      %broadcast_in_dim3A_462 = vector.broadcast %broadcast_in_dim3A : i32 to vector<16xi32>
      %swap3A = arith.constant 0 : index
      %swap3A_463 = tpu.vector_load %arg16[%swap3A] {strides = array<i32>} : memref<16xi32, #tpu.memory_space<vmem>>, vector<16xi32>,
      tpu.vector_store %arg16[%swap3A], %broadcast_in_dim3A_462 {strides = array<i32>} : memref<16xi32, #tpu.memory_space<vmem>>, vector<16xi32>,
      %mul3A_464 = arith.constant 3 : i32
      %mul3A_465 = arith.muli %arg0, %mul3A_464 : i32
      %add3A_466 = arith.constant 0 : i32
      %add3A_467 = arith.addi %mul3A_465, %add3A_466 : i32
      %mul3A_468 = arith.constant 16 : i32
      %mul3A_469 = arith.muli %add3A_467, %mul3A_468 : i32
      "tpu.region"() ({
        %run_scoped3A = tpu.sem_alloc : memref<!tpu.dma_semaphore, #tpu.memory_space<semaphore_mem>>
        %dma_start3A_470 = tpu.memref_slice %arg6[%mul3A_469] : memref<96xi32, #tpu.memory_space<hbm>> -> memref<16xi32, #tpu.memory_space<hbm>>
        %dma_start3A_471 = tpu.memref_slice %arg6[%mul3A_469] : memref<96xi32, #tpu.memory_space<hbm>> -> memref<16xi32, #tpu.memory_space<hbm>>
        tpu.enqueue_dma source(%arg16 : memref<16xi32, #tpu.memory_space<vmem>>) target(%dma_start3A_471 : memref<16xi32, #tpu.memory_space<hbm>>) target_semaphore(%run_scoped3A : memref<!tpu.dma_semaphore, #tpu.memory_space<semaphore_mem>>)
        %dma_wait3A_472 = tpu.memref_slice %arg6[%mul3A_469] : memref<96xi32, #tpu.memory_space<hbm>> -> memref<16xi32, #tpu.memory_space<hbm>>
        %dma_wait3A_473 = tpu.memref_slice %arg6[%mul3A_469] : memref<96xi32, #tpu.memory_space<hbm>> -> memref<16xi32, #tpu.memory_space<hbm>>
        tpu.wait_dma2 semaphore(%run_scoped3A : memref<!tpu.dma_semaphore, #tpu.memory_space<semaphore_mem>>) src(%arg16 : memref<16xi32, #tpu.memory_space<vmem>>) dst(%dma_wait3A_473 : memref<16xi32, #tpu.memory_space<hbm>>)
        tpu.yield
      }) : () -> ()
    } else {
    }
    %sub3A = arith.constant 1 : i32
    %sub3A_123 = arith.subi %sub3A, %arg0 : i32
    %mul3A_124 = arith.constant 3 : i32
    %mul3A_125 = arith.muli %sub3A_123, %mul3A_124 : i32
    %add3A_126 = arith.constant 0 : i32
    %add3A_127 = arith.addi %mul3A_125, %add3A_126 : i32
    %mul3A_128 = arith.constant 16 : i32
    %mul3A_129 = arith.muli %add3A_127, %mul3A_128 : i32
    %while3A = arith.constant 0 : i32
    %while3A_130 = arith.constant 0 : i32
    %while3A_131:2 = scf.while (%while3A_462 = %while3A, %while3A_463 = %while3A_130) : (i32, i32) -> (i32, i32) {
      %eq3A_464 = arith.constant 0 : i32
      %eq3A_465 = arith.cmpi eq, %while3A_463, %eq3A_464 : i32
      %lt3A = arith.constant 200000 : i32
      %lt3A_466 = arith.cmpi slt, %while3A_462, %lt3A : i32
      %and3A = arith.andi %eq3A_465, %lt3A_466 : i1
      scf.condition(%and3A) %while3A_462, %while3A_463 : i32, i32
    } do {
    ^bb0(%while3A_462: i32, %while3A_463: i32):
      %dma_start3A_464 = tpu.memref_slice %arg6[%mul3A_129] : memref<96xi32, #tpu.memory_space<hbm>> -> memref<16xi32, #tpu.memory_space<hbm>>
      %dma_start3A_465 = tpu.memref_slice %arg6[%mul3A_129] : memref<96xi32, #tpu.memory_space<hbm>> -> memref<16xi32, #tpu.memory_space<hbm>>
      tpu.enqueue_dma source(%dma_start3A_465 : memref<16xi32, #tpu.memory_space<hbm>>) target(%arg16 : memref<16xi32, #tpu.memory_space<vmem>>) target_semaphore(%arg17 : memref<!tpu.dma_semaphore, #tpu.memory_space<semaphore_mem>>)
      %dma_wait3A_466 = tpu.memref_slice %arg6[%mul3A_129] : memref<96xi32, #tpu.memory_space<hbm>> -> memref<16xi32, #tpu.memory_space<hbm>>
      %dma_wait3A_467 = tpu.memref_slice %arg6[%mul3A_129] : memref<96xi32, #tpu.memory_space<hbm>> -> memref<16xi32, #tpu.memory_space<hbm>>
      tpu.wait_dma2 semaphore(%arg17 : memref<!tpu.dma_semaphore, #tpu.memory_space<semaphore_mem>>) src(%dma_wait3A_467 : memref<16xi32, #tpu.memory_space<hbm>>) dst(%arg16 : memref<16xi32, #tpu.memory_space<vmem>>)
      %get3A_468 = arith.constant 0 : index
      %get3A_469 = tpu.vector_load %arg16[%get3A_468] {strides = array<i32>} : memref<16xi32, #tpu.memory_space<vmem>>, vector<16xi32>,
      %eq3A_470 = arith.constant 1 : i32
      %eq3A_471 = vector.broadcast %eq3A_470 : i32 to vector<16xi32>
      %eq3A_472 = arith.cmpi eq, %get3A_469, %eq3A_471 : vector<16xi32>
      %jit3A = arith.constant 1 : i32
      %jit3A_473 = arith.constant 0 : i32
      %broadcast_in_dim3A = vector.broadcast %jit3A : i32 to vector<16xi32>
      %broadcast_in_dim3A_474 = vector.broadcast %jit3A_473 : i32 to vector<16xi32>
      %select_n3A = arith.select %eq3A_472, %broadcast_in_dim3A, %broadcast_in_dim3A_474 : vector<16xi1>, vector<16xi32>
      %reduce_max3A = arith.constant true
      %reduce_max3A_475 = vector.broadcast %reduce_max3A : i1 to vector<16xi1>
      %reduce_max3A_476 = arith.constant -2147483648 : i32
      %reduce_max3A_477 = vector.broadcast %reduce_max3A_476 : i32 to vector<16xi32>
      %reduce_max3A_478 = arith.xori %select_n3A, %reduce_max3A_477 : vector<16xi32>
      %reduce_max3A_479 = tpu.scan <max>, %reduce_max3A_478 masked %reduce_max3A_475 : vector<16xi32>, vector<16xi1> -> vector<16xi32>
      %reduce_max3A_480 = arith.xori %reduce_max3A_479, %reduce_max3A_477 : vector<16xi32>
      %reduce_max3A_481 = vector.extract %reduce_max3A_480[15] : i32 from vector<16xi32>
      %add3A_482 = arith.constant 1 : i32
      %add3A_483 = arith.addi %while3A_462, %add3A_482 : i32
      scf.yield %add3A_483, %reduce_max3A_481 : i32, i32
    }
    "tpu.region"() ({
      %run_scoped3A = tpu.sem_alloc : memref<!tpu.dma_semaphore, #tpu.memory_space<semaphore_mem>>
      %dma_start3A_462 = arith.constant 0 : i32
      %dma_start3A_463 = tpu.memref_slice %arg3[%dma_start3A_462] : memref<48xf32, #tpu.memory_space<hbm>> -> memref<16xf32, #tpu.memory_space<hbm>>
      %dma_start3A_464 = arith.constant 0 : i32
      %dma_start3A_465 = tpu.memref_slice %arg3[%dma_start3A_464] : memref<48xf32, #tpu.memory_space<hbm>> -> memref<16xf32, #tpu.memory_space<hbm>>
      tpu.enqueue_dma source(%dma_start3A_465 : memref<16xf32, #tpu.memory_space<hbm>>) target(%arg15 : memref<16xf32, #tpu.memory_space<vmem>>) target_semaphore(%run_scoped3A : memref<!tpu.dma_semaphore, #tpu.memory_space<semaphore_mem>>)
      %dma_wait3A_466 = arith.constant 0 : i32
      %dma_wait3A_467 = tpu.memref_slice %arg3[%dma_wait3A_466] : memref<48xf32, #tpu.memory_space<hbm>> -> memref<16xf32, #tpu.memory_space<hbm>>
      %dma_wait3A_468 = arith.constant 0 : i32
      %dma_wait3A_469 = tpu.memref_slice %arg3[%dma_wait3A_468] : memref<48xf32, #tpu.memory_space<hbm>> -> memref<16xf32, #tpu.memory_space<hbm>>
      tpu.wait_dma2 semaphore(%run_scoped3A : memref<!tpu.dma_semaphore, #tpu.memory_space<semaphore_mem>>) src(%dma_wait3A_469 : memref<16xf32, #tpu.memory_space<hbm>>) dst(%arg15 : memref<16xf32, #tpu.memory_space<vmem>>)
      tpu.yield
    }) : () -> ()
    "tpu.region"() ({
      %run_scoped3A = tpu.sem_alloc : memref<!tpu.dma_semaphore, #tpu.memory_space<semaphore_mem>>
      %dma_start3A_462 = tpu.memref_slice %arg8[%mul3A_0] : memref<200192xf32, #tpu.memory_space<hbm>> -> memref<6256xf32, #tpu.memory_space<hbm>>
      %dma_start3A_463 = tpu.memref_slice %arg8[%mul3A_0] : memref<200192xf32, #tpu.memory_space<hbm>> -> memref<6256xf32, #tpu.memory_space<hbm>>
      tpu.enqueue_dma source(%dma_start3A_463 : memref<6256xf32, #tpu.memory_space<hbm>>) target(%arg14 : memref<6256xf32, #tpu.memory_space<vmem>>) target_semaphore(%run_scoped3A : memref<!tpu.dma_semaphore, #tpu.memory_space<semaphore_mem>>)
      %dma_wait3A_464 = tpu.memref_slice %arg8[%mul3A_0] : memref<200192xf32, #tpu.memory_space<hbm>> -> memref<6256xf32, #tpu.memory_space<hbm>>
      %dma_wait3A_465 = tpu.memref_slice %arg8[%mul3A_0] : memref<200192xf32, #tpu.memory_space<hbm>> -> memref<6256xf32, #tpu.memory_space<hbm>>
      tpu.wait_dma2 semaphore(%run_scoped3A : memref<!tpu.dma_semaphore, #tpu.memory_space<semaphore_mem>>) src(%dma_wait3A_465 : memref<6256xf32, #tpu.memory_space<hbm>>) dst(%arg14 : memref<6256xf32, #tpu.memory_space<vmem>>)
      tpu.yield
    }) : () -> ()
    %scan3A_132 = arith.constant 0 : i32
    %scan3A_133 = arith.constant 391 : i32
    %scan3A_134 = arith.addi %scan3A_132, %scan3A_133 : i32
    %scan3A_135 = arith.constant 1 : i32
    scf.for %scan3A_462 = %scan3A_132 to %scan3A_134 step %scan3A_135  : i32 {
      %mul3A_463 = arith.constant 16 : i32
      %mul3A_464 = arith.muli %scan3A_462, %mul3A_463 : i32
      %add3A_465 = arith.constant 0 : i32
      %add3A_466 = arith.addi %add3A_465, %mul3A_464 : i32
      %add3A_467 = arith.addi %mul3A_0, %add3A_466 : i32
      %get3A_468 = arith.index_cast %add3A_467 : i32 to index
      %get3A_469 = tpu.vector_load %arg13[%get3A_468] {strides = array<i32>} : memref<100096xf32, #tpu.memory_space<vmem>>, vector<16xf32>,
      %get3A_470 = arith.index_cast %add3A_466 : i32 to index
      %get3A_471 = tpu.vector_load %arg14[%get3A_470] {strides = array<i32>} : memref<6256xf32, #tpu.memory_space<vmem>>, vector<16xf32>,
      %add3A_472 = arith.addf %get3A_469, %get3A_471 : vector<16xf32>
      %swap3A = arith.index_cast %add3A_467 : i32 to index
      %swap3A_473 = tpu.vector_load %arg13[%swap3A] {strides = array<i32>} : memref<100096xf32, #tpu.memory_space<vmem>>, vector<16xf32>,
      tpu.vector_store %arg13[%swap3A], %add3A_472 {strides = array<i32>} : memref<100096xf32, #tpu.memory_space<vmem>>, vector<16xf32>,
    }
    %scan3A_136 = arith.constant 391 : i32
    %add3A_137 = arith.constant 100096 : i32
    %add3A_138 = arith.addi %add3A_137, %mul3A_0 : i32
    "tpu.region"() ({
      %run_scoped3A = tpu.sem_alloc : memref<!tpu.dma_semaphore, #tpu.memory_space<semaphore_mem>>
      %dma_start3A_462 = tpu.memref_slice %arg8[%add3A_138] : memref<200192xf32, #tpu.memory_space<hbm>> -> memref<6256xf32, #tpu.memory_space<hbm>>
      %dma_start3A_463 = tpu.memref_slice %arg8[%add3A_138] : memref<200192xf32, #tpu.memory_space<hbm>> -> memref<6256xf32, #tpu.memory_space<hbm>>
      tpu.enqueue_dma source(%dma_start3A_463 : memref<6256xf32, #tpu.memory_space<hbm>>) target(%arg14 : memref<6256xf32, #tpu.memory_space<vmem>>) target_semaphore(%run_scoped3A : memref<!tpu.dma_semaphore, #tpu.memory_space<semaphore_mem>>)
      %dma_wait3A_464 = tpu.memref_slice %arg8[%add3A_138] : memref<200192xf32, #tpu.memory_space<hbm>> -> memref<6256xf32, #tpu.memory_space<hbm>>
      %dma_wait3A_465 = tpu.memref_slice %arg8[%add3A_138] : memref<200192xf32, #tpu.memory_space<hbm>> -> memref<6256xf32, #tpu.memory_space<hbm>>
      tpu.wait_dma2 semaphore(%run_scoped3A : memref<!tpu.dma_semaphore, #tpu.memory_space<semaphore_mem>>) src(%dma_wait3A_465 : memref<6256xf32, #tpu.memory_space<hbm>>) dst(%arg14 : memref<6256xf32, #tpu.memory_space<vmem>>)
      tpu.yield
    }) : () -> ()
    %get3A = arith.constant 0 : index
    %get3A_139 = tpu.vector_load %arg15[%get3A] {strides = array<i32>} : memref<16xf32, #tpu.memory_space<vmem>>, vector<16xf32>,
    %scan3A_140 = arith.constant 0 : i32
    %scan3A_141 = arith.constant 391 : i32
    %scan3A_142 = arith.addi %scan3A_140, %scan3A_141 : i32
    %scan3A_143 = arith.constant 1 : i32
    scf.for %scan3A_462 = %scan3A_140 to %scan3A_142 step %scan3A_143  : i32 {
      %mul3A_463 = arith.constant 16 : i32
      %mul3A_464 = arith.muli %scan3A_462, %mul3A_463 : i32
      %add3A_465 = arith.constant 0 : i32
      %add3A_466 = arith.addi %add3A_465, %mul3A_464 : i32
      %add3A_467 = arith.addi %mul3A_0, %add3A_466 : i32
      %get3A_468 = arith.index_cast %add3A_467 : i32 to index
      %get3A_469 = tpu.vector_load %arg13[%get3A_468] {strides = array<i32>} : memref<100096xf32, #tpu.memory_space<vmem>>, vector<16xf32>,
      %get3A_470 = arith.index_cast %add3A_466 : i32 to index
      %get3A_471 = tpu.vector_load %arg14[%get3A_470] {strides = array<i32>} : memref<6256xf32, #tpu.memory_space<vmem>>, vector<16xf32>,
      %add3A_472 = arith.addf %get3A_469, %get3A_471 : vector<16xf32>
      %mul3A_473 = arith.mulf %add3A_472, %get3A_139 : vector<16xf32>
      %swap3A = arith.index_cast %add3A_467 : i32 to index
      %swap3A_474 = tpu.vector_load %arg13[%swap3A] {strides = array<i32>} : memref<100096xf32, #tpu.memory_space<vmem>>, vector<16xf32>,
      tpu.vector_store %arg13[%swap3A], %mul3A_473 {strides = array<i32>} : memref<100096xf32, #tpu.memory_space<vmem>>, vector<16xf32>,
      %broadcast_in_dim3A = arith.constant 0.000000e+00 : f32
      %broadcast_in_dim3A_475 = vector.broadcast %broadcast_in_dim3A : f32 to vector<16xf32>
      %swap3A_476 = arith.index_cast %add3A_466 : i32 to index
      %swap3A_477 = tpu.vector_load %arg14[%swap3A_476] {strides = array<i32>} : memref<6256xf32, #tpu.memory_space<vmem>>, vector<16xf32>,
      tpu.vector_store %arg14[%swap3A_476], %broadcast_in_dim3A_475 {strides = array<i32>} : memref<6256xf32, #tpu.memory_space<vmem>>, vector<16xf32>,
    }
    %scan3A_144 = arith.constant 391 : i32
    %mul3A_145 = arith.constant 100096 : i32
    %mul3A_146 = arith.muli %arg0, %mul3A_145 : i32
    %add3A_147 = arith.addi %mul3A_146, %mul3A_0 : i32
    "tpu.region"() ({
      %run_scoped3A = tpu.sem_alloc : memref<!tpu.dma_semaphore, #tpu.memory_space<semaphore_mem>>
      %dma_start3A_462 = tpu.memref_slice %arg13[%mul3A_0] : memref<100096xf32, #tpu.memory_space<vmem>> -> memref<6256xf32, #tpu.memory_space<vmem>>
      %dma_start3A_463 = tpu.memref_slice %arg11[%add3A_147] : memref<200192xf32, #tpu.memory_space<hbm>> -> memref<6256xf32, #tpu.memory_space<hbm>>
      %dma_start3A_464 = tpu.memref_slice %arg11[%add3A_147] : memref<200192xf32, #tpu.memory_space<hbm>> -> memref<6256xf32, #tpu.memory_space<hbm>>
      %dma_start3A_465 = tpu.memref_slice %arg13[%mul3A_0] : memref<100096xf32, #tpu.memory_space<vmem>> -> memref<6256xf32, #tpu.memory_space<vmem>>
      tpu.enqueue_dma source(%dma_start3A_465 : memref<6256xf32, #tpu.memory_space<vmem>>) target(%dma_start3A_464 : memref<6256xf32, #tpu.memory_space<hbm>>) target_semaphore(%run_scoped3A : memref<!tpu.dma_semaphore, #tpu.memory_space<semaphore_mem>>)
      %dma_wait3A_466 = tpu.memref_slice %arg13[%mul3A_0] : memref<100096xf32, #tpu.memory_space<vmem>> -> memref<6256xf32, #tpu.memory_space<vmem>>
      %dma_wait3A_467 = tpu.memref_slice %arg11[%add3A_147] : memref<200192xf32, #tpu.memory_space<hbm>> -> memref<6256xf32, #tpu.memory_space<hbm>>
      %dma_wait3A_468 = tpu.memref_slice %arg11[%add3A_147] : memref<200192xf32, #tpu.memory_space<hbm>> -> memref<6256xf32, #tpu.memory_space<hbm>>
      %dma_wait3A_469 = tpu.memref_slice %arg13[%mul3A_0] : memref<100096xf32, #tpu.memory_space<vmem>> -> memref<6256xf32, #tpu.memory_space<vmem>>
      tpu.wait_dma2 semaphore(%run_scoped3A : memref<!tpu.dma_semaphore, #tpu.memory_space<semaphore_mem>>) src(%dma_wait3A_469 : memref<6256xf32, #tpu.memory_space<vmem>>) dst(%dma_wait3A_468 : memref<6256xf32, #tpu.memory_space<hbm>>)
      tpu.yield
    }) : () -> ()
    "tpu.region"() ({
      %run_scoped3A = tpu.sem_alloc : memref<!tpu.dma_semaphore, #tpu.memory_space<semaphore_mem>>
      %dma_start3A_462 = tpu.memref_slice %arg12[%mul3A_0] : memref<100096xf32, #tpu.memory_space<vmem_shared>> -> memref<6256xf32, #tpu.memory_space<vmem_shared>>
      %dma_start3A_463 = tpu.memref_slice %arg12[%mul3A_0] : memref<100096xf32, #tpu.memory_space<vmem_shared>> -> memref<6256xf32, #tpu.memory_space<vmem_shared>>
      tpu.enqueue_dma source(%arg14 : memref<6256xf32, #tpu.memory_space<vmem>>) target(%dma_start3A_463 : memref<6256xf32, #tpu.memory_space<vmem_shared>>) target_semaphore(%run_scoped3A : memref<!tpu.dma_semaphore, #tpu.memory_space<semaphore_mem>>)
      %dma_wait3A_464 = tpu.memref_slice %arg12[%mul3A_0] : memref<100096xf32, #tpu.memory_space<vmem_shared>> -> memref<6256xf32, #tpu.memory_space<vmem_shared>>
      %dma_wait3A_465 = tpu.memref_slice %arg12[%mul3A_0] : memref<100096xf32, #tpu.memory_space<vmem_shared>> -> memref<6256xf32, #tpu.memory_space<vmem_shared>>
      tpu.wait_dma2 semaphore(%run_scoped3A : memref<!tpu.dma_semaphore, #tpu.memory_space<semaphore_mem>>) src(%arg14 : memref<6256xf32, #tpu.memory_space<vmem>>) dst(%dma_wait3A_465 : memref<6256xf32, #tpu.memory_space<vmem_shared>>)
      tpu.yield
    }) : () -> ()
    %barrier3A_148 = arith.constant 0 : index
    tpu.barrier barrier_id(%barrier3A_148)
    %mul3A_149 = arith.constant 100096 : i32
    %mul3A_150 = arith.muli %arg0, %mul3A_149 : i32
    "tpu.region"() ({
      %run_scoped3A = tpu.sem_alloc : memref<!tpu.dma_semaphore, #tpu.memory_space<semaphore_mem>>
      %dma_start3A_462 = tpu.memref_slice %arg11[%mul3A_150] : memref<200192xf32, #tpu.memory_space<hbm>> -> memref<100096xf32, #tpu.memory_space<hbm>>
      %dma_start3A_463 = tpu.memref_slice %arg11[%mul3A_150] : memref<200192xf32, #tpu.memory_space<hbm>> -> memref<100096xf32, #tpu.memory_space<hbm>>
      tpu.enqueue_dma source(%dma_start3A_463 : memref<100096xf32, #tpu.memory_space<hbm>>) target(%arg13 : memref<100096xf32, #tpu.memory_space<vmem>>) target_semaphore(%run_scoped3A : memref<!tpu.dma_semaphore, #tpu.memory_space<semaphore_mem>>)
      %dma_wait3A_464 = tpu.memref_slice %arg11[%mul3A_150] : memref<200192xf32, #tpu.memory_space<hbm>> -> memref<100096xf32, #tpu.memory_space<hbm>>
      %dma_wait3A_465 = tpu.memref_slice %arg11[%mul3A_150] : memref<200192xf32, #tpu.memory_space<hbm>> -> memref<100096xf32, #tpu.memory_space<hbm>>
      tpu.wait_dma2 semaphore(%run_scoped3A : memref<!tpu.dma_semaphore, #tpu.memory_space<semaphore_mem>>) src(%dma_wait3A_465 : memref<100096xf32, #tpu.memory_space<hbm>>) dst(%arg13 : memref<100096xf32, #tpu.memory_space<vmem>>)
      tpu.yield
    }) : () -> ()
    %mul3A_151 = arith.constant 16 : i32
    %mul3A_152 = arith.muli %arg0, %mul3A_151 : i32
    %add3A_153 = arith.addi %mul3A_152, %arg1 : i32
    %mul3A_154 = arith.constant 200000 : i32
    %mul3A_155 = arith.muli %add3A_153, %mul3A_154 : i32
    %add3A_156 = arith.constant 0 : i32
    %add3A_157 = arith.addi %mul3A_155, %add3A_156 : i32
    %dma_start3A_158 = tpu.memref_slice %arg4[%add3A_157] : memref<6400000xi32, #tpu.memory_space<hbm>> -> memref<1600xi32, #tpu.memory_space<hbm>>
    %dma_start3A_159 = tpu.memref_slice %arg4[%add3A_157] : memref<6400000xi32, #tpu.memory_space<hbm>> -> memref<1600xi32, #tpu.memory_space<hbm>>
    tpu.enqueue_dma source(%dma_start3A_159 : memref<1600xi32, #tpu.memory_space<hbm>>) target(%arg18 : memref<1600xi32, #tpu.memory_space<vmem>>) target_semaphore(%arg28 : memref<!tpu.dma_semaphore, #tpu.memory_space<semaphore_mem>>)
    %dma_start3A_160 = tpu.memref_slice %arg5[%add3A_157] : memref<6400000xi32, #tpu.memory_space<hbm>> -> memref<1600xi32, #tpu.memory_space<hbm>>
    %dma_start3A_161 = tpu.memref_slice %arg5[%add3A_157] : memref<6400000xi32, #tpu.memory_space<hbm>> -> memref<1600xi32, #tpu.memory_space<hbm>>
    tpu.enqueue_dma source(%dma_start3A_161 : memref<1600xi32, #tpu.memory_space<hbm>>) target(%arg22 : memref<1600xi32, #tpu.memory_space<vmem>>) target_semaphore(%arg28 : memref<!tpu.dma_semaphore, #tpu.memory_space<semaphore_mem>>)
    %add3A_162 = arith.constant 1600 : i32
    %add3A_163 = arith.addi %mul3A_155, %add3A_162 : i32
    %dma_start3A_164 = tpu.memref_slice %arg4[%add3A_163] : memref<6400000xi32, #tpu.memory_space<hbm>> -> memref<1600xi32, #tpu.memory_space<hbm>>
    %dma_start3A_165 = tpu.memref_slice %arg4[%add3A_163] : memref<6400000xi32, #tpu.memory_space<hbm>> -> memref<1600xi32, #tpu.memory_space<hbm>>
    tpu.enqueue_dma source(%dma_start3A_165 : memref<1600xi32, #tpu.memory_space<hbm>>) target(%arg19 : memref<1600xi32, #tpu.memory_space<vmem>>) target_semaphore(%arg29 : memref<!tpu.dma_semaphore, #tpu.memory_space<semaphore_mem>>)
    %dma_start3A_166 = tpu.memref_slice %arg5[%add3A_163] : memref<6400000xi32, #tpu.memory_space<hbm>> -> memref<1600xi32, #tpu.memory_space<hbm>>
    %dma_start3A_167 = tpu.memref_slice %arg5[%add3A_163] : memref<6400000xi32, #tpu.memory_space<hbm>> -> memref<1600xi32, #tpu.memory_space<hbm>>
    tpu.enqueue_dma source(%dma_start3A_167 : memref<1600xi32, #tpu.memory_space<hbm>>) target(%arg23 : memref<1600xi32, #tpu.memory_space<vmem>>) target_semaphore(%arg29 : memref<!tpu.dma_semaphore, #tpu.memory_space<semaphore_mem>>)
    %dma_wait3A_168 = arith.constant 0 : i32
    %dma_wait3A_169 = tpu.memref_slice %arg4[%dma_wait3A_168] : memref<6400000xi32, #tpu.memory_space<hbm>> -> memref<1600xi32, #tpu.memory_space<hbm>>
    %dma_wait3A_170 = arith.constant 0 : i32
    %dma_wait3A_171 = tpu.memref_slice %arg4[%dma_wait3A_170] : memref<6400000xi32, #tpu.memory_space<hbm>> -> memref<1600xi32, #tpu.memory_space<hbm>>
    tpu.wait_dma2 semaphore(%arg28 : memref<!tpu.dma_semaphore, #tpu.memory_space<semaphore_mem>>) src(%dma_wait3A_171 : memref<1600xi32, #tpu.memory_space<hbm>>) dst(%arg18 : memref<1600xi32, #tpu.memory_space<vmem>>)
    %dma_wait3A_172 = arith.constant 0 : i32
    %dma_wait3A_173 = tpu.memref_slice %arg5[%dma_wait3A_172] : memref<6400000xi32, #tpu.memory_space<hbm>> -> memref<1600xi32, #tpu.memory_space<hbm>>
    %dma_wait3A_174 = arith.constant 0 : i32
    %dma_wait3A_175 = tpu.memref_slice %arg5[%dma_wait3A_174] : memref<6400000xi32, #tpu.memory_space<hbm>> -> memref<1600xi32, #tpu.memory_space<hbm>>
    tpu.wait_dma2 semaphore(%arg28 : memref<!tpu.dma_semaphore, #tpu.memory_space<semaphore_mem>>) src(%dma_wait3A_175 : memref<1600xi32, #tpu.memory_space<hbm>>) dst(%arg22 : memref<1600xi32, #tpu.memory_space<vmem>>)
    %parallel_loop3A_176 = arith.constant 0 : i32
    %parallel_loop3A_177 = arith.constant 1600 : i32
    %parallel_loop3A_178 = arith.constant 16 : i32
    scf.for %parallel_loop3A_462 = %parallel_loop3A_176 to %parallel_loop3A_177 step %parallel_loop3A_178  : i32 {
      %parallel_loop3A_463 = arith.index_cast %parallel_loop3A_462 : i32 to index
      %parallel_loop3A_464 = tpu.vector_load %arg18[%parallel_loop3A_463] {strides = array<i32>} : memref<1600xi32, #tpu.memory_space<vmem>>, vector<16xi32>,
      %parallel_loop3A_465 = tpu.vector_load_idx %arg13[%parallel_loop3A_464] : memref<100096xf32, #tpu.memory_space<vmem>>[vector<16xi32>], vector<16xf32>,
      %parallel_loop3A_466 = arith.index_cast %parallel_loop3A_462 : i32 to index
      %parallel_loop3A_467 = tpu.vector_load %arg26[%parallel_loop3A_466] {strides = array<i32>} : memref<1600xf32, #tpu.memory_space<vmem>>, vector<16xf32>,
      tpu.vector_store %arg26[%parallel_loop3A_466], %parallel_loop3A_465 {strides = array<i32>} : memref<1600xf32, #tpu.memory_space<vmem>>, vector<16xf32>,
    } {sc.loop_unroll_factor = 4 : i64, sc.parallel_access}
    %dma_start3A_179 = arith.constant 0 : i32
    %dma_start3A_180 = tpu.memref_slice %arg12[%dma_start3A_179] : memref<100096xf32, #tpu.memory_space<vmem_shared>> -> memref<100096xf32, #tpu.memory_space<vmem_shared>>
    tpu.enqueue_indirect_dma source(%arg26 : memref<1600xf32, #tpu.memory_space<vmem>>) target(%dma_start3A_180 : memref<100096xf32, #tpu.memory_space<vmem_shared>>) offsets(%arg22 : memref<1600xi32, #tpu.memory_space<vmem>>) semaphore(%arg32 : memref<!tpu.dma_semaphore, #tpu.memory_space<semaphore_mem>>) {add = true}
    %add3A_181 = arith.constant 3200 : i32
    %add3A_182 = arith.addi %mul3A_155, %add3A_181 : i32
    %dma_start3A_183 = tpu.memref_slice %arg4[%add3A_182] : memref<6400000xi32, #tpu.memory_space<hbm>> -> memref<1600xi32, #tpu.memory_space<hbm>>
    %dma_start3A_184 = tpu.memref_slice %arg4[%add3A_182] : memref<6400000xi32, #tpu.memory_space<hbm>> -> memref<1600xi32, #tpu.memory_space<hbm>>
    tpu.enqueue_dma source(%dma_start3A_184 : memref<1600xi32, #tpu.memory_space<hbm>>) target(%arg20 : memref<1600xi32, #tpu.memory_space<vmem>>) target_semaphore(%arg30 : memref<!tpu.dma_semaphore, #tpu.memory_space<semaphore_mem>>)
    %dma_start3A_185 = tpu.memref_slice %arg5[%add3A_182] : memref<6400000xi32, #tpu.memory_space<hbm>> -> memref<1600xi32, #tpu.memory_space<hbm>>
    %dma_start3A_186 = tpu.memref_slice %arg5[%add3A_182] : memref<6400000xi32, #tpu.memory_space<hbm>> -> memref<1600xi32, #tpu.memory_space<hbm>>
    tpu.enqueue_dma source(%dma_start3A_186 : memref<1600xi32, #tpu.memory_space<hbm>>) target(%arg24 : memref<1600xi32, #tpu.memory_space<vmem>>) target_semaphore(%arg30 : memref<!tpu.dma_semaphore, #tpu.memory_space<semaphore_mem>>)
    %dma_wait3A_187 = arith.constant 0 : i32
    %dma_wait3A_188 = tpu.memref_slice %arg4[%dma_wait3A_187] : memref<6400000xi32, #tpu.memory_space<hbm>> -> memref<1600xi32, #tpu.memory_space<hbm>>
    %dma_wait3A_189 = arith.constant 0 : i32
    %dma_wait3A_190 = tpu.memref_slice %arg4[%dma_wait3A_189] : memref<6400000xi32, #tpu.memory_space<hbm>> -> memref<1600xi32, #tpu.memory_space<hbm>>
    tpu.wait_dma2 semaphore(%arg29 : memref<!tpu.dma_semaphore, #tpu.memory_space<semaphore_mem>>) src(%dma_wait3A_190 : memref<1600xi32, #tpu.memory_space<hbm>>) dst(%arg19 : memref<1600xi32, #tpu.memory_space<vmem>>)
    %dma_wait3A_191 = arith.constant 0 : i32
    %dma_wait3A_192 = tpu.memref_slice %arg5[%dma_wait3A_191] : memref<6400000xi32, #tpu.memory_space<hbm>> -> memref<1600xi32, #tpu.memory_space<hbm>>
    %dma_wait3A_193 = arith.constant 0 : i32
    %dma_wait3A_194 = tpu.memref_slice %arg5[%dma_wait3A_193] : memref<6400000xi32, #tpu.memory_space<hbm>> -> memref<1600xi32, #tpu.memory_space<hbm>>
    tpu.wait_dma2 semaphore(%arg29 : memref<!tpu.dma_semaphore, #tpu.memory_space<semaphore_mem>>) src(%dma_wait3A_194 : memref<1600xi32, #tpu.memory_space<hbm>>) dst(%arg23 : memref<1600xi32, #tpu.memory_space<vmem>>)
    %parallel_loop3A_195 = arith.constant 0 : i32
    %parallel_loop3A_196 = arith.constant 1600 : i32
    %parallel_loop3A_197 = arith.constant 16 : i32
    scf.for %parallel_loop3A_462 = %parallel_loop3A_195 to %parallel_loop3A_196 step %parallel_loop3A_197  : i32 {
      %parallel_loop3A_463 = arith.index_cast %parallel_loop3A_462 : i32 to index
      %parallel_loop3A_464 = tpu.vector_load %arg19[%parallel_loop3A_463] {strides = array<i32>} : memref<1600xi32, #tpu.memory_space<vmem>>, vector<16xi32>,
      %parallel_loop3A_465 = tpu.vector_load_idx %arg13[%parallel_loop3A_464] : memref<100096xf32, #tpu.memory_space<vmem>>[vector<16xi32>], vector<16xf32>,
      %parallel_loop3A_466 = arith.index_cast %parallel_loop3A_462 : i32 to index
      %parallel_loop3A_467 = tpu.vector_load %arg27[%parallel_loop3A_466] {strides = array<i32>} : memref<1600xf32, #tpu.memory_space<vmem>>, vector<16xf32>,
      tpu.vector_store %arg27[%parallel_loop3A_466], %parallel_loop3A_465 {strides = array<i32>} : memref<1600xf32, #tpu.memory_space<vmem>>, vector<16xf32>,
    } {sc.loop_unroll_factor = 4 : i64, sc.parallel_access}
    %dma_start3A_198 = arith.constant 0 : i32
    %dma_start3A_199 = tpu.memref_slice %arg12[%dma_start3A_198] : memref<100096xf32, #tpu.memory_space<vmem_shared>> -> memref<100096xf32, #tpu.memory_space<vmem_shared>>
    tpu.enqueue_indirect_dma source(%arg27 : memref<1600xf32, #tpu.memory_space<vmem>>) target(%dma_start3A_199 : memref<100096xf32, #tpu.memory_space<vmem_shared>>) offsets(%arg23 : memref<1600xi32, #tpu.memory_space<vmem>>) semaphore(%arg33 : memref<!tpu.dma_semaphore, #tpu.memory_space<semaphore_mem>>) {add = true}
    %add3A_200 = arith.constant 4800 : i32
    %add3A_201 = arith.addi %mul3A_155, %add3A_200 : i32
    %dma_start3A_202 = tpu.memref_slice %arg4[%add3A_201] : memref<6400000xi32, #tpu.memory_space<hbm>> -> memref<1600xi32, #tpu.memory_space<hbm>>
    %dma_start3A_203 = tpu.memref_slice %arg4[%add3A_201] : memref<6400000xi32, #tpu.memory_space<hbm>> -> memref<1600xi32, #tpu.memory_space<hbm>>
    tpu.enqueue_dma source(%dma_start3A_203 : memref<1600xi32, #tpu.memory_space<hbm>>) target(%arg21 : memref<1600xi32, #tpu.memory_space<vmem>>) target_semaphore(%arg31 : memref<!tpu.dma_semaphore, #tpu.memory_space<semaphore_mem>>)
    %dma_start3A_204 = tpu.memref_slice %arg5[%add3A_201] : memref<6400000xi32, #tpu.memory_space<hbm>> -> memref<1600xi32, #tpu.memory_space<hbm>>
    %dma_start3A_205 = tpu.memref_slice %arg5[%add3A_201] : memref<6400000xi32, #tpu.memory_space<hbm>> -> memref<1600xi32, #tpu.memory_space<hbm>>
    tpu.enqueue_dma source(%dma_start3A_205 : memref<1600xi32, #tpu.memory_space<hbm>>) target(%arg25 : memref<1600xi32, #tpu.memory_space<vmem>>) target_semaphore(%arg31 : memref<!tpu.dma_semaphore, #tpu.memory_space<semaphore_mem>>)
    %scan3A_206 = arith.constant 0 : i32
    %scan3A_207 = arith.constant 30 : i32
    %scan3A_208 = arith.addi %scan3A_206, %scan3A_207 : i32
    %scan3A_209 = arith.constant 1 : i32
    scf.for %scan3A_462 = %scan3A_206 to %scan3A_208 step %scan3A_209  : i32 {
      %mul3A_463 = arith.constant 4 : i32
      %mul3A_464 = arith.muli %scan3A_462, %mul3A_463 : i32
      %add3A_465 = arith.constant 2 : i32
      %add3A_466 = arith.addi %add3A_465, %mul3A_464 : i32
      %dma_wait3A_467 = arith.constant 0 : i32
      %dma_wait3A_468 = tpu.memref_slice %arg4[%dma_wait3A_467] : memref<6400000xi32, #tpu.memory_space<hbm>> -> memref<1600xi32, #tpu.memory_space<hbm>>
      %dma_wait3A_469 = arith.constant 0 : i32
      %dma_wait3A_470 = tpu.memref_slice %arg4[%dma_wait3A_469] : memref<6400000xi32, #tpu.memory_space<hbm>> -> memref<1600xi32, #tpu.memory_space<hbm>>
      tpu.wait_dma2 semaphore(%arg30 : memref<!tpu.dma_semaphore, #tpu.memory_space<semaphore_mem>>) src(%dma_wait3A_470 : memref<1600xi32, #tpu.memory_space<hbm>>) dst(%arg20 : memref<1600xi32, #tpu.memory_space<vmem>>)
      %dma_wait3A_471 = arith.constant 0 : i32
      %dma_wait3A_472 = tpu.memref_slice %arg5[%dma_wait3A_471] : memref<6400000xi32, #tpu.memory_space<hbm>> -> memref<1600xi32, #tpu.memory_space<hbm>>
      %dma_wait3A_473 = arith.constant 0 : i32
      %dma_wait3A_474 = tpu.memref_slice %arg5[%dma_wait3A_473] : memref<6400000xi32, #tpu.memory_space<hbm>> -> memref<1600xi32, #tpu.memory_space<hbm>>
      tpu.wait_dma2 semaphore(%arg30 : memref<!tpu.dma_semaphore, #tpu.memory_space<semaphore_mem>>) src(%dma_wait3A_474 : memref<1600xi32, #tpu.memory_space<hbm>>) dst(%arg24 : memref<1600xi32, #tpu.memory_space<vmem>>)
      %dma_wait3A_475 = arith.constant 0 : i32
      %dma_wait3A_476 = tpu.memref_slice %arg12[%dma_wait3A_475] : memref<100096xf32, #tpu.memory_space<vmem_shared>> -> memref<100096xf32, #tpu.memory_space<vmem_shared>>
      tpu.wait_indirect_dma semaphore(%arg32 : memref<!tpu.dma_semaphore, #tpu.memory_space<semaphore_mem>>) src(%arg26 : memref<1600xf32, #tpu.memory_space<vmem>>) dst(%dma_wait3A_476 : memref<100096xf32, #tpu.memory_space<vmem_shared>>)
      %parallel_loop3A_477 = arith.constant 0 : i32
      %parallel_loop3A_478 = arith.constant 1600 : i32
      %parallel_loop3A_479 = arith.constant 16 : i32
      scf.for %parallel_loop3A_571 = %parallel_loop3A_477 to %parallel_loop3A_478 step %parallel_loop3A_479  : i32 {
        %parallel_loop3A_572 = arith.index_cast %parallel_loop3A_571 : i32 to index
        %parallel_loop3A_573 = tpu.vector_load %arg20[%parallel_loop3A_572] {strides = array<i32>} : memref<1600xi32, #tpu.memory_space<vmem>>, vector<16xi32>,
        %parallel_loop3A_574 = tpu.vector_load_idx %arg13[%parallel_loop3A_573] : memref<100096xf32, #tpu.memory_space<vmem>>[vector<16xi32>], vector<16xf32>,
        %parallel_loop3A_575 = arith.index_cast %parallel_loop3A_571 : i32 to index
        %parallel_loop3A_576 = tpu.vector_load %arg26[%parallel_loop3A_575] {strides = array<i32>} : memref<1600xf32, #tpu.memory_space<vmem>>, vector<16xf32>,
        tpu.vector_store %arg26[%parallel_loop3A_575], %parallel_loop3A_574 {strides = array<i32>} : memref<1600xf32, #tpu.memory_space<vmem>>, vector<16xf32>,
      } {sc.loop_unroll_factor = 4 : i64, sc.parallel_access}
      %dma_start3A_480 = arith.constant 0 : i32
      %dma_start3A_481 = tpu.memref_slice %arg12[%dma_start3A_480] : memref<100096xf32, #tpu.memory_space<vmem_shared>> -> memref<100096xf32, #tpu.memory_space<vmem_shared>>
      tpu.enqueue_indirect_dma source(%arg26 : memref<1600xf32, #tpu.memory_space<vmem>>) target(%dma_start3A_481 : memref<100096xf32, #tpu.memory_space<vmem_shared>>) offsets(%arg24 : memref<1600xi32, #tpu.memory_space<vmem>>) semaphore(%arg32 : memref<!tpu.dma_semaphore, #tpu.memory_space<semaphore_mem>>) {add = true}
      %add3A_482 = arith.constant 0 : i32
      %add3A_483 = arith.addi %add3A_466, %add3A_482 : i32
      %add3A_484 = arith.constant 2 : i32
      %add3A_485 = arith.addi %add3A_483, %add3A_484 : i32
      %mul3A_486 = arith.constant 1600 : i32
      %mul3A_487 = arith.muli %add3A_485, %mul3A_486 : i32
      %add3A_488 = arith.addi %mul3A_155, %mul3A_487 : i32
      %dma_start3A_489 = tpu.memref_slice %arg4[%add3A_488] : memref<6400000xi32, #tpu.memory_space<hbm>> -> memref<1600xi32, #tpu.memory_space<hbm>>
      %dma_start3A_490 = tpu.memref_slice %arg4[%add3A_488] : memref<6400000xi32, #tpu.memory_space<hbm>> -> memref<1600xi32, #tpu.memory_space<hbm>>
      tpu.enqueue_dma source(%dma_start3A_490 : memref<1600xi32, #tpu.memory_space<hbm>>) target(%arg18 : memref<1600xi32, #tpu.memory_space<vmem>>) target_semaphore(%arg28 : memref<!tpu.dma_semaphore, #tpu.memory_space<semaphore_mem>>)
      %dma_start3A_491 = tpu.memref_slice %arg5[%add3A_488] : memref<6400000xi32, #tpu.memory_space<hbm>> -> memref<1600xi32, #tpu.memory_space<hbm>>
      %dma_start3A_492 = tpu.memref_slice %arg5[%add3A_488] : memref<6400000xi32, #tpu.memory_space<hbm>> -> memref<1600xi32, #tpu.memory_space<hbm>>
      tpu.enqueue_dma source(%dma_start3A_492 : memref<1600xi32, #tpu.memory_space<hbm>>) target(%arg22 : memref<1600xi32, #tpu.memory_space<vmem>>) target_semaphore(%arg28 : memref<!tpu.dma_semaphore, #tpu.memory_space<semaphore_mem>>)
      %dma_wait3A_493 = arith.constant 0 : i32
      %dma_wait3A_494 = tpu.memref_slice %arg4[%dma_wait3A_493] : memref<6400000xi32, #tpu.memory_space<hbm>> -> memref<1600xi32, #tpu.memory_space<hbm>>
      %dma_wait3A_495 = arith.constant 0 : i32
      %dma_wait3A_496 = tpu.memref_slice %arg4[%dma_wait3A_495] : memref<6400000xi32, #tpu.memory_space<hbm>> -> memref<1600xi32, #tpu.memory_space<hbm>>
      tpu.wait_dma2 semaphore(%arg31 : memref<!tpu.dma_semaphore, #tpu.memory_space<semaphore_mem>>) src(%dma_wait3A_496 : memref<1600xi32, #tpu.memory_space<hbm>>) dst(%arg21 : memref<1600xi32, #tpu.memory_space<vmem>>)
      %dma_wait3A_497 = arith.constant 0 : i32
      %dma_wait3A_498 = tpu.memref_slice %arg5[%dma_wait3A_497] : memref<6400000xi32, #tpu.memory_space<hbm>> -> memref<1600xi32, #tpu.memory_space<hbm>>
      %dma_wait3A_499 = arith.constant 0 : i32
      %dma_wait3A_500 = tpu.memref_slice %arg5[%dma_wait3A_499] : memref<6400000xi32, #tpu.memory_space<hbm>> -> memref<1600xi32, #tpu.memory_space<hbm>>
      tpu.wait_dma2 semaphore(%arg31 : memref<!tpu.dma_semaphore, #tpu.memory_space<semaphore_mem>>) src(%dma_wait3A_500 : memref<1600xi32, #tpu.memory_space<hbm>>) dst(%arg25 : memref<1600xi32, #tpu.memory_space<vmem>>)
      %dma_wait3A_501 = arith.constant 0 : i32
      %dma_wait3A_502 = tpu.memref_slice %arg12[%dma_wait3A_501] : memref<100096xf32, #tpu.memory_space<vmem_shared>> -> memref<100096xf32, #tpu.memory_space<vmem_shared>>
      tpu.wait_indirect_dma semaphore(%arg33 : memref<!tpu.dma_semaphore, #tpu.memory_space<semaphore_mem>>) src(%arg27 : memref<1600xf32, #tpu.memory_space<vmem>>) dst(%dma_wait3A_502 : memref<100096xf32, #tpu.memory_space<vmem_shared>>)
      %parallel_loop3A_503 = arith.constant 0 : i32
      %parallel_loop3A_504 = arith.constant 1600 : i32
      %parallel_loop3A_505 = arith.constant 16 : i32
      scf.for %parallel_loop3A_571 = %parallel_loop3A_503 to %parallel_loop3A_504 step %parallel_loop3A_505  : i32 {
        %parallel_loop3A_572 = arith.index_cast %parallel_loop3A_571 : i32 to index
        %parallel_loop3A_573 = tpu.vector_load %arg21[%parallel_loop3A_572] {strides = array<i32>} : memref<1600xi32, #tpu.memory_space<vmem>>, vector<16xi32>,
        %parallel_loop3A_574 = tpu.vector_load_idx %arg13[%parallel_loop3A_573] : memref<100096xf32, #tpu.memory_space<vmem>>[vector<16xi32>], vector<16xf32>,
        %parallel_loop3A_575 = arith.index_cast %parallel_loop3A_571 : i32 to index
        %parallel_loop3A_576 = tpu.vector_load %arg27[%parallel_loop3A_575] {strides = array<i32>} : memref<1600xf32, #tpu.memory_space<vmem>>, vector<16xf32>,
        tpu.vector_store %arg27[%parallel_loop3A_575], %parallel_loop3A_574 {strides = array<i32>} : memref<1600xf32, #tpu.memory_space<vmem>>, vector<16xf32>,
      } {sc.loop_unroll_factor = 4 : i64, sc.parallel_access}
      %dma_start3A_506 = arith.constant 0 : i32
      %dma_start3A_507 = tpu.memref_slice %arg12[%dma_start3A_506] : memref<100096xf32, #tpu.memory_space<vmem_shared>> -> memref<100096xf32, #tpu.memory_space<vmem_shared>>
      tpu.enqueue_indirect_dma source(%arg27 : memref<1600xf32, #tpu.memory_space<vmem>>) target(%dma_start3A_507 : memref<100096xf32, #tpu.memory_space<vmem_shared>>) offsets(%arg25 : memref<1600xi32, #tpu.memory_space<vmem>>) semaphore(%arg33 : memref<!tpu.dma_semaphore, #tpu.memory_space<semaphore_mem>>) {add = true}
      %add3A_508 = arith.constant 1 : i32
      %add3A_509 = arith.addi %add3A_466, %add3A_508 : i32
      %add3A_510 = arith.constant 2 : i32
      %add3A_511 = arith.addi %add3A_509, %add3A_510 : i32
      %mul3A_512 = arith.constant 1600 : i32
      %mul3A_513 = arith.muli %add3A_511, %mul3A_512 : i32
      %add3A_514 = arith.addi %mul3A_155, %mul3A_513 : i32
      %dma_start3A_515 = tpu.memref_slice %arg4[%add3A_514] : memref<6400000xi32, #tpu.memory_space<hbm>> -> memref<1600xi32, #tpu.memory_space<hbm>>
      %dma_start3A_516 = tpu.memref_slice %arg4[%add3A_514] : memref<6400000xi32, #tpu.memory_space<hbm>> -> memref<1600xi32, #tpu.memory_space<hbm>>
      tpu.enqueue_dma source(%dma_start3A_516 : memref<1600xi32, #tpu.memory_space<hbm>>) target(%arg19 : memref<1600xi32, #tpu.memory_space<vmem>>) target_semaphore(%arg29 : memref<!tpu.dma_semaphore, #tpu.memory_space<semaphore_mem>>)
      %dma_start3A_517 = tpu.memref_slice %arg5[%add3A_514] : memref<6400000xi32, #tpu.memory_space<hbm>> -> memref<1600xi32, #tpu.memory_space<hbm>>
      %dma_start3A_518 = tpu.memref_slice %arg5[%add3A_514] : memref<6400000xi32, #tpu.memory_space<hbm>> -> memref<1600xi32, #tpu.memory_space<hbm>>
      tpu.enqueue_dma source(%dma_start3A_518 : memref<1600xi32, #tpu.memory_space<hbm>>) target(%arg23 : memref<1600xi32, #tpu.memory_space<vmem>>) target_semaphore(%arg29 : memref<!tpu.dma_semaphore, #tpu.memory_space<semaphore_mem>>)
      %dma_wait3A_519 = arith.constant 0 : i32
      %dma_wait3A_520 = tpu.memref_slice %arg4[%dma_wait3A_519] : memref<6400000xi32, #tpu.memory_space<hbm>> -> memref<1600xi32, #tpu.memory_space<hbm>>
      %dma_wait3A_521 = arith.constant 0 : i32
      %dma_wait3A_522 = tpu.memref_slice %arg4[%dma_wait3A_521] : memref<6400000xi32, #tpu.memory_space<hbm>> -> memref<1600xi32, #tpu.memory_space<hbm>>
      tpu.wait_dma2 semaphore(%arg28 : memref<!tpu.dma_semaphore, #tpu.memory_space<semaphore_mem>>) src(%dma_wait3A_522 : memref<1600xi32, #tpu.memory_space<hbm>>) dst(%arg18 : memref<1600xi32, #tpu.memory_space<vmem>>)
      %dma_wait3A_523 = arith.constant 0 : i32
      %dma_wait3A_524 = tpu.memref_slice %arg5[%dma_wait3A_523] : memref<6400000xi32, #tpu.memory_space<hbm>> -> memref<1600xi32, #tpu.memory_space<hbm>>
      %dma_wait3A_525 = arith.constant 0 : i32
      %dma_wait3A_526 = tpu.memref_slice %arg5[%dma_wait3A_525] : memref<6400000xi32, #tpu.memory_space<hbm>> -> memref<1600xi32, #tpu.memory_space<hbm>>
      tpu.wait_dma2 semaphore(%arg28 : memref<!tpu.dma_semaphore, #tpu.memory_space<semaphore_mem>>) src(%dma_wait3A_526 : memref<1600xi32, #tpu.memory_space<hbm>>) dst(%arg22 : memref<1600xi32, #tpu.memory_space<vmem>>)
      %dma_wait3A_527 = arith.constant 0 : i32
      %dma_wait3A_528 = tpu.memref_slice %arg12[%dma_wait3A_527] : memref<100096xf32, #tpu.memory_space<vmem_shared>> -> memref<100096xf32, #tpu.memory_space<vmem_shared>>
      tpu.wait_indirect_dma semaphore(%arg32 : memref<!tpu.dma_semaphore, #tpu.memory_space<semaphore_mem>>) src(%arg26 : memref<1600xf32, #tpu.memory_space<vmem>>) dst(%dma_wait3A_528 : memref<100096xf32, #tpu.memory_space<vmem_shared>>)
      %parallel_loop3A_529 = arith.constant 0 : i32
      %parallel_loop3A_530 = arith.constant 1600 : i32
      %parallel_loop3A_531 = arith.constant 16 : i32
      scf.for %parallel_loop3A_571 = %parallel_loop3A_529 to %parallel_loop3A_530 step %parallel_loop3A_531  : i32 {
        %parallel_loop3A_572 = arith.index_cast %parallel_loop3A_571 : i32 to index
        %parallel_loop3A_573 = tpu.vector_load %arg18[%parallel_loop3A_572] {strides = array<i32>} : memref<1600xi32, #tpu.memory_space<vmem>>, vector<16xi32>,
        %parallel_loop3A_574 = tpu.vector_load_idx %arg13[%parallel_loop3A_573] : memref<100096xf32, #tpu.memory_space<vmem>>[vector<16xi32>], vector<16xf32>,
        %parallel_loop3A_575 = arith.index_cast %parallel_loop3A_571 : i32 to index
        %parallel_loop3A_576 = tpu.vector_load %arg26[%parallel_loop3A_575] {strides = array<i32>} : memref<1600xf32, #tpu.memory_space<vmem>>, vector<16xf32>,
        tpu.vector_store %arg26[%parallel_loop3A_575], %parallel_loop3A_574 {strides = array<i32>} : memref<1600xf32, #tpu.memory_space<vmem>>, vector<16xf32>,
      } {sc.loop_unroll_factor = 4 : i64, sc.parallel_access}
      %dma_start3A_532 = arith.constant 0 : i32
      %dma_start3A_533 = tpu.memref_slice %arg12[%dma_start3A_532] : memref<100096xf32, #tpu.memory_space<vmem_shared>> -> memref<100096xf32, #tpu.memory_space<vmem_shared>>
      tpu.enqueue_indirect_dma source(%arg26 : memref<1600xf32, #tpu.memory_space<vmem>>) target(%dma_start3A_533 : memref<100096xf32, #tpu.memory_space<vmem_shared>>) offsets(%arg22 : memref<1600xi32, #tpu.memory_space<vmem>>) semaphore(%arg32 : memref<!tpu.dma_semaphore, #tpu.memory_space<semaphore_mem>>) {add = true}
      %add3A_534 = arith.constant 2 : i32
      %add3A_535 = arith.addi %add3A_466, %add3A_534 : i32
      %add3A_536 = arith.constant 2 : i32
      %add3A_537 = arith.addi %add3A_535, %add3A_536 : i32
      %mul3A_538 = arith.constant 1600 : i32
      %mul3A_539 = arith.muli %add3A_537, %mul3A_538 : i32
      %add3A_540 = arith.addi %mul3A_155, %mul3A_539 : i32
      %dma_start3A_541 = tpu.memref_slice %arg4[%add3A_540] : memref<6400000xi32, #tpu.memory_space<hbm>> -> memref<1600xi32, #tpu.memory_space<hbm>>
      %dma_start3A_542 = tpu.memref_slice %arg4[%add3A_540] : memref<6400000xi32, #tpu.memory_space<hbm>> -> memref<1600xi32, #tpu.memory_space<hbm>>
      tpu.enqueue_dma source(%dma_start3A_542 : memref<1600xi32, #tpu.memory_space<hbm>>) target(%arg20 : memref<1600xi32, #tpu.memory_space<vmem>>) target_semaphore(%arg30 : memref<!tpu.dma_semaphore, #tpu.memory_space<semaphore_mem>>)
      %dma_start3A_543 = tpu.memref_slice %arg5[%add3A_540] : memref<6400000xi32, #tpu.memory_space<hbm>> -> memref<1600xi32, #tpu.memory_space<hbm>>
      %dma_start3A_544 = tpu.memref_slice %arg5[%add3A_540] : memref<6400000xi32, #tpu.memory_space<hbm>> -> memref<1600xi32, #tpu.memory_space<hbm>>
      tpu.enqueue_dma source(%dma_start3A_544 : memref<1600xi32, #tpu.memory_space<hbm>>) target(%arg24 : memref<1600xi32, #tpu.memory_space<vmem>>) target_semaphore(%arg30 : memref<!tpu.dma_semaphore, #tpu.memory_space<semaphore_mem>>)
      %dma_wait3A_545 = arith.constant 0 : i32
      %dma_wait3A_546 = tpu.memref_slice %arg4[%dma_wait3A_545] : memref<6400000xi32, #tpu.memory_space<hbm>> -> memref<1600xi32, #tpu.memory_space<hbm>>
      %dma_wait3A_547 = arith.constant 0 : i32
      %dma_wait3A_548 = tpu.memref_slice %arg4[%dma_wait3A_547] : memref<6400000xi32, #tpu.memory_space<hbm>> -> memref<1600xi32, #tpu.memory_space<hbm>>
      tpu.wait_dma2 semaphore(%arg29 : memref<!tpu.dma_semaphore, #tpu.memory_space<semaphore_mem>>) src(%dma_wait3A_548 : memref<1600xi32, #tpu.memory_space<hbm>>) dst(%arg19 : memref<1600xi32, #tpu.memory_space<vmem>>)
      %dma_wait3A_549 = arith.constant 0 : i32
      %dma_wait3A_550 = tpu.memref_slice %arg5[%dma_wait3A_549] : memref<6400000xi32, #tpu.memory_space<hbm>> -> memref<1600xi32, #tpu.memory_space<hbm>>
      %dma_wait3A_551 = arith.constant 0 : i32
      %dma_wait3A_552 = tpu.memref_slice %arg5[%dma_wait3A_551] : memref<6400000xi32, #tpu.memory_space<hbm>> -> memref<1600xi32, #tpu.memory_space<hbm>>
      tpu.wait_dma2 semaphore(%arg29 : memref<!tpu.dma_semaphore, #tpu.memory_space<semaphore_mem>>) src(%dma_wait3A_552 : memref<1600xi32, #tpu.memory_space<hbm>>) dst(%arg23 : memref<1600xi32, #tpu.memory_space<vmem>>)
      %dma_wait3A_553 = arith.constant 0 : i32
      %dma_wait3A_554 = tpu.memref_slice %arg12[%dma_wait3A_553] : memref<100096xf32, #tpu.memory_space<vmem_shared>> -> memref<100096xf32, #tpu.memory_space<vmem_shared>>
      tpu.wait_indirect_dma semaphore(%arg33 : memref<!tpu.dma_semaphore, #tpu.memory_space<semaphore_mem>>) src(%arg27 : memref<1600xf32, #tpu.memory_space<vmem>>) dst(%dma_wait3A_554 : memref<100096xf32, #tpu.memory_space<vmem_shared>>)
      %parallel_loop3A_555 = arith.constant 0 : i32
      %parallel_loop3A_556 = arith.constant 1600 : i32
      %parallel_loop3A_557 = arith.constant 16 : i32
      scf.for %parallel_loop3A_571 = %parallel_loop3A_555 to %parallel_loop3A_556 step %parallel_loop3A_557  : i32 {
        %parallel_loop3A_572 = arith.index_cast %parallel_loop3A_571 : i32 to index
        %parallel_loop3A_573 = tpu.vector_load %arg19[%parallel_loop3A_572] {strides = array<i32>} : memref<1600xi32, #tpu.memory_space<vmem>>, vector<16xi32>,
        %parallel_loop3A_574 = tpu.vector_load_idx %arg13[%parallel_loop3A_573] : memref<100096xf32, #tpu.memory_space<vmem>>[vector<16xi32>], vector<16xf32>,
        %parallel_loop3A_575 = arith.index_cast %parallel_loop3A_571 : i32 to index
        %parallel_loop3A_576 = tpu.vector_load %arg27[%parallel_loop3A_575] {strides = array<i32>} : memref<1600xf32, #tpu.memory_space<vmem>>, vector<16xf32>,
        tpu.vector_store %arg27[%parallel_loop3A_575], %parallel_loop3A_574 {strides = array<i32>} : memref<1600xf32, #tpu.memory_space<vmem>>, vector<16xf32>,
      } {sc.loop_unroll_factor = 4 : i64, sc.parallel_access}
      %dma_start3A_558 = arith.constant 0 : i32
      %dma_start3A_559 = tpu.memref_slice %arg12[%dma_start3A_558] : memref<100096xf32, #tpu.memory_space<vmem_shared>> -> memref<100096xf32, #tpu.memory_space<vmem_shared>>
      tpu.enqueue_indirect_dma source(%arg27 : memref<1600xf32, #tpu.memory_space<vmem>>) target(%dma_start3A_559 : memref<100096xf32, #tpu.memory_space<vmem_shared>>) offsets(%arg23 : memref<1600xi32, #tpu.memory_space<vmem>>) semaphore(%arg33 : memref<!tpu.dma_semaphore, #tpu.memory_space<semaphore_mem>>) {add = true}
      %add3A_560 = arith.constant 3 : i32
      %add3A_561 = arith.addi %add3A_466, %add3A_560 : i32
      %add3A_562 = arith.constant 2 : i32
      %add3A_563 = arith.addi %add3A_561, %add3A_562 : i32
      %mul3A_564 = arith.constant 1600 : i32
      %mul3A_565 = arith.muli %add3A_563, %mul3A_564 : i32
      %add3A_566 = arith.addi %mul3A_155, %mul3A_565 : i32
      %dma_start3A_567 = tpu.memref_slice %arg4[%add3A_566] : memref<6400000xi32, #tpu.memory_space<hbm>> -> memref<1600xi32, #tpu.memory_space<hbm>>
      %dma_start3A_568 = tpu.memref_slice %arg4[%add3A_566] : memref<6400000xi32, #tpu.memory_space<hbm>> -> memref<1600xi32, #tpu.memory_space<hbm>>
      tpu.enqueue_dma source(%dma_start3A_568 : memref<1600xi32, #tpu.memory_space<hbm>>) target(%arg21 : memref<1600xi32, #tpu.memory_space<vmem>>) target_semaphore(%arg31 : memref<!tpu.dma_semaphore, #tpu.memory_space<semaphore_mem>>)
      %dma_start3A_569 = tpu.memref_slice %arg5[%add3A_566] : memref<6400000xi32, #tpu.memory_space<hbm>> -> memref<1600xi32, #tpu.memory_space<hbm>>
      %dma_start3A_570 = tpu.memref_slice %arg5[%add3A_566] : memref<6400000xi32, #tpu.memory_space<hbm>> -> memref<1600xi32, #tpu.memory_space<hbm>>
      tpu.enqueue_dma source(%dma_start3A_570 : memref<1600xi32, #tpu.memory_space<hbm>>) target(%arg25 : memref<1600xi32, #tpu.memory_space<vmem>>) target_semaphore(%arg31 : memref<!tpu.dma_semaphore, #tpu.memory_space<semaphore_mem>>)
    }
    %scan3A_210 = arith.constant 30 : i32
    %dma_wait3A_211 = arith.constant 0 : i32
    %dma_wait3A_212 = tpu.memref_slice %arg4[%dma_wait3A_211] : memref<6400000xi32, #tpu.memory_space<hbm>> -> memref<1600xi32, #tpu.memory_space<hbm>>
    %dma_wait3A_213 = arith.constant 0 : i32
    %dma_wait3A_214 = tpu.memref_slice %arg4[%dma_wait3A_213] : memref<6400000xi32, #tpu.memory_space<hbm>> -> memref<1600xi32, #tpu.memory_space<hbm>>
    tpu.wait_dma2 semaphore(%arg30 : memref<!tpu.dma_semaphore, #tpu.memory_space<semaphore_mem>>) src(%dma_wait3A_214 : memref<1600xi32, #tpu.memory_space<hbm>>) dst(%arg20 : memref<1600xi32, #tpu.memory_space<vmem>>)
    %dma_wait3A_215 = arith.constant 0 : i32
    %dma_wait3A_216 = tpu.memref_slice %arg5[%dma_wait3A_215] : memref<6400000xi32, #tpu.memory_space<hbm>> -> memref<1600xi32, #tpu.memory_space<hbm>>
    %dma_wait3A_217 = arith.constant 0 : i32
    %dma_wait3A_218 = tpu.memref_slice %arg5[%dma_wait3A_217] : memref<6400000xi32, #tpu.memory_space<hbm>> -> memref<1600xi32, #tpu.memory_space<hbm>>
    tpu.wait_dma2 semaphore(%arg30 : memref<!tpu.dma_semaphore, #tpu.memory_space<semaphore_mem>>) src(%dma_wait3A_218 : memref<1600xi32, #tpu.memory_space<hbm>>) dst(%arg24 : memref<1600xi32, #tpu.memory_space<vmem>>)
    %dma_wait3A_219 = arith.constant 0 : i32
    %dma_wait3A_220 = tpu.memref_slice %arg12[%dma_wait3A_219] : memref<100096xf32, #tpu.memory_space<vmem_shared>> -> memref<100096xf32, #tpu.memory_space<vmem_shared>>
    tpu.wait_indirect_dma semaphore(%arg32 : memref<!tpu.dma_semaphore, #tpu.memory_space<semaphore_mem>>) src(%arg26 : memref<1600xf32, #tpu.memory_space<vmem>>) dst(%dma_wait3A_220 : memref<100096xf32, #tpu.memory_space<vmem_shared>>)
    %parallel_loop3A_221 = arith.constant 0 : i32
    %parallel_loop3A_222 = arith.constant 1600 : i32
    %parallel_loop3A_223 = arith.constant 16 : i32
    scf.for %parallel_loop3A_462 = %parallel_loop3A_221 to %parallel_loop3A_222 step %parallel_loop3A_223  : i32 {
      %parallel_loop3A_463 = arith.index_cast %parallel_loop3A_462 : i32 to index
      %parallel_loop3A_464 = tpu.vector_load %arg20[%parallel_loop3A_463] {strides = array<i32>} : memref<1600xi32, #tpu.memory_space<vmem>>, vector<16xi32>,
      %parallel_loop3A_465 = tpu.vector_load_idx %arg13[%parallel_loop3A_464] : memref<100096xf32, #tpu.memory_space<vmem>>[vector<16xi32>], vector<16xf32>,
      %parallel_loop3A_466 = arith.index_cast %parallel_loop3A_462 : i32 to index
      %parallel_loop3A_467 = tpu.vector_load %arg26[%parallel_loop3A_466] {strides = array<i32>} : memref<1600xf32, #tpu.memory_space<vmem>>, vector<16xf32>,
      tpu.vector_store %arg26[%parallel_loop3A_466], %parallel_loop3A_465 {strides = array<i32>} : memref<1600xf32, #tpu.memory_space<vmem>>, vector<16xf32>,
    } {sc.loop_unroll_factor = 4 : i64, sc.parallel_access}
    %dma_start3A_224 = arith.constant 0 : i32
    %dma_start3A_225 = tpu.memref_slice %arg12[%dma_start3A_224] : memref<100096xf32, #tpu.memory_space<vmem_shared>> -> memref<100096xf32, #tpu.memory_space<vmem_shared>>
    tpu.enqueue_indirect_dma source(%arg26 : memref<1600xf32, #tpu.memory_space<vmem>>) target(%dma_start3A_225 : memref<100096xf32, #tpu.memory_space<vmem_shared>>) offsets(%arg24 : memref<1600xi32, #tpu.memory_space<vmem>>) semaphore(%arg32 : memref<!tpu.dma_semaphore, #tpu.memory_space<semaphore_mem>>) {add = true}
    %add3A_226 = arith.constant 198400 : i32
    %add3A_227 = arith.addi %mul3A_155, %add3A_226 : i32
    %dma_start3A_228 = tpu.memref_slice %arg4[%add3A_227] : memref<6400000xi32, #tpu.memory_space<hbm>> -> memref<1600xi32, #tpu.memory_space<hbm>>
    %dma_start3A_229 = tpu.memref_slice %arg4[%add3A_227] : memref<6400000xi32, #tpu.memory_space<hbm>> -> memref<1600xi32, #tpu.memory_space<hbm>>
    tpu.enqueue_dma source(%dma_start3A_229 : memref<1600xi32, #tpu.memory_space<hbm>>) target(%arg18 : memref<1600xi32, #tpu.memory_space<vmem>>) target_semaphore(%arg28 : memref<!tpu.dma_semaphore, #tpu.memory_space<semaphore_mem>>)
    %dma_start3A_230 = tpu.memref_slice %arg5[%add3A_227] : memref<6400000xi32, #tpu.memory_space<hbm>> -> memref<1600xi32, #tpu.memory_space<hbm>>
    %dma_start3A_231 = tpu.memref_slice %arg5[%add3A_227] : memref<6400000xi32, #tpu.memory_space<hbm>> -> memref<1600xi32, #tpu.memory_space<hbm>>
    tpu.enqueue_dma source(%dma_start3A_231 : memref<1600xi32, #tpu.memory_space<hbm>>) target(%arg22 : memref<1600xi32, #tpu.memory_space<vmem>>) target_semaphore(%arg28 : memref<!tpu.dma_semaphore, #tpu.memory_space<semaphore_mem>>)
    %dma_wait3A_232 = arith.constant 0 : i32
    %dma_wait3A_233 = tpu.memref_slice %arg4[%dma_wait3A_232] : memref<6400000xi32, #tpu.memory_space<hbm>> -> memref<1600xi32, #tpu.memory_space<hbm>>
    %dma_wait3A_234 = arith.constant 0 : i32
    %dma_wait3A_235 = tpu.memref_slice %arg4[%dma_wait3A_234] : memref<6400000xi32, #tpu.memory_space<hbm>> -> memref<1600xi32, #tpu.memory_space<hbm>>
    tpu.wait_dma2 semaphore(%arg31 : memref<!tpu.dma_semaphore, #tpu.memory_space<semaphore_mem>>) src(%dma_wait3A_235 : memref<1600xi32, #tpu.memory_space<hbm>>) dst(%arg21 : memref<1600xi32, #tpu.memory_space<vmem>>)
    %dma_wait3A_236 = arith.constant 0 : i32
    %dma_wait3A_237 = tpu.memref_slice %arg5[%dma_wait3A_236] : memref<6400000xi32, #tpu.memory_space<hbm>> -> memref<1600xi32, #tpu.memory_space<hbm>>
    %dma_wait3A_238 = arith.constant 0 : i32
    %dma_wait3A_239 = tpu.memref_slice %arg5[%dma_wait3A_238] : memref<6400000xi32, #tpu.memory_space<hbm>> -> memref<1600xi32, #tpu.memory_space<hbm>>
    tpu.wait_dma2 semaphore(%arg31 : memref<!tpu.dma_semaphore, #tpu.memory_space<semaphore_mem>>) src(%dma_wait3A_239 : memref<1600xi32, #tpu.memory_space<hbm>>) dst(%arg25 : memref<1600xi32, #tpu.memory_space<vmem>>)
    %dma_wait3A_240 = arith.constant 0 : i32
    %dma_wait3A_241 = tpu.memref_slice %arg12[%dma_wait3A_240] : memref<100096xf32, #tpu.memory_space<vmem_shared>> -> memref<100096xf32, #tpu.memory_space<vmem_shared>>
    tpu.wait_indirect_dma semaphore(%arg33 : memref<!tpu.dma_semaphore, #tpu.memory_space<semaphore_mem>>) src(%arg27 : memref<1600xf32, #tpu.memory_space<vmem>>) dst(%dma_wait3A_241 : memref<100096xf32, #tpu.memory_space<vmem_shared>>)
    %parallel_loop3A_242 = arith.constant 0 : i32
    %parallel_loop3A_243 = arith.constant 1600 : i32
    %parallel_loop3A_244 = arith.constant 16 : i32
    scf.for %parallel_loop3A_462 = %parallel_loop3A_242 to %parallel_loop3A_243 step %parallel_loop3A_244  : i32 {
      %parallel_loop3A_463 = arith.index_cast %parallel_loop3A_462 : i32 to index
      %parallel_loop3A_464 = tpu.vector_load %arg21[%parallel_loop3A_463] {strides = array<i32>} : memref<1600xi32, #tpu.memory_space<vmem>>, vector<16xi32>,
      %parallel_loop3A_465 = tpu.vector_load_idx %arg13[%parallel_loop3A_464] : memref<100096xf32, #tpu.memory_space<vmem>>[vector<16xi32>], vector<16xf32>,
      %parallel_loop3A_466 = arith.index_cast %parallel_loop3A_462 : i32 to index
      %parallel_loop3A_467 = tpu.vector_load %arg27[%parallel_loop3A_466] {strides = array<i32>} : memref<1600xf32, #tpu.memory_space<vmem>>, vector<16xf32>,
      tpu.vector_store %arg27[%parallel_loop3A_466], %parallel_loop3A_465 {strides = array<i32>} : memref<1600xf32, #tpu.memory_space<vmem>>, vector<16xf32>,
    } {sc.loop_unroll_factor = 4 : i64, sc.parallel_access}
    %dma_start3A_245 = arith.constant 0 : i32
    %dma_start3A_246 = tpu.memref_slice %arg12[%dma_start3A_245] : memref<100096xf32, #tpu.memory_space<vmem_shared>> -> memref<100096xf32, #tpu.memory_space<vmem_shared>>
    tpu.enqueue_indirect_dma source(%arg27 : memref<1600xf32, #tpu.memory_space<vmem>>) target(%dma_start3A_246 : memref<100096xf32, #tpu.memory_space<vmem_shared>>) offsets(%arg25 : memref<1600xi32, #tpu.memory_space<vmem>>) semaphore(%arg33 : memref<!tpu.dma_semaphore, #tpu.memory_space<semaphore_mem>>) {add = true}
    %dma_wait3A_247 = arith.constant 0 : i32
    %dma_wait3A_248 = tpu.memref_slice %arg4[%dma_wait3A_247] : memref<6400000xi32, #tpu.memory_space<hbm>> -> memref<1600xi32, #tpu.memory_space<hbm>>
    %dma_wait3A_249 = arith.constant 0 : i32
    %dma_wait3A_250 = tpu.memref_slice %arg4[%dma_wait3A_249] : memref<6400000xi32, #tpu.memory_space<hbm>> -> memref<1600xi32, #tpu.memory_space<hbm>>
    tpu.wait_dma2 semaphore(%arg28 : memref<!tpu.dma_semaphore, #tpu.memory_space<semaphore_mem>>) src(%dma_wait3A_250 : memref<1600xi32, #tpu.memory_space<hbm>>) dst(%arg18 : memref<1600xi32, #tpu.memory_space<vmem>>)
    %dma_wait3A_251 = arith.constant 0 : i32
    %dma_wait3A_252 = tpu.memref_slice %arg5[%dma_wait3A_251] : memref<6400000xi32, #tpu.memory_space<hbm>> -> memref<1600xi32, #tpu.memory_space<hbm>>
    %dma_wait3A_253 = arith.constant 0 : i32
    %dma_wait3A_254 = tpu.memref_slice %arg5[%dma_wait3A_253] : memref<6400000xi32, #tpu.memory_space<hbm>> -> memref<1600xi32, #tpu.memory_space<hbm>>
    tpu.wait_dma2 semaphore(%arg28 : memref<!tpu.dma_semaphore, #tpu.memory_space<semaphore_mem>>) src(%dma_wait3A_254 : memref<1600xi32, #tpu.memory_space<hbm>>) dst(%arg22 : memref<1600xi32, #tpu.memory_space<vmem>>)
    %dma_wait3A_255 = arith.constant 0 : i32
    %dma_wait3A_256 = tpu.memref_slice %arg12[%dma_wait3A_255] : memref<100096xf32, #tpu.memory_space<vmem_shared>> -> memref<100096xf32, #tpu.memory_space<vmem_shared>>
    tpu.wait_indirect_dma semaphore(%arg32 : memref<!tpu.dma_semaphore, #tpu.memory_space<semaphore_mem>>) src(%arg26 : memref<1600xf32, #tpu.memory_space<vmem>>) dst(%dma_wait3A_256 : memref<100096xf32, #tpu.memory_space<vmem_shared>>)
    %parallel_loop3A_257 = arith.constant 0 : i32
    %parallel_loop3A_258 = arith.constant 1600 : i32
    %parallel_loop3A_259 = arith.constant 16 : i32
    scf.for %parallel_loop3A_462 = %parallel_loop3A_257 to %parallel_loop3A_258 step %parallel_loop3A_259  : i32 {
      %parallel_loop3A_463 = arith.index_cast %parallel_loop3A_462 : i32 to index
      %parallel_loop3A_464 = tpu.vector_load %arg18[%parallel_loop3A_463] {strides = array<i32>} : memref<1600xi32, #tpu.memory_space<vmem>>, vector<16xi32>,
      %parallel_loop3A_465 = tpu.vector_load_idx %arg13[%parallel_loop3A_464] : memref<100096xf32, #tpu.memory_space<vmem>>[vector<16xi32>], vector<16xf32>,
      %parallel_loop3A_466 = arith.index_cast %parallel_loop3A_462 : i32 to index
      %parallel_loop3A_467 = tpu.vector_load %arg26[%parallel_loop3A_466] {strides = array<i32>} : memref<1600xf32, #tpu.memory_space<vmem>>, vector<16xf32>,
      tpu.vector_store %arg26[%parallel_loop3A_466], %parallel_loop3A_465 {strides = array<i32>} : memref<1600xf32, #tpu.memory_space<vmem>>, vector<16xf32>,
    } {sc.loop_unroll_factor = 4 : i64, sc.parallel_access}
    %dma_start3A_260 = arith.constant 0 : i32
    %dma_start3A_261 = tpu.memref_slice %arg12[%dma_start3A_260] : memref<100096xf32, #tpu.memory_space<vmem_shared>> -> memref<100096xf32, #tpu.memory_space<vmem_shared>>
    tpu.enqueue_indirect_dma source(%arg26 : memref<1600xf32, #tpu.memory_space<vmem>>) target(%dma_start3A_261 : memref<100096xf32, #tpu.memory_space<vmem_shared>>) offsets(%arg22 : memref<1600xi32, #tpu.memory_space<vmem>>) semaphore(%arg32 : memref<!tpu.dma_semaphore, #tpu.memory_space<semaphore_mem>>) {add = true}
    %dma_wait3A_262 = arith.constant 0 : i32
    %dma_wait3A_263 = tpu.memref_slice %arg12[%dma_wait3A_262] : memref<100096xf32, #tpu.memory_space<vmem_shared>> -> memref<100096xf32, #tpu.memory_space<vmem_shared>>
    tpu.wait_indirect_dma semaphore(%arg33 : memref<!tpu.dma_semaphore, #tpu.memory_space<semaphore_mem>>) src(%arg27 : memref<1600xf32, #tpu.memory_space<vmem>>) dst(%dma_wait3A_263 : memref<100096xf32, #tpu.memory_space<vmem_shared>>)
    %dma_wait3A_264 = arith.constant 0 : i32
    %dma_wait3A_265 = tpu.memref_slice %arg12[%dma_wait3A_264] : memref<100096xf32, #tpu.memory_space<vmem_shared>> -> memref<100096xf32, #tpu.memory_space<vmem_shared>>
    tpu.wait_indirect_dma semaphore(%arg32 : memref<!tpu.dma_semaphore, #tpu.memory_space<semaphore_mem>>) src(%arg26 : memref<1600xf32, #tpu.memory_space<vmem>>) dst(%dma_wait3A_265 : memref<100096xf32, #tpu.memory_space<vmem_shared>>)
    %barrier3A_266 = arith.constant 0 : index
    tpu.barrier barrier_id(%barrier3A_266)
    "tpu.region"() ({
      %run_scoped3A = tpu.sem_alloc : memref<!tpu.dma_semaphore, #tpu.memory_space<semaphore_mem>>
      %dma_start3A_462 = tpu.memref_slice %arg12[%mul3A_0] : memref<100096xf32, #tpu.memory_space<vmem_shared>> -> memref<6256xf32, #tpu.memory_space<vmem_shared>>
      %dma_start3A_463 = tpu.memref_slice %arg12[%mul3A_0] : memref<100096xf32, #tpu.memory_space<vmem_shared>> -> memref<6256xf32, #tpu.memory_space<vmem_shared>>
      tpu.enqueue_dma source(%dma_start3A_463 : memref<6256xf32, #tpu.memory_space<vmem_shared>>) target(%arg14 : memref<6256xf32, #tpu.memory_space<vmem>>) target_semaphore(%run_scoped3A : memref<!tpu.dma_semaphore, #tpu.memory_space<semaphore_mem>>)
      %dma_wait3A_464 = tpu.memref_slice %arg12[%mul3A_0] : memref<100096xf32, #tpu.memory_space<vmem_shared>> -> memref<6256xf32, #tpu.memory_space<vmem_shared>>
      %dma_wait3A_465 = tpu.memref_slice %arg12[%mul3A_0] : memref<100096xf32, #tpu.memory_space<vmem_shared>> -> memref<6256xf32, #tpu.memory_space<vmem_shared>>
      tpu.wait_dma2 semaphore(%run_scoped3A : memref<!tpu.dma_semaphore, #tpu.memory_space<semaphore_mem>>) src(%dma_wait3A_465 : memref<6256xf32, #tpu.memory_space<vmem_shared>>) dst(%arg14 : memref<6256xf32, #tpu.memory_space<vmem>>)
      tpu.yield
    }) : () -> ()
    %mul3A_267 = arith.constant 100096 : i32
    %mul3A_268 = arith.muli %arg0, %mul3A_267 : i32
    %add3A_269 = arith.addi %mul3A_268, %mul3A_0 : i32
    "tpu.region"() ({
      %run_scoped3A = tpu.sem_alloc : memref<!tpu.dma_semaphore, #tpu.memory_space<semaphore_mem>>
      %dma_start3A_462 = tpu.memref_slice %arg9[%add3A_269] : memref<200192xf32, #tpu.memory_space<hbm>> -> memref<6256xf32, #tpu.memory_space<hbm>>
      %dma_start3A_463 = tpu.memref_slice %arg9[%add3A_269] : memref<200192xf32, #tpu.memory_space<hbm>> -> memref<6256xf32, #tpu.memory_space<hbm>>
      tpu.enqueue_dma source(%arg14 : memref<6256xf32, #tpu.memory_space<vmem>>) target(%dma_start3A_463 : memref<6256xf32, #tpu.memory_space<hbm>>) target_semaphore(%run_scoped3A : memref<!tpu.dma_semaphore, #tpu.memory_space<semaphore_mem>>)
      %dma_wait3A_464 = tpu.memref_slice %arg9[%add3A_269] : memref<200192xf32, #tpu.memory_space<hbm>> -> memref<6256xf32, #tpu.memory_space<hbm>>
      %dma_wait3A_465 = tpu.memref_slice %arg9[%add3A_269] : memref<200192xf32, #tpu.memory_space<hbm>> -> memref<6256xf32, #tpu.memory_space<hbm>>
      tpu.wait_dma2 semaphore(%run_scoped3A : memref<!tpu.dma_semaphore, #tpu.memory_space<semaphore_mem>>) src(%arg14 : memref<6256xf32, #tpu.memory_space<vmem>>) dst(%dma_wait3A_465 : memref<6256xf32, #tpu.memory_space<hbm>>)
      tpu.yield
    }) : () -> ()
    %barrier3A_270 = arith.constant 0 : index
    tpu.barrier barrier_id(%barrier3A_270)
    %eq3A_271 = arith.constant 0 : i32
    %eq3A_272 = arith.cmpi eq, %arg1, %eq3A_271 : i32
    %convert_element_type3A_273 = arith.extui %eq3A_272 : i1 to i32
    %cond3A_274 = arith.constant 0 : i32
    %cond3A_275 = arith.cmpi ne, %convert_element_type3A_273, %cond3A_274 : i32
    scf.if %cond3A_275 {
      %broadcast_in_dim3A = arith.constant 2 : i32
      %broadcast_in_dim3A_462 = vector.broadcast %broadcast_in_dim3A : i32 to vector<16xi32>
      %swap3A = arith.constant 0 : index
      %swap3A_463 = tpu.vector_load %arg16[%swap3A] {strides = array<i32>} : memref<16xi32, #tpu.memory_space<vmem>>, vector<16xi32>,
      tpu.vector_store %arg16[%swap3A], %broadcast_in_dim3A_462 {strides = array<i32>} : memref<16xi32, #tpu.memory_space<vmem>>, vector<16xi32>,
      %mul3A_464 = arith.constant 3 : i32
      %mul3A_465 = arith.muli %arg0, %mul3A_464 : i32
      %add3A_466 = arith.constant 1 : i32
      %add3A_467 = arith.addi %mul3A_465, %add3A_466 : i32
      %mul3A_468 = arith.constant 16 : i32
      %mul3A_469 = arith.muli %add3A_467, %mul3A_468 : i32
      "tpu.region"() ({
        %run_scoped3A = tpu.sem_alloc : memref<!tpu.dma_semaphore, #tpu.memory_space<semaphore_mem>>
        %dma_start3A_470 = tpu.memref_slice %arg6[%mul3A_469] : memref<96xi32, #tpu.memory_space<hbm>> -> memref<16xi32, #tpu.memory_space<hbm>>
        %dma_start3A_471 = tpu.memref_slice %arg6[%mul3A_469] : memref<96xi32, #tpu.memory_space<hbm>> -> memref<16xi32, #tpu.memory_space<hbm>>
        tpu.enqueue_dma source(%arg16 : memref<16xi32, #tpu.memory_space<vmem>>) target(%dma_start3A_471 : memref<16xi32, #tpu.memory_space<hbm>>) target_semaphore(%run_scoped3A : memref<!tpu.dma_semaphore, #tpu.memory_space<semaphore_mem>>)
        %dma_wait3A_472 = tpu.memref_slice %arg6[%mul3A_469] : memref<96xi32, #tpu.memory_space<hbm>> -> memref<16xi32, #tpu.memory_space<hbm>>
        %dma_wait3A_473 = tpu.memref_slice %arg6[%mul3A_469] : memref<96xi32, #tpu.memory_space<hbm>> -> memref<16xi32, #tpu.memory_space<hbm>>
        tpu.wait_dma2 semaphore(%run_scoped3A : memref<!tpu.dma_semaphore, #tpu.memory_space<semaphore_mem>>) src(%arg16 : memref<16xi32, #tpu.memory_space<vmem>>) dst(%dma_wait3A_473 : memref<16xi32, #tpu.memory_space<hbm>>)
        tpu.yield
      }) : () -> ()
    } else {
    }
    %sub3A_276 = arith.constant 1 : i32
    %sub3A_277 = arith.subi %sub3A_276, %arg0 : i32
    %mul3A_278 = arith.constant 3 : i32
    %mul3A_279 = arith.muli %sub3A_277, %mul3A_278 : i32
    %add3A_280 = arith.constant 1 : i32
    %add3A_281 = arith.addi %mul3A_279, %add3A_280 : i32
    %mul3A_282 = arith.constant 16 : i32
    %mul3A_283 = arith.muli %add3A_281, %mul3A_282 : i32
    %while3A_284 = arith.constant 0 : i32
    %while3A_285 = arith.constant 0 : i32
    %while3A_286:2 = scf.while (%while3A_462 = %while3A_284, %while3A_463 = %while3A_285) : (i32, i32) -> (i32, i32) {
      %eq3A_464 = arith.constant 0 : i32
      %eq3A_465 = arith.cmpi eq, %while3A_463, %eq3A_464 : i32
      %lt3A = arith.constant 200000 : i32
      %lt3A_466 = arith.cmpi slt, %while3A_462, %lt3A : i32
      %and3A = arith.andi %eq3A_465, %lt3A_466 : i1
      scf.condition(%and3A) %while3A_462, %while3A_463 : i32, i32
    } do {
    ^bb0(%while3A_462: i32, %while3A_463: i32):
      %dma_start3A_464 = tpu.memref_slice %arg6[%mul3A_283] : memref<96xi32, #tpu.memory_space<hbm>> -> memref<16xi32, #tpu.memory_space<hbm>>
      %dma_start3A_465 = tpu.memref_slice %arg6[%mul3A_283] : memref<96xi32, #tpu.memory_space<hbm>> -> memref<16xi32, #tpu.memory_space<hbm>>
      tpu.enqueue_dma source(%dma_start3A_465 : memref<16xi32, #tpu.memory_space<hbm>>) target(%arg16 : memref<16xi32, #tpu.memory_space<vmem>>) target_semaphore(%arg17 : memref<!tpu.dma_semaphore, #tpu.memory_space<semaphore_mem>>)
      %dma_wait3A_466 = tpu.memref_slice %arg6[%mul3A_283] : memref<96xi32, #tpu.memory_space<hbm>> -> memref<16xi32, #tpu.memory_space<hbm>>
      %dma_wait3A_467 = tpu.memref_slice %arg6[%mul3A_283] : memref<96xi32, #tpu.memory_space<hbm>> -> memref<16xi32, #tpu.memory_space<hbm>>
      tpu.wait_dma2 semaphore(%arg17 : memref<!tpu.dma_semaphore, #tpu.memory_space<semaphore_mem>>) src(%dma_wait3A_467 : memref<16xi32, #tpu.memory_space<hbm>>) dst(%arg16 : memref<16xi32, #tpu.memory_space<vmem>>)
      %get3A_468 = arith.constant 0 : index
      %get3A_469 = tpu.vector_load %arg16[%get3A_468] {strides = array<i32>} : memref<16xi32, #tpu.memory_space<vmem>>, vector<16xi32>,
      %eq3A_470 = arith.constant 2 : i32
      %eq3A_471 = vector.broadcast %eq3A_470 : i32 to vector<16xi32>
      %eq3A_472 = arith.cmpi eq, %get3A_469, %eq3A_471 : vector<16xi32>
      %jit3A = arith.constant 1 : i32
      %jit3A_473 = arith.constant 0 : i32
      %broadcast_in_dim3A = vector.broadcast %jit3A : i32 to vector<16xi32>
      %broadcast_in_dim3A_474 = vector.broadcast %jit3A_473 : i32 to vector<16xi32>
      %select_n3A = arith.select %eq3A_472, %broadcast_in_dim3A, %broadcast_in_dim3A_474 : vector<16xi1>, vector<16xi32>
      %reduce_max3A = arith.constant true
      %reduce_max3A_475 = vector.broadcast %reduce_max3A : i1 to vector<16xi1>
      %reduce_max3A_476 = arith.constant -2147483648 : i32
      %reduce_max3A_477 = vector.broadcast %reduce_max3A_476 : i32 to vector<16xi32>
      %reduce_max3A_478 = arith.xori %select_n3A, %reduce_max3A_477 : vector<16xi32>
      %reduce_max3A_479 = tpu.scan <max>, %reduce_max3A_478 masked %reduce_max3A_475 : vector<16xi32>, vector<16xi1> -> vector<16xi32>
      %reduce_max3A_480 = arith.xori %reduce_max3A_479, %reduce_max3A_477 : vector<16xi32>
      %reduce_max3A_481 = vector.extract %reduce_max3A_480[15] : i32 from vector<16xi32>
      %add3A_482 = arith.constant 1 : i32
      %add3A_483 = arith.addi %while3A_462, %add3A_482 : i32
      scf.yield %add3A_483, %reduce_max3A_481 : i32, i32
    }
    "tpu.region"() ({
      %run_scoped3A = tpu.sem_alloc : memref<!tpu.dma_semaphore, #tpu.memory_space<semaphore_mem>>
      %dma_start3A_462 = arith.constant 16 : i32
      %dma_start3A_463 = tpu.memref_slice %arg3[%dma_start3A_462] : memref<48xf32, #tpu.memory_space<hbm>> -> memref<16xf32, #tpu.memory_space<hbm>>
      %dma_start3A_464 = arith.constant 16 : i32
      %dma_start3A_465 = tpu.memref_slice %arg3[%dma_start3A_464] : memref<48xf32, #tpu.memory_space<hbm>> -> memref<16xf32, #tpu.memory_space<hbm>>
      tpu.enqueue_dma source(%dma_start3A_465 : memref<16xf32, #tpu.memory_space<hbm>>) target(%arg15 : memref<16xf32, #tpu.memory_space<vmem>>) target_semaphore(%run_scoped3A : memref<!tpu.dma_semaphore, #tpu.memory_space<semaphore_mem>>)
      %dma_wait3A_466 = arith.constant 16 : i32
      %dma_wait3A_467 = tpu.memref_slice %arg3[%dma_wait3A_466] : memref<48xf32, #tpu.memory_space<hbm>> -> memref<16xf32, #tpu.memory_space<hbm>>
      %dma_wait3A_468 = arith.constant 16 : i32
      %dma_wait3A_469 = tpu.memref_slice %arg3[%dma_wait3A_468] : memref<48xf32, #tpu.memory_space<hbm>> -> memref<16xf32, #tpu.memory_space<hbm>>
      tpu.wait_dma2 semaphore(%run_scoped3A : memref<!tpu.dma_semaphore, #tpu.memory_space<semaphore_mem>>) src(%dma_wait3A_469 : memref<16xf32, #tpu.memory_space<hbm>>) dst(%arg15 : memref<16xf32, #tpu.memory_space<vmem>>)
      tpu.yield
    }) : () -> ()
    "tpu.region"() ({
      %run_scoped3A = tpu.sem_alloc : memref<!tpu.dma_semaphore, #tpu.memory_space<semaphore_mem>>
      %dma_start3A_462 = tpu.memref_slice %arg9[%mul3A_0] : memref<200192xf32, #tpu.memory_space<hbm>> -> memref<6256xf32, #tpu.memory_space<hbm>>
      %dma_start3A_463 = tpu.memref_slice %arg9[%mul3A_0] : memref<200192xf32, #tpu.memory_space<hbm>> -> memref<6256xf32, #tpu.memory_space<hbm>>
      tpu.enqueue_dma source(%dma_start3A_463 : memref<6256xf32, #tpu.memory_space<hbm>>) target(%arg14 : memref<6256xf32, #tpu.memory_space<vmem>>) target_semaphore(%run_scoped3A : memref<!tpu.dma_semaphore, #tpu.memory_space<semaphore_mem>>)
      %dma_wait3A_464 = tpu.memref_slice %arg9[%mul3A_0] : memref<200192xf32, #tpu.memory_space<hbm>> -> memref<6256xf32, #tpu.memory_space<hbm>>
      %dma_wait3A_465 = tpu.memref_slice %arg9[%mul3A_0] : memref<200192xf32, #tpu.memory_space<hbm>> -> memref<6256xf32, #tpu.memory_space<hbm>>
      tpu.wait_dma2 semaphore(%run_scoped3A : memref<!tpu.dma_semaphore, #tpu.memory_space<semaphore_mem>>) src(%dma_wait3A_465 : memref<6256xf32, #tpu.memory_space<hbm>>) dst(%arg14 : memref<6256xf32, #tpu.memory_space<vmem>>)
      tpu.yield
    }) : () -> ()
    %scan3A_287 = arith.constant 0 : i32
    %scan3A_288 = arith.constant 391 : i32
    %scan3A_289 = arith.addi %scan3A_287, %scan3A_288 : i32
    %scan3A_290 = arith.constant 1 : i32
    scf.for %scan3A_462 = %scan3A_287 to %scan3A_289 step %scan3A_290  : i32 {
      %mul3A_463 = arith.constant 16 : i32
      %mul3A_464 = arith.muli %scan3A_462, %mul3A_463 : i32
      %add3A_465 = arith.constant 0 : i32
      %add3A_466 = arith.addi %add3A_465, %mul3A_464 : i32
      %add3A_467 = arith.addi %mul3A_0, %add3A_466 : i32
      %get3A_468 = arith.index_cast %add3A_467 : i32 to index
      %get3A_469 = tpu.vector_load %arg13[%get3A_468] {strides = array<i32>} : memref<100096xf32, #tpu.memory_space<vmem>>, vector<16xf32>,
      %get3A_470 = arith.index_cast %add3A_466 : i32 to index
      %get3A_471 = tpu.vector_load %arg14[%get3A_470] {strides = array<i32>} : memref<6256xf32, #tpu.memory_space<vmem>>, vector<16xf32>,
      %add3A_472 = arith.addf %get3A_469, %get3A_471 : vector<16xf32>
      %swap3A = arith.index_cast %add3A_467 : i32 to index
      %swap3A_473 = tpu.vector_load %arg13[%swap3A] {strides = array<i32>} : memref<100096xf32, #tpu.memory_space<vmem>>, vector<16xf32>,
      tpu.vector_store %arg13[%swap3A], %add3A_472 {strides = array<i32>} : memref<100096xf32, #tpu.memory_space<vmem>>, vector<16xf32>,
    }
    %scan3A_291 = arith.constant 391 : i32
    %add3A_292 = arith.constant 100096 : i32
    %add3A_293 = arith.addi %add3A_292, %mul3A_0 : i32
    "tpu.region"() ({
      %run_scoped3A = tpu.sem_alloc : memref<!tpu.dma_semaphore, #tpu.memory_space<semaphore_mem>>
      %dma_start3A_462 = tpu.memref_slice %arg9[%add3A_293] : memref<200192xf32, #tpu.memory_space<hbm>> -> memref<6256xf32, #tpu.memory_space<hbm>>
      %dma_start3A_463 = tpu.memref_slice %arg9[%add3A_293] : memref<200192xf32, #tpu.memory_space<hbm>> -> memref<6256xf32, #tpu.memory_space<hbm>>
      tpu.enqueue_dma source(%dma_start3A_463 : memref<6256xf32, #tpu.memory_space<hbm>>) target(%arg14 : memref<6256xf32, #tpu.memory_space<vmem>>) target_semaphore(%run_scoped3A : memref<!tpu.dma_semaphore, #tpu.memory_space<semaphore_mem>>)
      %dma_wait3A_464 = tpu.memref_slice %arg9[%add3A_293] : memref<200192xf32, #tpu.memory_space<hbm>> -> memref<6256xf32, #tpu.memory_space<hbm>>
      %dma_wait3A_465 = tpu.memref_slice %arg9[%add3A_293] : memref<200192xf32, #tpu.memory_space<hbm>> -> memref<6256xf32, #tpu.memory_space<hbm>>
      tpu.wait_dma2 semaphore(%run_scoped3A : memref<!tpu.dma_semaphore, #tpu.memory_space<semaphore_mem>>) src(%dma_wait3A_465 : memref<6256xf32, #tpu.memory_space<hbm>>) dst(%arg14 : memref<6256xf32, #tpu.memory_space<vmem>>)
      tpu.yield
    }) : () -> ()
    %get3A_294 = arith.constant 0 : index
    %get3A_295 = tpu.vector_load %arg15[%get3A_294] {strides = array<i32>} : memref<16xf32, #tpu.memory_space<vmem>>, vector<16xf32>,
    %scan3A_296 = arith.constant 0 : i32
    %scan3A_297 = arith.constant 391 : i32
    %scan3A_298 = arith.addi %scan3A_296, %scan3A_297 : i32
    %scan3A_299 = arith.constant 1 : i32
    scf.for %scan3A_462 = %scan3A_296 to %scan3A_298 step %scan3A_299  : i32 {
      %mul3A_463 = arith.constant 16 : i32
      %mul3A_464 = arith.muli %scan3A_462, %mul3A_463 : i32
      %add3A_465 = arith.constant 0 : i32
      %add3A_466 = arith.addi %add3A_465, %mul3A_464 : i32
      %add3A_467 = arith.addi %mul3A_0, %add3A_466 : i32
      %get3A_468 = arith.index_cast %add3A_467 : i32 to index
      %get3A_469 = tpu.vector_load %arg13[%get3A_468] {strides = array<i32>} : memref<100096xf32, #tpu.memory_space<vmem>>, vector<16xf32>,
      %get3A_470 = arith.index_cast %add3A_466 : i32 to index
      %get3A_471 = tpu.vector_load %arg14[%get3A_470] {strides = array<i32>} : memref<6256xf32, #tpu.memory_space<vmem>>, vector<16xf32>,
      %add3A_472 = arith.addf %get3A_469, %get3A_471 : vector<16xf32>
      %mul3A_473 = arith.mulf %add3A_472, %get3A_295 : vector<16xf32>
      %swap3A = arith.index_cast %add3A_467 : i32 to index
      %swap3A_474 = tpu.vector_load %arg13[%swap3A] {strides = array<i32>} : memref<100096xf32, #tpu.memory_space<vmem>>, vector<16xf32>,
      tpu.vector_store %arg13[%swap3A], %mul3A_473 {strides = array<i32>} : memref<100096xf32, #tpu.memory_space<vmem>>, vector<16xf32>,
      %broadcast_in_dim3A = arith.constant 0.000000e+00 : f32
      %broadcast_in_dim3A_475 = vector.broadcast %broadcast_in_dim3A : f32 to vector<16xf32>
      %swap3A_476 = arith.index_cast %add3A_466 : i32 to index
      %swap3A_477 = tpu.vector_load %arg14[%swap3A_476] {strides = array<i32>} : memref<6256xf32, #tpu.memory_space<vmem>>, vector<16xf32>,
      tpu.vector_store %arg14[%swap3A_476], %broadcast_in_dim3A_475 {strides = array<i32>} : memref<6256xf32, #tpu.memory_space<vmem>>, vector<16xf32>,
    }
    %scan3A_300 = arith.constant 391 : i32
    %mul3A_301 = arith.constant 100096 : i32
    %mul3A_302 = arith.muli %arg0, %mul3A_301 : i32
    %add3A_303 = arith.addi %mul3A_302, %mul3A_0 : i32
    "tpu.region"() ({
      %run_scoped3A = tpu.sem_alloc : memref<!tpu.dma_semaphore, #tpu.memory_space<semaphore_mem>>
      %dma_start3A_462 = tpu.memref_slice %arg13[%mul3A_0] : memref<100096xf32, #tpu.memory_space<vmem>> -> memref<6256xf32, #tpu.memory_space<vmem>>
      %dma_start3A_463 = tpu.memref_slice %arg11[%add3A_303] : memref<200192xf32, #tpu.memory_space<hbm>> -> memref<6256xf32, #tpu.memory_space<hbm>>
      %dma_start3A_464 = tpu.memref_slice %arg11[%add3A_303] : memref<200192xf32, #tpu.memory_space<hbm>> -> memref<6256xf32, #tpu.memory_space<hbm>>
      %dma_start3A_465 = tpu.memref_slice %arg13[%mul3A_0] : memref<100096xf32, #tpu.memory_space<vmem>> -> memref<6256xf32, #tpu.memory_space<vmem>>
      tpu.enqueue_dma source(%dma_start3A_465 : memref<6256xf32, #tpu.memory_space<vmem>>) target(%dma_start3A_464 : memref<6256xf32, #tpu.memory_space<hbm>>) target_semaphore(%run_scoped3A : memref<!tpu.dma_semaphore, #tpu.memory_space<semaphore_mem>>)
      %dma_wait3A_466 = tpu.memref_slice %arg13[%mul3A_0] : memref<100096xf32, #tpu.memory_space<vmem>> -> memref<6256xf32, #tpu.memory_space<vmem>>
      %dma_wait3A_467 = tpu.memref_slice %arg11[%add3A_303] : memref<200192xf32, #tpu.memory_space<hbm>> -> memref<6256xf32, #tpu.memory_space<hbm>>
      %dma_wait3A_468 = tpu.memref_slice %arg11[%add3A_303] : memref<200192xf32, #tpu.memory_space<hbm>> -> memref<6256xf32, #tpu.memory_space<hbm>>
      %dma_wait3A_469 = tpu.memref_slice %arg13[%mul3A_0] : memref<100096xf32, #tpu.memory_space<vmem>> -> memref<6256xf32, #tpu.memory_space<vmem>>
      tpu.wait_dma2 semaphore(%run_scoped3A : memref<!tpu.dma_semaphore, #tpu.memory_space<semaphore_mem>>) src(%dma_wait3A_469 : memref<6256xf32, #tpu.memory_space<vmem>>) dst(%dma_wait3A_468 : memref<6256xf32, #tpu.memory_space<hbm>>)
      tpu.yield
    }) : () -> ()
    "tpu.region"() ({
      %run_scoped3A = tpu.sem_alloc : memref<!tpu.dma_semaphore, #tpu.memory_space<semaphore_mem>>
      %dma_start3A_462 = tpu.memref_slice %arg12[%mul3A_0] : memref<100096xf32, #tpu.memory_space<vmem_shared>> -> memref<6256xf32, #tpu.memory_space<vmem_shared>>
      %dma_start3A_463 = tpu.memref_slice %arg12[%mul3A_0] : memref<100096xf32, #tpu.memory_space<vmem_shared>> -> memref<6256xf32, #tpu.memory_space<vmem_shared>>
      tpu.enqueue_dma source(%arg14 : memref<6256xf32, #tpu.memory_space<vmem>>) target(%dma_start3A_463 : memref<6256xf32, #tpu.memory_space<vmem_shared>>) target_semaphore(%run_scoped3A : memref<!tpu.dma_semaphore, #tpu.memory_space<semaphore_mem>>)
      %dma_wait3A_464 = tpu.memref_slice %arg12[%mul3A_0] : memref<100096xf32, #tpu.memory_space<vmem_shared>> -> memref<6256xf32, #tpu.memory_space<vmem_shared>>
      %dma_wait3A_465 = tpu.memref_slice %arg12[%mul3A_0] : memref<100096xf32, #tpu.memory_space<vmem_shared>> -> memref<6256xf32, #tpu.memory_space<vmem_shared>>
      tpu.wait_dma2 semaphore(%run_scoped3A : memref<!tpu.dma_semaphore, #tpu.memory_space<semaphore_mem>>) src(%arg14 : memref<6256xf32, #tpu.memory_space<vmem>>) dst(%dma_wait3A_465 : memref<6256xf32, #tpu.memory_space<vmem_shared>>)
      tpu.yield
    }) : () -> ()
    %barrier3A_304 = arith.constant 0 : index
    tpu.barrier barrier_id(%barrier3A_304)
    %mul3A_305 = arith.constant 100096 : i32
    %mul3A_306 = arith.muli %arg0, %mul3A_305 : i32
    "tpu.region"() ({
      %run_scoped3A = tpu.sem_alloc : memref<!tpu.dma_semaphore, #tpu.memory_space<semaphore_mem>>
      %dma_start3A_462 = tpu.memref_slice %arg11[%mul3A_306] : memref<200192xf32, #tpu.memory_space<hbm>> -> memref<100096xf32, #tpu.memory_space<hbm>>
      %dma_start3A_463 = tpu.memref_slice %arg11[%mul3A_306] : memref<200192xf32, #tpu.memory_space<hbm>> -> memref<100096xf32, #tpu.memory_space<hbm>>
      tpu.enqueue_dma source(%dma_start3A_463 : memref<100096xf32, #tpu.memory_space<hbm>>) target(%arg13 : memref<100096xf32, #tpu.memory_space<vmem>>) target_semaphore(%run_scoped3A : memref<!tpu.dma_semaphore, #tpu.memory_space<semaphore_mem>>)
      %dma_wait3A_464 = tpu.memref_slice %arg11[%mul3A_306] : memref<200192xf32, #tpu.memory_space<hbm>> -> memref<100096xf32, #tpu.memory_space<hbm>>
      %dma_wait3A_465 = tpu.memref_slice %arg11[%mul3A_306] : memref<200192xf32, #tpu.memory_space<hbm>> -> memref<100096xf32, #tpu.memory_space<hbm>>
      tpu.wait_dma2 semaphore(%run_scoped3A : memref<!tpu.dma_semaphore, #tpu.memory_space<semaphore_mem>>) src(%dma_wait3A_465 : memref<100096xf32, #tpu.memory_space<hbm>>) dst(%arg13 : memref<100096xf32, #tpu.memory_space<vmem>>)
      tpu.yield
    }) : () -> ()
    %mul3A_307 = arith.constant 16 : i32
    %mul3A_308 = arith.muli %arg0, %mul3A_307 : i32
    %add3A_309 = arith.addi %mul3A_308, %arg1 : i32
    %mul3A_310 = arith.constant 200000 : i32
    %mul3A_311 = arith.muli %add3A_309, %mul3A_310 : i32
    %add3A_312 = arith.constant 0 : i32
    %add3A_313 = arith.addi %mul3A_311, %add3A_312 : i32
    %dma_start3A_314 = tpu.memref_slice %arg4[%add3A_313] : memref<6400000xi32, #tpu.memory_space<hbm>> -> memref<1600xi32, #tpu.memory_space<hbm>>
    %dma_start3A_315 = tpu.memref_slice %arg4[%add3A_313] : memref<6400000xi32, #tpu.memory_space<hbm>> -> memref<1600xi32, #tpu.memory_space<hbm>>
    tpu.enqueue_dma source(%dma_start3A_315 : memref<1600xi32, #tpu.memory_space<hbm>>) target(%arg18 : memref<1600xi32, #tpu.memory_space<vmem>>) target_semaphore(%arg28 : memref<!tpu.dma_semaphore, #tpu.memory_space<semaphore_mem>>)
    %dma_start3A_316 = tpu.memref_slice %arg5[%add3A_313] : memref<6400000xi32, #tpu.memory_space<hbm>> -> memref<1600xi32, #tpu.memory_space<hbm>>
    %dma_start3A_317 = tpu.memref_slice %arg5[%add3A_313] : memref<6400000xi32, #tpu.memory_space<hbm>> -> memref<1600xi32, #tpu.memory_space<hbm>>
    tpu.enqueue_dma source(%dma_start3A_317 : memref<1600xi32, #tpu.memory_space<hbm>>) target(%arg22 : memref<1600xi32, #tpu.memory_space<vmem>>) target_semaphore(%arg28 : memref<!tpu.dma_semaphore, #tpu.memory_space<semaphore_mem>>)
    %add3A_318 = arith.constant 1600 : i32
    %add3A_319 = arith.addi %mul3A_311, %add3A_318 : i32
    %dma_start3A_320 = tpu.memref_slice %arg4[%add3A_319] : memref<6400000xi32, #tpu.memory_space<hbm>> -> memref<1600xi32, #tpu.memory_space<hbm>>
    %dma_start3A_321 = tpu.memref_slice %arg4[%add3A_319] : memref<6400000xi32, #tpu.memory_space<hbm>> -> memref<1600xi32, #tpu.memory_space<hbm>>
    tpu.enqueue_dma source(%dma_start3A_321 : memref<1600xi32, #tpu.memory_space<hbm>>) target(%arg19 : memref<1600xi32, #tpu.memory_space<vmem>>) target_semaphore(%arg29 : memref<!tpu.dma_semaphore, #tpu.memory_space<semaphore_mem>>)
    %dma_start3A_322 = tpu.memref_slice %arg5[%add3A_319] : memref<6400000xi32, #tpu.memory_space<hbm>> -> memref<1600xi32, #tpu.memory_space<hbm>>
    %dma_start3A_323 = tpu.memref_slice %arg5[%add3A_319] : memref<6400000xi32, #tpu.memory_space<hbm>> -> memref<1600xi32, #tpu.memory_space<hbm>>
    tpu.enqueue_dma source(%dma_start3A_323 : memref<1600xi32, #tpu.memory_space<hbm>>) target(%arg23 : memref<1600xi32, #tpu.memory_space<vmem>>) target_semaphore(%arg29 : memref<!tpu.dma_semaphore, #tpu.memory_space<semaphore_mem>>)
    %dma_wait3A_324 = arith.constant 0 : i32
    %dma_wait3A_325 = tpu.memref_slice %arg4[%dma_wait3A_324] : memref<6400000xi32, #tpu.memory_space<hbm>> -> memref<1600xi32, #tpu.memory_space<hbm>>
    %dma_wait3A_326 = arith.constant 0 : i32
    %dma_wait3A_327 = tpu.memref_slice %arg4[%dma_wait3A_326] : memref<6400000xi32, #tpu.memory_space<hbm>> -> memref<1600xi32, #tpu.memory_space<hbm>>
    tpu.wait_dma2 semaphore(%arg28 : memref<!tpu.dma_semaphore, #tpu.memory_space<semaphore_mem>>) src(%dma_wait3A_327 : memref<1600xi32, #tpu.memory_space<hbm>>) dst(%arg18 : memref<1600xi32, #tpu.memory_space<vmem>>)
    %dma_wait3A_328 = arith.constant 0 : i32
    %dma_wait3A_329 = tpu.memref_slice %arg5[%dma_wait3A_328] : memref<6400000xi32, #tpu.memory_space<hbm>> -> memref<1600xi32, #tpu.memory_space<hbm>>
    %dma_wait3A_330 = arith.constant 0 : i32
    %dma_wait3A_331 = tpu.memref_slice %arg5[%dma_wait3A_330] : memref<6400000xi32, #tpu.memory_space<hbm>> -> memref<1600xi32, #tpu.memory_space<hbm>>
    tpu.wait_dma2 semaphore(%arg28 : memref<!tpu.dma_semaphore, #tpu.memory_space<semaphore_mem>>) src(%dma_wait3A_331 : memref<1600xi32, #tpu.memory_space<hbm>>) dst(%arg22 : memref<1600xi32, #tpu.memory_space<vmem>>)
    %parallel_loop3A_332 = arith.constant 0 : i32
    %parallel_loop3A_333 = arith.constant 1600 : i32
    %parallel_loop3A_334 = arith.constant 16 : i32
    scf.for %parallel_loop3A_462 = %parallel_loop3A_332 to %parallel_loop3A_333 step %parallel_loop3A_334  : i32 {
      %parallel_loop3A_463 = arith.index_cast %parallel_loop3A_462 : i32 to index
      %parallel_loop3A_464 = tpu.vector_load %arg18[%parallel_loop3A_463] {strides = array<i32>} : memref<1600xi32, #tpu.memory_space<vmem>>, vector<16xi32>,
      %parallel_loop3A_465 = tpu.vector_load_idx %arg13[%parallel_loop3A_464] : memref<100096xf32, #tpu.memory_space<vmem>>[vector<16xi32>], vector<16xf32>,
      %parallel_loop3A_466 = arith.index_cast %parallel_loop3A_462 : i32 to index
      %parallel_loop3A_467 = tpu.vector_load %arg26[%parallel_loop3A_466] {strides = array<i32>} : memref<1600xf32, #tpu.memory_space<vmem>>, vector<16xf32>,
      tpu.vector_store %arg26[%parallel_loop3A_466], %parallel_loop3A_465 {strides = array<i32>} : memref<1600xf32, #tpu.memory_space<vmem>>, vector<16xf32>,
    } {sc.loop_unroll_factor = 4 : i64, sc.parallel_access}
    %dma_start3A_335 = arith.constant 0 : i32
    %dma_start3A_336 = tpu.memref_slice %arg12[%dma_start3A_335] : memref<100096xf32, #tpu.memory_space<vmem_shared>> -> memref<100096xf32, #tpu.memory_space<vmem_shared>>
    tpu.enqueue_indirect_dma source(%arg26 : memref<1600xf32, #tpu.memory_space<vmem>>) target(%dma_start3A_336 : memref<100096xf32, #tpu.memory_space<vmem_shared>>) offsets(%arg22 : memref<1600xi32, #tpu.memory_space<vmem>>) semaphore(%arg32 : memref<!tpu.dma_semaphore, #tpu.memory_space<semaphore_mem>>) {add = true}
    %add3A_337 = arith.constant 3200 : i32
    %add3A_338 = arith.addi %mul3A_311, %add3A_337 : i32
    %dma_start3A_339 = tpu.memref_slice %arg4[%add3A_338] : memref<6400000xi32, #tpu.memory_space<hbm>> -> memref<1600xi32, #tpu.memory_space<hbm>>
    %dma_start3A_340 = tpu.memref_slice %arg4[%add3A_338] : memref<6400000xi32, #tpu.memory_space<hbm>> -> memref<1600xi32, #tpu.memory_space<hbm>>
    tpu.enqueue_dma source(%dma_start3A_340 : memref<1600xi32, #tpu.memory_space<hbm>>) target(%arg20 : memref<1600xi32, #tpu.memory_space<vmem>>) target_semaphore(%arg30 : memref<!tpu.dma_semaphore, #tpu.memory_space<semaphore_mem>>)
    %dma_start3A_341 = tpu.memref_slice %arg5[%add3A_338] : memref<6400000xi32, #tpu.memory_space<hbm>> -> memref<1600xi32, #tpu.memory_space<hbm>>
    %dma_start3A_342 = tpu.memref_slice %arg5[%add3A_338] : memref<6400000xi32, #tpu.memory_space<hbm>> -> memref<1600xi32, #tpu.memory_space<hbm>>
    tpu.enqueue_dma source(%dma_start3A_342 : memref<1600xi32, #tpu.memory_space<hbm>>) target(%arg24 : memref<1600xi32, #tpu.memory_space<vmem>>) target_semaphore(%arg30 : memref<!tpu.dma_semaphore, #tpu.memory_space<semaphore_mem>>)
    %dma_wait3A_343 = arith.constant 0 : i32
    %dma_wait3A_344 = tpu.memref_slice %arg4[%dma_wait3A_343] : memref<6400000xi32, #tpu.memory_space<hbm>> -> memref<1600xi32, #tpu.memory_space<hbm>>
    %dma_wait3A_345 = arith.constant 0 : i32
    %dma_wait3A_346 = tpu.memref_slice %arg4[%dma_wait3A_345] : memref<6400000xi32, #tpu.memory_space<hbm>> -> memref<1600xi32, #tpu.memory_space<hbm>>
    tpu.wait_dma2 semaphore(%arg29 : memref<!tpu.dma_semaphore, #tpu.memory_space<semaphore_mem>>) src(%dma_wait3A_346 : memref<1600xi32, #tpu.memory_space<hbm>>) dst(%arg19 : memref<1600xi32, #tpu.memory_space<vmem>>)
    %dma_wait3A_347 = arith.constant 0 : i32
    %dma_wait3A_348 = tpu.memref_slice %arg5[%dma_wait3A_347] : memref<6400000xi32, #tpu.memory_space<hbm>> -> memref<1600xi32, #tpu.memory_space<hbm>>
    %dma_wait3A_349 = arith.constant 0 : i32
    %dma_wait3A_350 = tpu.memref_slice %arg5[%dma_wait3A_349] : memref<6400000xi32, #tpu.memory_space<hbm>> -> memref<1600xi32, #tpu.memory_space<hbm>>
    tpu.wait_dma2 semaphore(%arg29 : memref<!tpu.dma_semaphore, #tpu.memory_space<semaphore_mem>>) src(%dma_wait3A_350 : memref<1600xi32, #tpu.memory_space<hbm>>) dst(%arg23 : memref<1600xi32, #tpu.memory_space<vmem>>)
    %parallel_loop3A_351 = arith.constant 0 : i32
    %parallel_loop3A_352 = arith.constant 1600 : i32
    %parallel_loop3A_353 = arith.constant 16 : i32
    scf.for %parallel_loop3A_462 = %parallel_loop3A_351 to %parallel_loop3A_352 step %parallel_loop3A_353  : i32 {
      %parallel_loop3A_463 = arith.index_cast %parallel_loop3A_462 : i32 to index
      %parallel_loop3A_464 = tpu.vector_load %arg19[%parallel_loop3A_463] {strides = array<i32>} : memref<1600xi32, #tpu.memory_space<vmem>>, vector<16xi32>,
      %parallel_loop3A_465 = tpu.vector_load_idx %arg13[%parallel_loop3A_464] : memref<100096xf32, #tpu.memory_space<vmem>>[vector<16xi32>], vector<16xf32>,
      %parallel_loop3A_466 = arith.index_cast %parallel_loop3A_462 : i32 to index
      %parallel_loop3A_467 = tpu.vector_load %arg27[%parallel_loop3A_466] {strides = array<i32>} : memref<1600xf32, #tpu.memory_space<vmem>>, vector<16xf32>,
      tpu.vector_store %arg27[%parallel_loop3A_466], %parallel_loop3A_465 {strides = array<i32>} : memref<1600xf32, #tpu.memory_space<vmem>>, vector<16xf32>,
    } {sc.loop_unroll_factor = 4 : i64, sc.parallel_access}
    %dma_start3A_354 = arith.constant 0 : i32
    %dma_start3A_355 = tpu.memref_slice %arg12[%dma_start3A_354] : memref<100096xf32, #tpu.memory_space<vmem_shared>> -> memref<100096xf32, #tpu.memory_space<vmem_shared>>
    tpu.enqueue_indirect_dma source(%arg27 : memref<1600xf32, #tpu.memory_space<vmem>>) target(%dma_start3A_355 : memref<100096xf32, #tpu.memory_space<vmem_shared>>) offsets(%arg23 : memref<1600xi32, #tpu.memory_space<vmem>>) semaphore(%arg33 : memref<!tpu.dma_semaphore, #tpu.memory_space<semaphore_mem>>) {add = true}
    %add3A_356 = arith.constant 4800 : i32
    %add3A_357 = arith.addi %mul3A_311, %add3A_356 : i32
    %dma_start3A_358 = tpu.memref_slice %arg4[%add3A_357] : memref<6400000xi32, #tpu.memory_space<hbm>> -> memref<1600xi32, #tpu.memory_space<hbm>>
    %dma_start3A_359 = tpu.memref_slice %arg4[%add3A_357] : memref<6400000xi32, #tpu.memory_space<hbm>> -> memref<1600xi32, #tpu.memory_space<hbm>>
    tpu.enqueue_dma source(%dma_start3A_359 : memref<1600xi32, #tpu.memory_space<hbm>>) target(%arg21 : memref<1600xi32, #tpu.memory_space<vmem>>) target_semaphore(%arg31 : memref<!tpu.dma_semaphore, #tpu.memory_space<semaphore_mem>>)
    %dma_start3A_360 = tpu.memref_slice %arg5[%add3A_357] : memref<6400000xi32, #tpu.memory_space<hbm>> -> memref<1600xi32, #tpu.memory_space<hbm>>
    %dma_start3A_361 = tpu.memref_slice %arg5[%add3A_357] : memref<6400000xi32, #tpu.memory_space<hbm>> -> memref<1600xi32, #tpu.memory_space<hbm>>
    tpu.enqueue_dma source(%dma_start3A_361 : memref<1600xi32, #tpu.memory_space<hbm>>) target(%arg25 : memref<1600xi32, #tpu.memory_space<vmem>>) target_semaphore(%arg31 : memref<!tpu.dma_semaphore, #tpu.memory_space<semaphore_mem>>)
    %scan3A_362 = arith.constant 0 : i32
    %scan3A_363 = arith.constant 30 : i32
    %scan3A_364 = arith.addi %scan3A_362, %scan3A_363 : i32
    %scan3A_365 = arith.constant 1 : i32
    scf.for %scan3A_462 = %scan3A_362 to %scan3A_364 step %scan3A_365  : i32 {
      %mul3A_463 = arith.constant 4 : i32
      %mul3A_464 = arith.muli %scan3A_462, %mul3A_463 : i32
      %add3A_465 = arith.constant 2 : i32
      %add3A_466 = arith.addi %add3A_465, %mul3A_464 : i32
      %dma_wait3A_467 = arith.constant 0 : i32
      %dma_wait3A_468 = tpu.memref_slice %arg4[%dma_wait3A_467] : memref<6400000xi32, #tpu.memory_space<hbm>> -> memref<1600xi32, #tpu.memory_space<hbm>>
      %dma_wait3A_469 = arith.constant 0 : i32
      %dma_wait3A_470 = tpu.memref_slice %arg4[%dma_wait3A_469] : memref<6400000xi32, #tpu.memory_space<hbm>> -> memref<1600xi32, #tpu.memory_space<hbm>>
      tpu.wait_dma2 semaphore(%arg30 : memref<!tpu.dma_semaphore, #tpu.memory_space<semaphore_mem>>) src(%dma_wait3A_470 : memref<1600xi32, #tpu.memory_space<hbm>>) dst(%arg20 : memref<1600xi32, #tpu.memory_space<vmem>>)
      %dma_wait3A_471 = arith.constant 0 : i32
      %dma_wait3A_472 = tpu.memref_slice %arg5[%dma_wait3A_471] : memref<6400000xi32, #tpu.memory_space<hbm>> -> memref<1600xi32, #tpu.memory_space<hbm>>
      %dma_wait3A_473 = arith.constant 0 : i32
      %dma_wait3A_474 = tpu.memref_slice %arg5[%dma_wait3A_473] : memref<6400000xi32, #tpu.memory_space<hbm>> -> memref<1600xi32, #tpu.memory_space<hbm>>
      tpu.wait_dma2 semaphore(%arg30 : memref<!tpu.dma_semaphore, #tpu.memory_space<semaphore_mem>>) src(%dma_wait3A_474 : memref<1600xi32, #tpu.memory_space<hbm>>) dst(%arg24 : memref<1600xi32, #tpu.memory_space<vmem>>)
      %dma_wait3A_475 = arith.constant 0 : i32
      %dma_wait3A_476 = tpu.memref_slice %arg12[%dma_wait3A_475] : memref<100096xf32, #tpu.memory_space<vmem_shared>> -> memref<100096xf32, #tpu.memory_space<vmem_shared>>
      tpu.wait_indirect_dma semaphore(%arg32 : memref<!tpu.dma_semaphore, #tpu.memory_space<semaphore_mem>>) src(%arg26 : memref<1600xf32, #tpu.memory_space<vmem>>) dst(%dma_wait3A_476 : memref<100096xf32, #tpu.memory_space<vmem_shared>>)
      %parallel_loop3A_477 = arith.constant 0 : i32
      %parallel_loop3A_478 = arith.constant 1600 : i32
      %parallel_loop3A_479 = arith.constant 16 : i32
      scf.for %parallel_loop3A_571 = %parallel_loop3A_477 to %parallel_loop3A_478 step %parallel_loop3A_479  : i32 {
        %parallel_loop3A_572 = arith.index_cast %parallel_loop3A_571 : i32 to index
        %parallel_loop3A_573 = tpu.vector_load %arg20[%parallel_loop3A_572] {strides = array<i32>} : memref<1600xi32, #tpu.memory_space<vmem>>, vector<16xi32>,
        %parallel_loop3A_574 = tpu.vector_load_idx %arg13[%parallel_loop3A_573] : memref<100096xf32, #tpu.memory_space<vmem>>[vector<16xi32>], vector<16xf32>,
        %parallel_loop3A_575 = arith.index_cast %parallel_loop3A_571 : i32 to index
        %parallel_loop3A_576 = tpu.vector_load %arg26[%parallel_loop3A_575] {strides = array<i32>} : memref<1600xf32, #tpu.memory_space<vmem>>, vector<16xf32>,
        tpu.vector_store %arg26[%parallel_loop3A_575], %parallel_loop3A_574 {strides = array<i32>} : memref<1600xf32, #tpu.memory_space<vmem>>, vector<16xf32>,
      } {sc.loop_unroll_factor = 4 : i64, sc.parallel_access}
      %dma_start3A_480 = arith.constant 0 : i32
      %dma_start3A_481 = tpu.memref_slice %arg12[%dma_start3A_480] : memref<100096xf32, #tpu.memory_space<vmem_shared>> -> memref<100096xf32, #tpu.memory_space<vmem_shared>>
      tpu.enqueue_indirect_dma source(%arg26 : memref<1600xf32, #tpu.memory_space<vmem>>) target(%dma_start3A_481 : memref<100096xf32, #tpu.memory_space<vmem_shared>>) offsets(%arg24 : memref<1600xi32, #tpu.memory_space<vmem>>) semaphore(%arg32 : memref<!tpu.dma_semaphore, #tpu.memory_space<semaphore_mem>>) {add = true}
      %add3A_482 = arith.constant 0 : i32
      %add3A_483 = arith.addi %add3A_466, %add3A_482 : i32
      %add3A_484 = arith.constant 2 : i32
      %add3A_485 = arith.addi %add3A_483, %add3A_484 : i32
      %mul3A_486 = arith.constant 1600 : i32
      %mul3A_487 = arith.muli %add3A_485, %mul3A_486 : i32
      %add3A_488 = arith.addi %mul3A_311, %mul3A_487 : i32
      %dma_start3A_489 = tpu.memref_slice %arg4[%add3A_488] : memref<6400000xi32, #tpu.memory_space<hbm>> -> memref<1600xi32, #tpu.memory_space<hbm>>
      %dma_start3A_490 = tpu.memref_slice %arg4[%add3A_488] : memref<6400000xi32, #tpu.memory_space<hbm>> -> memref<1600xi32, #tpu.memory_space<hbm>>
      tpu.enqueue_dma source(%dma_start3A_490 : memref<1600xi32, #tpu.memory_space<hbm>>) target(%arg18 : memref<1600xi32, #tpu.memory_space<vmem>>) target_semaphore(%arg28 : memref<!tpu.dma_semaphore, #tpu.memory_space<semaphore_mem>>)
      %dma_start3A_491 = tpu.memref_slice %arg5[%add3A_488] : memref<6400000xi32, #tpu.memory_space<hbm>> -> memref<1600xi32, #tpu.memory_space<hbm>>
      %dma_start3A_492 = tpu.memref_slice %arg5[%add3A_488] : memref<6400000xi32, #tpu.memory_space<hbm>> -> memref<1600xi32, #tpu.memory_space<hbm>>
      tpu.enqueue_dma source(%dma_start3A_492 : memref<1600xi32, #tpu.memory_space<hbm>>) target(%arg22 : memref<1600xi32, #tpu.memory_space<vmem>>) target_semaphore(%arg28 : memref<!tpu.dma_semaphore, #tpu.memory_space<semaphore_mem>>)
      %dma_wait3A_493 = arith.constant 0 : i32
      %dma_wait3A_494 = tpu.memref_slice %arg4[%dma_wait3A_493] : memref<6400000xi32, #tpu.memory_space<hbm>> -> memref<1600xi32, #tpu.memory_space<hbm>>
      %dma_wait3A_495 = arith.constant 0 : i32
      %dma_wait3A_496 = tpu.memref_slice %arg4[%dma_wait3A_495] : memref<6400000xi32, #tpu.memory_space<hbm>> -> memref<1600xi32, #tpu.memory_space<hbm>>
      tpu.wait_dma2 semaphore(%arg31 : memref<!tpu.dma_semaphore, #tpu.memory_space<semaphore_mem>>) src(%dma_wait3A_496 : memref<1600xi32, #tpu.memory_space<hbm>>) dst(%arg21 : memref<1600xi32, #tpu.memory_space<vmem>>)
      %dma_wait3A_497 = arith.constant 0 : i32
      %dma_wait3A_498 = tpu.memref_slice %arg5[%dma_wait3A_497] : memref<6400000xi32, #tpu.memory_space<hbm>> -> memref<1600xi32, #tpu.memory_space<hbm>>
      %dma_wait3A_499 = arith.constant 0 : i32
      %dma_wait3A_500 = tpu.memref_slice %arg5[%dma_wait3A_499] : memref<6400000xi32, #tpu.memory_space<hbm>> -> memref<1600xi32, #tpu.memory_space<hbm>>
      tpu.wait_dma2 semaphore(%arg31 : memref<!tpu.dma_semaphore, #tpu.memory_space<semaphore_mem>>) src(%dma_wait3A_500 : memref<1600xi32, #tpu.memory_space<hbm>>) dst(%arg25 : memref<1600xi32, #tpu.memory_space<vmem>>)
      %dma_wait3A_501 = arith.constant 0 : i32
      %dma_wait3A_502 = tpu.memref_slice %arg12[%dma_wait3A_501] : memref<100096xf32, #tpu.memory_space<vmem_shared>> -> memref<100096xf32, #tpu.memory_space<vmem_shared>>
      tpu.wait_indirect_dma semaphore(%arg33 : memref<!tpu.dma_semaphore, #tpu.memory_space<semaphore_mem>>) src(%arg27 : memref<1600xf32, #tpu.memory_space<vmem>>) dst(%dma_wait3A_502 : memref<100096xf32, #tpu.memory_space<vmem_shared>>)
      %parallel_loop3A_503 = arith.constant 0 : i32
      %parallel_loop3A_504 = arith.constant 1600 : i32
      %parallel_loop3A_505 = arith.constant 16 : i32
      scf.for %parallel_loop3A_571 = %parallel_loop3A_503 to %parallel_loop3A_504 step %parallel_loop3A_505  : i32 {
        %parallel_loop3A_572 = arith.index_cast %parallel_loop3A_571 : i32 to index
        %parallel_loop3A_573 = tpu.vector_load %arg21[%parallel_loop3A_572] {strides = array<i32>} : memref<1600xi32, #tpu.memory_space<vmem>>, vector<16xi32>,
        %parallel_loop3A_574 = tpu.vector_load_idx %arg13[%parallel_loop3A_573] : memref<100096xf32, #tpu.memory_space<vmem>>[vector<16xi32>], vector<16xf32>,
        %parallel_loop3A_575 = arith.index_cast %parallel_loop3A_571 : i32 to index
        %parallel_loop3A_576 = tpu.vector_load %arg27[%parallel_loop3A_575] {strides = array<i32>} : memref<1600xf32, #tpu.memory_space<vmem>>, vector<16xf32>,
        tpu.vector_store %arg27[%parallel_loop3A_575], %parallel_loop3A_574 {strides = array<i32>} : memref<1600xf32, #tpu.memory_space<vmem>>, vector<16xf32>,
      } {sc.loop_unroll_factor = 4 : i64, sc.parallel_access}
      %dma_start3A_506 = arith.constant 0 : i32
      %dma_start3A_507 = tpu.memref_slice %arg12[%dma_start3A_506] : memref<100096xf32, #tpu.memory_space<vmem_shared>> -> memref<100096xf32, #tpu.memory_space<vmem_shared>>
      tpu.enqueue_indirect_dma source(%arg27 : memref<1600xf32, #tpu.memory_space<vmem>>) target(%dma_start3A_507 : memref<100096xf32, #tpu.memory_space<vmem_shared>>) offsets(%arg25 : memref<1600xi32, #tpu.memory_space<vmem>>) semaphore(%arg33 : memref<!tpu.dma_semaphore, #tpu.memory_space<semaphore_mem>>) {add = true}
      %add3A_508 = arith.constant 1 : i32
      %add3A_509 = arith.addi %add3A_466, %add3A_508 : i32
      %add3A_510 = arith.constant 2 : i32
      %add3A_511 = arith.addi %add3A_509, %add3A_510 : i32
      %mul3A_512 = arith.constant 1600 : i32
      %mul3A_513 = arith.muli %add3A_511, %mul3A_512 : i32
      %add3A_514 = arith.addi %mul3A_311, %mul3A_513 : i32
      %dma_start3A_515 = tpu.memref_slice %arg4[%add3A_514] : memref<6400000xi32, #tpu.memory_space<hbm>> -> memref<1600xi32, #tpu.memory_space<hbm>>
      %dma_start3A_516 = tpu.memref_slice %arg4[%add3A_514] : memref<6400000xi32, #tpu.memory_space<hbm>> -> memref<1600xi32, #tpu.memory_space<hbm>>
      tpu.enqueue_dma source(%dma_start3A_516 : memref<1600xi32, #tpu.memory_space<hbm>>) target(%arg19 : memref<1600xi32, #tpu.memory_space<vmem>>) target_semaphore(%arg29 : memref<!tpu.dma_semaphore, #tpu.memory_space<semaphore_mem>>)
      %dma_start3A_517 = tpu.memref_slice %arg5[%add3A_514] : memref<6400000xi32, #tpu.memory_space<hbm>> -> memref<1600xi32, #tpu.memory_space<hbm>>
      %dma_start3A_518 = tpu.memref_slice %arg5[%add3A_514] : memref<6400000xi32, #tpu.memory_space<hbm>> -> memref<1600xi32, #tpu.memory_space<hbm>>
      tpu.enqueue_dma source(%dma_start3A_518 : memref<1600xi32, #tpu.memory_space<hbm>>) target(%arg23 : memref<1600xi32, #tpu.memory_space<vmem>>) target_semaphore(%arg29 : memref<!tpu.dma_semaphore, #tpu.memory_space<semaphore_mem>>)
      %dma_wait3A_519 = arith.constant 0 : i32
      %dma_wait3A_520 = tpu.memref_slice %arg4[%dma_wait3A_519] : memref<6400000xi32, #tpu.memory_space<hbm>> -> memref<1600xi32, #tpu.memory_space<hbm>>
      %dma_wait3A_521 = arith.constant 0 : i32
      %dma_wait3A_522 = tpu.memref_slice %arg4[%dma_wait3A_521] : memref<6400000xi32, #tpu.memory_space<hbm>> -> memref<1600xi32, #tpu.memory_space<hbm>>
      tpu.wait_dma2 semaphore(%arg28 : memref<!tpu.dma_semaphore, #tpu.memory_space<semaphore_mem>>) src(%dma_wait3A_522 : memref<1600xi32, #tpu.memory_space<hbm>>) dst(%arg18 : memref<1600xi32, #tpu.memory_space<vmem>>)
      %dma_wait3A_523 = arith.constant 0 : i32
      %dma_wait3A_524 = tpu.memref_slice %arg5[%dma_wait3A_523] : memref<6400000xi32, #tpu.memory_space<hbm>> -> memref<1600xi32, #tpu.memory_space<hbm>>
      %dma_wait3A_525 = arith.constant 0 : i32
      %dma_wait3A_526 = tpu.memref_slice %arg5[%dma_wait3A_525] : memref<6400000xi32, #tpu.memory_space<hbm>> -> memref<1600xi32, #tpu.memory_space<hbm>>
      tpu.wait_dma2 semaphore(%arg28 : memref<!tpu.dma_semaphore, #tpu.memory_space<semaphore_mem>>) src(%dma_wait3A_526 : memref<1600xi32, #tpu.memory_space<hbm>>) dst(%arg22 : memref<1600xi32, #tpu.memory_space<vmem>>)
      %dma_wait3A_527 = arith.constant 0 : i32
      %dma_wait3A_528 = tpu.memref_slice %arg12[%dma_wait3A_527] : memref<100096xf32, #tpu.memory_space<vmem_shared>> -> memref<100096xf32, #tpu.memory_space<vmem_shared>>
      tpu.wait_indirect_dma semaphore(%arg32 : memref<!tpu.dma_semaphore, #tpu.memory_space<semaphore_mem>>) src(%arg26 : memref<1600xf32, #tpu.memory_space<vmem>>) dst(%dma_wait3A_528 : memref<100096xf32, #tpu.memory_space<vmem_shared>>)
      %parallel_loop3A_529 = arith.constant 0 : i32
      %parallel_loop3A_530 = arith.constant 1600 : i32
      %parallel_loop3A_531 = arith.constant 16 : i32
      scf.for %parallel_loop3A_571 = %parallel_loop3A_529 to %parallel_loop3A_530 step %parallel_loop3A_531  : i32 {
        %parallel_loop3A_572 = arith.index_cast %parallel_loop3A_571 : i32 to index
        %parallel_loop3A_573 = tpu.vector_load %arg18[%parallel_loop3A_572] {strides = array<i32>} : memref<1600xi32, #tpu.memory_space<vmem>>, vector<16xi32>,
        %parallel_loop3A_574 = tpu.vector_load_idx %arg13[%parallel_loop3A_573] : memref<100096xf32, #tpu.memory_space<vmem>>[vector<16xi32>], vector<16xf32>,
        %parallel_loop3A_575 = arith.index_cast %parallel_loop3A_571 : i32 to index
        %parallel_loop3A_576 = tpu.vector_load %arg26[%parallel_loop3A_575] {strides = array<i32>} : memref<1600xf32, #tpu.memory_space<vmem>>, vector<16xf32>,
        tpu.vector_store %arg26[%parallel_loop3A_575], %parallel_loop3A_574 {strides = array<i32>} : memref<1600xf32, #tpu.memory_space<vmem>>, vector<16xf32>,
      } {sc.loop_unroll_factor = 4 : i64, sc.parallel_access}
      %dma_start3A_532 = arith.constant 0 : i32
      %dma_start3A_533 = tpu.memref_slice %arg12[%dma_start3A_532] : memref<100096xf32, #tpu.memory_space<vmem_shared>> -> memref<100096xf32, #tpu.memory_space<vmem_shared>>
      tpu.enqueue_indirect_dma source(%arg26 : memref<1600xf32, #tpu.memory_space<vmem>>) target(%dma_start3A_533 : memref<100096xf32, #tpu.memory_space<vmem_shared>>) offsets(%arg22 : memref<1600xi32, #tpu.memory_space<vmem>>) semaphore(%arg32 : memref<!tpu.dma_semaphore, #tpu.memory_space<semaphore_mem>>) {add = true}
      %add3A_534 = arith.constant 2 : i32
      %add3A_535 = arith.addi %add3A_466, %add3A_534 : i32
      %add3A_536 = arith.constant 2 : i32
      %add3A_537 = arith.addi %add3A_535, %add3A_536 : i32
      %mul3A_538 = arith.constant 1600 : i32
      %mul3A_539 = arith.muli %add3A_537, %mul3A_538 : i32
      %add3A_540 = arith.addi %mul3A_311, %mul3A_539 : i32
      %dma_start3A_541 = tpu.memref_slice %arg4[%add3A_540] : memref<6400000xi32, #tpu.memory_space<hbm>> -> memref<1600xi32, #tpu.memory_space<hbm>>
      %dma_start3A_542 = tpu.memref_slice %arg4[%add3A_540] : memref<6400000xi32, #tpu.memory_space<hbm>> -> memref<1600xi32, #tpu.memory_space<hbm>>
      tpu.enqueue_dma source(%dma_start3A_542 : memref<1600xi32, #tpu.memory_space<hbm>>) target(%arg20 : memref<1600xi32, #tpu.memory_space<vmem>>) target_semaphore(%arg30 : memref<!tpu.dma_semaphore, #tpu.memory_space<semaphore_mem>>)
      %dma_start3A_543 = tpu.memref_slice %arg5[%add3A_540] : memref<6400000xi32, #tpu.memory_space<hbm>> -> memref<1600xi32, #tpu.memory_space<hbm>>
      %dma_start3A_544 = tpu.memref_slice %arg5[%add3A_540] : memref<6400000xi32, #tpu.memory_space<hbm>> -> memref<1600xi32, #tpu.memory_space<hbm>>
      tpu.enqueue_dma source(%dma_start3A_544 : memref<1600xi32, #tpu.memory_space<hbm>>) target(%arg24 : memref<1600xi32, #tpu.memory_space<vmem>>) target_semaphore(%arg30 : memref<!tpu.dma_semaphore, #tpu.memory_space<semaphore_mem>>)
      %dma_wait3A_545 = arith.constant 0 : i32
      %dma_wait3A_546 = tpu.memref_slice %arg4[%dma_wait3A_545] : memref<6400000xi32, #tpu.memory_space<hbm>> -> memref<1600xi32, #tpu.memory_space<hbm>>
      %dma_wait3A_547 = arith.constant 0 : i32
      %dma_wait3A_548 = tpu.memref_slice %arg4[%dma_wait3A_547] : memref<6400000xi32, #tpu.memory_space<hbm>> -> memref<1600xi32, #tpu.memory_space<hbm>>
      tpu.wait_dma2 semaphore(%arg29 : memref<!tpu.dma_semaphore, #tpu.memory_space<semaphore_mem>>) src(%dma_wait3A_548 : memref<1600xi32, #tpu.memory_space<hbm>>) dst(%arg19 : memref<1600xi32, #tpu.memory_space<vmem>>)
      %dma_wait3A_549 = arith.constant 0 : i32
      %dma_wait3A_550 = tpu.memref_slice %arg5[%dma_wait3A_549] : memref<6400000xi32, #tpu.memory_space<hbm>> -> memref<1600xi32, #tpu.memory_space<hbm>>
      %dma_wait3A_551 = arith.constant 0 : i32
      %dma_wait3A_552 = tpu.memref_slice %arg5[%dma_wait3A_551] : memref<6400000xi32, #tpu.memory_space<hbm>> -> memref<1600xi32, #tpu.memory_space<hbm>>
      tpu.wait_dma2 semaphore(%arg29 : memref<!tpu.dma_semaphore, #tpu.memory_space<semaphore_mem>>) src(%dma_wait3A_552 : memref<1600xi32, #tpu.memory_space<hbm>>) dst(%arg23 : memref<1600xi32, #tpu.memory_space<vmem>>)
      %dma_wait3A_553 = arith.constant 0 : i32
      %dma_wait3A_554 = tpu.memref_slice %arg12[%dma_wait3A_553] : memref<100096xf32, #tpu.memory_space<vmem_shared>> -> memref<100096xf32, #tpu.memory_space<vmem_shared>>
      tpu.wait_indirect_dma semaphore(%arg33 : memref<!tpu.dma_semaphore, #tpu.memory_space<semaphore_mem>>) src(%arg27 : memref<1600xf32, #tpu.memory_space<vmem>>) dst(%dma_wait3A_554 : memref<100096xf32, #tpu.memory_space<vmem_shared>>)
      %parallel_loop3A_555 = arith.constant 0 : i32
      %parallel_loop3A_556 = arith.constant 1600 : i32
      %parallel_loop3A_557 = arith.constant 16 : i32
      scf.for %parallel_loop3A_571 = %parallel_loop3A_555 to %parallel_loop3A_556 step %parallel_loop3A_557  : i32 {
        %parallel_loop3A_572 = arith.index_cast %parallel_loop3A_571 : i32 to index
        %parallel_loop3A_573 = tpu.vector_load %arg19[%parallel_loop3A_572] {strides = array<i32>} : memref<1600xi32, #tpu.memory_space<vmem>>, vector<16xi32>,
        %parallel_loop3A_574 = tpu.vector_load_idx %arg13[%parallel_loop3A_573] : memref<100096xf32, #tpu.memory_space<vmem>>[vector<16xi32>], vector<16xf32>,
        %parallel_loop3A_575 = arith.index_cast %parallel_loop3A_571 : i32 to index
        %parallel_loop3A_576 = tpu.vector_load %arg27[%parallel_loop3A_575] {strides = array<i32>} : memref<1600xf32, #tpu.memory_space<vmem>>, vector<16xf32>,
        tpu.vector_store %arg27[%parallel_loop3A_575], %parallel_loop3A_574 {strides = array<i32>} : memref<1600xf32, #tpu.memory_space<vmem>>, vector<16xf32>,
      } {sc.loop_unroll_factor = 4 : i64, sc.parallel_access}
      %dma_start3A_558 = arith.constant 0 : i32
      %dma_start3A_559 = tpu.memref_slice %arg12[%dma_start3A_558] : memref<100096xf32, #tpu.memory_space<vmem_shared>> -> memref<100096xf32, #tpu.memory_space<vmem_shared>>
      tpu.enqueue_indirect_dma source(%arg27 : memref<1600xf32, #tpu.memory_space<vmem>>) target(%dma_start3A_559 : memref<100096xf32, #tpu.memory_space<vmem_shared>>) offsets(%arg23 : memref<1600xi32, #tpu.memory_space<vmem>>) semaphore(%arg33 : memref<!tpu.dma_semaphore, #tpu.memory_space<semaphore_mem>>) {add = true}
      %add3A_560 = arith.constant 3 : i32
      %add3A_561 = arith.addi %add3A_466, %add3A_560 : i32
      %add3A_562 = arith.constant 2 : i32
      %add3A_563 = arith.addi %add3A_561, %add3A_562 : i32
      %mul3A_564 = arith.constant 1600 : i32
      %mul3A_565 = arith.muli %add3A_563, %mul3A_564 : i32
      %add3A_566 = arith.addi %mul3A_311, %mul3A_565 : i32
      %dma_start3A_567 = tpu.memref_slice %arg4[%add3A_566] : memref<6400000xi32, #tpu.memory_space<hbm>> -> memref<1600xi32, #tpu.memory_space<hbm>>
      %dma_start3A_568 = tpu.memref_slice %arg4[%add3A_566] : memref<6400000xi32, #tpu.memory_space<hbm>> -> memref<1600xi32, #tpu.memory_space<hbm>>
      tpu.enqueue_dma source(%dma_start3A_568 : memref<1600xi32, #tpu.memory_space<hbm>>) target(%arg21 : memref<1600xi32, #tpu.memory_space<vmem>>) target_semaphore(%arg31 : memref<!tpu.dma_semaphore, #tpu.memory_space<semaphore_mem>>)
      %dma_start3A_569 = tpu.memref_slice %arg5[%add3A_566] : memref<6400000xi32, #tpu.memory_space<hbm>> -> memref<1600xi32, #tpu.memory_space<hbm>>
      %dma_start3A_570 = tpu.memref_slice %arg5[%add3A_566] : memref<6400000xi32, #tpu.memory_space<hbm>> -> memref<1600xi32, #tpu.memory_space<hbm>>
      tpu.enqueue_dma source(%dma_start3A_570 : memref<1600xi32, #tpu.memory_space<hbm>>) target(%arg25 : memref<1600xi32, #tpu.memory_space<vmem>>) target_semaphore(%arg31 : memref<!tpu.dma_semaphore, #tpu.memory_space<semaphore_mem>>)
    }
    %scan3A_366 = arith.constant 30 : i32
    %dma_wait3A_367 = arith.constant 0 : i32
    %dma_wait3A_368 = tpu.memref_slice %arg4[%dma_wait3A_367] : memref<6400000xi32, #tpu.memory_space<hbm>> -> memref<1600xi32, #tpu.memory_space<hbm>>
    %dma_wait3A_369 = arith.constant 0 : i32
    %dma_wait3A_370 = tpu.memref_slice %arg4[%dma_wait3A_369] : memref<6400000xi32, #tpu.memory_space<hbm>> -> memref<1600xi32, #tpu.memory_space<hbm>>
    tpu.wait_dma2 semaphore(%arg30 : memref<!tpu.dma_semaphore, #tpu.memory_space<semaphore_mem>>) src(%dma_wait3A_370 : memref<1600xi32, #tpu.memory_space<hbm>>) dst(%arg20 : memref<1600xi32, #tpu.memory_space<vmem>>)
    %dma_wait3A_371 = arith.constant 0 : i32
    %dma_wait3A_372 = tpu.memref_slice %arg5[%dma_wait3A_371] : memref<6400000xi32, #tpu.memory_space<hbm>> -> memref<1600xi32, #tpu.memory_space<hbm>>
    %dma_wait3A_373 = arith.constant 0 : i32
    %dma_wait3A_374 = tpu.memref_slice %arg5[%dma_wait3A_373] : memref<6400000xi32, #tpu.memory_space<hbm>> -> memref<1600xi32, #tpu.memory_space<hbm>>
    tpu.wait_dma2 semaphore(%arg30 : memref<!tpu.dma_semaphore, #tpu.memory_space<semaphore_mem>>) src(%dma_wait3A_374 : memref<1600xi32, #tpu.memory_space<hbm>>) dst(%arg24 : memref<1600xi32, #tpu.memory_space<vmem>>)
    %dma_wait3A_375 = arith.constant 0 : i32
    %dma_wait3A_376 = tpu.memref_slice %arg12[%dma_wait3A_375] : memref<100096xf32, #tpu.memory_space<vmem_shared>> -> memref<100096xf32, #tpu.memory_space<vmem_shared>>
    tpu.wait_indirect_dma semaphore(%arg32 : memref<!tpu.dma_semaphore, #tpu.memory_space<semaphore_mem>>) src(%arg26 : memref<1600xf32, #tpu.memory_space<vmem>>) dst(%dma_wait3A_376 : memref<100096xf32, #tpu.memory_space<vmem_shared>>)
    %parallel_loop3A_377 = arith.constant 0 : i32
    %parallel_loop3A_378 = arith.constant 1600 : i32
    %parallel_loop3A_379 = arith.constant 16 : i32
    scf.for %parallel_loop3A_462 = %parallel_loop3A_377 to %parallel_loop3A_378 step %parallel_loop3A_379  : i32 {
      %parallel_loop3A_463 = arith.index_cast %parallel_loop3A_462 : i32 to index
      %parallel_loop3A_464 = tpu.vector_load %arg20[%parallel_loop3A_463] {strides = array<i32>} : memref<1600xi32, #tpu.memory_space<vmem>>, vector<16xi32>,
      %parallel_loop3A_465 = tpu.vector_load_idx %arg13[%parallel_loop3A_464] : memref<100096xf32, #tpu.memory_space<vmem>>[vector<16xi32>], vector<16xf32>,
      %parallel_loop3A_466 = arith.index_cast %parallel_loop3A_462 : i32 to index
      %parallel_loop3A_467 = tpu.vector_load %arg26[%parallel_loop3A_466] {strides = array<i32>} : memref<1600xf32, #tpu.memory_space<vmem>>, vector<16xf32>,
      tpu.vector_store %arg26[%parallel_loop3A_466], %parallel_loop3A_465 {strides = array<i32>} : memref<1600xf32, #tpu.memory_space<vmem>>, vector<16xf32>,
    } {sc.loop_unroll_factor = 4 : i64, sc.parallel_access}
    %dma_start3A_380 = arith.constant 0 : i32
    %dma_start3A_381 = tpu.memref_slice %arg12[%dma_start3A_380] : memref<100096xf32, #tpu.memory_space<vmem_shared>> -> memref<100096xf32, #tpu.memory_space<vmem_shared>>
    tpu.enqueue_indirect_dma source(%arg26 : memref<1600xf32, #tpu.memory_space<vmem>>) target(%dma_start3A_381 : memref<100096xf32, #tpu.memory_space<vmem_shared>>) offsets(%arg24 : memref<1600xi32, #tpu.memory_space<vmem>>) semaphore(%arg32 : memref<!tpu.dma_semaphore, #tpu.memory_space<semaphore_mem>>) {add = true}
    %add3A_382 = arith.constant 198400 : i32
    %add3A_383 = arith.addi %mul3A_311, %add3A_382 : i32
    %dma_start3A_384 = tpu.memref_slice %arg4[%add3A_383] : memref<6400000xi32, #tpu.memory_space<hbm>> -> memref<1600xi32, #tpu.memory_space<hbm>>
    %dma_start3A_385 = tpu.memref_slice %arg4[%add3A_383] : memref<6400000xi32, #tpu.memory_space<hbm>> -> memref<1600xi32, #tpu.memory_space<hbm>>
    tpu.enqueue_dma source(%dma_start3A_385 : memref<1600xi32, #tpu.memory_space<hbm>>) target(%arg18 : memref<1600xi32, #tpu.memory_space<vmem>>) target_semaphore(%arg28 : memref<!tpu.dma_semaphore, #tpu.memory_space<semaphore_mem>>)
    %dma_start3A_386 = tpu.memref_slice %arg5[%add3A_383] : memref<6400000xi32, #tpu.memory_space<hbm>> -> memref<1600xi32, #tpu.memory_space<hbm>>
    %dma_start3A_387 = tpu.memref_slice %arg5[%add3A_383] : memref<6400000xi32, #tpu.memory_space<hbm>> -> memref<1600xi32, #tpu.memory_space<hbm>>
    tpu.enqueue_dma source(%dma_start3A_387 : memref<1600xi32, #tpu.memory_space<hbm>>) target(%arg22 : memref<1600xi32, #tpu.memory_space<vmem>>) target_semaphore(%arg28 : memref<!tpu.dma_semaphore, #tpu.memory_space<semaphore_mem>>)
    %dma_wait3A_388 = arith.constant 0 : i32
    %dma_wait3A_389 = tpu.memref_slice %arg4[%dma_wait3A_388] : memref<6400000xi32, #tpu.memory_space<hbm>> -> memref<1600xi32, #tpu.memory_space<hbm>>
    %dma_wait3A_390 = arith.constant 0 : i32
    %dma_wait3A_391 = tpu.memref_slice %arg4[%dma_wait3A_390] : memref<6400000xi32, #tpu.memory_space<hbm>> -> memref<1600xi32, #tpu.memory_space<hbm>>
    tpu.wait_dma2 semaphore(%arg31 : memref<!tpu.dma_semaphore, #tpu.memory_space<semaphore_mem>>) src(%dma_wait3A_391 : memref<1600xi32, #tpu.memory_space<hbm>>) dst(%arg21 : memref<1600xi32, #tpu.memory_space<vmem>>)
    %dma_wait3A_392 = arith.constant 0 : i32
    %dma_wait3A_393 = tpu.memref_slice %arg5[%dma_wait3A_392] : memref<6400000xi32, #tpu.memory_space<hbm>> -> memref<1600xi32, #tpu.memory_space<hbm>>
    %dma_wait3A_394 = arith.constant 0 : i32
    %dma_wait3A_395 = tpu.memref_slice %arg5[%dma_wait3A_394] : memref<6400000xi32, #tpu.memory_space<hbm>> -> memref<1600xi32, #tpu.memory_space<hbm>>
    tpu.wait_dma2 semaphore(%arg31 : memref<!tpu.dma_semaphore, #tpu.memory_space<semaphore_mem>>) src(%dma_wait3A_395 : memref<1600xi32, #tpu.memory_space<hbm>>) dst(%arg25 : memref<1600xi32, #tpu.memory_space<vmem>>)
    %dma_wait3A_396 = arith.constant 0 : i32
    %dma_wait3A_397 = tpu.memref_slice %arg12[%dma_wait3A_396] : memref<100096xf32, #tpu.memory_space<vmem_shared>> -> memref<100096xf32, #tpu.memory_space<vmem_shared>>
    tpu.wait_indirect_dma semaphore(%arg33 : memref<!tpu.dma_semaphore, #tpu.memory_space<semaphore_mem>>) src(%arg27 : memref<1600xf32, #tpu.memory_space<vmem>>) dst(%dma_wait3A_397 : memref<100096xf32, #tpu.memory_space<vmem_shared>>)
    %parallel_loop3A_398 = arith.constant 0 : i32
    %parallel_loop3A_399 = arith.constant 1600 : i32
    %parallel_loop3A_400 = arith.constant 16 : i32
    scf.for %parallel_loop3A_462 = %parallel_loop3A_398 to %parallel_loop3A_399 step %parallel_loop3A_400  : i32 {
      %parallel_loop3A_463 = arith.index_cast %parallel_loop3A_462 : i32 to index
      %parallel_loop3A_464 = tpu.vector_load %arg21[%parallel_loop3A_463] {strides = array<i32>} : memref<1600xi32, #tpu.memory_space<vmem>>, vector<16xi32>,
      %parallel_loop3A_465 = tpu.vector_load_idx %arg13[%parallel_loop3A_464] : memref<100096xf32, #tpu.memory_space<vmem>>[vector<16xi32>], vector<16xf32>,
      %parallel_loop3A_466 = arith.index_cast %parallel_loop3A_462 : i32 to index
      %parallel_loop3A_467 = tpu.vector_load %arg27[%parallel_loop3A_466] {strides = array<i32>} : memref<1600xf32, #tpu.memory_space<vmem>>, vector<16xf32>,
      tpu.vector_store %arg27[%parallel_loop3A_466], %parallel_loop3A_465 {strides = array<i32>} : memref<1600xf32, #tpu.memory_space<vmem>>, vector<16xf32>,
    } {sc.loop_unroll_factor = 4 : i64, sc.parallel_access}
    %dma_start3A_401 = arith.constant 0 : i32
    %dma_start3A_402 = tpu.memref_slice %arg12[%dma_start3A_401] : memref<100096xf32, #tpu.memory_space<vmem_shared>> -> memref<100096xf32, #tpu.memory_space<vmem_shared>>
    tpu.enqueue_indirect_dma source(%arg27 : memref<1600xf32, #tpu.memory_space<vmem>>) target(%dma_start3A_402 : memref<100096xf32, #tpu.memory_space<vmem_shared>>) offsets(%arg25 : memref<1600xi32, #tpu.memory_space<vmem>>) semaphore(%arg33 : memref<!tpu.dma_semaphore, #tpu.memory_space<semaphore_mem>>) {add = true}
    %dma_wait3A_403 = arith.constant 0 : i32
    %dma_wait3A_404 = tpu.memref_slice %arg4[%dma_wait3A_403] : memref<6400000xi32, #tpu.memory_space<hbm>> -> memref<1600xi32, #tpu.memory_space<hbm>>
    %dma_wait3A_405 = arith.constant 0 : i32
    %dma_wait3A_406 = tpu.memref_slice %arg4[%dma_wait3A_405] : memref<6400000xi32, #tpu.memory_space<hbm>> -> memref<1600xi32, #tpu.memory_space<hbm>>
    tpu.wait_dma2 semaphore(%arg28 : memref<!tpu.dma_semaphore, #tpu.memory_space<semaphore_mem>>) src(%dma_wait3A_406 : memref<1600xi32, #tpu.memory_space<hbm>>) dst(%arg18 : memref<1600xi32, #tpu.memory_space<vmem>>)
    %dma_wait3A_407 = arith.constant 0 : i32
    %dma_wait3A_408 = tpu.memref_slice %arg5[%dma_wait3A_407] : memref<6400000xi32, #tpu.memory_space<hbm>> -> memref<1600xi32, #tpu.memory_space<hbm>>
    %dma_wait3A_409 = arith.constant 0 : i32
    %dma_wait3A_410 = tpu.memref_slice %arg5[%dma_wait3A_409] : memref<6400000xi32, #tpu.memory_space<hbm>> -> memref<1600xi32, #tpu.memory_space<hbm>>
    tpu.wait_dma2 semaphore(%arg28 : memref<!tpu.dma_semaphore, #tpu.memory_space<semaphore_mem>>) src(%dma_wait3A_410 : memref<1600xi32, #tpu.memory_space<hbm>>) dst(%arg22 : memref<1600xi32, #tpu.memory_space<vmem>>)
    %dma_wait3A_411 = arith.constant 0 : i32
    %dma_wait3A_412 = tpu.memref_slice %arg12[%dma_wait3A_411] : memref<100096xf32, #tpu.memory_space<vmem_shared>> -> memref<100096xf32, #tpu.memory_space<vmem_shared>>
    tpu.wait_indirect_dma semaphore(%arg32 : memref<!tpu.dma_semaphore, #tpu.memory_space<semaphore_mem>>) src(%arg26 : memref<1600xf32, #tpu.memory_space<vmem>>) dst(%dma_wait3A_412 : memref<100096xf32, #tpu.memory_space<vmem_shared>>)
    %parallel_loop3A_413 = arith.constant 0 : i32
    %parallel_loop3A_414 = arith.constant 1600 : i32
    %parallel_loop3A_415 = arith.constant 16 : i32
    scf.for %parallel_loop3A_462 = %parallel_loop3A_413 to %parallel_loop3A_414 step %parallel_loop3A_415  : i32 {
      %parallel_loop3A_463 = arith.index_cast %parallel_loop3A_462 : i32 to index
      %parallel_loop3A_464 = tpu.vector_load %arg18[%parallel_loop3A_463] {strides = array<i32>} : memref<1600xi32, #tpu.memory_space<vmem>>, vector<16xi32>,
      %parallel_loop3A_465 = tpu.vector_load_idx %arg13[%parallel_loop3A_464] : memref<100096xf32, #tpu.memory_space<vmem>>[vector<16xi32>], vector<16xf32>,
      %parallel_loop3A_466 = arith.index_cast %parallel_loop3A_462 : i32 to index
      %parallel_loop3A_467 = tpu.vector_load %arg26[%parallel_loop3A_466] {strides = array<i32>} : memref<1600xf32, #tpu.memory_space<vmem>>, vector<16xf32>,
      tpu.vector_store %arg26[%parallel_loop3A_466], %parallel_loop3A_465 {strides = array<i32>} : memref<1600xf32, #tpu.memory_space<vmem>>, vector<16xf32>,
    } {sc.loop_unroll_factor = 4 : i64, sc.parallel_access}
    %dma_start3A_416 = arith.constant 0 : i32
    %dma_start3A_417 = tpu.memref_slice %arg12[%dma_start3A_416] : memref<100096xf32, #tpu.memory_space<vmem_shared>> -> memref<100096xf32, #tpu.memory_space<vmem_shared>>
    tpu.enqueue_indirect_dma source(%arg26 : memref<1600xf32, #tpu.memory_space<vmem>>) target(%dma_start3A_417 : memref<100096xf32, #tpu.memory_space<vmem_shared>>) offsets(%arg22 : memref<1600xi32, #tpu.memory_space<vmem>>) semaphore(%arg32 : memref<!tpu.dma_semaphore, #tpu.memory_space<semaphore_mem>>) {add = true}
    %dma_wait3A_418 = arith.constant 0 : i32
    %dma_wait3A_419 = tpu.memref_slice %arg12[%dma_wait3A_418] : memref<100096xf32, #tpu.memory_space<vmem_shared>> -> memref<100096xf32, #tpu.memory_space<vmem_shared>>
    tpu.wait_indirect_dma semaphore(%arg33 : memref<!tpu.dma_semaphore, #tpu.memory_space<semaphore_mem>>) src(%arg27 : memref<1600xf32, #tpu.memory_space<vmem>>) dst(%dma_wait3A_419 : memref<100096xf32, #tpu.memory_space<vmem_shared>>)
    %dma_wait3A_420 = arith.constant 0 : i32
    %dma_wait3A_421 = tpu.memref_slice %arg12[%dma_wait3A_420] : memref<100096xf32, #tpu.memory_space<vmem_shared>> -> memref<100096xf32, #tpu.memory_space<vmem_shared>>
    tpu.wait_indirect_dma semaphore(%arg32 : memref<!tpu.dma_semaphore, #tpu.memory_space<semaphore_mem>>) src(%arg26 : memref<1600xf32, #tpu.memory_space<vmem>>) dst(%dma_wait3A_421 : memref<100096xf32, #tpu.memory_space<vmem_shared>>)
    %barrier3A_422 = arith.constant 0 : index
    tpu.barrier barrier_id(%barrier3A_422)
    "tpu.region"() ({
      %run_scoped3A = tpu.sem_alloc : memref<!tpu.dma_semaphore, #tpu.memory_space<semaphore_mem>>
      %dma_start3A_462 = tpu.memref_slice %arg12[%mul3A_0] : memref<100096xf32, #tpu.memory_space<vmem_shared>> -> memref<6256xf32, #tpu.memory_space<vmem_shared>>
      %dma_start3A_463 = tpu.memref_slice %arg12[%mul3A_0] : memref<100096xf32, #tpu.memory_space<vmem_shared>> -> memref<6256xf32, #tpu.memory_space<vmem_shared>>
      tpu.enqueue_dma source(%dma_start3A_463 : memref<6256xf32, #tpu.memory_space<vmem_shared>>) target(%arg14 : memref<6256xf32, #tpu.memory_space<vmem>>) target_semaphore(%run_scoped3A : memref<!tpu.dma_semaphore, #tpu.memory_space<semaphore_mem>>)
      %dma_wait3A_464 = tpu.memref_slice %arg12[%mul3A_0] : memref<100096xf32, #tpu.memory_space<vmem_shared>> -> memref<6256xf32, #tpu.memory_space<vmem_shared>>
      %dma_wait3A_465 = tpu.memref_slice %arg12[%mul3A_0] : memref<100096xf32, #tpu.memory_space<vmem_shared>> -> memref<6256xf32, #tpu.memory_space<vmem_shared>>
      tpu.wait_dma2 semaphore(%run_scoped3A : memref<!tpu.dma_semaphore, #tpu.memory_space<semaphore_mem>>) src(%dma_wait3A_465 : memref<6256xf32, #tpu.memory_space<vmem_shared>>) dst(%arg14 : memref<6256xf32, #tpu.memory_space<vmem>>)
      tpu.yield
    }) : () -> ()
    %mul3A_423 = arith.constant 100096 : i32
    %mul3A_424 = arith.muli %arg0, %mul3A_423 : i32
    %add3A_425 = arith.addi %mul3A_424, %mul3A_0 : i32
    "tpu.region"() ({
      %run_scoped3A = tpu.sem_alloc : memref<!tpu.dma_semaphore, #tpu.memory_space<semaphore_mem>>
      %dma_start3A_462 = tpu.memref_slice %arg10[%add3A_425] : memref<200192xf32, #tpu.memory_space<hbm>> -> memref<6256xf32, #tpu.memory_space<hbm>>
      %dma_start3A_463 = tpu.memref_slice %arg10[%add3A_425] : memref<200192xf32, #tpu.memory_space<hbm>> -> memref<6256xf32, #tpu.memory_space<hbm>>
      tpu.enqueue_dma source(%arg14 : memref<6256xf32, #tpu.memory_space<vmem>>) target(%dma_start3A_463 : memref<6256xf32, #tpu.memory_space<hbm>>) target_semaphore(%run_scoped3A : memref<!tpu.dma_semaphore, #tpu.memory_space<semaphore_mem>>)
      %dma_wait3A_464 = tpu.memref_slice %arg10[%add3A_425] : memref<200192xf32, #tpu.memory_space<hbm>> -> memref<6256xf32, #tpu.memory_space<hbm>>
      %dma_wait3A_465 = tpu.memref_slice %arg10[%add3A_425] : memref<200192xf32, #tpu.memory_space<hbm>> -> memref<6256xf32, #tpu.memory_space<hbm>>
      tpu.wait_dma2 semaphore(%run_scoped3A : memref<!tpu.dma_semaphore, #tpu.memory_space<semaphore_mem>>) src(%arg14 : memref<6256xf32, #tpu.memory_space<vmem>>) dst(%dma_wait3A_465 : memref<6256xf32, #tpu.memory_space<hbm>>)
      tpu.yield
    }) : () -> ()
    %barrier3A_426 = arith.constant 0 : index
    tpu.barrier barrier_id(%barrier3A_426)
    %eq3A_427 = arith.constant 0 : i32
    %eq3A_428 = arith.cmpi eq, %arg1, %eq3A_427 : i32
    %convert_element_type3A_429 = arith.extui %eq3A_428 : i1 to i32
    %cond3A_430 = arith.constant 0 : i32
    %cond3A_431 = arith.cmpi ne, %convert_element_type3A_429, %cond3A_430 : i32
    scf.if %cond3A_431 {
      %broadcast_in_dim3A = arith.constant 3 : i32
      %broadcast_in_dim3A_462 = vector.broadcast %broadcast_in_dim3A : i32 to vector<16xi32>
      %swap3A = arith.constant 0 : index
      %swap3A_463 = tpu.vector_load %arg16[%swap3A] {strides = array<i32>} : memref<16xi32, #tpu.memory_space<vmem>>, vector<16xi32>,
      tpu.vector_store %arg16[%swap3A], %broadcast_in_dim3A_462 {strides = array<i32>} : memref<16xi32, #tpu.memory_space<vmem>>, vector<16xi32>,
      %mul3A_464 = arith.constant 3 : i32
      %mul3A_465 = arith.muli %arg0, %mul3A_464 : i32
      %add3A_466 = arith.constant 2 : i32
      %add3A_467 = arith.addi %mul3A_465, %add3A_466 : i32
      %mul3A_468 = arith.constant 16 : i32
      %mul3A_469 = arith.muli %add3A_467, %mul3A_468 : i32
      "tpu.region"() ({
        %run_scoped3A = tpu.sem_alloc : memref<!tpu.dma_semaphore, #tpu.memory_space<semaphore_mem>>
        %dma_start3A_470 = tpu.memref_slice %arg6[%mul3A_469] : memref<96xi32, #tpu.memory_space<hbm>> -> memref<16xi32, #tpu.memory_space<hbm>>
        %dma_start3A_471 = tpu.memref_slice %arg6[%mul3A_469] : memref<96xi32, #tpu.memory_space<hbm>> -> memref<16xi32, #tpu.memory_space<hbm>>
        tpu.enqueue_dma source(%arg16 : memref<16xi32, #tpu.memory_space<vmem>>) target(%dma_start3A_471 : memref<16xi32, #tpu.memory_space<hbm>>) target_semaphore(%run_scoped3A : memref<!tpu.dma_semaphore, #tpu.memory_space<semaphore_mem>>)
        %dma_wait3A_472 = tpu.memref_slice %arg6[%mul3A_469] : memref<96xi32, #tpu.memory_space<hbm>> -> memref<16xi32, #tpu.memory_space<hbm>>
        %dma_wait3A_473 = tpu.memref_slice %arg6[%mul3A_469] : memref<96xi32, #tpu.memory_space<hbm>> -> memref<16xi32, #tpu.memory_space<hbm>>
        tpu.wait_dma2 semaphore(%run_scoped3A : memref<!tpu.dma_semaphore, #tpu.memory_space<semaphore_mem>>) src(%arg16 : memref<16xi32, #tpu.memory_space<vmem>>) dst(%dma_wait3A_473 : memref<16xi32, #tpu.memory_space<hbm>>)
        tpu.yield
      }) : () -> ()
    } else {
    }
    %sub3A_432 = arith.constant 1 : i32
    %sub3A_433 = arith.subi %sub3A_432, %arg0 : i32
    %mul3A_434 = arith.constant 3 : i32
    %mul3A_435 = arith.muli %sub3A_433, %mul3A_434 : i32
    %add3A_436 = arith.constant 2 : i32
    %add3A_437 = arith.addi %mul3A_435, %add3A_436 : i32
    %mul3A_438 = arith.constant 16 : i32
    %mul3A_439 = arith.muli %add3A_437, %mul3A_438 : i32
    %while3A_440 = arith.constant 0 : i32
    %while3A_441 = arith.constant 0 : i32
    %while3A_442:2 = scf.while (%while3A_462 = %while3A_440, %while3A_463 = %while3A_441) : (i32, i32) -> (i32, i32) {
      %eq3A_464 = arith.constant 0 : i32
      %eq3A_465 = arith.cmpi eq, %while3A_463, %eq3A_464 : i32
      %lt3A = arith.constant 200000 : i32
      %lt3A_466 = arith.cmpi slt, %while3A_462, %lt3A : i32
      %and3A = arith.andi %eq3A_465, %lt3A_466 : i1
      scf.condition(%and3A) %while3A_462, %while3A_463 : i32, i32
    } do {
    ^bb0(%while3A_462: i32, %while3A_463: i32):
      %dma_start3A_464 = tpu.memref_slice %arg6[%mul3A_439] : memref<96xi32, #tpu.memory_space<hbm>> -> memref<16xi32, #tpu.memory_space<hbm>>
      %dma_start3A_465 = tpu.memref_slice %arg6[%mul3A_439] : memref<96xi32, #tpu.memory_space<hbm>> -> memref<16xi32, #tpu.memory_space<hbm>>
      tpu.enqueue_dma source(%dma_start3A_465 : memref<16xi32, #tpu.memory_space<hbm>>) target(%arg16 : memref<16xi32, #tpu.memory_space<vmem>>) target_semaphore(%arg17 : memref<!tpu.dma_semaphore, #tpu.memory_space<semaphore_mem>>)
      %dma_wait3A_466 = tpu.memref_slice %arg6[%mul3A_439] : memref<96xi32, #tpu.memory_space<hbm>> -> memref<16xi32, #tpu.memory_space<hbm>>
      %dma_wait3A_467 = tpu.memref_slice %arg6[%mul3A_439] : memref<96xi32, #tpu.memory_space<hbm>> -> memref<16xi32, #tpu.memory_space<hbm>>
      tpu.wait_dma2 semaphore(%arg17 : memref<!tpu.dma_semaphore, #tpu.memory_space<semaphore_mem>>) src(%dma_wait3A_467 : memref<16xi32, #tpu.memory_space<hbm>>) dst(%arg16 : memref<16xi32, #tpu.memory_space<vmem>>)
      %get3A_468 = arith.constant 0 : index
      %get3A_469 = tpu.vector_load %arg16[%get3A_468] {strides = array<i32>} : memref<16xi32, #tpu.memory_space<vmem>>, vector<16xi32>,
      %eq3A_470 = arith.constant 3 : i32
      %eq3A_471 = vector.broadcast %eq3A_470 : i32 to vector<16xi32>
      %eq3A_472 = arith.cmpi eq, %get3A_469, %eq3A_471 : vector<16xi32>
      %jit3A = arith.constant 1 : i32
      %jit3A_473 = arith.constant 0 : i32
      %broadcast_in_dim3A = vector.broadcast %jit3A : i32 to vector<16xi32>
      %broadcast_in_dim3A_474 = vector.broadcast %jit3A_473 : i32 to vector<16xi32>
      %select_n3A = arith.select %eq3A_472, %broadcast_in_dim3A, %broadcast_in_dim3A_474 : vector<16xi1>, vector<16xi32>
      %reduce_max3A = arith.constant true
      %reduce_max3A_475 = vector.broadcast %reduce_max3A : i1 to vector<16xi1>
      %reduce_max3A_476 = arith.constant -2147483648 : i32
      %reduce_max3A_477 = vector.broadcast %reduce_max3A_476 : i32 to vector<16xi32>
      %reduce_max3A_478 = arith.xori %select_n3A, %reduce_max3A_477 : vector<16xi32>
      %reduce_max3A_479 = tpu.scan <max>, %reduce_max3A_478 masked %reduce_max3A_475 : vector<16xi32>, vector<16xi1> -> vector<16xi32>
      %reduce_max3A_480 = arith.xori %reduce_max3A_479, %reduce_max3A_477 : vector<16xi32>
      %reduce_max3A_481 = vector.extract %reduce_max3A_480[15] : i32 from vector<16xi32>
      %add3A_482 = arith.constant 1 : i32
      %add3A_483 = arith.addi %while3A_462, %add3A_482 : i32
      scf.yield %add3A_483, %reduce_max3A_481 : i32, i32
    }
    "tpu.region"() ({
      %run_scoped3A = tpu.sem_alloc : memref<!tpu.dma_semaphore, #tpu.memory_space<semaphore_mem>>
      %dma_start3A_462 = arith.constant 32 : i32
      %dma_start3A_463 = tpu.memref_slice %arg3[%dma_start3A_462] : memref<48xf32, #tpu.memory_space<hbm>> -> memref<16xf32, #tpu.memory_space<hbm>>
      %dma_start3A_464 = arith.constant 32 : i32
      %dma_start3A_465 = tpu.memref_slice %arg3[%dma_start3A_464] : memref<48xf32, #tpu.memory_space<hbm>> -> memref<16xf32, #tpu.memory_space<hbm>>
      tpu.enqueue_dma source(%dma_start3A_465 : memref<16xf32, #tpu.memory_space<hbm>>) target(%arg15 : memref<16xf32, #tpu.memory_space<vmem>>) target_semaphore(%run_scoped3A : memref<!tpu.dma_semaphore, #tpu.memory_space<semaphore_mem>>)
      %dma_wait3A_466 = arith.constant 32 : i32
      %dma_wait3A_467 = tpu.memref_slice %arg3[%dma_wait3A_466] : memref<48xf32, #tpu.memory_space<hbm>> -> memref<16xf32, #tpu.memory_space<hbm>>
      %dma_wait3A_468 = arith.constant 32 : i32
      %dma_wait3A_469 = tpu.memref_slice %arg3[%dma_wait3A_468] : memref<48xf32, #tpu.memory_space<hbm>> -> memref<16xf32, #tpu.memory_space<hbm>>
      tpu.wait_dma2 semaphore(%run_scoped3A : memref<!tpu.dma_semaphore, #tpu.memory_space<semaphore_mem>>) src(%dma_wait3A_469 : memref<16xf32, #tpu.memory_space<hbm>>) dst(%arg15 : memref<16xf32, #tpu.memory_space<vmem>>)
      tpu.yield
    }) : () -> ()
    "tpu.region"() ({
      %run_scoped3A = tpu.sem_alloc : memref<!tpu.dma_semaphore, #tpu.memory_space<semaphore_mem>>
      %dma_start3A_462 = tpu.memref_slice %arg10[%mul3A_0] : memref<200192xf32, #tpu.memory_space<hbm>> -> memref<6256xf32, #tpu.memory_space<hbm>>
      %dma_start3A_463 = tpu.memref_slice %arg10[%mul3A_0] : memref<200192xf32, #tpu.memory_space<hbm>> -> memref<6256xf32, #tpu.memory_space<hbm>>
      tpu.enqueue_dma source(%dma_start3A_463 : memref<6256xf32, #tpu.memory_space<hbm>>) target(%arg14 : memref<6256xf32, #tpu.memory_space<vmem>>) target_semaphore(%run_scoped3A : memref<!tpu.dma_semaphore, #tpu.memory_space<semaphore_mem>>)
      %dma_wait3A_464 = tpu.memref_slice %arg10[%mul3A_0] : memref<200192xf32, #tpu.memory_space<hbm>> -> memref<6256xf32, #tpu.memory_space<hbm>>
      %dma_wait3A_465 = tpu.memref_slice %arg10[%mul3A_0] : memref<200192xf32, #tpu.memory_space<hbm>> -> memref<6256xf32, #tpu.memory_space<hbm>>
      tpu.wait_dma2 semaphore(%run_scoped3A : memref<!tpu.dma_semaphore, #tpu.memory_space<semaphore_mem>>) src(%dma_wait3A_465 : memref<6256xf32, #tpu.memory_space<hbm>>) dst(%arg14 : memref<6256xf32, #tpu.memory_space<vmem>>)
      tpu.yield
    }) : () -> ()
    %scan3A_443 = arith.constant 0 : i32
    %scan3A_444 = arith.constant 391 : i32
    %scan3A_445 = arith.addi %scan3A_443, %scan3A_444 : i32
    %scan3A_446 = arith.constant 1 : i32
    scf.for %scan3A_462 = %scan3A_443 to %scan3A_445 step %scan3A_446  : i32 {
      %mul3A_463 = arith.constant 16 : i32
      %mul3A_464 = arith.muli %scan3A_462, %mul3A_463 : i32
      %add3A_465 = arith.constant 0 : i32
      %add3A_466 = arith.addi %add3A_465, %mul3A_464 : i32
      %add3A_467 = arith.addi %mul3A_0, %add3A_466 : i32
      %get3A_468 = arith.index_cast %add3A_467 : i32 to index
      %get3A_469 = tpu.vector_load %arg13[%get3A_468] {strides = array<i32>} : memref<100096xf32, #tpu.memory_space<vmem>>, vector<16xf32>,
      %get3A_470 = arith.index_cast %add3A_466 : i32 to index
      %get3A_471 = tpu.vector_load %arg14[%get3A_470] {strides = array<i32>} : memref<6256xf32, #tpu.memory_space<vmem>>, vector<16xf32>,
      %add3A_472 = arith.addf %get3A_469, %get3A_471 : vector<16xf32>
      %swap3A = arith.index_cast %add3A_467 : i32 to index
      %swap3A_473 = tpu.vector_load %arg13[%swap3A] {strides = array<i32>} : memref<100096xf32, #tpu.memory_space<vmem>>, vector<16xf32>,
      tpu.vector_store %arg13[%swap3A], %add3A_472 {strides = array<i32>} : memref<100096xf32, #tpu.memory_space<vmem>>, vector<16xf32>,
    }
    %scan3A_447 = arith.constant 391 : i32
    %add3A_448 = arith.constant 100096 : i32
    %add3A_449 = arith.addi %add3A_448, %mul3A_0 : i32
    "tpu.region"() ({
      %run_scoped3A = tpu.sem_alloc : memref<!tpu.dma_semaphore, #tpu.memory_space<semaphore_mem>>
      %dma_start3A_462 = tpu.memref_slice %arg10[%add3A_449] : memref<200192xf32, #tpu.memory_space<hbm>> -> memref<6256xf32, #tpu.memory_space<hbm>>
      %dma_start3A_463 = tpu.memref_slice %arg10[%add3A_449] : memref<200192xf32, #tpu.memory_space<hbm>> -> memref<6256xf32, #tpu.memory_space<hbm>>
      tpu.enqueue_dma source(%dma_start3A_463 : memref<6256xf32, #tpu.memory_space<hbm>>) target(%arg14 : memref<6256xf32, #tpu.memory_space<vmem>>) target_semaphore(%run_scoped3A : memref<!tpu.dma_semaphore, #tpu.memory_space<semaphore_mem>>)
      %dma_wait3A_464 = tpu.memref_slice %arg10[%add3A_449] : memref<200192xf32, #tpu.memory_space<hbm>> -> memref<6256xf32, #tpu.memory_space<hbm>>
      %dma_wait3A_465 = tpu.memref_slice %arg10[%add3A_449] : memref<200192xf32, #tpu.memory_space<hbm>> -> memref<6256xf32, #tpu.memory_space<hbm>>
      tpu.wait_dma2 semaphore(%run_scoped3A : memref<!tpu.dma_semaphore, #tpu.memory_space<semaphore_mem>>) src(%dma_wait3A_465 : memref<6256xf32, #tpu.memory_space<hbm>>) dst(%arg14 : memref<6256xf32, #tpu.memory_space<vmem>>)
      tpu.yield
    }) : () -> ()
    %get3A_450 = arith.constant 0 : index
    %get3A_451 = tpu.vector_load %arg15[%get3A_450] {strides = array<i32>} : memref<16xf32, #tpu.memory_space<vmem>>, vector<16xf32>,
    %scan3A_452 = arith.constant 0 : i32
    %scan3A_453 = arith.constant 391 : i32
    %scan3A_454 = arith.addi %scan3A_452, %scan3A_453 : i32
    %scan3A_455 = arith.constant 1 : i32
    scf.for %scan3A_462 = %scan3A_452 to %scan3A_454 step %scan3A_455  : i32 {
      %mul3A_463 = arith.constant 16 : i32
      %mul3A_464 = arith.muli %scan3A_462, %mul3A_463 : i32
      %add3A_465 = arith.constant 0 : i32
      %add3A_466 = arith.addi %add3A_465, %mul3A_464 : i32
      %add3A_467 = arith.addi %mul3A_0, %add3A_466 : i32
      %get3A_468 = arith.index_cast %add3A_467 : i32 to index
      %get3A_469 = tpu.vector_load %arg13[%get3A_468] {strides = array<i32>} : memref<100096xf32, #tpu.memory_space<vmem>>, vector<16xf32>,
      %get3A_470 = arith.index_cast %add3A_466 : i32 to index
      %get3A_471 = tpu.vector_load %arg14[%get3A_470] {strides = array<i32>} : memref<6256xf32, #tpu.memory_space<vmem>>, vector<16xf32>,
      %add3A_472 = arith.addf %get3A_469, %get3A_471 : vector<16xf32>
      %mul3A_473 = arith.mulf %add3A_472, %get3A_451 : vector<16xf32>
      %swap3A = arith.index_cast %add3A_467 : i32 to index
      %swap3A_474 = tpu.vector_load %arg13[%swap3A] {strides = array<i32>} : memref<100096xf32, #tpu.memory_space<vmem>>, vector<16xf32>,
      tpu.vector_store %arg13[%swap3A], %mul3A_473 {strides = array<i32>} : memref<100096xf32, #tpu.memory_space<vmem>>, vector<16xf32>,
      %broadcast_in_dim3A = arith.constant 0.000000e+00 : f32
      %broadcast_in_dim3A_475 = vector.broadcast %broadcast_in_dim3A : f32 to vector<16xf32>
      %swap3A_476 = arith.index_cast %add3A_466 : i32 to index
      %swap3A_477 = tpu.vector_load %arg14[%swap3A_476] {strides = array<i32>} : memref<6256xf32, #tpu.memory_space<vmem>>, vector<16xf32>,
      tpu.vector_store %arg14[%swap3A_476], %broadcast_in_dim3A_475 {strides = array<i32>} : memref<6256xf32, #tpu.memory_space<vmem>>, vector<16xf32>,
    }
    %scan3A_456 = arith.constant 391 : i32
    %eq3A_457 = arith.constant 0 : i32
    %eq3A_458 = arith.cmpi eq, %arg0, %eq3A_457 : i32
    %convert_element_type3A_459 = arith.extui %eq3A_458 : i1 to i32
    %cond3A_460 = arith.constant 0 : i32
    %cond3A_461 = arith.cmpi ne, %convert_element_type3A_459, %cond3A_460 : i32
    scf.if %cond3A_461 {
      "tpu.region"() ({
        %run_scoped3A = tpu.sem_alloc : memref<!tpu.dma_semaphore, #tpu.memory_space<semaphore_mem>>
        %dma_start3A_462 = tpu.memref_slice %arg13[%mul3A_0] : memref<100096xf32, #tpu.memory_space<vmem>> -> memref<6256xf32, #tpu.memory_space<vmem>>
        %dma_start3A_463 = tpu.memref_slice %arg7[%mul3A_0] : memref<100096xf32, #tpu.memory_space<hbm>> -> memref<6256xf32, #tpu.memory_space<hbm>>
        %dma_start3A_464 = tpu.memref_slice %arg7[%mul3A_0] : memref<100096xf32, #tpu.memory_space<hbm>> -> memref<6256xf32, #tpu.memory_space<hbm>>
        %dma_start3A_465 = tpu.memref_slice %arg13[%mul3A_0] : memref<100096xf32, #tpu.memory_space<vmem>> -> memref<6256xf32, #tpu.memory_space<vmem>>
        tpu.enqueue_dma source(%dma_start3A_465 : memref<6256xf32, #tpu.memory_space<vmem>>) target(%dma_start3A_464 : memref<6256xf32, #tpu.memory_space<hbm>>) target_semaphore(%run_scoped3A : memref<!tpu.dma_semaphore, #tpu.memory_space<semaphore_mem>>)
        %dma_wait3A_466 = tpu.memref_slice %arg13[%mul3A_0] : memref<100096xf32, #tpu.memory_space<vmem>> -> memref<6256xf32, #tpu.memory_space<vmem>>
        %dma_wait3A_467 = tpu.memref_slice %arg7[%mul3A_0] : memref<100096xf32, #tpu.memory_space<hbm>> -> memref<6256xf32, #tpu.memory_space<hbm>>
        %dma_wait3A_468 = tpu.memref_slice %arg7[%mul3A_0] : memref<100096xf32, #tpu.memory_space<hbm>> -> memref<6256xf32, #tpu.memory_space<hbm>>
        %dma_wait3A_469 = tpu.memref_slice %arg13[%mul3A_0] : memref<100096xf32, #tpu.memory_space<vmem>> -> memref<6256xf32, #tpu.memory_space<vmem>>
        tpu.wait_dma2 semaphore(%run_scoped3A : memref<!tpu.dma_semaphore, #tpu.memory_space<semaphore_mem>>) src(%dma_wait3A_469 : memref<6256xf32, #tpu.memory_space<vmem>>) dst(%dma_wait3A_468 : memref<6256xf32, #tpu.memory_space<hbm>>)
        tpu.yield
      }) : () -> ()
    } else {
    }
    return
  }
}

</mosaic_0001>

<sc_bundles>
// kernel: kernel.3.cloned.1.call-start
scs
__scs_entry_jumppad:
0x0: {  	(pc) =	sbr.rel $0x88, $3  }
0x1: {  	(tag) =	ssettag $0x0;
	lr =	simm.s32 $0x1  }
0x2: {  	[smem:$0x3F9E] =	sst lr;
	_ =	strace $0xD0000000  }
0x3: {  	_ = 	snop  }
0x4: {  	_ = 	snop  }
0x5: {  	_ = 	snop  }
0x6: {  	_ = 	snop  }
0x7: {  	_ = 	snop  }
__scs_overlays_trampoline_lowered:
0x8: {  	[smem:$0x3FAD] =	sst s0  }
0x9: {  	[smem:$0x3FAE] =	sst s1  }
0xa: {  	[smem:$0x3FAF] =	sst s2  }
0xb: {  	[smem:$0x3FB0] =	sst s3  }
0xc: {  	[smem:$0x3FB1] =	sst s4  }
0xd: {  	[smem:$0x3FB2] =	sst s5  }
0xe: {  	[smem:$0x3FB3] =	sst s6  }
0xf: {  	[smem:$0x3FB4] =	sst s7  }
0x10: {  	[smem:$0x3FB5] =	sst s8  }
0x11: {  	[smem:$0x3FB6] =	sst s9;
	s0 =	simm.s32 @!p0 $0x0  }
0x12: {  	s1 =	sld [smem:$0x3F9C];
	s0 =	simm.s32 @p0 $0x1  }
0x13: {  	[smem:$0x3FB7] =	sst s0;
	s0 =	simm.s32 @!p1 $0x0  }
0x14: {  	s2 =	sld [smem:$0x3F9B];
	s0 =	simm.s32 @p1 $0x1  }
0x15: {  	[smem:$0x3FB8] =	sst s0;
	s0 =	simm.s32 @!p2 $0x0  }
0x16: {  	s3 =	sld [smem:$0x3FDB];
	s0 =	simm.s32 @p2 $0x1  }
0x17: {  	s4 =	simm.s32 $0x1BF5;
	[smem:$0x3FBA] =	sst s0  }
0x18: {  	s0 =	sld [smem:$0x3F9D];
	_ =	swait.ge [sflag:s4], $0x0  }
0x19: {  	s7 =	sld [smem:$0x3F9E]  }
0x1a: {  	s8 =	sadd.s32 $0xFFFFE003, lr  }
0x1b: {  	s9 =	sadd.s32 $0xFFFFFEF7, lr;
	s5 =	simm.s32 $0xFFFFFFFF;
	p2 =	slt.u32 s8, $0xFFFFF086  }
0x1c: {  	p1 =	slt.u32 s9, $0xF7A;
	s5 =	simm.s32 @!p2 $0x0  }
0x1d: {  	s5 =	simm.s32 @p1 $0x1;
	p0 =	seq.s32 s7, s2  }
0x1e: {  	s7 =	smul.u32 @!p0 $0xF7A, s2;
	p2 =	seq.s32 @!p0 s5, $0x0  }
0x1f: {  	s9 =	smul.u32 $0xF7A, s1;
	s8 =	simm.s32 @!p0 $0x1BF5;
	p2 =	por !p2, p0  }
0x20: {  	[sflag:s8] =	ssyncset.s32 @!p0 $0xFFFFF086;
	s6 =	sadd.s32 @!p0 s3, s7;
	s7 =	simm.s32 @!p0 $0x108  }
0x21: {  	s3 =	sadd.s32 s3, s9;
	s6 =	sadd.s32 @!p0 $0x88, s6;
	s7 =	simm.s32 @p2 $0x1082  }
0x22: {  	[simem:s7], [sflag:s8] =	dma.local @!p0 [hbm:s6], $0xF7A  }
0x23: {  	s9 =	sor.u32 $0xD0000000, s2;
	s6 =	simm.s32 $0x108;
	_ =	swait.ge @!p0 [sflag:s8], $0x0  }
0x24: {  	s3 =	sadd.s32 $0x88, s3;
	s6 =	simm.s32 @!p1 $0x1082;
	[sflag:s4] =	ssyncset.s32 $0xFFFFF086  }
0x25: {  	[simem:s6], [sflag:s4] =	dma.local [hbm:s3], $0xF7A  }
0x26: {  	[smem:$0x3F9E] =	sst s1;
	(tag) =	ssettag s2;
	_ =	strace s9  }
0x27: {  	s1 =	sld [smem:$0x3FAE]  }
0x28: {  	s2 =	sld [smem:$0x3FAF]  }
0x29: {  	s4 =	sld [smem:$0x3FB1]  }
0x2a: {  	p0 =	seq.s32 s5, $0x0;
	s5 =	sld [smem:$0x3FB2]  }
0x2b: {  	s6 =	sld [smem:$0x3FB3]  }
0x2c: {  	s7 =	sld [smem:$0x3FB4]  }
0x2d: {  	s3 =	simm.s32 $0x108;
	s8 =	sld [smem:$0x3FB5]  }
0x2e: {  	s3 =	simm.s32 @!p0 $0x1082;
	s9 =	sld [smem:$0x3FB6]  }
0x2f: {  	lr =	sadd.s32 s0, s3;
	s0 =	sld [smem:$0x3FAD]  }
0x30: {  	s3 =	sld [smem:$0x3FB0]  }
0x31: {  	[smem:$0x3FB9] =	sst s10  }
0x32: {  	s10 =	sld [smem:$0x3FB7];
	_ =	sdelay $0x3  }
0x33: {  	p0 =	seq.s32 s10, $0x1;
	s10 =	sld [smem:$0x3FB9];
	_ =	sdelay $0x3  }
0x34: {  	[smem:$0x3FB9] =	sst s10  }
0x35: {  	s10 =	sld [smem:$0x3FB8];
	_ =	sdelay $0x3  }
0x36: {  	p1 =	seq.s32 s10, $0x1;
	s10 =	sld [smem:$0x3FB9];
	_ =	sdelay $0x3  }
0x37: {  	[smem:$0x3FB9] =	sst s10  }
0x38: {  	s10 =	sld [smem:$0x3FBA]  }
0x39: {  	_ = 	snop;
	(pc) =	sbr.ind lr, $3  }
0x3a: {  	_ = 	snop  }
0x3b: {  	_ = 	snop  }
0x3c: {  	p2 =	seq.s32 s10, $0x1;
	s10 =	sld [smem:$0x3FB9]  }
0x3d: {  	_ =	shalt  }
0x3e: {  	_ =	shalt  }
0x3f: {  	_ =	shalt  }
0x40: {  	_ =	shalt  }
0x41: {  	_ =	shalt  }
0x42: {  	_ =	shalt  }
0x43: {  	_ =	shalt  }
0x44: {  	_ =	shalt  }
0x45: {  	_ =	shalt  }
0x46: {  	_ =	shalt  }
0x47: {  	_ =	shalt  }
0x48: {  	_ =	shalt  }
0x49: {  	_ =	shalt  }
0x4a: {  	_ =	shalt  }
0x4b: {  	_ =	shalt  }
0x4c: {  	_ =	shalt  }
0x4d: {  	_ =	shalt  }
0x4e: {  	_ =	shalt  }
0x4f: {  	_ =	shalt  }
0x50: {  	_ =	shalt  }
0x51: {  	_ =	shalt  }
0x52: {  	_ =	shalt  }
0x53: {  	_ =	shalt  }
0x54: {  	_ =	shalt  }
0x55: {  	_ =	shalt  }
0x56: {  	_ =	shalt  }
0x57: {  	_ =	shalt  }
0x58: {  	_ =	shalt  }
0x59: {  	_ =	shalt  }
0x5a: {  	_ =	shalt  }
0x5b: {  	_ =	shalt  }
0x5c: {  	_ =	shalt  }
0x5d: {  	_ =	shalt  }
0x5e: {  	_ =	shalt  }
0x5f: {  	_ =	shalt  }
0x60: {  	_ =	shalt  }
0x61: {  	_ =	shalt  }
0x62: {  	_ =	shalt  }
0x63: {  	_ =	shalt  }
0x64: {  	_ =	shalt  }
0x65: {  	_ =	shalt  }
0x66: {  	_ =	shalt  }
0x67: {  	_ =	shalt  }
0x68: {  	_ =	shalt  }
0x69: {  	_ =	shalt  }
0x6a: {  	_ =	shalt  }
0x6b: {  	_ =	shalt  }
0x6c: {  	_ =	shalt  }
0x6d: {  	_ =	shalt  }
0x6e: {  	_ =	shalt  }
0x6f: {  	_ =	shalt  }
0x70: {  	_ =	shalt  }
0x71: {  	_ =	shalt  }
0x72: {  	_ =	shalt  }
0x73: {  	_ =	shalt  }
0x74: {  	_ =	shalt  }
0x75: {  	_ =	shalt  }
0x76: {  	_ =	shalt  }
0x77: {  	_ =	shalt  }
0x78: {  	_ =	shalt  }
0x79: {  	_ =	shalt  }
0x7a: {  	_ =	shalt  }
0x7b: {  	_ =	shalt  }
0x7c: {  	_ =	shalt  }
0x7d: {  	_ =	shalt  }
0x7e: {  	_ =	shalt  }
0x7f: {  	_ =	shalt  }
0x80: {  	_ =	shalt  }
0x81: {  	_ =	shalt  }
0x82: {  	_ =	shalt  }
0x83: {  	_ =	shalt  }
0x84: {  	_ =	shalt  }
0x85: {  	_ =	shalt  }
0x86: {  	_ =	shalt  }
0x87: {  	_ =	shalt  }
.Lfunc_end0:
.L_simem_size_0:
called_computation_lowered:
.L_overlay_start_0:
0x88: {  	s2 =	sld [smem:$0x3FD9]  }
0x89: {  	s3 =	sld [smem:$0x3FFE];
	_ =	sdelay $0x1  }
0x8a: {  	s1 =	srdreg.scid  }
0x8b: {  	s0 =	sand.u32 $0x1, s1  }
0x8c: {  	s17 =	sshll.u32 s0, $0xA;
	s2 =	sadd.s32 s3, s2  }
0x8d: {  	s2 =	sadd.s32 s2, s17  }
0x8e: {  	[smem:$0x3FC5] =	sst s2  }
0x8f: {  	_ = 	snop  }
0x90: {  	s2 =	sld [smem:$0x3FD0];
	(tm) =	ssettm $0x1  }
0x91: {  	s18 =	sld [smem:$0x3FFB];
	_ =	sdelay $0x3  }
0x92: {  	_ =	strace s18  }
0x93: {  	s3 =	sld [smem:$0x3FFC];
	_ =	sdelay $0x3  }
0x94: {  	_ =	strace s3  }
0x95: {  	s3 =	sld [smem:$0x3FFD];
	_ =	sdelay $0x3  }
0x96: {  	_ =	strace s3  }
0x97: {  	_ =	strace $0x8FFFFFFF  }
0x98: {  	s19 =	sld [smem:$0x3FDB];
	_ =	sdelay $0x1  }
0x99: {  	s4 =	simm.s32 $_scs_section_size  }
0x9a: {  	s5 =	simm.s32 $_size__tile_overlayer_lowered;
	s6 =	simm.s32 $_tile_overlayer_lowered  }
0x9b: {  	s22 =	simm.s32 $0x1BFF;
	s21 =	sshll.u32 s6, $0x1;
	s3 =	sadd.s32 s4, s19  }
0x9c: {  	s7 =	simm.s32 $0x0;
	s20 =	sshll.u32 s5, $0x1;
	s5 =	sadd.s32 s21, s3  }
0x9d: {  	[timem:s7], [sflag:s22] =	dma.local [hbm:s5], s20  }
0x9e: {  	_ =	swait.ge [sflag:s22], s20  }
0x9f: {  	s4 =	ssub.s32 $0x0, s20;
	[sflag:s22] =	ssyncset.done $0x0  }
0xa0: {  	[sflag:s22] =	ssyncadd.s32 s4;
	_ =	sdelay $0x1  }
0xa1: {  	s23 =	simm.s32 $0x1B8B  }
0xa2: {  	_ =	swait.ge [sflag:s23], $0x1  }
0xa3: {  	[sflag:s23] =	ssyncset.done $0x0  }
0xa4: {  	s25 =	simm.s32 $0x1B8E;
	s24 =	sld [smem:$0x3FFE];
	[sflag:s23] =	ssyncadd.s32 $0xFFFFFFFF  }
0xa5: {  	s26 =	simm.s32 $execute0_lowered;
	[smem:$0x3FD2] =	sst s25  }
0xa6: {  	s5 =	sshll.u32 s26, $0x1;
	_ =	strace $0x80000046;
	[dreg:$0x1] =	wrdreg $0xFFFFFFFF  }
0xa7: {  	s28 =	simm.s32 $_size_execute0_lowered;
	s3 =	sadd.s32 s3, s5;
	[dreg:$0x0] =	wrdreg $0x0  }
0xa8: {  	s5 =	sshll.u32 s28, $0x1;
	[dreg:$0x2] =	wrdreg s3  }
0xa9: {  	[dreg:$0x3] =	wrdreg s5  }
0xaa: {  	[dreg:$0x4] =	wrdreg $0xC0  }
0xab: {  	_ =	task [dreg:s7], $0x5FFFF  }
0xac: {  	[dreg:$0x1] =	wrdreg $0xFFFFFFFF  }
0xad: {  	[dreg:$0x0] =	wrdreg $0x60  }
0xae: {  	[dreg:$0x2] =	wrdreg s24  }
0xaf: {  	[dreg:$0x3] =	wrdreg s2  }
0xb0: {  	[dreg:$0x4] =	wrdreg $0x0  }
0xb1: {  	[dreg:$0x5] =	wrdreg $0x9  }
0xb2: {  	_ =	task.clear_ibuf [dreg:s7], $0x6FFFF;
	_ =	strace $0x90000046  }
0xb3: {  	s29 =	simm.s32 $0x9;
	_ =	strace $0x80000048  }
0xb4: {  	_ =	swait.ge [sflag:s29], $0x1  }
0xb5: {  	[sflag:s29] =	ssyncadd.s32 $0xFFFFFFFF  }
0xb6: {  	_ =	strace $0x90000048  }
0xb7: {  	_ =	sfence  }
0xb8: {  	s30 =	sld [smem:$0x0];
	_ =	sdelay $0x2  }
0xb9: {  	s31 =	sshll.u32 s1, $0xD;
	s1 =	sshrl.u32 s1, $0x2  }
0xba: {  	s3 =	sand.u32 $0x4000, s31;
	s1 =	sadd.s32 s1, s30  }
0xbb: {  	s0 =	sor.u32 s3, s0;
	s1 =	sshll.u32 s1, $0x11  }
0xbc: {  	s0 =	sor.u32 s1, s0  }
0xbd: {  	s0 =	sadd.s32 $0x8F2B, s0  }
0xbe: {  	[sflag:s0] =	ssyncadd.remote.s32 $0x1  }
0xbf: {  	_ =	sfence.sel $0xFFFF  }
0xc0: {  	[dreg:$0x0] =	wrdreg $0xFFFFFFFF;
	(pc) =	sbr.abs _section_cstart, $3  }
0xc1: {  	[dreg:$0x1] =	wrdreg $0xFFFFFFFF  }
0xc2: {  	_ =	task.clear_ibuf [dreg:s7], $0x2FFFF;
	_ =	strace $0x9FFFFFFF  }
0xc3: {  	(tm) =	ssettm $0x7FFFFFFF  }
tec
execute0_lowered:
.L_overlay_start_1:
0x0: {  	(tag) =	ssettag $0x1  }
0x1: {  	s1 =	rddreg [dreg:$0x0]  }
0x2: {  	s20 =	rddreg [dreg:$0x1]  }
0x3: {  	s2 =	rddreg [dreg:$0x2]  }
0x4: {  	s3 =	simm.s32 $0x0;
	s4 =	stileid.u32;
	s7 =	srdreg.scid  }
0x5: {  	[smem:$0x7FF] =	sst s3;
	s0 =	smul.u32 $0x1870, s4;
	s5 =	sadd.s32 $0x187800, s1  }
0x6: {  	s31 =	simm.s32 $0x8;
	s8 =	sadd.s32 $0x18AA00, s1;
	s9 =	sadd.s32 $0x190C00, s1  }
0x7: {  	s7 =	sand.u32 $0x1, s7;
	s10 =	sadd.s32 $0x196E00, s1;
	s13 =	sadd.s32 $0x19D000, s1  }
0x8: {  	p0 =	sne.s32 s4, $0x0;
	_ =	strace $0x80000047;
	[dreg:$0x4] =	wrdreg s5  }
0x9: {  	s5 =	sadd.s32 $0xA00, s1;
	s11 =	ssub.s32 $0x2, s7;
	s12 =	smul.u32 $0x18700, s7  }
0xa: {  	s15 =	sshll.u32 s7, $0x4;
	s17 =	smul.u32 $0x6, s7;
	s18 =	sxor.u32 $0x1, s7  }
0xb: {  	s25 =	smul.u32 $0x30, s7;
	p1 =	sne.s32 s7, $0x0;
	s6 =	sshrl.u32 s0, $0x3  }
0xc: {  	s14 =	sshrl.u32 s11, $0x1;
	s15 =	sor.u32 s4, s15;
	s19 =	smul.u32 $0x6, s18  }
0xd: {  	s18 =	smul.u32 $0x30, s18;
	s4 =	simm.s32 $0x6;
	s16 =	sadd.s32 s0, s12  }
0xe: {  	s11 =	ssub.s32 s11, s14;
	s14 =	smul.u32 $0x30D40, s15;
	s23 =	sadd.s32 s5, s17  }
0xf: {  	s17 =	sadd.s32 $0x30E0, s6;
	s12 =	sshrl.u32 s12, $0x3;
	s26 =	sadd.s32 s8, s6  }
0x10: {  	s15 =	sadd.s32 s10, s6;
	s16 =	sshrl.u32 s16, $0x3;
	[dreg:$0x6] =	wrdreg s23  }
0x11: {  	s24 =	sadd.s32 s5, s19;
	[dreg:$0x8] =	wrdreg s26;
	s21 =	sadd.s32 s13, s12  }
0x12: {  	s23 =	sshrl.u32 s25, $0x3;
	s26 =	sadd.s32 s9, s6;
	[dreg:$0x11] =	wrdreg s15  }
0x13: {  	s19 =	sadd.s32 $0xC00, s1;
	s15 =	sadd.s32 $0x1870, s0;
	[dreg:$0x7] =	wrdreg s24  }
0x14: {  	s22 =	sadd.s32 s8, s16;
	s8 =	sadd.s32 s8, s17;
	[dreg:$0xa] =	wrdreg s21  }
0x15: {  	s24 =	sshrl.u32 s18, $0x3;
	s25 =	sadd.s32 s9, s16;
	[dreg:$0xd] =	wrdreg s26  }
0x16: {  	s9 =	sadd.s32 s9, s17;
	s12 =	sadd.s32 s10, s16;
	[dreg:$0x1d] =	wrdreg s15  }
0x17: {  	s21 =	sshrl.u32 s14, $0x3;
	s18 =	sadd.s32 $0xC4200, s1;
	[dreg:$0x5] =	wrdreg s22  }
0x18: {  	s28 =	sadd.s32 $0x1F40, s14;
	s29 =	sadd.s32 $0x2580, s14;
	[dreg:$0x9] =	wrdreg s8  }
0x19: {  	s30 =	sadd.s32 $0x2BC0, s14;
	s22 =	sadd.s32 s13, s16;
	[dreg:$0xc] =	wrdreg s25  }
0x1a: {  	s8 =	sadd.s32 s5, s23;
	s5 =	sadd.s32 s5, s24;
	[dreg:$0xe] =	wrdreg s9  }
0x1b: {  	[dreg:$0xf] =	wrdreg s12;
	s13 =	sadd.s32 s10, s17;
	s16 =	sadd.s32 s6, s1  }
0x1c: {  	s24 =	sadd.s32 $0x190, s21;
	s26 =	sadd.s32 $0x258, s21;
	[dreg:$0xb] =	wrdreg s22  }
0x1d: {  	s10 =	sadd.s32 s18, s21;
	s12 =	sadd.s32 s19, s21;
	[dreg:$0x10] =	wrdreg s13  }
0x1e: {  	s22 =	sadd.s32 $0xC8, s21;
	s25 =	sadd.s32 s18, s24;
	[dreg:$0x18] =	wrdreg s10  }
0x1f: {  	s9 =	sadd.s32 s18, s26;
	[dreg:$0x19] =	wrdreg s12;
	s13 =	sadd.s32 $0x60E0, s21  }
0x20: {  	s17 =	sadd.s32 $0x2, s8;
	s21 =	sadd.s32 $0x4, s8;
	[dreg:$0x14] =	wrdreg s25  }
0x21: {  	s12 =	sadd.s32 $0x2, s5;
	s8 =	simm.s32 $0x1870;
	[dreg:$0x16] =	wrdreg s9  }
0x22: {  	s10 =	simm.s32 $0x1D970;
	s23 =	sadd.s32 s18, s22;
	[dreg:$0x1e] =	wrdreg s17  }
0x23: {  	s1 =	sadd.s32 s19, s22;
	s6 =	sadd.s32 s18, s13;
	[dreg:$0x1f] =	wrdreg s21  }
0x24: {  	s22 =	sadd.s32 $0x1A3200, s16;
	s25 =	sadd.s32 $0x4, s20;
	[dreg:$0x12] =	wrdreg s23  }
0x25: {  	s16 =	simm.s32 $0x1D2F0;
	s21 =	simm.s32 $0x1ECF0;
	[dreg:$0x13] =	wrdreg s1  }
0x26: {  	s9 =	simm.s32 $0x1;
	s17 =	simm.s32 $0x0;
	[dreg:$0x1a] =	wrdreg s6  }
0x27: {  	s1 =	sadd.s32 s19, s24;
	[smem:$0x7FA] =	sst s22;
	s23 =	smax.u32 s11, $0x1  }
0x28: {  	s24 =	sadd.s32 $0x2, s20;
	[smem:$0x7FD] =	sst s25;
	s22 =	simm.s32 $0x19F70  }
0x29: {  	s11 =	simm.s32 $0x2;
	s20 =	simm.s32 $0x640;
	s25 =	simm.s32 $0x1F370  }
0x2a: {  	s6 =	simm.s32 $0x5;
	[dreg:$0x15] =	wrdreg s1;
	s1 =	sadd.s32 s19, s26  }
0x2b: {  	v2 =	vmov s15;
	s26 =	sadd.s32 $0x1900, s14;
	s14 =	sadd.s32 s0, s2;
	[smem:$0x7FB] =	sst s23  }
0x2c: {  	[smem:$0x7FC] =	sst s24;
	s23 =	simm.s32 $0x1DFF0;
	s24 =	simm.s32 $0x3  }
0x2d: {  	s0 =	simm.s32 $0x1E670;
	[dreg:$0x17] =	wrdreg s1;
	s1 =	sadd.s32 s19, s13  }
0x2e: {  	[dreg:$0x1c] =	wrdreg s14;
	s13 =	sadd.s32 $0x4, s5;
	s5 =	simm.s32 $0x7  }
0x2f: {  	v0 =	vimm.f32 $0.0e+00;
	v1 =	vimm.s32 $0x0;
	s14 =	simm.s32 $0x1B870;
	[dreg:$0x1b] =	wrdreg s1;
	s1 =	simm.s32 $0x4  }
.LBB2_1:
0x30: {  	[smem:$0x7F9] =	sst s17  }
0x31: {  	s7 =	rddreg [dreg:$0x4]  }
0x32: {  	[tilespmem:s8], [sflag:$0x8] =	stream.linear.gather [hbm4b:s7+s3], $0x18700, $0x38;
	[tilespmem:$0x1F9F0] =	vst v63  }
0x33: {  	_ =	swait.ge [sflag:s31], $0x18700  }
0x34: {  	[sflag:s31] =	ssyncset.done $0x0  }
0x35: {  	s15 =	simm.s32 $0x0;
	s7 =	simm.s32 $0x40;
	[sflag:s31] =	ssyncadd.s32 $0xFFFE7900  }
.LBB2_2:
0x36: {  	p2 =	sne.s32 s7, $0x6180;
	[tilespmem:s15+$0x19F70] =	vst v0;
	s15 =	smov.u32 s7;
	s7 =	sadd.s32 $0x40, s7  }
.Ltmp0:
0x37: {  	(pc) =	sbr.rel @p2 .LBB2_2-.Ltmp0, $2  }
0x38: {  	_ =	sdelay $0x2  }
0x39: {  	s15 =	sshra.s32 s15, $0x2  }
0x3a: {  	[tilespmem:s15+$0x19F70] =	vst v0;
	s7 =	rddreg [dreg:$0x1c]  }
0x3b: {  	[spmem:s7] =	stream.linear.scatter [tilespmem:s22], [sflag:$0x8], $0x1870, $0x38;
	[tilespmem:$0x1F9F0] =	vst v63  }
0x3c: {  	_ =	swait.ge [sflag:s31], $0x1870  }
0x3d: {  	[sflag:s31] =	ssyncset.done $0x0  }
0x3e: {  	[sflag:s31] =	ssyncadd.s32 $0xFFFFE790  }
0x3f: {  	[bflag:$0x0] =	sbarrier.arrive $0xFFFF  }
0x40: {  	s31 =	simm.s32 $0x1B8F0;
	s22 =	rddreg [dreg:$0x18]  }
0x41: {  	[tilespmem:s31], [sflag:$0x2] =	stream.linear.gather [hbm4b:s22+s3], $0x640, $0x38;
	[tilespmem:$0x1F9F0] =	vst v63  }
0x42: {  	s17 =	rddreg [dreg:$0x19]  }
0x43: {  	[tilespmem:s16], [sflag:$0x2] =	stream.linear.gather [hbm4b:s17+s3], $0x640, $0x38;
	[tilespmem:$0x1F9F0] =	vst v63  }
0x44: {  	s22 =	rddreg [dreg:$0x12];
	s31 =	simm.s32 $0x1BF70  }
0x45: {  	[tilespmem:s31], [sflag:$0x3] =	stream.linear.gather [hbm4b:s22+s3], $0x640, $0x38;
	[tilespmem:$0x1F9F0] =	vst v63  }
0x46: {  	s17 =	rddreg [dreg:$0x13]  }
0x47: {  	[tilespmem:s10], [sflag:$0x3] =	stream.linear.gather [hbm4b:s17+s3], $0x640, $0x38;
	[tilespmem:$0x1F9F0] =	vst v63  }
0x48: {  	_ =	swait.ge [sflag:s11], $0x640  }
0x49: {  	[sflag:s11] =	ssyncset.done $0x0  }
0x4a: {  	[sflag:s11] =	ssyncadd.s32 $0xFFFFF9C0  }
0x4b: {  	_ =	swait.ge [sflag:s11], $0x640  }
0x4c: {  	[sflag:s11] =	ssyncset.done $0x0  }
0x4d: {  	s22 =	simm.s32 $0x1B910;
	[sflag:s11] =	ssyncadd.s32 $0xFFFFF9C0  }
0x4e: {  	v3 =	vld [tilespmem:s22+$0x10];
	_ =	sdelay $0x1  }
0x4f: {  	v5 =	vld [tilespmem:s22+$0xFFFFFFE0]  }
0x50: {  	v6 =	vld [tilespmem:s22+$0xFFFFFFF0]  }
0x51: {  	s31 =	simm.s32 $0x1B950;
	v7 =	vld [tilespmem:s22+$0x0]  }
0x52: {  	v10 =	vld [tilespmem:s31+$0x10]  }
0x53: {  	v4 =	vld [tilespmem:s31+$0xFFFFFFF0]  }
0x54: {  	v9 =	vld [tilespmem:s31+$0xFFFFFFE0]  }
0x55: {  	v11 =	vld.idx.msk [tilespmem:v3+s8+$0x0], $0xffff  }
0x56: {  	v3 =	vld [tilespmem:s31+$0x0]  }
0x57: {  	v8 =	vld.idx.msk [tilespmem:v5+s8+$0x0], $0xffff  }
0x58: {  	v5 =	vld.idx.msk [tilespmem:v6+s8+$0x0], $0xffff  }
0x59: {  	s17 =	simm.s32 $0x1ED10;
	v6 =	vld.idx.msk [tilespmem:v7+s8+$0x0], $0xffff  }
0x5a: {  	s15 =	simm.s32 $0x1B990;
	s22 =	simm.s32 $0x40;
	v7 =	vld.idx.msk [tilespmem:v10+s8+$0x0], $0xffff;
	[tilespmem:s17+$0x10] =	vst v11  }
.LBB2_4:
0x5b: {  	v10 =	vld [tilespmem:s15+$0x10];
	s22 =	sadd.s32 $0x40, s22  }
0x5c: {  	v11 =	vld [tilespmem:s15+$0xFFFFFFF0];
	p2 =	slt.u32 s22, $0x600;
	[tilespmem:s17+$0xFFFFFFE0] =	vst v8  }
0x5d: {  	v12 =	vld [tilespmem:s15+$0x0];
	[tilespmem:s17+$0xFFFFFFF0] =	vst v5  }
0x5e: {  	v13 =	vld [tilespmem:s15+$0xFFFFFFE0];
	[tilespmem:s17+$0x0] =	vst v6  }
.Ltmp1:
0x5f: {  	s17 =	sadd.s32 $0x40, s17;
	v8 =	vld.idx.msk [tilespmem:v9+s8+$0x0], $0xffff;
	(pc) =	sbr.rel @p2 .LBB2_4-.Ltmp1, $4  }
0x60: {  	v5 =	vld.idx.msk [tilespmem:v4+s8+$0x0], $0xffff;
	[tilespmem:s17+$0x10] =	vst v7  }
0x61: {  	v6 =	vld.idx.msk [tilespmem:v3+s8+$0x0], $0xffff;
	v4 =	vmov v11  }
0x62: {  	v3 =	vmov v12  }
0x63: {  	s15 =	sadd.s32 $0x40, s15;
	v7 =	vld.idx.msk [tilespmem:v10+s8+$0x0], $0xffff;
	v9 =	vmov v13  }
0x64: {  	_ =	sdelay $0x3  }
0x65: {  	v9 =	vld.idx.msk [tilespmem:v9+s8+$0x0], $0xffff  }
0x66: {  	[tilespmem:s17+$0xFFFFFFE0] =	vst v8;
	v4 =	vld.idx.msk [tilespmem:v4+s8+$0x0], $0xffff  }
0x67: {  	v3 =	vld.idx.msk [tilespmem:v3+s8+$0x0], $0xffff;
	[tilespmem:s17+$0xFFFFFFF0] =	vst v5  }
0x68: {  	s7 =	sadd.s32 $0x40, s17;
	[tilespmem:s17+$0x0] =	vst v6  }
0x69: {  	[tilespmem:s7+$0x10] =	vst v7  }
0x6a: {  	[tilespmem:s7+$0xFFFFFFE0] =	vst v9  }
0x6b: {  	[tilespmem:s7+$0xFFFFFFF0] =	vst v4  }
0x6c: {  	[tilespmem:s7+$0x0] =	vst v3  }
0x6d: {  	[spmem:s2] =	stream.indirect.scatter.add.f32 [tilespmem:s21], [sflag:$0x6], $0x1, s16, s20, $0xb8;
	[tilespmem:$0x1F9F0] =	vst v63  }
0x6e: {  	s15 =	simm.s32 $0x1C5F0;
	s7 =	rddreg [dreg:$0x14]  }
0x6f: {  	[tilespmem:s15], [sflag:$0x4] =	stream.linear.gather [hbm4b:s7+s3], $0x640, $0x38;
	[tilespmem:$0x1F9F0] =	vst v63  }
0x70: {  	s17 =	rddreg [dreg:$0x15]  }
0x71: {  	[tilespmem:s23], [sflag:$0x4] =	stream.linear.gather [hbm4b:s17+s3], $0x640, $0x38;
	[tilespmem:$0x1F9F0] =	vst v63  }
0x72: {  	_ =	swait.ge [sflag:s24], $0x640  }
0x73: {  	[sflag:s24] =	ssyncset.done $0x0  }
0x74: {  	[sflag:s24] =	ssyncadd.s32 $0xFFFFF9C0  }
0x75: {  	_ =	swait.ge [sflag:s24], $0x640  }
0x76: {  	[sflag:s24] =	ssyncset.done $0x0  }
0x77: {  	s22 =	simm.s32 $0x1BF90;
	[sflag:s24] =	ssyncadd.s32 $0xFFFFF9C0  }
0x78: {  	v3 =	vld [tilespmem:s22+$0x10];
	_ =	sdelay $0x1  }
0x79: {  	v5 =	vld [tilespmem:s22+$0xFFFFFFE0]  }
0x7a: {  	v6 =	vld [tilespmem:s22+$0xFFFFFFF0]  }
0x7b: {  	s31 =	simm.s32 $0x1BFD0;
	v7 =	vld [tilespmem:s22+$0x0]  }
0x7c: {  	v10 =	vld [tilespmem:s31+$0x10]  }
0x7d: {  	v4 =	vld [tilespmem:s31+$0xFFFFFFF0]  }
0x7e: {  	v9 =	vld [tilespmem:s31+$0xFFFFFFE0]  }
0x7f: {  	v11 =	vld.idx.msk [tilespmem:v3+s8+$0x0], $0xffff  }
0x80: {  	v3 =	vld [tilespmem:s31+$0x0]  }
0x81: {  	v8 =	vld.idx.msk [tilespmem:v5+s8+$0x0], $0xffff  }
0x82: {  	v5 =	vld.idx.msk [tilespmem:v6+s8+$0x0], $0xffff  }
0x83: {  	s17 =	simm.s32 $0x1F390;
	v6 =	vld.idx.msk [tilespmem:v7+s8+$0x0], $0xffff  }
0x84: {  	s15 =	simm.s32 $0x1C010;
	s22 =	simm.s32 $0x40;
	v7 =	vld.idx.msk [tilespmem:v10+s8+$0x0], $0xffff;
	[tilespmem:s17+$0x10] =	vst v11  }
.LBB2_6:
0x85: {  	v10 =	vld [tilespmem:s15+$0x10];
	s22 =	sadd.s32 $0x40, s22  }
0x86: {  	v11 =	vld [tilespmem:s15+$0xFFFFFFF0];
	p2 =	slt.u32 s22, $0x600;
	[tilespmem:s17+$0xFFFFFFE0] =	vst v8  }
0x87: {  	v12 =	vld [tilespmem:s15+$0x0];
	[tilespmem:s17+$0xFFFFFFF0] =	vst v5  }
0x88: {  	v13 =	vld [tilespmem:s15+$0xFFFFFFE0];
	[tilespmem:s17+$0x0] =	vst v6  }
.Ltmp2:
0x89: {  	s17 =	sadd.s32 $0x40, s17;
	v8 =	vld.idx.msk [tilespmem:v9+s8+$0x0], $0xffff;
	(pc) =	sbr.rel @p2 .LBB2_6-.Ltmp2, $4  }
0x8a: {  	v5 =	vld.idx.msk [tilespmem:v4+s8+$0x0], $0xffff;
	[tilespmem:s17+$0x10] =	vst v7  }
0x8b: {  	v6 =	vld.idx.msk [tilespmem:v3+s8+$0x0], $0xffff;
	v4 =	vmov v11  }
0x8c: {  	v3 =	vmov v12  }
0x8d: {  	s15 =	sadd.s32 $0x40, s15;
	v7 =	vld.idx.msk [tilespmem:v10+s8+$0x0], $0xffff;
	v9 =	vmov v13  }
0x8e: {  	_ =	sdelay $0x3  }
0x8f: {  	v9 =	vld.idx.msk [tilespmem:v9+s8+$0x0], $0xffff  }
0x90: {  	[tilespmem:s17+$0xFFFFFFE0] =	vst v8;
	v4 =	vld.idx.msk [tilespmem:v4+s8+$0x0], $0xffff  }
0x91: {  	v3 =	vld.idx.msk [tilespmem:v3+s8+$0x0], $0xffff;
	[tilespmem:s17+$0xFFFFFFF0] =	vst v5  }
0x92: {  	s7 =	sadd.s32 $0x40, s17;
	[tilespmem:s17+$0x0] =	vst v6  }
0x93: {  	[tilespmem:s7+$0x10] =	vst v7  }
0x94: {  	[tilespmem:s7+$0xFFFFFFE0] =	vst v9  }
0x95: {  	[tilespmem:s7+$0xFFFFFFF0] =	vst v4  }
0x96: {  	[tilespmem:s7+$0x0] =	vst v3  }
0x97: {  	[spmem:s2] =	stream.indirect.scatter.add.f32 [tilespmem:s25], [sflag:$0x7], $0x1, s10, s20, $0xb8;
	[tilespmem:$0x1F9F0] =	vst v63  }
0x98: {  	s15 =	simm.s32 $0x1CC70;
	s17 =	simm.s32 $0x0;
	s7 =	rddreg [dreg:$0x16]  }
0x99: {  	[tilespmem:s15], [sflag:$0x5] =	stream.linear.gather [hbm4b:s7+s17], $0x640, $0x38;
	[tilespmem:$0x1F9F0] =	vst v63  }
0x9a: {  	s31 =	rddreg [dreg:$0x17]  }
0x9b: {  	[tilespmem:s0], [sflag:$0x5] =	stream.linear.gather [hbm4b:s31+s17], $0x640, $0x38;
	[tilespmem:$0x1F9F0] =	vst v63  }
.LBB2_8:
0x9c: {  	_ =	swait.ge [sflag:s1], $0x640  }
0x9d: {  	[sflag:s1] =	ssyncset.done $0x0  }
0x9e: {  	[sflag:s1] =	ssyncadd.s32 $0xFFFFF9C0  }
0x9f: {  	_ =	swait.ge [sflag:s1], $0x640  }
0xa0: {  	[sflag:s1] =	ssyncset.done $0x0  }
0xa1: {  	[sflag:s1] =	ssyncadd.s32 $0xFFFFF9C0  }
0xa2: {  	_ =	swait.ge [sflag:s4], $0x640  }
0xa3: {  	[sflag:s4] =	ssyncset.done $0x0  }
0xa4: {  	s7 =	simm.s32 $0x1C610;
	[sflag:s4] =	ssyncadd.s32 $0xFFFFF9C0  }
0xa5: {  	v3 =	vld [tilespmem:s7+$0x10];
	_ =	sdelay $0x1  }
0xa6: {  	v5 =	vld [tilespmem:s7+$0xFFFFFFE0]  }
0xa7: {  	v6 =	vld [tilespmem:s7+$0xFFFFFFF0]  }
0xa8: {  	s22 =	simm.s32 $0x1C650;
	v7 =	vld [tilespmem:s7+$0x0]  }
0xa9: {  	v10 =	vld [tilespmem:s22+$0x10]  }
0xaa: {  	v4 =	vld [tilespmem:s22+$0xFFFFFFF0]  }
0xab: {  	v9 =	vld [tilespmem:s22+$0xFFFFFFE0]  }
0xac: {  	v11 =	vld.idx.msk [tilespmem:v3+s8+$0x0], $0xffff  }
0xad: {  	v3 =	vld [tilespmem:s22+$0x0]  }
0xae: {  	v8 =	vld.idx.msk [tilespmem:v5+s8+$0x0], $0xffff  }
0xaf: {  	v5 =	vld.idx.msk [tilespmem:v6+s8+$0x0], $0xffff  }
0xb0: {  	s22 =	simm.s32 $0x1ED10;
	v6 =	vld.idx.msk [tilespmem:v7+s8+$0x0], $0xffff  }
0xb1: {  	s31 =	simm.s32 $0x40;
	s15 =	simm.s32 $0x1C690;
	v7 =	vld.idx.msk [tilespmem:v10+s8+$0x0], $0xffff;
	[tilespmem:s22+$0x10] =	vst v11  }
.LBB2_9:
0xb2: {  	v10 =	vld [tilespmem:s15+$0x10];
	s31 =	sadd.s32 $0x40, s31  }
0xb3: {  	v11 =	vld [tilespmem:s15+$0xFFFFFFF0];
	p2 =	slt.u32 s31, $0x600;
	[tilespmem:s22+$0xFFFFFFE0] =	vst v8  }
0xb4: {  	v12 =	vld [tilespmem:s15+$0x0];
	[tilespmem:s22+$0xFFFFFFF0] =	vst v5  }
0xb5: {  	v13 =	vld [tilespmem:s15+$0xFFFFFFE0];
	[tilespmem:s22+$0x0] =	vst v6  }
.Ltmp3:
0xb6: {  	s22 =	sadd.s32 $0x40, s22;
	v8 =	vld.idx.msk [tilespmem:v9+s8+$0x0], $0xffff;
	(pc) =	sbr.rel @p2 .LBB2_9-.Ltmp3, $4  }
0xb7: {  	v5 =	vld.idx.msk [tilespmem:v4+s8+$0x0], $0xffff;
	[tilespmem:s22+$0x10] =	vst v7  }
0xb8: {  	v6 =	vld.idx.msk [tilespmem:v3+s8+$0x0], $0xffff;
	v4 =	vmov v11  }
0xb9: {  	v3 =	vmov v12  }
0xba: {  	s15 =	sadd.s32 $0x40, s15;
	v7 =	vld.idx.msk [tilespmem:v10+s8+$0x0], $0xffff;
	v9 =	vmov v13  }
0xbb: {  	_ =	sdelay $0x3  }
0xbc: {  	v9 =	vld.idx.msk [tilespmem:v9+s8+$0x0], $0xffff  }
0xbd: {  	[tilespmem:s22+$0xFFFFFFE0] =	vst v8;
	v4 =	vld.idx.msk [tilespmem:v4+s8+$0x0], $0xffff  }
0xbe: {  	v3 =	vld.idx.msk [tilespmem:v3+s8+$0x0], $0xffff;
	[tilespmem:s22+$0xFFFFFFF0] =	vst v5  }
0xbf: {  	s7 =	sadd.s32 $0x40, s22;
	[tilespmem:s22+$0x0] =	vst v6  }
0xc0: {  	s22 =	smul.u32 $0x1900, s17;
	[tilespmem:s7+$0x10] =	vst v7  }
0xc1: {  	[tilespmem:s7+$0xFFFFFFE0] =	vst v9  }
0xc2: {  	s15 =	sadd.s32 s22, s26;
	[tilespmem:s7+$0xFFFFFFF0] =	vst v4  }
0xc3: {  	[tilespmem:s7+$0x0] =	vst v3;
	s7 =	sshrl.u32 s15, $0x3  }
0xc4: {  	[spmem:s2] =	stream.indirect.scatter.add.f32 [tilespmem:s21], [sflag:$0x6], $0x1, s23, s20, $0xb8;
	[tilespmem:$0x1F9F0] =	vst v63  }
0xc5: {  	s31 =	simm.s32 $0x1B8F0;
	s15 =	sadd.s32 s18, s7  }
0xc6: {  	[tilespmem:s31], [sflag:$0x2] =	stream.linear.gather [hbm4b:s15+s3], $0x640, $0x38;
	[tilespmem:$0x1F9F0] =	vst v63  }
0xc7: {  	s7 =	sadd.s32 s19, s7  }
0xc8: {  	[tilespmem:s16], [sflag:$0x2] =	stream.linear.gather [hbm4b:s7+s3], $0x640, $0x38;
	[tilespmem:$0x1F9F0] =	vst v63  }
0xc9: {  	_ =	swait.ge [sflag:s6], $0x640  }
0xca: {  	[sflag:s6] =	ssyncset.done $0x0  }
0xcb: {  	[sflag:s6] =	ssyncadd.s32 $0xFFFFF9C0  }
0xcc: {  	_ =	swait.ge [sflag:s6], $0x640  }
0xcd: {  	[sflag:s6] =	ssyncset.done $0x0  }
0xce: {  	[sflag:s6] =	ssyncadd.s32 $0xFFFFF9C0  }
0xcf: {  	_ =	swait.ge [sflag:s5], $0x640  }
0xd0: {  	[sflag:s5] =	ssyncset.done $0x0  }
0xd1: {  	s15 =	simm.s32 $0x1CC90;
	[sflag:s5] =	ssyncadd.s32 $0xFFFFF9C0  }
0xd2: {  	v3 =	vld [tilespmem:s15+$0x10];
	_ =	sdelay $0x1  }
0xd3: {  	v5 =	vld [tilespmem:s15+$0xFFFFFFE0]  }
0xd4: {  	v6 =	vld [tilespmem:s15+$0xFFFFFFF0]  }
0xd5: {  	v7 =	vld [tilespmem:s15+$0x0];
	s15 =	simm.s32 $0x1CCD0  }
0xd6: {  	v10 =	vld [tilespmem:s15+$0x10]  }
0xd7: {  	v4 =	vld [tilespmem:s15+$0xFFFFFFF0]  }
0xd8: {  	v9 =	vld [tilespmem:s15+$0xFFFFFFE0]  }
0xd9: {  	v11 =	vld.idx.msk [tilespmem:v3+s8+$0x0], $0xffff  }
0xda: {  	v3 =	vld [tilespmem:s15+$0x0]  }
0xdb: {  	v8 =	vld.idx.msk [tilespmem:v5+s8+$0x0], $0xffff  }
0xdc: {  	v5 =	vld.idx.msk [tilespmem:v6+s8+$0x0], $0xffff  }
0xdd: {  	s31 =	simm.s32 $0x1F390;
	v6 =	vld.idx.msk [tilespmem:v7+s8+$0x0], $0xffff  }
0xde: {  	s7 =	simm.s32 $0x1CD10;
	s15 =	simm.s32 $0x40;
	v7 =	vld.idx.msk [tilespmem:v10+s8+$0x0], $0xffff;
	[tilespmem:s31+$0x10] =	vst v11  }
.LBB2_11:
0xdf: {  	v10 =	vld [tilespmem:s7+$0x10];
	s15 =	sadd.s32 $0x40, s15  }
0xe0: {  	v11 =	vld [tilespmem:s7+$0xFFFFFFF0];
	p2 =	slt.u32 s15, $0x600;
	[tilespmem:s31+$0xFFFFFFE0] =	vst v8  }
0xe1: {  	v12 =	vld [tilespmem:s7+$0x0];
	[tilespmem:s31+$0xFFFFFFF0] =	vst v5  }
0xe2: {  	v13 =	vld [tilespmem:s7+$0xFFFFFFE0];
	[tilespmem:s31+$0x0] =	vst v6  }
.Ltmp4:
0xe3: {  	s31 =	sadd.s32 $0x40, s31;
	v8 =	vld.idx.msk [tilespmem:v9+s8+$0x0], $0xffff;
	(pc) =	sbr.rel @p2 .LBB2_11-.Ltmp4, $4  }
0xe4: {  	v5 =	vld.idx.msk [tilespmem:v4+s8+$0x0], $0xffff;
	[tilespmem:s31+$0x10] =	vst v7  }
0xe5: {  	v6 =	vld.idx.msk [tilespmem:v3+s8+$0x0], $0xffff;
	v4 =	vmov v11  }
0xe6: {  	v3 =	vmov v12  }
0xe7: {  	s7 =	sadd.s32 $0x40, s7;
	v7 =	vld.idx.msk [tilespmem:v10+s8+$0x0], $0xffff;
	v9 =	vmov v13  }
0xe8: {  	_ =	sdelay $0x3  }
0xe9: {  	v9 =	vld.idx.msk [tilespmem:v9+s8+$0x0], $0xffff  }
0xea: {  	[tilespmem:s31+$0xFFFFFFE0] =	vst v8;
	v4 =	vld.idx.msk [tilespmem:v4+s8+$0x0], $0xffff  }
0xeb: {  	v3 =	vld.idx.msk [tilespmem:v3+s8+$0x0], $0xffff;
	[tilespmem:s31+$0xFFFFFFF0] =	vst v5  }
0xec: {  	s7 =	sadd.s32 $0x40, s31;
	[tilespmem:s31+$0x0] =	vst v6  }
0xed: {  	[tilespmem:s7+$0x10] =	vst v7  }
0xee: {  	[tilespmem:s7+$0xFFFFFFE0] =	vst v9  }
0xef: {  	s15 =	sadd.s32 s22, s28;
	[tilespmem:s7+$0xFFFFFFF0] =	vst v4  }
0xf0: {  	[tilespmem:s7+$0x0] =	vst v3;
	s7 =	sshrl.u32 s15, $0x3  }
0xf1: {  	[spmem:s2] =	stream.indirect.scatter.add.f32 [tilespmem:s25], [sflag:$0x7], $0x1, s0, s20, $0xb8;
	[tilespmem:$0x1F9F0] =	vst v63  }
0xf2: {  	s31 =	simm.s32 $0x1BF70;
	s15 =	sadd.s32 s18, s7  }
0xf3: {  	[tilespmem:s31], [sflag:$0x3] =	stream.linear.gather [hbm4b:s15+s3], $0x640, $0x38;
	[tilespmem:$0x1F9F0] =	vst v63  }
0xf4: {  	s7 =	sadd.s32 s19, s7  }
0xf5: {  	[tilespmem:s10], [sflag:$0x3] =	stream.linear.gather [hbm4b:s7+s3], $0x640, $0x38;
	[tilespmem:$0x1F9F0] =	vst v63  }
0xf6: {  	_ =	swait.ge [sflag:s11], $0x640  }
0xf7: {  	[sflag:s11] =	ssyncset.done $0x0  }
0xf8: {  	[sflag:s11] =	ssyncadd.s32 $0xFFFFF9C0  }
0xf9: {  	_ =	swait.ge [sflag:s11], $0x640  }
0xfa: {  	[sflag:s11] =	ssyncset.done $0x0  }
0xfb: {  	[sflag:s11] =	ssyncadd.s32 $0xFFFFF9C0  }
0xfc: {  	_ =	swait.ge [sflag:s4], $0x640  }
0xfd: {  	[sflag:s4] =	ssyncset.done $0x0  }
0xfe: {  	s15 =	simm.s32 $0x1B910;
	[sflag:s4] =	ssyncadd.s32 $0xFFFFF9C0  }
0xff: {  	v3 =	vld [tilespmem:s15+$0x10];
	_ =	sdelay $0x1  }
0x100: {  	v5 =	vld [tilespmem:s15+$0xFFFFFFE0]  }
0x101: {  	v6 =	vld [tilespmem:s15+$0xFFFFFFF0]  }
0x102: {  	v7 =	vld [tilespmem:s15+$0x0];
	s15 =	simm.s32 $0x1B950  }
0x103: {  	v10 =	vld [tilespmem:s15+$0x10]  }
0x104: {  	v4 =	vld [tilespmem:s15+$0xFFFFFFF0]  }
0x105: {  	v9 =	vld [tilespmem:s15+$0xFFFFFFE0]  }
0x106: {  	v11 =	vld.idx.msk [tilespmem:v3+s8+$0x0], $0xffff  }
0x107: {  	v3 =	vld [tilespmem:s15+$0x0]  }
0x108: {  	v8 =	vld.idx.msk [tilespmem:v5+s8+$0x0], $0xffff  }
0x109: {  	v5 =	vld.idx.msk [tilespmem:v6+s8+$0x0], $0xffff  }
0x10a: {  	s31 =	simm.s32 $0x1ED10;
	v6 =	vld.idx.msk [tilespmem:v7+s8+$0x0], $0xffff  }
0x10b: {  	s7 =	simm.s32 $0x1B990;
	s15 =	simm.s32 $0x40;
	v7 =	vld.idx.msk [tilespmem:v10+s8+$0x0], $0xffff;
	[tilespmem:s31+$0x10] =	vst v11  }
.LBB2_13:
0x10c: {  	v10 =	vld [tilespmem:s7+$0x10];
	s15 =	sadd.s32 $0x40, s15  }
0x10d: {  	v11 =	vld [tilespmem:s7+$0xFFFFFFF0];
	p2 =	slt.u32 s15, $0x600;
	[tilespmem:s31+$0xFFFFFFE0] =	vst v8  }
0x10e: {  	v12 =	vld [tilespmem:s7+$0x0];
	[tilespmem:s31+$0xFFFFFFF0] =	vst v5  }
0x10f: {  	v13 =	vld [tilespmem:s7+$0xFFFFFFE0];
	[tilespmem:s31+$0x0] =	vst v6  }
.Ltmp5:
0x110: {  	s31 =	sadd.s32 $0x40, s31;
	v8 =	vld.idx.msk [tilespmem:v9+s8+$0x0], $0xffff;
	(pc) =	sbr.rel @p2 .LBB2_13-.Ltmp5, $4  }
0x111: {  	v5 =	vld.idx.msk [tilespmem:v4+s8+$0x0], $0xffff;
	[tilespmem:s31+$0x10] =	vst v7  }
0x112: {  	v6 =	vld.idx.msk [tilespmem:v3+s8+$0x0], $0xffff;
	v4 =	vmov v11  }
0x113: {  	v3 =	vmov v12  }
0x114: {  	s7 =	sadd.s32 $0x40, s7;
	v7 =	vld.idx.msk [tilespmem:v10+s8+$0x0], $0xffff;
	v9 =	vmov v13  }
0x115: {  	_ =	sdelay $0x3  }
0x116: {  	v9 =	vld.idx.msk [tilespmem:v9+s8+$0x0], $0xffff  }
0x117: {  	[tilespmem:s31+$0xFFFFFFE0] =	vst v8;
	v4 =	vld.idx.msk [tilespmem:v4+s8+$0x0], $0xffff  }
0x118: {  	v3 =	vld.idx.msk [tilespmem:v3+s8+$0x0], $0xffff;
	[tilespmem:s31+$0xFFFFFFF0] =	vst v5  }
0x119: {  	s7 =	sadd.s32 $0x40, s31;
	[tilespmem:s31+$0x0] =	vst v6  }
0x11a: {  	[tilespmem:s7+$0x10] =	vst v7  }
0x11b: {  	[tilespmem:s7+$0xFFFFFFE0] =	vst v9  }
0x11c: {  	s15 =	sadd.s32 s22, s29;
	[tilespmem:s7+$0xFFFFFFF0] =	vst v4  }
0x11d: {  	[tilespmem:s7+$0x0] =	vst v3;
	s7 =	sshrl.u32 s15, $0x3  }
0x11e: {  	[spmem:s2] =	stream.indirect.scatter.add.f32 [tilespmem:s21], [sflag:$0x6], $0x1, s16, s20, $0xb8;
	[tilespmem:$0x1F9F0] =	vst v63  }
0x11f: {  	s31 =	simm.s32 $0x1C5F0;
	s15 =	sadd.s32 s18, s7  }
0x120: {  	[tilespmem:s31], [sflag:$0x4] =	stream.linear.gather [hbm4b:s15+s3], $0x640, $0x38;
	[tilespmem:$0x1F9F0] =	vst v63  }
0x121: {  	s7 =	sadd.s32 s19, s7  }
0x122: {  	[tilespmem:s23], [sflag:$0x4] =	stream.linear.gather [hbm4b:s7+s3], $0x640, $0x38;
	[tilespmem:$0x1F9F0] =	vst v63  }
0x123: {  	_ =	swait.ge [sflag:s24], $0x640  }
0x124: {  	[sflag:s24] =	ssyncset.done $0x0  }
0x125: {  	[sflag:s24] =	ssyncadd.s32 $0xFFFFF9C0  }
0x126: {  	_ =	swait.ge [sflag:s24], $0x640  }
0x127: {  	[sflag:s24] =	ssyncset.done $0x0  }
0x128: {  	[sflag:s24] =	ssyncadd.s32 $0xFFFFF9C0  }
0x129: {  	_ =	swait.ge [sflag:s5], $0x640  }
0x12a: {  	[sflag:s5] =	ssyncset.done $0x0  }
0x12b: {  	s15 =	simm.s32 $0x1BF90;
	[sflag:s5] =	ssyncadd.s32 $0xFFFFF9C0  }
0x12c: {  	v3 =	vld [tilespmem:s15+$0x10];
	_ =	sdelay $0x1  }
0x12d: {  	v5 =	vld [tilespmem:s15+$0xFFFFFFE0]  }
0x12e: {  	v6 =	vld [tilespmem:s15+$0xFFFFFFF0]  }
0x12f: {  	v7 =	vld [tilespmem:s15+$0x0];
	s15 =	simm.s32 $0x1BFD0  }
0x130: {  	v10 =	vld [tilespmem:s15+$0x10]  }
0x131: {  	v4 =	vld [tilespmem:s15+$0xFFFFFFF0]  }
0x132: {  	v9 =	vld [tilespmem:s15+$0xFFFFFFE0]  }
0x133: {  	v11 =	vld.idx.msk [tilespmem:v3+s8+$0x0], $0xffff  }
0x134: {  	v3 =	vld [tilespmem:s15+$0x0]  }
0x135: {  	v8 =	vld.idx.msk [tilespmem:v5+s8+$0x0], $0xffff  }
0x136: {  	v5 =	vld.idx.msk [tilespmem:v6+s8+$0x0], $0xffff  }
0x137: {  	s31 =	simm.s32 $0x1F390;
	v6 =	vld.idx.msk [tilespmem:v7+s8+$0x0], $0xffff  }
0x138: {  	s7 =	simm.s32 $0x1C010;
	s15 =	simm.s32 $0x40;
	v7 =	vld.idx.msk [tilespmem:v10+s8+$0x0], $0xffff;
	[tilespmem:s31+$0x10] =	vst v11  }
.LBB2_15:
0x139: {  	v10 =	vld [tilespmem:s7+$0x10];
	s15 =	sadd.s32 $0x40, s15  }
0x13a: {  	v11 =	vld [tilespmem:s7+$0xFFFFFFF0];
	p2 =	slt.u32 s15, $0x600;
	[tilespmem:s31+$0xFFFFFFE0] =	vst v8  }
0x13b: {  	v12 =	vld [tilespmem:s7+$0x0];
	[tilespmem:s31+$0xFFFFFFF0] =	vst v5  }
0x13c: {  	v13 =	vld [tilespmem:s7+$0xFFFFFFE0];
	[tilespmem:s31+$0x0] =	vst v6  }
.Ltmp6:
0x13d: {  	s31 =	sadd.s32 $0x40, s31;
	v8 =	vld.idx.msk [tilespmem:v9+s8+$0x0], $0xffff;
	(pc) =	sbr.rel @p2 .LBB2_15-.Ltmp6, $4  }
0x13e: {  	v5 =	vld.idx.msk [tilespmem:v4+s8+$0x0], $0xffff;
	[tilespmem:s31+$0x10] =	vst v7  }
0x13f: {  	v6 =	vld.idx.msk [tilespmem:v3+s8+$0x0], $0xffff;
	v4 =	vmov v11  }
0x140: {  	v3 =	vmov v12  }
0x141: {  	s7 =	sadd.s32 $0x40, s7;
	v7 =	vld.idx.msk [tilespmem:v10+s8+$0x0], $0xffff;
	v9 =	vmov v13  }
0x142: {  	_ =	sdelay $0x3  }
0x143: {  	v9 =	vld.idx.msk [tilespmem:v9+s8+$0x0], $0xffff  }
0x144: {  	[tilespmem:s31+$0xFFFFFFE0] =	vst v8;
	v4 =	vld.idx.msk [tilespmem:v4+s8+$0x0], $0xffff  }
0x145: {  	v3 =	vld.idx.msk [tilespmem:v3+s8+$0x0], $0xffff;
	[tilespmem:s31+$0xFFFFFFF0] =	vst v5  }
0x146: {  	s7 =	sadd.s32 $0x40, s31;
	[tilespmem:s31+$0x0] =	vst v6  }
0x147: {  	[tilespmem:s7+$0x10] =	vst v7  }
0x148: {  	[tilespmem:s7+$0xFFFFFFE0] =	vst v9  }
0x149: {  	s17 =	sadd.s32 $0x1, s17;
	[tilespmem:s7+$0xFFFFFFF0] =	vst v4  }
0x14a: {  	s22 =	sadd.s32 s22, s30;
	p2 =	sne.s32 s17, $0x1E;
	[tilespmem:s7+$0x0] =	vst v3  }
0x14b: {  	[spmem:s2] =	stream.indirect.scatter.add.f32 [tilespmem:s25], [sflag:$0x7], $0x1, s10, s20, $0xb8;
	[tilespmem:$0x1F9F0] =	vst v63  }
.Ltmp7:
0x14c: {  	s7 =	sshrl.u32 s22, $0x3;
	(pc) =	sbr.rel @p2 .LBB2_8-.Ltmp7, $4  }
0x14d: {  	s31 =	simm.s32 $0x1CC70;
	s15 =	sadd.s32 s18, s7  }
0x14e: {  	[tilespmem:s31], [sflag:$0x5] =	stream.linear.gather [hbm4b:s15+s3], $0x640, $0x38;
	[tilespmem:$0x1F9F0] =	vst v63  }
0x14f: {  	s7 =	sadd.s32 s19, s7  }
0x150: {  	[tilespmem:s0], [sflag:$0x5] =	stream.linear.gather [hbm4b:s7+s3], $0x640, $0x38;
	[tilespmem:$0x1F9F0] =	vst v63  }
0x151: {  	_ =	swait.ge [sflag:s1], $0x640  }
0x152: {  	[sflag:s1] =	ssyncset.done $0x0  }
0x153: {  	[sflag:s1] =	ssyncadd.s32 $0xFFFFF9C0  }
0x154: {  	_ =	swait.ge [sflag:s1], $0x640  }
0x155: {  	[sflag:s1] =	ssyncset.done $0x0  }
0x156: {  	[sflag:s1] =	ssyncadd.s32 $0xFFFFF9C0  }
0x157: {  	_ =	swait.ge [sflag:s4], $0x640  }
0x158: {  	[sflag:s4] =	ssyncset.done $0x0  }
0x159: {  	s7 =	simm.s32 $0x1C610;
	[sflag:s4] =	ssyncadd.s32 $0xFFFFF9C0  }
0x15a: {  	v3 =	vld [tilespmem:s7+$0x10];
	_ =	sdelay $0x1  }
0x15b: {  	v5 =	vld [tilespmem:s7+$0xFFFFFFE0]  }
0x15c: {  	v6 =	vld [tilespmem:s7+$0xFFFFFFF0]  }
0x15d: {  	s31 =	simm.s32 $0x1C650;
	v7 =	vld [tilespmem:s7+$0x0]  }
0x15e: {  	v10 =	vld [tilespmem:s31+$0x10]  }
0x15f: {  	v4 =	vld [tilespmem:s31+$0xFFFFFFF0]  }
0x160: {  	v9 =	vld [tilespmem:s31+$0xFFFFFFE0]  }
0x161: {  	v11 =	vld.idx.msk [tilespmem:v3+s8+$0x0], $0xffff  }
0x162: {  	v3 =	vld [tilespmem:s31+$0x0]  }
0x163: {  	v8 =	vld.idx.msk [tilespmem:v5+s8+$0x0], $0xffff  }
0x164: {  	v5 =	vld.idx.msk [tilespmem:v6+s8+$0x0], $0xffff  }
0x165: {  	s17 =	simm.s32 $0x1ED10;
	v6 =	vld.idx.msk [tilespmem:v7+s8+$0x0], $0xffff  }
0x166: {  	s15 =	simm.s32 $0x40;
	s7 =	simm.s32 $0x1C690;
	v7 =	vld.idx.msk [tilespmem:v10+s8+$0x0], $0xffff;
	[tilespmem:s17+$0x10] =	vst v11  }
.LBB2_18:
0x167: {  	v10 =	vld [tilespmem:s7+$0x10];
	s15 =	sadd.s32 $0x40, s15  }
0x168: {  	v11 =	vld [tilespmem:s7+$0xFFFFFFF0];
	p2 =	slt.u32 s15, $0x600;
	[tilespmem:s17+$0xFFFFFFE0] =	vst v8  }
0x169: {  	v12 =	vld [tilespmem:s7+$0x0];
	[tilespmem:s17+$0xFFFFFFF0] =	vst v5  }
0x16a: {  	v13 =	vld [tilespmem:s7+$0xFFFFFFE0];
	[tilespmem:s17+$0x0] =	vst v6  }
.Ltmp8:
0x16b: {  	s17 =	sadd.s32 $0x40, s17;
	v8 =	vld.idx.msk [tilespmem:v9+s8+$0x0], $0xffff;
	(pc) =	sbr.rel @p2 .LBB2_18-.Ltmp8, $4  }
0x16c: {  	v5 =	vld.idx.msk [tilespmem:v4+s8+$0x0], $0xffff;
	[tilespmem:s17+$0x10] =	vst v7  }
0x16d: {  	v6 =	vld.idx.msk [tilespmem:v3+s8+$0x0], $0xffff;
	v4 =	vmov v11  }
0x16e: {  	v3 =	vmov v12  }
0x16f: {  	s7 =	sadd.s32 $0x40, s7;
	v7 =	vld.idx.msk [tilespmem:v10+s8+$0x0], $0xffff;
	v9 =	vmov v13  }
0x170: {  	_ =	sdelay $0x3  }
0x171: {  	v9 =	vld.idx.msk [tilespmem:v9+s8+$0x0], $0xffff  }
0x172: {  	[tilespmem:s17+$0xFFFFFFE0] =	vst v8;
	v4 =	vld.idx.msk [tilespmem:v4+s8+$0x0], $0xffff  }
0x173: {  	v3 =	vld.idx.msk [tilespmem:v3+s8+$0x0], $0xffff;
	[tilespmem:s17+$0xFFFFFFF0] =	vst v5  }
0x174: {  	s7 =	sadd.s32 $0x40, s17;
	[tilespmem:s17+$0x0] =	vst v6  }
0x175: {  	[tilespmem:s7+$0x10] =	vst v7  }
0x176: {  	[tilespmem:s7+$0xFFFFFFE0] =	vst v9  }
0x177: {  	[tilespmem:s7+$0xFFFFFFF0] =	vst v4  }
0x178: {  	[tilespmem:s7+$0x0] =	vst v3  }
0x179: {  	[spmem:s2] =	stream.indirect.scatter.add.f32 [tilespmem:s21], [sflag:$0x6], $0x1, s23, s20, $0xb8;
	[tilespmem:$0x1F9F0] =	vst v63  }
0x17a: {  	s15 =	simm.s32 $0x1B8F0;
	s7 =	rddreg [dreg:$0x1a]  }
0x17b: {  	[tilespmem:s15], [sflag:$0x2] =	stream.linear.gather [hbm4b:s7+s3], $0x640, $0x38;
	[tilespmem:$0x1F9F0] =	vst v63  }
0x17c: {  	s15 =	rddreg [dreg:$0x1b]  }
0x17d: {  	[tilespmem:s16], [sflag:$0x2] =	stream.linear.gather [hbm4b:s15+s3], $0x640, $0x38;
	[tilespmem:$0x1F9F0] =	vst v63  }
0x17e: {  	_ =	swait.ge [sflag:s6], $0x640  }
0x17f: {  	[sflag:s6] =	ssyncset.done $0x0  }
0x180: {  	[sflag:s6] =	ssyncadd.s32 $0xFFFFF9C0  }
0x181: {  	_ =	swait.ge [sflag:s6], $0x640  }
0x182: {  	[sflag:s6] =	ssyncset.done $0x0  }
0x183: {  	[sflag:s6] =	ssyncadd.s32 $0xFFFFF9C0  }
0x184: {  	_ =	swait.ge [sflag:s5], $0x640  }
0x185: {  	[sflag:s5] =	ssyncset.done $0x0  }
0x186: {  	s17 =	simm.s32 $0x1CC90;
	[sflag:s5] =	ssyncadd.s32 $0xFFFFF9C0  }
0x187: {  	v3 =	vld [tilespmem:s17+$0x10];
	_ =	sdelay $0x2  }
0x188: {  	v5 =	vld [tilespmem:s17+$0xFFFFFFE0]  }
0x189: {  	v6 =	vld [tilespmem:s17+$0xFFFFFFF0]  }
0x18a: {  	s22 =	simm.s32 $0x1CCD0;
	v7 =	vld [tilespmem:s17+$0x0]  }
0x18b: {  	v10 =	vld [tilespmem:s22+$0x10]  }
0x18c: {  	v4 =	vld [tilespmem:s22+$0xFFFFFFF0]  }
0x18d: {  	v11 =	vld.idx.msk [tilespmem:v3+s8+$0x0], $0xffff  }
0x18e: {  	v9 =	vld [tilespmem:s22+$0xFFFFFFE0]  }
0x18f: {  	v3 =	vld [tilespmem:s22+$0x0]  }
0x190: {  	v8 =	vld.idx.msk [tilespmem:v5+s8+$0x0], $0xffff  }
0x191: {  	s17 =	simm.s32 $0x1F390;
	v5 =	vld.idx.msk [tilespmem:v6+s8+$0x0], $0xffff  }
0x192: {  	s31 =	simm.s32 $0x8;
	v6 =	vld.idx.msk [tilespmem:v7+s8+$0x0], $0xffff;
	[tilespmem:s17+$0x10] =	vst v11  }
0x193: {  	s7 =	simm.s32 $0x1CD10;
	s15 =	simm.s32 $0x40;
	v7 =	vld.idx.msk [tilespmem:v10+s8+$0x0], $0xffff;
	s22 =	rddreg [dreg:$0x1c]  }
.LBB2_20:
0x194: {  	v10 =	vld [tilespmem:s7+$0x10];
	s15 =	sadd.s32 $0x40, s15  }
0x195: {  	v11 =	vld [tilespmem:s7+$0xFFFFFFF0];
	p2 =	slt.u32 s15, $0x600;
	[tilespmem:s17+$0xFFFFFFE0] =	vst v8  }
0x196: {  	v12 =	vld [tilespmem:s7+$0x0];
	[tilespmem:s17+$0xFFFFFFF0] =	vst v5  }
0x197: {  	v13 =	vld [tilespmem:s7+$0xFFFFFFE0];
	[tilespmem:s17+$0x0] =	vst v6  }
.Ltmp9:
0x198: {  	s17 =	sadd.s32 $0x40, s17;
	v8 =	vld.idx.msk [tilespmem:v9+s8+$0x0], $0xffff;
	(pc) =	sbr.rel @p2 .LBB2_20-.Ltmp9, $4  }
0x199: {  	v5 =	vld.idx.msk [tilespmem:v4+s8+$0x0], $0xffff;
	[tilespmem:s17+$0x10] =	vst v7  }
0x19a: {  	v6 =	vld.idx.msk [tilespmem:v3+s8+$0x0], $0xffff;
	v4 =	vmov v11  }
0x19b: {  	v3 =	vmov v12  }
0x19c: {  	s7 =	sadd.s32 $0x40, s7;
	v7 =	vld.idx.msk [tilespmem:v10+s8+$0x0], $0xffff;
	v9 =	vmov v13  }
0x19d: {  	_ =	sdelay $0x3  }
0x19e: {  	v9 =	vld.idx.msk [tilespmem:v9+s8+$0x0], $0xffff  }
0x19f: {  	[tilespmem:s17+$0xFFFFFFE0] =	vst v8;
	v4 =	vld.idx.msk [tilespmem:v4+s8+$0x0], $0xffff  }
0x1a0: {  	v3 =	vld.idx.msk [tilespmem:v3+s8+$0x0], $0xffff;
	[tilespmem:s17+$0xFFFFFFF0] =	vst v5  }
0x1a1: {  	s7 =	sadd.s32 $0x40, s17;
	[tilespmem:s17+$0x0] =	vst v6  }
0x1a2: {  	[tilespmem:s7+$0x10] =	vst v7  }
0x1a3: {  	[tilespmem:s7+$0xFFFFFFE0] =	vst v9  }
0x1a4: {  	[tilespmem:s7+$0xFFFFFFF0] =	vst v4  }
0x1a5: {  	[tilespmem:s7+$0x0] =	vst v3  }
0x1a6: {  	[spmem:s2] =	stream.indirect.scatter.add.f32 [tilespmem:s25], [sflag:$0x7], $0x1, s0, s20, $0xb8;
	[tilespmem:$0x1F9F0] =	vst v63  }
0x1a7: {  	_ =	swait.ge [sflag:s11], $0x640  }
0x1a8: {  	[sflag:s11] =	ssyncset.done $0x0  }
0x1a9: {  	[sflag:s11] =	ssyncadd.s32 $0xFFFFF9C0  }
0x1aa: {  	_ =	swait.ge [sflag:s11], $0x640  }
0x1ab: {  	[sflag:s11] =	ssyncset.done $0x0  }
0x1ac: {  	[sflag:s11] =	ssyncadd.s32 $0xFFFFF9C0  }
0x1ad: {  	_ =	swait.ge [sflag:s4], $0x640  }
0x1ae: {  	[sflag:s4] =	ssyncset.done $0x0  }
0x1af: {  	s15 =	simm.s32 $0x1B910;
	[sflag:s4] =	ssyncadd.s32 $0xFFFFF9C0  }
0x1b0: {  	v3 =	vld [tilespmem:s15+$0x10];
	_ =	sdelay $0x1  }
0x1b1: {  	v5 =	vld [tilespmem:s15+$0xFFFFFFE0]  }
0x1b2: {  	v6 =	vld [tilespmem:s15+$0xFFFFFFF0]  }
0x1b3: {  	s17 =	simm.s32 $0x1B950;
	v7 =	vld [tilespmem:s15+$0x0]  }
0x1b4: {  	v10 =	vld [tilespmem:s17+$0x10]  }
0x1b5: {  	v4 =	vld [tilespmem:s17+$0xFFFFFFF0]  }
0x1b6: {  	v9 =	vld [tilespmem:s17+$0xFFFFFFE0]  }
0x1b7: {  	v11 =	vld.idx.msk [tilespmem:v3+s8+$0x0], $0xffff  }
0x1b8: {  	v3 =	vld [tilespmem:s17+$0x0]  }
0x1b9: {  	v8 =	vld.idx.msk [tilespmem:v5+s8+$0x0], $0xffff  }
0x1ba: {  	v5 =	vld.idx.msk [tilespmem:v6+s8+$0x0], $0xffff  }
0x1bb: {  	s17 =	simm.s32 $0x1ED10;
	v6 =	vld.idx.msk [tilespmem:v7+s8+$0x0], $0xffff  }
0x1bc: {  	s7 =	simm.s32 $0x1B990;
	s15 =	simm.s32 $0x40;
	v7 =	vld.idx.msk [tilespmem:v10+s8+$0x0], $0xffff;
	[tilespmem:s17+$0x10] =	vst v11  }
.LBB2_22:
0x1bd: {  	v10 =	vld [tilespmem:s7+$0x10];
	s15 =	sadd.s32 $0x40, s15  }
0x1be: {  	v11 =	vld [tilespmem:s7+$0xFFFFFFF0];
	p2 =	slt.u32 s15, $0x600;
	[tilespmem:s17+$0xFFFFFFE0] =	vst v8  }
0x1bf: {  	v12 =	vld [tilespmem:s7+$0x0];
	[tilespmem:s17+$0xFFFFFFF0] =	vst v5  }
0x1c0: {  	v13 =	vld [tilespmem:s7+$0xFFFFFFE0];
	[tilespmem:s17+$0x0] =	vst v6  }
.Ltmp10:
0x1c1: {  	s17 =	sadd.s32 $0x40, s17;
	v8 =	vld.idx.msk [tilespmem:v9+s8+$0x0], $0xffff;
	(pc) =	sbr.rel @p2 .LBB2_22-.Ltmp10, $4  }
0x1c2: {  	v5 =	vld.idx.msk [tilespmem:v4+s8+$0x0], $0xffff;
	[tilespmem:s17+$0x10] =	vst v7  }
0x1c3: {  	v6 =	vld.idx.msk [tilespmem:v3+s8+$0x0], $0xffff;
	v4 =	vmov v11  }
0x1c4: {  	v3 =	vmov v12  }
0x1c5: {  	s7 =	sadd.s32 $0x40, s7;
	v7 =	vld.idx.msk [tilespmem:v10+s8+$0x0], $0xffff;
	v9 =	vmov v13  }
0x1c6: {  	_ =	sdelay $0x3  }
0x1c7: {  	v9 =	vld.idx.msk [tilespmem:v9+s8+$0x0], $0xffff  }
0x1c8: {  	[tilespmem:s17+$0xFFFFFFE0] =	vst v8;
	v4 =	vld.idx.msk [tilespmem:v4+s8+$0x0], $0xffff  }
0x1c9: {  	v3 =	vld.idx.msk [tilespmem:v3+s8+$0x0], $0xffff;
	[tilespmem:s17+$0xFFFFFFF0] =	vst v5  }
0x1ca: {  	s7 =	sadd.s32 $0x40, s17;
	[tilespmem:s17+$0x0] =	vst v6  }
0x1cb: {  	[tilespmem:s7+$0x10] =	vst v7  }
0x1cc: {  	[tilespmem:s7+$0xFFFFFFE0] =	vst v9  }
0x1cd: {  	[tilespmem:s7+$0xFFFFFFF0] =	vst v4  }
0x1ce: {  	[tilespmem:s7+$0x0] =	vst v3  }
0x1cf: {  	[spmem:s2] =	stream.indirect.scatter.add.f32 [tilespmem:s21], [sflag:$0x6], $0x1, s16, s20, $0xb8;
	[tilespmem:$0x1F9F0] =	vst v63  }
0x1d0: {  	_ =	swait.ge [sflag:s5], $0x640  }
0x1d1: {  	[sflag:s5] =	ssyncset.done $0x0  }
0x1d2: {  	[sflag:s5] =	ssyncadd.s32 $0xFFFFF9C0  }
0x1d3: {  	_ =	swait.ge [sflag:s4], $0x640  }
0x1d4: {  	[sflag:s4] =	ssyncset.done $0x0  }
0x1d5: {  	[sflag:s4] =	ssyncadd.s32 $0xFFFFF9C0  }
0x1d6: {  	s15 =	simm.s32 $0x19F70;
	[bflag:$0x0] =	sbarrier.arrive $0xFFFF  }
0x1d7: {  	[tilespmem:s15], [sflag:$0x8] =	stream.linear.gather [spmem:s22], $0x1870, $0x38;
	[tilespmem:$0x1F9F0] =	vst v63  }
0x1d8: {  	_ =	swait.ge [sflag:s31], $0x1870  }
0x1d9: {  	[sflag:s31] =	ssyncset.done $0x0  }
0x1da: {  	s17 =	rddreg [dreg:$0x5];
	[sflag:s31] =	ssyncadd.s32 $0xFFFFE790  }
0x1db: {  	[hbm4b:s17+s3] =	stream.linear.scatter [tilespmem:s15], [sflag:$0x8], $0x1870, $0x38;
	[tilespmem:$0x1F9F0] =	vst v63  }
0x1dc: {  	_ =	swait.ge [sflag:s31], $0x1870  }
0x1dd: {  	[sflag:s31] =	ssyncset.done $0x0  }
0x1de: {  	[sflag:s31] =	ssyncadd.s32 $0xFFFFE790  }
0x1df: {  	v3 =	vimm.s32 @!p0 $0x1;
	[bflag:$0x0] =	sbarrier.arrive $0xFFFF  }
0x1e0: {  	s7 =	simm.s32 @!p0 $0x0;
	s15 =	simm.s32 @!p0 $0x1B870;
	[tilespmem:$0x1B870] =	vst @!p0 v3;
	s17 =	rddreg [dreg:$0x6]  }
0x1e1: {  	[hbm4b:s17+s7] =	stream.linear.scatter @!p0 [tilespmem:s15], [sflag:$0x8], $0x10, $0x38;
	[tilespmem:$0x1F9F0] =	vst v63  }
0x1e2: {  	s7 =	simm.s32 @!p0 $0x8  }
0x1e3: {  	_ =	swait.ge @!p0 [sflag:s7], $0x10  }
0x1e4: {  	s22 =	simm.s32 $0x19F70;
	[sflag:s7] =	ssyncset.done @!p0 $0x0  }
0x1e5: {  	s17 =	rddreg [dreg:$0x7];
	[sflag:s7] =	ssyncadd.s32 @!p0 $0xFFFFFFF0;
	s7 =	simm.s32 $0x0  }
.LBB2_24:
0x1e6: {  	[tilespmem:s14], [sflag:$0x1] =	stream.linear.gather [hbm4b:s17+s3], $0x10, $0x38;
	[tilespmem:$0x1F9F0] =	vst v63  }
0x1e7: {  	_ =	swait.ge [sflag:s9], $0x10  }
0x1e8: {  	[sflag:s9] =	ssyncset.done $0x0  }
0x1e9: {  	[sflag:s9] =	ssyncadd.s32 $0xFFFFFFF0  }
0x1ea: {  	v3 =	vld [tilespmem:$0x1B870];
	_ =	sdelay $0x4  }
0x1eb: {  	vm0 =	veq.s32 v3, $0x1  }
0x1ec: {  	v3 =	vsel vm0, $0x1, v1  }
0x1ed: {  	v3 =	vor.u32 $0x80000000, v3  }
0x1ee: {  	(xrf0) =	vmax.scan.msk.u32 $0xffff, v3;
	_ =	sdelay $0x5  }
0x1ef: {  	v3, _, _ =	vpop (xrf0)  }
0x1f0: {  	(v2sf) =	vpush v3, $0xF;
	_ =	sdelay $0xe  }
0x1f1: {  	p2 =	sgt.u32 s7, $0x30D3E;
	s15 =	spop (v2sf)  }
0x1f2: {  	p3 =	seq.s32 @!p2 s15, $0x80000000  }
0x1f3: {  	p2 =	por p2, !p3  }
.Ltmp11:
0x1f4: {  	_ = 	snop;
	(pc) =	sbr.rel @!p2 .LBB2_24-.Ltmp11, $2  }
0x1f5: {  	_ =	sdelay $0x2  }
0x1f6: {  	s7 =	sadd.s32 $0x1, s7  }
0x1f7: {  	s7 =	simm.s32 $0x0;
	s15 =	rddreg [dreg:$0x1];
	s17 =	simm.s32 $0x1B7F0  }
0x1f8: {  	[tilespmem:s17], [sflag:$0x8] =	stream.linear.gather [hbm4b:s15+s7], $0x10, $0x38;
	[tilespmem:$0x1F9F0] =	vst v63  }
0x1f9: {  	_ =	swait.ge [sflag:s31], $0x10  }
0x1fa: {  	[sflag:s31] =	ssyncset.done $0x0  }
0x1fb: {  	s17 =	rddreg [dreg:$0x8];
	[sflag:s31] =	ssyncadd.s32 $0xFFFFFFF0  }
0x1fc: {  	[tilespmem:s22], [sflag:$0x8] =	stream.linear.gather [hbm4b:s17+s7], $0x1870, $0x38;
	[tilespmem:$0x1F9F0] =	vst v63  }
0x1fd: {  	_ =	swait.ge [sflag:s31], $0x1870  }
0x1fe: {  	[sflag:s31] =	ssyncset.done $0x0  }
0x1ff: {  	s15 =	simm.s32 $0x40;
	s7 =	simm.s32 $0x0;
	[sflag:s31] =	ssyncadd.s32 $0xFFFFE790  }
.LBB2_26:
0x200: {  	p2 =	sne.s32 s15, $0x6180;
	v3 =	vld.idx.msk [tilespmem:v2+s7+$0x0 ss:$0x1], $0xffff  }
0x201: {  	v4 =	vld [tilespmem:s7+$0x19F70];
	_ =	sdelay $0x2  }
.Ltmp12:
0x202: {  	(pc) =	sbr.rel @p2 .LBB2_26-.Ltmp12, $3  }
0x203: {  	_ = 	snop  }
0x204: {  	v3 =	vadd.f32 v4, v3;
	_ =	sdelay $0x1  }
0x205: {  	[tilespmem:v2+s7+$0x0 ss:$0x1] =	vst.idx.msk $0xffff, v3;
	s7 =	sshra.s32 s15, $0x2;
	s15 =	sadd.s32 $0x40, s15  }
0x206: {  	_ =	sdelay $0x3  }
0x207: {  	v3 =	vld.idx.msk [tilespmem:v2+s7+$0x0 ss:$0x1], $0xffff  }
0x208: {  	v4 =	vld [tilespmem:s7+$0x19F70];
	_ =	sdelay $0x4  }
0x209: {  	v3 =	vadd.f32 v4, v3;
	_ =	sdelay $0x1  }
0x20a: {  	s17 =	simm.s32 $0x0;
	s15 =	rddreg [dreg:$0x9];
	[tilespmem:v2+s7+$0x0 ss:$0x1] =	vst.idx.msk $0xffff, v3  }
0x20b: {  	[tilespmem:s22], [sflag:$0x8] =	stream.linear.gather [hbm4b:s15+s17], $0x1870, $0x38;
	[tilespmem:$0x1F9F0] =	vst v63  }
0x20c: {  	_ =	swait.ge [sflag:s31], $0x1870  }
0x20d: {  	[sflag:s31] =	ssyncset.done $0x0  }
0x20e: {  	[sflag:s31] =	ssyncadd.s32 $0xFFFFE790  }
0x20f: {  	s7 =	simm.s32 $0x0;
	v3 =	vld [tilespmem:$0x1B7F0]  }
0x210: {  	s15 =	simm.s32 $0x40;
	v4 =	vld.idx.msk [tilespmem:v2+s7+$0x0 ss:$0x1], $0xffff  }
.LBB2_28:
0x211: {  	p2 =	sne.s32 s15, $0x6180;
	v5 =	vld [tilespmem:s7+$0x19F70];
	_ =	sdelay $0x4  }
0x212: {  	v4 =	vadd.f32 v5, v4;
	_ =	sdelay $0x1  }
.Ltmp13:
0x213: {  	v4 =	vmul.f32 v4, v3;
	(pc) =	sbr.rel @p2 .LBB2_28-.Ltmp13, $4  }
0x214: {  	_ = 	snop  }
0x215: {  	[tilespmem:v2+s7+$0x0 ss:$0x1] =	vst.idx.msk $0xffff, v4  }
0x216: {  	[tilespmem:s7+$0x19F70] =	vst v0;
	s7 =	sshra.s32 s15, $0x2  }
0x217: {  	s15 =	sadd.s32 $0x40, s15;
	v4 =	vld.idx.msk [tilespmem:v2+s7+$0x0 ss:$0x1], $0xffff  }
0x218: {  	v5 =	vld [tilespmem:s7+$0x19F70];
	_ =	sdelay $0x4  }
0x219: {  	v4 =	vadd.f32 v5, v4;
	_ =	sdelay $0x1  }
0x21a: {  	v3 =	vmul.f32 v4, v3;
	_ =	sdelay $0x1  }
0x21b: {  	s17 =	rddreg [dreg:$0xb];
	[tilespmem:v2+s7+$0x0 ss:$0x1] =	vst.idx.msk $0xffff, v3  }
0x21c: {  	s15 =	rddreg [dreg:$0x1d];
	[tilespmem:s7+$0x19F70] =	vst v0  }
0x21d: {  	[hbm4b:s17+s3] =	stream.linear.scatter [tilespmem:s15], [sflag:$0x8], $0x1870, $0x38;
	[tilespmem:$0x1F9F0] =	vst v63  }
0x21e: {  	_ =	swait.ge [sflag:s31], $0x1870  }
0x21f: {  	[sflag:s31] =	ssyncset.done $0x0  }
0x220: {  	s15 =	rddreg [dreg:$0x1c];
	[sflag:s31] =	ssyncadd.s32 $0xFFFFE790  }
0x221: {  	[spmem:s15] =	stream.linear.scatter [tilespmem:s22], [sflag:$0x8], $0x1870, $0x38;
	[tilespmem:$0x1F9F0] =	vst v63  }
0x222: {  	_ =	swait.ge [sflag:s31], $0x1870  }
0x223: {  	[sflag:s31] =	ssyncset.done $0x0  }
0x224: {  	[sflag:s31] =	ssyncadd.s32 $0xFFFFE790  }
0x225: {  	[bflag:$0x0] =	sbarrier.arrive $0xFFFF  }
0x226: {  	s17 =	rddreg [dreg:$0xa]  }
0x227: {  	[tilespmem:s8], [sflag:$0x8] =	stream.linear.gather [hbm4b:s17+s3], $0x18700, $0x38;
	[tilespmem:$0x1F9F0] =	vst v63  }
0x228: {  	_ =	swait.ge [sflag:s31], $0x18700  }
0x229: {  	[sflag:s31] =	ssyncset.done $0x0  }
0x22a: {  	s22 =	rddreg [dreg:$0x18];
	[sflag:s31] =	ssyncadd.s32 $0xFFFE7900;
	s31 =	simm.s32 $0x1B8F0  }
0x22b: {  	[tilespmem:s31], [sflag:$0x2] =	stream.linear.gather [hbm4b:s22+s3], $0x640, $0x38;
	[tilespmem:$0x1F9F0] =	vst v63  }
0x22c: {  	s17 =	rddreg [dreg:$0x19]  }
0x22d: {  	[tilespmem:s16], [sflag:$0x2] =	stream.linear.gather [hbm4b:s17+s3], $0x640, $0x38;
	[tilespmem:$0x1F9F0] =	vst v63  }
0x22e: {  	s22 =	rddreg [dreg:$0x12];
	s31 =	simm.s32 $0x1BF70  }
0x22f: {  	[tilespmem:s31], [sflag:$0x3] =	stream.linear.gather [hbm4b:s22+s3], $0x640, $0x38;
	[tilespmem:$0x1F9F0] =	vst v63  }
0x230: {  	s17 =	rddreg [dreg:$0x13]  }
0x231: {  	[tilespmem:s10], [sflag:$0x3] =	stream.linear.gather [hbm4b:s17+s3], $0x640, $0x38;
	[tilespmem:$0x1F9F0] =	vst v63  }
0x232: {  	_ =	swait.ge [sflag:s11], $0x640  }
0x233: {  	[sflag:s11] =	ssyncset.done $0x0  }
0x234: {  	[sflag:s11] =	ssyncadd.s32 $0xFFFFF9C0  }
0x235: {  	_ =	swait.ge [sflag:s11], $0x640  }
0x236: {  	[sflag:s11] =	ssyncset.done $0x0  }
0x237: {  	s22 =	simm.s32 $0x1B910;
	[sflag:s11] =	ssyncadd.s32 $0xFFFFF9C0  }
0x238: {  	v3 =	vld [tilespmem:s22+$0x10];
	_ =	sdelay $0x1  }
0x239: {  	v5 =	vld [tilespmem:s22+$0xFFFFFFE0]  }
0x23a: {  	v6 =	vld [tilespmem:s22+$0xFFFFFFF0]  }
0x23b: {  	s31 =	simm.s32 $0x1B950;
	v7 =	vld [tilespmem:s22+$0x0]  }
0x23c: {  	v10 =	vld [tilespmem:s31+$0x10]  }
0x23d: {  	v4 =	vld [tilespmem:s31+$0xFFFFFFF0]  }
0x23e: {  	v9 =	vld [tilespmem:s31+$0xFFFFFFE0]  }
0x23f: {  	v11 =	vld.idx.msk [tilespmem:v3+s8+$0x0], $0xffff  }
0x240: {  	v3 =	vld [tilespmem:s31+$0x0]  }
0x241: {  	v8 =	vld.idx.msk [tilespmem:v5+s8+$0x0], $0xffff  }
0x242: {  	v5 =	vld.idx.msk [tilespmem:v6+s8+$0x0], $0xffff  }
0x243: {  	s17 =	simm.s32 $0x1ED10;
	v6 =	vld.idx.msk [tilespmem:v7+s8+$0x0], $0xffff  }
0x244: {  	s7 =	simm.s32 $0x1B990;
	s15 =	simm.s32 $0x40;
	v7 =	vld.idx.msk [tilespmem:v10+s8+$0x0], $0xffff;
	[tilespmem:s17+$0x10] =	vst v11  }
.LBB2_30:
0x245: {  	v10 =	vld [tilespmem:s7+$0x10];
	s15 =	sadd.s32 $0x40, s15  }
0x246: {  	v11 =	vld [tilespmem:s7+$0xFFFFFFF0];
	p2 =	slt.u32 s15, $0x600;
	[tilespmem:s17+$0xFFFFFFE0] =	vst v8  }
0x247: {  	v12 =	vld [tilespmem:s7+$0x0];
	[tilespmem:s17+$0xFFFFFFF0] =	vst v5  }
0x248: {  	v13 =	vld [tilespmem:s7+$0xFFFFFFE0];
	[tilespmem:s17+$0x0] =	vst v6  }
.Ltmp14:
0x249: {  	s17 =	sadd.s32 $0x40, s17;
	v8 =	vld.idx.msk [tilespmem:v9+s8+$0x0], $0xffff;
	(pc) =	sbr.rel @p2 .LBB2_30-.Ltmp14, $4  }
0x24a: {  	v5 =	vld.idx.msk [tilespmem:v4+s8+$0x0], $0xffff;
	[tilespmem:s17+$0x10] =	vst v7  }
0x24b: {  	v6 =	vld.idx.msk [tilespmem:v3+s8+$0x0], $0xffff;
	v4 =	vmov v11  }
0x24c: {  	v3 =	vmov v12  }
0x24d: {  	s7 =	sadd.s32 $0x40, s7;
	v7 =	vld.idx.msk [tilespmem:v10+s8+$0x0], $0xffff;
	v9 =	vmov v13  }
0x24e: {  	_ =	sdelay $0x3  }
0x24f: {  	v9 =	vld.idx.msk [tilespmem:v9+s8+$0x0], $0xffff  }
0x250: {  	[tilespmem:s17+$0xFFFFFFE0] =	vst v8;
	v4 =	vld.idx.msk [tilespmem:v4+s8+$0x0], $0xffff  }
0x251: {  	v3 =	vld.idx.msk [tilespmem:v3+s8+$0x0], $0xffff;
	[tilespmem:s17+$0xFFFFFFF0] =	vst v5  }
0x252: {  	s7 =	sadd.s32 $0x40, s17;
	[tilespmem:s17+$0x0] =	vst v6  }
0x253: {  	[tilespmem:s7+$0x10] =	vst v7  }
0x254: {  	[tilespmem:s7+$0xFFFFFFE0] =	vst v9  }
0x255: {  	[tilespmem:s7+$0xFFFFFFF0] =	vst v4  }
0x256: {  	[tilespmem:s7+$0x0] =	vst v3  }
0x257: {  	[spmem:s2] =	stream.indirect.scatter.add.f32 [tilespmem:s21], [sflag:$0x6], $0x1, s16, s20, $0xb8;
	[tilespmem:$0x1F9F0] =	vst v63  }
0x258: {  	s15 =	simm.s32 $0x1C5F0;
	s7 =	rddreg [dreg:$0x14]  }
0x259: {  	[tilespmem:s15], [sflag:$0x4] =	stream.linear.gather [hbm4b:s7+s3], $0x640, $0x38;
	[tilespmem:$0x1F9F0] =	vst v63  }
0x25a: {  	s17 =	rddreg [dreg:$0x15]  }
0x25b: {  	[tilespmem:s23], [sflag:$0x4] =	stream.linear.gather [hbm4b:s17+s3], $0x640, $0x38;
	[tilespmem:$0x1F9F0] =	vst v63  }
0x25c: {  	_ =	swait.ge [sflag:s24], $0x640  }
0x25d: {  	[sflag:s24] =	ssyncset.done $0x0  }
0x25e: {  	[sflag:s24] =	ssyncadd.s32 $0xFFFFF9C0  }
0x25f: {  	_ =	swait.ge [sflag:s24], $0x640  }
0x260: {  	[sflag:s24] =	ssyncset.done $0x0  }
0x261: {  	s22 =	simm.s32 $0x1BF90;
	[sflag:s24] =	ssyncadd.s32 $0xFFFFF9C0  }
0x262: {  	v3 =	vld [tilespmem:s22+$0x10];
	_ =	sdelay $0x1  }
0x263: {  	v5 =	vld [tilespmem:s22+$0xFFFFFFE0]  }
0x264: {  	v6 =	vld [tilespmem:s22+$0xFFFFFFF0]  }
0x265: {  	s31 =	simm.s32 $0x1BFD0;
	v7 =	vld [tilespmem:s22+$0x0]  }
0x266: {  	v10 =	vld [tilespmem:s31+$0x10]  }
0x267: {  	v4 =	vld [tilespmem:s31+$0xFFFFFFF0]  }
0x268: {  	v9 =	vld [tilespmem:s31+$0xFFFFFFE0]  }
0x269: {  	v11 =	vld.idx.msk [tilespmem:v3+s8+$0x0], $0xffff  }
0x26a: {  	v3 =	vld [tilespmem:s31+$0x0]  }
0x26b: {  	v8 =	vld.idx.msk [tilespmem:v5+s8+$0x0], $0xffff  }
0x26c: {  	v5 =	vld.idx.msk [tilespmem:v6+s8+$0x0], $0xffff  }
0x26d: {  	s17 =	simm.s32 $0x1F390;
	v6 =	vld.idx.msk [tilespmem:v7+s8+$0x0], $0xffff  }
0x26e: {  	s15 =	simm.s32 $0x40;
	s7 =	simm.s32 $0x1C010;
	v7 =	vld.idx.msk [tilespmem:v10+s8+$0x0], $0xffff;
	[tilespmem:s17+$0x10] =	vst v11  }
.LBB2_32:
0x26f: {  	v10 =	vld [tilespmem:s7+$0x10];
	s15 =	sadd.s32 $0x40, s15  }
0x270: {  	v11 =	vld [tilespmem:s7+$0xFFFFFFF0];
	p2 =	slt.u32 s15, $0x600;
	[tilespmem:s17+$0xFFFFFFE0] =	vst v8  }
0x271: {  	v12 =	vld [tilespmem:s7+$0x0];
	[tilespmem:s17+$0xFFFFFFF0] =	vst v5  }
0x272: {  	v13 =	vld [tilespmem:s7+$0xFFFFFFE0];
	[tilespmem:s17+$0x0] =	vst v6  }
.Ltmp15:
0x273: {  	s17 =	sadd.s32 $0x40, s17;
	v8 =	vld.idx.msk [tilespmem:v9+s8+$0x0], $0xffff;
	(pc) =	sbr.rel @p2 .LBB2_32-.Ltmp15, $4  }
0x274: {  	v5 =	vld.idx.msk [tilespmem:v4+s8+$0x0], $0xffff;
	[tilespmem:s17+$0x10] =	vst v7  }
0x275: {  	v6 =	vld.idx.msk [tilespmem:v3+s8+$0x0], $0xffff;
	v4 =	vmov v11  }
0x276: {  	v3 =	vmov v12  }
0x277: {  	s7 =	sadd.s32 $0x40, s7;
	v7 =	vld.idx.msk [tilespmem:v10+s8+$0x0], $0xffff;
	v9 =	vmov v13  }
0x278: {  	_ =	sdelay $0x3  }
0x279: {  	v9 =	vld.idx.msk [tilespmem:v9+s8+$0x0], $0xffff  }
0x27a: {  	[tilespmem:s17+$0xFFFFFFE0] =	vst v8;
	v4 =	vld.idx.msk [tilespmem:v4+s8+$0x0], $0xffff  }
0x27b: {  	v3 =	vld.idx.msk [tilespmem:v3+s8+$0x0], $0xffff;
	[tilespmem:s17+$0xFFFFFFF0] =	vst v5  }
0x27c: {  	s7 =	sadd.s32 $0x40, s17;
	[tilespmem:s17+$0x0] =	vst v6  }
0x27d: {  	[tilespmem:s7+$0x10] =	vst v7  }
0x27e: {  	[tilespmem:s7+$0xFFFFFFE0] =	vst v9  }
0x27f: {  	[tilespmem:s7+$0xFFFFFFF0] =	vst v4  }
0x280: {  	[tilespmem:s7+$0x0] =	vst v3  }
0x281: {  	[spmem:s2] =	stream.indirect.scatter.add.f32 [tilespmem:s25], [sflag:$0x7], $0x1, s10, s20, $0xb8;
	[tilespmem:$0x1F9F0] =	vst v63  }
0x282: {  	s15 =	simm.s32 $0x1CC70;
	s17 =	simm.s32 $0x0;
	s7 =	rddreg [dreg:$0x16]  }
0x283: {  	[tilespmem:s15], [sflag:$0x5] =	stream.linear.gather [hbm4b:s7+s17], $0x640, $0x38;
	[tilespmem:$0x1F9F0] =	vst v63  }
0x284: {  	s31 =	rddreg [dreg:$0x17]  }
0x285: {  	[tilespmem:s0], [sflag:$0x5] =	stream.linear.gather [hbm4b:s31+s17], $0x640, $0x38;
	[tilespmem:$0x1F9F0] =	vst v63  }
.LBB2_34:
0x286: {  	_ =	swait.ge [sflag:s1], $0x640  }
0x287: {  	[sflag:s1] =	ssyncset.done $0x0  }
0x288: {  	[sflag:s1] =	ssyncadd.s32 $0xFFFFF9C0  }
0x289: {  	_ =	swait.ge [sflag:s1], $0x640  }
0x28a: {  	[sflag:s1] =	ssyncset.done $0x0  }
0x28b: {  	[sflag:s1] =	ssyncadd.s32 $0xFFFFF9C0  }
0x28c: {  	_ =	swait.ge [sflag:s4], $0x640  }
0x28d: {  	[sflag:s4] =	ssyncset.done $0x0  }
0x28e: {  	s7 =	simm.s32 $0x1C610;
	[sflag:s4] =	ssyncadd.s32 $0xFFFFF9C0  }
0x28f: {  	v3 =	vld [tilespmem:s7+$0x10];
	_ =	sdelay $0x1  }
0x290: {  	v5 =	vld [tilespmem:s7+$0xFFFFFFE0]  }
0x291: {  	v6 =	vld [tilespmem:s7+$0xFFFFFFF0]  }
0x292: {  	s31 =	simm.s32 $0x1C650;
	v7 =	vld [tilespmem:s7+$0x0]  }
0x293: {  	v10 =	vld [tilespmem:s31+$0x10]  }
0x294: {  	v4 =	vld [tilespmem:s31+$0xFFFFFFF0]  }
0x295: {  	v9 =	vld [tilespmem:s31+$0xFFFFFFE0]  }
0x296: {  	v11 =	vld.idx.msk [tilespmem:v3+s8+$0x0], $0xffff  }
0x297: {  	v3 =	vld [tilespmem:s31+$0x0]  }
0x298: {  	v8 =	vld.idx.msk [tilespmem:v5+s8+$0x0], $0xffff  }
0x299: {  	v5 =	vld.idx.msk [tilespmem:v6+s8+$0x0], $0xffff  }
0x29a: {  	s22 =	simm.s32 $0x1ED10;
	v6 =	vld.idx.msk [tilespmem:v7+s8+$0x0], $0xffff  }
0x29b: {  	s15 =	simm.s32 $0x40;
	s7 =	simm.s32 $0x1C690;
	v7 =	vld.idx.msk [tilespmem:v10+s8+$0x0], $0xffff;
	[tilespmem:s22+$0x10] =	vst v11  }
.LBB2_35:
0x29c: {  	v10 =	vld [tilespmem:s7+$0x10];
	s15 =	sadd.s32 $0x40, s15  }
0x29d: {  	v11 =	vld [tilespmem:s7+$0xFFFFFFF0];
	p2 =	slt.u32 s15, $0x600;
	[tilespmem:s22+$0xFFFFFFE0] =	vst v8  }
0x29e: {  	v12 =	vld [tilespmem:s7+$0x0];
	[tilespmem:s22+$0xFFFFFFF0] =	vst v5  }
0x29f: {  	v13 =	vld [tilespmem:s7+$0xFFFFFFE0];
	[tilespmem:s22+$0x0] =	vst v6  }
.Ltmp16:
0x2a0: {  	s22 =	sadd.s32 $0x40, s22;
	v8 =	vld.idx.msk [tilespmem:v9+s8+$0x0], $0xffff;
	(pc) =	sbr.rel @p2 .LBB2_35-.Ltmp16, $4  }
0x2a1: {  	v5 =	vld.idx.msk [tilespmem:v4+s8+$0x0], $0xffff;
	[tilespmem:s22+$0x10] =	vst v7  }
0x2a2: {  	v6 =	vld.idx.msk [tilespmem:v3+s8+$0x0], $0xffff;
	v4 =	vmov v11  }
0x2a3: {  	v3 =	vmov v12  }
0x2a4: {  	s7 =	sadd.s32 $0x40, s7;
	v7 =	vld.idx.msk [tilespmem:v10+s8+$0x0], $0xffff;
	v9 =	vmov v13  }
0x2a5: {  	_ =	sdelay $0x3  }
0x2a6: {  	v9 =	vld.idx.msk [tilespmem:v9+s8+$0x0], $0xffff  }
0x2a7: {  	[tilespmem:s22+$0xFFFFFFE0] =	vst v8;
	v4 =	vld.idx.msk [tilespmem:v4+s8+$0x0], $0xffff  }
0x2a8: {  	v3 =	vld.idx.msk [tilespmem:v3+s8+$0x0], $0xffff;
	[tilespmem:s22+$0xFFFFFFF0] =	vst v5  }
0x2a9: {  	s7 =	sadd.s32 $0x40, s22;
	[tilespmem:s22+$0x0] =	vst v6  }
0x2aa: {  	s22 =	smul.u32 $0x1900, s17;
	[tilespmem:s7+$0x10] =	vst v7  }
0x2ab: {  	[tilespmem:s7+$0xFFFFFFE0] =	vst v9  }
0x2ac: {  	s15 =	sadd.s32 s22, s26;
	[tilespmem:s7+$0xFFFFFFF0] =	vst v4  }
0x2ad: {  	[tilespmem:s7+$0x0] =	vst v3;
	s7 =	sshrl.u32 s15, $0x3  }
0x2ae: {  	[spmem:s2] =	stream.indirect.scatter.add.f32 [tilespmem:s21], [sflag:$0x6], $0x1, s23, s20, $0xb8;
	[tilespmem:$0x1F9F0] =	vst v63  }
0x2af: {  	s31 =	simm.s32 $0x1B8F0;
	s15 =	sadd.s32 s18, s7  }
0x2b0: {  	[tilespmem:s31], [sflag:$0x2] =	stream.linear.gather [hbm4b:s15+s3], $0x640, $0x38;
	[tilespmem:$0x1F9F0] =	vst v63  }
0x2b1: {  	s7 =	sadd.s32 s19, s7  }
0x2b2: {  	[tilespmem:s16], [sflag:$0x2] =	stream.linear.gather [hbm4b:s7+s3], $0x640, $0x38;
	[tilespmem:$0x1F9F0] =	vst v63  }
0x2b3: {  	_ =	swait.ge [sflag:s6], $0x640  }
0x2b4: {  	[sflag:s6] =	ssyncset.done $0x0  }
0x2b5: {  	[sflag:s6] =	ssyncadd.s32 $0xFFFFF9C0  }
0x2b6: {  	_ =	swait.ge [sflag:s6], $0x640  }
0x2b7: {  	[sflag:s6] =	ssyncset.done $0x0  }
0x2b8: {  	[sflag:s6] =	ssyncadd.s32 $0xFFFFF9C0  }
0x2b9: {  	_ =	swait.ge [sflag:s5], $0x640  }
0x2ba: {  	[sflag:s5] =	ssyncset.done $0x0  }
0x2bb: {  	s15 =	simm.s32 $0x1CC90;
	[sflag:s5] =	ssyncadd.s32 $0xFFFFF9C0  }
0x2bc: {  	v3 =	vld [tilespmem:s15+$0x10];
	_ =	sdelay $0x1  }
0x2bd: {  	v5 =	vld [tilespmem:s15+$0xFFFFFFE0]  }
0x2be: {  	v6 =	vld [tilespmem:s15+$0xFFFFFFF0]  }
0x2bf: {  	v7 =	vld [tilespmem:s15+$0x0];
	s15 =	simm.s32 $0x1CCD0  }
0x2c0: {  	v10 =	vld [tilespmem:s15+$0x10]  }
0x2c1: {  	v4 =	vld [tilespmem:s15+$0xFFFFFFF0]  }
0x2c2: {  	v9 =	vld [tilespmem:s15+$0xFFFFFFE0]  }
0x2c3: {  	v11 =	vld.idx.msk [tilespmem:v3+s8+$0x0], $0xffff  }
0x2c4: {  	v3 =	vld [tilespmem:s15+$0x0]  }
0x2c5: {  	v8 =	vld.idx.msk [tilespmem:v5+s8+$0x0], $0xffff  }
0x2c6: {  	v5 =	vld.idx.msk [tilespmem:v6+s8+$0x0], $0xffff  }
0x2c7: {  	s31 =	simm.s32 $0x1F390;
	v6 =	vld.idx.msk [tilespmem:v7+s8+$0x0], $0xffff  }
0x2c8: {  	s7 =	simm.s32 $0x1CD10;
	s15 =	simm.s32 $0x40;
	v7 =	vld.idx.msk [tilespmem:v10+s8+$0x0], $0xffff;
	[tilespmem:s31+$0x10] =	vst v11  }
.LBB2_37:
0x2c9: {  	v10 =	vld [tilespmem:s7+$0x10];
	s15 =	sadd.s32 $0x40, s15  }
0x2ca: {  	v11 =	vld [tilespmem:s7+$0xFFFFFFF0];
	p2 =	slt.u32 s15, $0x600;
	[tilespmem:s31+$0xFFFFFFE0] =	vst v8  }
0x2cb: {  	v12 =	vld [tilespmem:s7+$0x0];
	[tilespmem:s31+$0xFFFFFFF0] =	vst v5  }
0x2cc: {  	v13 =	vld [tilespmem:s7+$0xFFFFFFE0];
	[tilespmem:s31+$0x0] =	vst v6  }
.Ltmp17:
0x2cd: {  	s31 =	sadd.s32 $0x40, s31;
	v8 =	vld.idx.msk [tilespmem:v9+s8+$0x0], $0xffff;
	(pc) =	sbr.rel @p2 .LBB2_37-.Ltmp17, $4  }
0x2ce: {  	v5 =	vld.idx.msk [tilespmem:v4+s8+$0x0], $0xffff;
	[tilespmem:s31+$0x10] =	vst v7  }
0x2cf: {  	v6 =	vld.idx.msk [tilespmem:v3+s8+$0x0], $0xffff;
	v4 =	vmov v11  }
0x2d0: {  	v3 =	vmov v12  }
0x2d1: {  	s7 =	sadd.s32 $0x40, s7;
	v7 =	vld.idx.msk [tilespmem:v10+s8+$0x0], $0xffff;
	v9 =	vmov v13  }
0x2d2: {  	_ =	sdelay $0x3  }
0x2d3: {  	v9 =	vld.idx.msk [tilespmem:v9+s8+$0x0], $0xffff  }
0x2d4: {  	[tilespmem:s31+$0xFFFFFFE0] =	vst v8;
	v4 =	vld.idx.msk [tilespmem:v4+s8+$0x0], $0xffff  }
0x2d5: {  	v3 =	vld.idx.msk [tilespmem:v3+s8+$0x0], $0xffff;
	[tilespmem:s31+$0xFFFFFFF0] =	vst v5  }
0x2d6: {  	s7 =	sadd.s32 $0x40, s31;
	[tilespmem:s31+$0x0] =	vst v6  }
0x2d7: {  	[tilespmem:s7+$0x10] =	vst v7  }
0x2d8: {  	[tilespmem:s7+$0xFFFFFFE0] =	vst v9  }
0x2d9: {  	s15 =	sadd.s32 s22, s28;
	[tilespmem:s7+$0xFFFFFFF0] =	vst v4  }
0x2da: {  	[tilespmem:s7+$0x0] =	vst v3;
	s7 =	sshrl.u32 s15, $0x3  }
0x2db: {  	[spmem:s2] =	stream.indirect.scatter.add.f32 [tilespmem:s25], [sflag:$0x7], $0x1, s0, s20, $0xb8;
	[tilespmem:$0x1F9F0] =	vst v63  }
0x2dc: {  	s31 =	simm.s32 $0x1BF70;
	s15 =	sadd.s32 s18, s7  }
0x2dd: {  	[tilespmem:s31], [sflag:$0x3] =	stream.linear.gather [hbm4b:s15+s3], $0x640, $0x38;
	[tilespmem:$0x1F9F0] =	vst v63  }
0x2de: {  	s7 =	sadd.s32 s19, s7  }
0x2df: {  	[tilespmem:s10], [sflag:$0x3] =	stream.linear.gather [hbm4b:s7+s3], $0x640, $0x38;
	[tilespmem:$0x1F9F0] =	vst v63  }
0x2e0: {  	_ =	swait.ge [sflag:s11], $0x640  }
0x2e1: {  	[sflag:s11] =	ssyncset.done $0x0  }
0x2e2: {  	[sflag:s11] =	ssyncadd.s32 $0xFFFFF9C0  }
0x2e3: {  	_ =	swait.ge [sflag:s11], $0x640  }
0x2e4: {  	[sflag:s11] =	ssyncset.done $0x0  }
0x2e5: {  	[sflag:s11] =	ssyncadd.s32 $0xFFFFF9C0  }
0x2e6: {  	_ =	swait.ge [sflag:s4], $0x640  }
0x2e7: {  	[sflag:s4] =	ssyncset.done $0x0  }
0x2e8: {  	s15 =	simm.s32 $0x1B910;
	[sflag:s4] =	ssyncadd.s32 $0xFFFFF9C0  }
0x2e9: {  	v3 =	vld [tilespmem:s15+$0x10];
	_ =	sdelay $0x1  }
0x2ea: {  	v5 =	vld [tilespmem:s15+$0xFFFFFFE0]  }
0x2eb: {  	v6 =	vld [tilespmem:s15+$0xFFFFFFF0]  }
0x2ec: {  	v7 =	vld [tilespmem:s15+$0x0];
	s15 =	simm.s32 $0x1B950  }
0x2ed: {  	v10 =	vld [tilespmem:s15+$0x10]  }
0x2ee: {  	v4 =	vld [tilespmem:s15+$0xFFFFFFF0]  }
0x2ef: {  	v9 =	vld [tilespmem:s15+$0xFFFFFFE0]  }
0x2f0: {  	v11 =	vld.idx.msk [tilespmem:v3+s8+$0x0], $0xffff  }
0x2f1: {  	v3 =	vld [tilespmem:s15+$0x0]  }
0x2f2: {  	v8 =	vld.idx.msk [tilespmem:v5+s8+$0x0], $0xffff  }
0x2f3: {  	v5 =	vld.idx.msk [tilespmem:v6+s8+$0x0], $0xffff  }
0x2f4: {  	s31 =	simm.s32 $0x1ED10;
	v6 =	vld.idx.msk [tilespmem:v7+s8+$0x0], $0xffff  }
0x2f5: {  	s7 =	simm.s32 $0x1B990;
	s15 =	simm.s32 $0x40;
	v7 =	vld.idx.msk [tilespmem:v10+s8+$0x0], $0xffff;
	[tilespmem:s31+$0x10] =	vst v11  }
.LBB2_39:
0x2f6: {  	v10 =	vld [tilespmem:s7+$0x10];
	s15 =	sadd.s32 $0x40, s15  }
0x2f7: {  	v11 =	vld [tilespmem:s7+$0xFFFFFFF0];
	p2 =	slt.u32 s15, $0x600;
	[tilespmem:s31+$0xFFFFFFE0] =	vst v8  }
0x2f8: {  	v12 =	vld [tilespmem:s7+$0x0];
	[tilespmem:s31+$0xFFFFFFF0] =	vst v5  }
0x2f9: {  	v13 =	vld [tilespmem:s7+$0xFFFFFFE0];
	[tilespmem:s31+$0x0] =	vst v6  }
.Ltmp18:
0x2fa: {  	s31 =	sadd.s32 $0x40, s31;
	v8 =	vld.idx.msk [tilespmem:v9+s8+$0x0], $0xffff;
	(pc) =	sbr.rel @p2 .LBB2_39-.Ltmp18, $4  }
0x2fb: {  	v5 =	vld.idx.msk [tilespmem:v4+s8+$0x0], $0xffff;
	[tilespmem:s31+$0x10] =	vst v7  }
0x2fc: {  	v6 =	vld.idx.msk [tilespmem:v3+s8+$0x0], $0xffff;
	v4 =	vmov v11  }
0x2fd: {  	v3 =	vmov v12  }
0x2fe: {  	s7 =	sadd.s32 $0x40, s7;
	v7 =	vld.idx.msk [tilespmem:v10+s8+$0x0], $0xffff;
	v9 =	vmov v13  }
0x2ff: {  	_ =	sdelay $0x3  }
0x300: {  	v9 =	vld.idx.msk [tilespmem:v9+s8+$0x0], $0xffff  }
0x301: {  	[tilespmem:s31+$0xFFFFFFE0] =	vst v8;
	v4 =	vld.idx.msk [tilespmem:v4+s8+$0x0], $0xffff  }
0x302: {  	v3 =	vld.idx.msk [tilespmem:v3+s8+$0x0], $0xffff;
	[tilespmem:s31+$0xFFFFFFF0] =	vst v5  }
0x303: {  	s7 =	sadd.s32 $0x40, s31;
	[tilespmem:s31+$0x0] =	vst v6  }
0x304: {  	[tilespmem:s7+$0x10] =	vst v7  }
0x305: {  	[tilespmem:s7+$0xFFFFFFE0] =	vst v9  }
0x306: {  	s15 =	sadd.s32 s22, s29;
	[tilespmem:s7+$0xFFFFFFF0] =	vst v4  }
0x307: {  	[tilespmem:s7+$0x0] =	vst v3;
	s7 =	sshrl.u32 s15, $0x3  }
0x308: {  	[spmem:s2] =	stream.indirect.scatter.add.f32 [tilespmem:s21], [sflag:$0x6], $0x1, s16, s20, $0xb8;
	[tilespmem:$0x1F9F0] =	vst v63  }
0x309: {  	s31 =	simm.s32 $0x1C5F0;
	s15 =	sadd.s32 s18, s7  }
0x30a: {  	[tilespmem:s31], [sflag:$0x4] =	stream.linear.gather [hbm4b:s15+s3], $0x640, $0x38;
	[tilespmem:$0x1F9F0] =	vst v63  }
0x30b: {  	s7 =	sadd.s32 s19, s7  }
0x30c: {  	[tilespmem:s23], [sflag:$0x4] =	stream.linear.gather [hbm4b:s7+s3], $0x640, $0x38;
	[tilespmem:$0x1F9F0] =	vst v63  }
0x30d: {  	_ =	swait.ge [sflag:s24], $0x640  }
0x30e: {  	[sflag:s24] =	ssyncset.done $0x0  }
0x30f: {  	[sflag:s24] =	ssyncadd.s32 $0xFFFFF9C0  }
0x310: {  	_ =	swait.ge [sflag:s24], $0x640  }
0x311: {  	[sflag:s24] =	ssyncset.done $0x0  }
0x312: {  	[sflag:s24] =	ssyncadd.s32 $0xFFFFF9C0  }
0x313: {  	_ =	swait.ge [sflag:s5], $0x640  }
0x314: {  	[sflag:s5] =	ssyncset.done $0x0  }
0x315: {  	s15 =	simm.s32 $0x1BF90;
	[sflag:s5] =	ssyncadd.s32 $0xFFFFF9C0  }
0x316: {  	v3 =	vld [tilespmem:s15+$0x10];
	_ =	sdelay $0x1  }
0x317: {  	v5 =	vld [tilespmem:s15+$0xFFFFFFE0]  }
0x318: {  	v6 =	vld [tilespmem:s15+$0xFFFFFFF0]  }
0x319: {  	v7 =	vld [tilespmem:s15+$0x0];
	s15 =	simm.s32 $0x1BFD0  }
0x31a: {  	v10 =	vld [tilespmem:s15+$0x10]  }
0x31b: {  	v4 =	vld [tilespmem:s15+$0xFFFFFFF0]  }
0x31c: {  	v9 =	vld [tilespmem:s15+$0xFFFFFFE0]  }
0x31d: {  	v11 =	vld.idx.msk [tilespmem:v3+s8+$0x0], $0xffff  }
0x31e: {  	v3 =	vld [tilespmem:s15+$0x0]  }
0x31f: {  	v8 =	vld.idx.msk [tilespmem:v5+s8+$0x0], $0xffff  }
0x320: {  	v5 =	vld.idx.msk [tilespmem:v6+s8+$0x0], $0xffff  }
0x321: {  	s31 =	simm.s32 $0x1F390;
	v6 =	vld.idx.msk [tilespmem:v7+s8+$0x0], $0xffff  }
0x322: {  	s7 =	simm.s32 $0x1C010;
	s15 =	simm.s32 $0x40;
	v7 =	vld.idx.msk [tilespmem:v10+s8+$0x0], $0xffff;
	[tilespmem:s31+$0x10] =	vst v11  }
.LBB2_41:
0x323: {  	v10 =	vld [tilespmem:s7+$0x10];
	s15 =	sadd.s32 $0x40, s15  }
0x324: {  	v11 =	vld [tilespmem:s7+$0xFFFFFFF0];
	p2 =	slt.u32 s15, $0x600;
	[tilespmem:s31+$0xFFFFFFE0] =	vst v8  }
0x325: {  	v12 =	vld [tilespmem:s7+$0x0];
	[tilespmem:s31+$0xFFFFFFF0] =	vst v5  }
0x326: {  	v13 =	vld [tilespmem:s7+$0xFFFFFFE0];
	[tilespmem:s31+$0x0] =	vst v6  }
.Ltmp19:
0x327: {  	s31 =	sadd.s32 $0x40, s31;
	v8 =	vld.idx.msk [tilespmem:v9+s8+$0x0], $0xffff;
	(pc) =	sbr.rel @p2 .LBB2_41-.Ltmp19, $4  }
0x328: {  	v5 =	vld.idx.msk [tilespmem:v4+s8+$0x0], $0xffff;
	[tilespmem:s31+$0x10] =	vst v7  }
0x329: {  	v6 =	vld.idx.msk [tilespmem:v3+s8+$0x0], $0xffff;
	v4 =	vmov v11  }
0x32a: {  	v3 =	vmov v12  }
0x32b: {  	s7 =	sadd.s32 $0x40, s7;
	v7 =	vld.idx.msk [tilespmem:v10+s8+$0x0], $0xffff;
	v9 =	vmov v13  }
0x32c: {  	_ =	sdelay $0x3  }
0x32d: {  	v9 =	vld.idx.msk [tilespmem:v9+s8+$0x0], $0xffff  }
0x32e: {  	[tilespmem:s31+$0xFFFFFFE0] =	vst v8;
	v4 =	vld.idx.msk [tilespmem:v4+s8+$0x0], $0xffff  }
0x32f: {  	v3 =	vld.idx.msk [tilespmem:v3+s8+$0x0], $0xffff;
	[tilespmem:s31+$0xFFFFFFF0] =	vst v5  }
0x330: {  	s7 =	sadd.s32 $0x40, s31;
	[tilespmem:s31+$0x0] =	vst v6  }
0x331: {  	[tilespmem:s7+$0x10] =	vst v7  }
0x332: {  	[tilespmem:s7+$0xFFFFFFE0] =	vst v9  }
0x333: {  	s17 =	sadd.s32 $0x1, s17;
	[tilespmem:s7+$0xFFFFFFF0] =	vst v4  }
0x334: {  	s22 =	sadd.s32 s22, s30;
	p2 =	sne.s32 s17, $0x1E;
	[tilespmem:s7+$0x0] =	vst v3  }
0x335: {  	[spmem:s2] =	stream.indirect.scatter.add.f32 [tilespmem:s25], [sflag:$0x7], $0x1, s10, s20, $0xb8;
	[tilespmem:$0x1F9F0] =	vst v63  }
.Ltmp20:
0x336: {  	s7 =	sshrl.u32 s22, $0x3;
	(pc) =	sbr.rel @p2 .LBB2_34-.Ltmp20, $4  }
0x337: {  	s31 =	simm.s32 $0x1CC70;
	s15 =	sadd.s32 s18, s7  }
0x338: {  	[tilespmem:s31], [sflag:$0x5] =	stream.linear.gather [hbm4b:s15+s3], $0x640, $0x38;
	[tilespmem:$0x1F9F0] =	vst v63  }
0x339: {  	s7 =	sadd.s32 s19, s7  }
0x33a: {  	[tilespmem:s0], [sflag:$0x5] =	stream.linear.gather [hbm4b:s7+s3], $0x640, $0x38;
	[tilespmem:$0x1F9F0] =	vst v63  }
0x33b: {  	_ =	swait.ge [sflag:s1], $0x640  }
0x33c: {  	[sflag:s1] =	ssyncset.done $0x0  }
0x33d: {  	[sflag:s1] =	ssyncadd.s32 $0xFFFFF9C0  }
0x33e: {  	_ =	swait.ge [sflag:s1], $0x640  }
0x33f: {  	[sflag:s1] =	ssyncset.done $0x0  }
0x340: {  	[sflag:s1] =	ssyncadd.s32 $0xFFFFF9C0  }
0x341: {  	_ =	swait.ge [sflag:s4], $0x640  }
0x342: {  	[sflag:s4] =	ssyncset.done $0x0  }
0x343: {  	s7 =	simm.s32 $0x1C610;
	[sflag:s4] =	ssyncadd.s32 $0xFFFFF9C0  }
0x344: {  	v3 =	vld [tilespmem:s7+$0x10];
	_ =	sdelay $0x1  }
0x345: {  	v5 =	vld [tilespmem:s7+$0xFFFFFFE0]  }
0x346: {  	v6 =	vld [tilespmem:s7+$0xFFFFFFF0]  }
0x347: {  	s31 =	simm.s32 $0x1C650;
	v7 =	vld [tilespmem:s7+$0x0]  }
0x348: {  	v10 =	vld [tilespmem:s31+$0x10]  }
0x349: {  	v4 =	vld [tilespmem:s31+$0xFFFFFFF0]  }
0x34a: {  	v9 =	vld [tilespmem:s31+$0xFFFFFFE0]  }
0x34b: {  	v11 =	vld.idx.msk [tilespmem:v3+s8+$0x0], $0xffff  }
0x34c: {  	v3 =	vld [tilespmem:s31+$0x0]  }
0x34d: {  	v8 =	vld.idx.msk [tilespmem:v5+s8+$0x0], $0xffff  }
0x34e: {  	v5 =	vld.idx.msk [tilespmem:v6+s8+$0x0], $0xffff  }
0x34f: {  	s17 =	simm.s32 $0x1ED10;
	v6 =	vld.idx.msk [tilespmem:v7+s8+$0x0], $0xffff  }
0x350: {  	s15 =	simm.s32 $0x40;
	s7 =	simm.s32 $0x1C690;
	v7 =	vld.idx.msk [tilespmem:v10+s8+$0x0], $0xffff;
	[tilespmem:s17+$0x10] =	vst v11  }
.LBB2_44:
0x351: {  	v10 =	vld [tilespmem:s7+$0x10];
	s15 =	sadd.s32 $0x40, s15  }
0x352: {  	v11 =	vld [tilespmem:s7+$0xFFFFFFF0];
	p2 =	slt.u32 s15, $0x600;
	[tilespmem:s17+$0xFFFFFFE0] =	vst v8  }
0x353: {  	v12 =	vld [tilespmem:s7+$0x0];
	[tilespmem:s17+$0xFFFFFFF0] =	vst v5  }
0x354: {  	v13 =	vld [tilespmem:s7+$0xFFFFFFE0];
	[tilespmem:s17+$0x0] =	vst v6  }
.Ltmp21:
0x355: {  	s17 =	sadd.s32 $0x40, s17;
	v8 =	vld.idx.msk [tilespmem:v9+s8+$0x0], $0xffff;
	(pc) =	sbr.rel @p2 .LBB2_44-.Ltmp21, $4  }
0x356: {  	v5 =	vld.idx.msk [tilespmem:v4+s8+$0x0], $0xffff;
	[tilespmem:s17+$0x10] =	vst v7  }
0x357: {  	v6 =	vld.idx.msk [tilespmem:v3+s8+$0x0], $0xffff;
	v4 =	vmov v11  }
0x358: {  	v3 =	vmov v12  }
0x359: {  	s7 =	sadd.s32 $0x40, s7;
	v7 =	vld.idx.msk [tilespmem:v10+s8+$0x0], $0xffff;
	v9 =	vmov v13  }
0x35a: {  	_ =	sdelay $0x3  }
0x35b: {  	v9 =	vld.idx.msk [tilespmem:v9+s8+$0x0], $0xffff  }
0x35c: {  	[tilespmem:s17+$0xFFFFFFE0] =	vst v8;
	v4 =	vld.idx.msk [tilespmem:v4+s8+$0x0], $0xffff  }
0x35d: {  	v3 =	vld.idx.msk [tilespmem:v3+s8+$0x0], $0xffff;
	[tilespmem:s17+$0xFFFFFFF0] =	vst v5  }
0x35e: {  	s7 =	sadd.s32 $0x40, s17;
	[tilespmem:s17+$0x0] =	vst v6  }
0x35f: {  	[tilespmem:s7+$0x10] =	vst v7  }
0x360: {  	[tilespmem:s7+$0xFFFFFFE0] =	vst v9  }
0x361: {  	[tilespmem:s7+$0xFFFFFFF0] =	vst v4  }
0x362: {  	[tilespmem:s7+$0x0] =	vst v3  }
0x363: {  	[spmem:s2] =	stream.indirect.scatter.add.f32 [tilespmem:s21], [sflag:$0x6], $0x1, s23, s20, $0xb8;
	[tilespmem:$0x1F9F0] =	vst v63  }
0x364: {  	s15 =	simm.s32 $0x1B8F0;
	s7 =	rddreg [dreg:$0x1a]  }
0x365: {  	[tilespmem:s15], [sflag:$0x2] =	stream.linear.gather [hbm4b:s7+s3], $0x640, $0x38;
	[tilespmem:$0x1F9F0] =	vst v63  }
0x366: {  	s15 =	rddreg [dreg:$0x1b]  }
0x367: {  	[tilespmem:s16], [sflag:$0x2] =	stream.linear.gather [hbm4b:s15+s3], $0x640, $0x38;
	[tilespmem:$0x1F9F0] =	vst v63  }
0x368: {  	_ =	swait.ge [sflag:s6], $0x640  }
0x369: {  	[sflag:s6] =	ssyncset.done $0x0  }
0x36a: {  	[sflag:s6] =	ssyncadd.s32 $0xFFFFF9C0  }
0x36b: {  	_ =	swait.ge [sflag:s6], $0x640  }
0x36c: {  	[sflag:s6] =	ssyncset.done $0x0  }
0x36d: {  	[sflag:s6] =	ssyncadd.s32 $0xFFFFF9C0  }
0x36e: {  	_ =	swait.ge [sflag:s5], $0x640  }
0x36f: {  	[sflag:s5] =	ssyncset.done $0x0  }
0x370: {  	s17 =	simm.s32 $0x1CC90;
	[sflag:s5] =	ssyncadd.s32 $0xFFFFF9C0  }
0x371: {  	v3 =	vld [tilespmem:s17+$0x10];
	_ =	sdelay $0x2  }
0x372: {  	v5 =	vld [tilespmem:s17+$0xFFFFFFE0]  }
0x373: {  	v6 =	vld [tilespmem:s17+$0xFFFFFFF0]  }
0x374: {  	s22 =	simm.s32 $0x1CCD0;
	v7 =	vld [tilespmem:s17+$0x0]  }
0x375: {  	v10 =	vld [tilespmem:s22+$0x10]  }
0x376: {  	v4 =	vld [tilespmem:s22+$0xFFFFFFF0]  }
0x377: {  	v11 =	vld.idx.msk [tilespmem:v3+s8+$0x0], $0xffff  }
0x378: {  	v9 =	vld [tilespmem:s22+$0xFFFFFFE0]  }
0x379: {  	v3 =	vld [tilespmem:s22+$0x0]  }
0x37a: {  	v8 =	vld.idx.msk [tilespmem:v5+s8+$0x0], $0xffff  }
0x37b: {  	s17 =	simm.s32 $0x1F390;
	v5 =	vld.idx.msk [tilespmem:v6+s8+$0x0], $0xffff  }
0x37c: {  	s31 =	simm.s32 $0x8;
	v6 =	vld.idx.msk [tilespmem:v7+s8+$0x0], $0xffff;
	[tilespmem:s17+$0x10] =	vst v11  }
0x37d: {  	s7 =	simm.s32 $0x1CD10;
	s15 =	simm.s32 $0x40;
	v7 =	vld.idx.msk [tilespmem:v10+s8+$0x0], $0xffff;
	s22 =	rddreg [dreg:$0x1c]  }
.LBB2_46:
0x37e: {  	v10 =	vld [tilespmem:s7+$0x10];
	s15 =	sadd.s32 $0x40, s15  }
0x37f: {  	v11 =	vld [tilespmem:s7+$0xFFFFFFF0];
	p2 =	slt.u32 s15, $0x600;
	[tilespmem:s17+$0xFFFFFFE0] =	vst v8  }
0x380: {  	v12 =	vld [tilespmem:s7+$0x0];
	[tilespmem:s17+$0xFFFFFFF0] =	vst v5  }
0x381: {  	v13 =	vld [tilespmem:s7+$0xFFFFFFE0];
	[tilespmem:s17+$0x0] =	vst v6  }
.Ltmp22:
0x382: {  	s17 =	sadd.s32 $0x40, s17;
	v8 =	vld.idx.msk [tilespmem:v9+s8+$0x0], $0xffff;
	(pc) =	sbr.rel @p2 .LBB2_46-.Ltmp22, $4  }
0x383: {  	v5 =	vld.idx.msk [tilespmem:v4+s8+$0x0], $0xffff;
	[tilespmem:s17+$0x10] =	vst v7  }
0x384: {  	v6 =	vld.idx.msk [tilespmem:v3+s8+$0x0], $0xffff;
	v4 =	vmov v11  }
0x385: {  	v3 =	vmov v12  }
0x386: {  	s7 =	sadd.s32 $0x40, s7;
	v7 =	vld.idx.msk [tilespmem:v10+s8+$0x0], $0xffff;
	v9 =	vmov v13  }
0x387: {  	_ =	sdelay $0x3  }
0x388: {  	v9 =	vld.idx.msk [tilespmem:v9+s8+$0x0], $0xffff  }
0x389: {  	[tilespmem:s17+$0xFFFFFFE0] =	vst v8;
	v4 =	vld.idx.msk [tilespmem:v4+s8+$0x0], $0xffff  }
0x38a: {  	v3 =	vld.idx.msk [tilespmem:v3+s8+$0x0], $0xffff;
	[tilespmem:s17+$0xFFFFFFF0] =	vst v5  }
0x38b: {  	s7 =	sadd.s32 $0x40, s17;
	[tilespmem:s17+$0x0] =	vst v6  }
0x38c: {  	[tilespmem:s7+$0x10] =	vst v7  }
0x38d: {  	[tilespmem:s7+$0xFFFFFFE0] =	vst v9  }
0x38e: {  	[tilespmem:s7+$0xFFFFFFF0] =	vst v4  }
0x38f: {  	[tilespmem:s7+$0x0] =	vst v3  }
0x390: {  	[spmem:s2] =	stream.indirect.scatter.add.f32 [tilespmem:s25], [sflag:$0x7], $0x1, s0, s20, $0xb8;
	[tilespmem:$0x1F9F0] =	vst v63  }
0x391: {  	_ =	swait.ge [sflag:s11], $0x640  }
0x392: {  	[sflag:s11] =	ssyncset.done $0x0  }
0x393: {  	[sflag:s11] =	ssyncadd.s32 $0xFFFFF9C0  }
0x394: {  	_ =	swait.ge [sflag:s11], $0x640  }
0x395: {  	[sflag:s11] =	ssyncset.done $0x0  }
0x396: {  	[sflag:s11] =	ssyncadd.s32 $0xFFFFF9C0  }
0x397: {  	_ =	swait.ge [sflag:s4], $0x640  }
0x398: {  	[sflag:s4] =	ssyncset.done $0x0  }
0x399: {  	s15 =	simm.s32 $0x1B910;
	[sflag:s4] =	ssyncadd.s32 $0xFFFFF9C0  }
0x39a: {  	v3 =	vld [tilespmem:s15+$0x10];
	_ =	sdelay $0x1  }
0x39b: {  	v5 =	vld [tilespmem:s15+$0xFFFFFFE0]  }
0x39c: {  	v6 =	vld [tilespmem:s15+$0xFFFFFFF0]  }
0x39d: {  	s17 =	simm.s32 $0x1B950;
	v7 =	vld [tilespmem:s15+$0x0]  }
0x39e: {  	v10 =	vld [tilespmem:s17+$0x10]  }
0x39f: {  	v4 =	vld [tilespmem:s17+$0xFFFFFFF0]  }
0x3a0: {  	v9 =	vld [tilespmem:s17+$0xFFFFFFE0]  }
0x3a1: {  	v11 =	vld.idx.msk [tilespmem:v3+s8+$0x0], $0xffff  }
0x3a2: {  	v3 =	vld [tilespmem:s17+$0x0]  }
0x3a3: {  	v8 =	vld.idx.msk [tilespmem:v5+s8+$0x0], $0xffff  }
0x3a4: {  	v5 =	vld.idx.msk [tilespmem:v6+s8+$0x0], $0xffff  }
0x3a5: {  	s17 =	simm.s32 $0x1ED10;
	v6 =	vld.idx.msk [tilespmem:v7+s8+$0x0], $0xffff  }
0x3a6: {  	s7 =	simm.s32 $0x1B990;
	s15 =	simm.s32 $0x40;
	v7 =	vld.idx.msk [tilespmem:v10+s8+$0x0], $0xffff;
	[tilespmem:s17+$0x10] =	vst v11  }
.LBB2_48:
0x3a7: {  	v10 =	vld [tilespmem:s7+$0x10];
	s15 =	sadd.s32 $0x40, s15  }
0x3a8: {  	v11 =	vld [tilespmem:s7+$0xFFFFFFF0];
	p2 =	slt.u32 s15, $0x600;
	[tilespmem:s17+$0xFFFFFFE0] =	vst v8  }
0x3a9: {  	v12 =	vld [tilespmem:s7+$0x0];
	[tilespmem:s17+$0xFFFFFFF0] =	vst v5  }
0x3aa: {  	v13 =	vld [tilespmem:s7+$0xFFFFFFE0];
	[tilespmem:s17+$0x0] =	vst v6  }
.Ltmp23:
0x3ab: {  	s17 =	sadd.s32 $0x40, s17;
	v8 =	vld.idx.msk [tilespmem:v9+s8+$0x0], $0xffff;
	(pc) =	sbr.rel @p2 .LBB2_48-.Ltmp23, $4  }
0x3ac: {  	v5 =	vld.idx.msk [tilespmem:v4+s8+$0x0], $0xffff;
	[tilespmem:s17+$0x10] =	vst v7  }
0x3ad: {  	v6 =	vld.idx.msk [tilespmem:v3+s8+$0x0], $0xffff;
	v4 =	vmov v11  }
0x3ae: {  	v3 =	vmov v12  }
0x3af: {  	s7 =	sadd.s32 $0x40, s7;
	v7 =	vld.idx.msk [tilespmem:v10+s8+$0x0], $0xffff;
	v9 =	vmov v13  }
0x3b0: {  	_ =	sdelay $0x3  }
0x3b1: {  	v9 =	vld.idx.msk [tilespmem:v9+s8+$0x0], $0xffff  }
0x3b2: {  	[tilespmem:s17+$0xFFFFFFE0] =	vst v8;
	v4 =	vld.idx.msk [tilespmem:v4+s8+$0x0], $0xffff  }
0x3b3: {  	v3 =	vld.idx.msk [tilespmem:v3+s8+$0x0], $0xffff;
	[tilespmem:s17+$0xFFFFFFF0] =	vst v5  }
0x3b4: {  	s7 =	sadd.s32 $0x40, s17;
	[tilespmem:s17+$0x0] =	vst v6  }
0x3b5: {  	[tilespmem:s7+$0x10] =	vst v7  }
0x3b6: {  	[tilespmem:s7+$0xFFFFFFE0] =	vst v9  }
0x3b7: {  	[tilespmem:s7+$0xFFFFFFF0] =	vst v4  }
0x3b8: {  	[tilespmem:s7+$0x0] =	vst v3  }
0x3b9: {  	[spmem:s2] =	stream.indirect.scatter.add.f32 [tilespmem:s21], [sflag:$0x6], $0x1, s16, s20, $0xb8;
	[tilespmem:$0x1F9F0] =	vst v63  }
0x3ba: {  	_ =	swait.ge [sflag:s5], $0x640  }
0x3bb: {  	[sflag:s5] =	ssyncset.done $0x0  }
0x3bc: {  	[sflag:s5] =	ssyncadd.s32 $0xFFFFF9C0  }
0x3bd: {  	_ =	swait.ge [sflag:s4], $0x640  }
0x3be: {  	[sflag:s4] =	ssyncset.done $0x0  }
0x3bf: {  	[sflag:s4] =	ssyncadd.s32 $0xFFFFF9C0  }
0x3c0: {  	s15 =	simm.s32 $0x19F70;
	[bflag:$0x0] =	sbarrier.arrive $0xFFFF  }
0x3c1: {  	[tilespmem:s15], [sflag:$0x8] =	stream.linear.gather [spmem:s22], $0x1870, $0x38;
	[tilespmem:$0x1F9F0] =	vst v63  }
0x3c2: {  	_ =	swait.ge [sflag:s31], $0x1870  }
0x3c3: {  	[sflag:s31] =	ssyncset.done $0x0  }
0x3c4: {  	s17 =	rddreg [dreg:$0xc];
	[sflag:s31] =	ssyncadd.s32 $0xFFFFE790  }
0x3c5: {  	[hbm4b:s17+s3] =	stream.linear.scatter [tilespmem:s15], [sflag:$0x8], $0x1870, $0x38;
	[tilespmem:$0x1F9F0] =	vst v63  }
0x3c6: {  	_ =	swait.ge [sflag:s31], $0x1870  }
0x3c7: {  	[sflag:s31] =	ssyncset.done $0x0  }
0x3c8: {  	[sflag:s31] =	ssyncadd.s32 $0xFFFFE790  }
0x3c9: {  	v3 =	vimm.s32 @!p0 $0x2;
	[bflag:$0x0] =	sbarrier.arrive $0xFFFF  }
0x3ca: {  	s7 =	simm.s32 @!p0 $0x0;
	s15 =	simm.s32 @!p0 $0x1B870;
	[tilespmem:$0x1B870] =	vst @!p0 v3;
	s17 =	rddreg [dreg:$0x1e]  }
0x3cb: {  	[hbm4b:s17+s7] =	stream.linear.scatter @!p0 [tilespmem:s15], [sflag:$0x8], $0x10, $0x38;
	[tilespmem:$0x1F9F0] =	vst v63  }
0x3cc: {  	s7 =	simm.s32 @!p0 $0x8  }
0x3cd: {  	_ =	swait.ge @!p0 [sflag:s7], $0x10  }
0x3ce: {  	[sflag:s7] =	ssyncset.done @!p0 $0x0  }
0x3cf: {  	s22 =	simm.s32 $0x19F70;
	[sflag:s7] =	ssyncadd.s32 @!p0 $0xFFFFFFF0;
	s7 =	simm.s32 $0x0  }
.LBB2_50:
0x3d0: {  	[tilespmem:s14], [sflag:$0x1] =	stream.linear.gather [hbm4b:s12+s3], $0x10, $0x38;
	[tilespmem:$0x1F9F0] =	vst v63  }
0x3d1: {  	_ =	swait.ge [sflag:s9], $0x10  }
0x3d2: {  	[sflag:s9] =	ssyncset.done $0x0  }
0x3d3: {  	[sflag:s9] =	ssyncadd.s32 $0xFFFFFFF0  }
0x3d4: {  	v3 =	vld [tilespmem:$0x1B870];
	_ =	sdelay $0x4  }
0x3d5: {  	vm0 =	veq.s32 v3, $0x2  }
0x3d6: {  	v3 =	vsel vm0, $0x1, v1  }
0x3d7: {  	v3 =	vor.u32 $0x80000000, v3  }
0x3d8: {  	(xrf0) =	vmax.scan.msk.u32 $0xffff, v3;
	_ =	sdelay $0x5  }
0x3d9: {  	v3, _, _ =	vpop (xrf0)  }
0x3da: {  	(v2sf) =	vpush v3, $0xF;
	_ =	sdelay $0xe  }
0x3db: {  	p2 =	sgt.u32 s7, $0x30D3E;
	s15 =	spop (v2sf)  }
0x3dc: {  	p3 =	seq.s32 @!p2 s15, $0x80000000  }
0x3dd: {  	p2 =	por p2, !p3  }
.Ltmp24:
0x3de: {  	_ = 	snop;
	(pc) =	sbr.rel @!p2 .LBB2_50-.Ltmp24, $2  }
0x3df: {  	_ =	sdelay $0x2  }
0x3e0: {  	s7 =	sadd.s32 $0x1, s7  }
0x3e1: {  	s15 =	sld [smem:$0x7FC];
	_ =	sdelay $0x1  }
0x3e2: {  	s7 =	simm.s32 $0x0;
	s17 =	simm.s32 $0x1B7F0  }
0x3e3: {  	[tilespmem:s17], [sflag:$0x8] =	stream.linear.gather [hbm4b:s15+s7], $0x10, $0x38;
	[tilespmem:$0x1F9F0] =	vst v63  }
0x3e4: {  	_ =	swait.ge [sflag:s31], $0x10  }
0x3e5: {  	[sflag:s31] =	ssyncset.done $0x0  }
0x3e6: {  	s17 =	rddreg [dreg:$0xd];
	[sflag:s31] =	ssyncadd.s32 $0xFFFFFFF0  }
0x3e7: {  	[tilespmem:s22], [sflag:$0x8] =	stream.linear.gather [hbm4b:s17+s7], $0x1870, $0x38;
	[tilespmem:$0x1F9F0] =	vst v63  }
0x3e8: {  	_ =	swait.ge [sflag:s31], $0x1870  }
0x3e9: {  	[sflag:s31] =	ssyncset.done $0x0  }
0x3ea: {  	s15 =	simm.s32 $0x40;
	s7 =	simm.s32 $0x0;
	[sflag:s31] =	ssyncadd.s32 $0xFFFFE790  }
.LBB2_52:
0x3eb: {  	p2 =	sne.s32 s15, $0x6180;
	v3 =	vld.idx.msk [tilespmem:v2+s7+$0x0 ss:$0x1], $0xffff  }
0x3ec: {  	v4 =	vld [tilespmem:s7+$0x19F70];
	_ =	sdelay $0x2  }
.Ltmp25:
0x3ed: {  	(pc) =	sbr.rel @p2 .LBB2_52-.Ltmp25, $3  }
0x3ee: {  	_ = 	snop  }
0x3ef: {  	v3 =	vadd.f32 v4, v3;
	_ =	sdelay $0x1  }
0x3f0: {  	[tilespmem:v2+s7+$0x0 ss:$0x1] =	vst.idx.msk $0xffff, v3;
	s7 =	sshra.s32 s15, $0x2;
	s15 =	sadd.s32 $0x40, s15  }
0x3f1: {  	_ =	sdelay $0x3  }
0x3f2: {  	v3 =	vld.idx.msk [tilespmem:v2+s7+$0x0 ss:$0x1], $0xffff  }
0x3f3: {  	v4 =	vld [tilespmem:s7+$0x19F70];
	_ =	sdelay $0x4  }
0x3f4: {  	v3 =	vadd.f32 v4, v3;
	_ =	sdelay $0x1  }
0x3f5: {  	s17 =	simm.s32 $0x0;
	s15 =	rddreg [dreg:$0xe];
	[tilespmem:v2+s7+$0x0 ss:$0x1] =	vst.idx.msk $0xffff, v3  }
0x3f6: {  	[tilespmem:s22], [sflag:$0x8] =	stream.linear.gather [hbm4b:s15+s17], $0x1870, $0x38;
	[tilespmem:$0x1F9F0] =	vst v63  }
0x3f7: {  	_ =	swait.ge [sflag:s31], $0x1870  }
0x3f8: {  	[sflag:s31] =	ssyncset.done $0x0  }
0x3f9: {  	[sflag:s31] =	ssyncadd.s32 $0xFFFFE790  }
0x3fa: {  	s7 =	simm.s32 $0x0;
	v3 =	vld [tilespmem:$0x1B7F0]  }
0x3fb: {  	s15 =	simm.s32 $0x40;
	v4 =	vld.idx.msk [tilespmem:v2+s7+$0x0 ss:$0x1], $0xffff  }
.LBB2_54:
0x3fc: {  	p2 =	sne.s32 s15, $0x6180;
	v5 =	vld [tilespmem:s7+$0x19F70];
	_ =	sdelay $0x4  }
0x3fd: {  	v4 =	vadd.f32 v5, v4;
	_ =	sdelay $0x1  }
.Ltmp26:
0x3fe: {  	v4 =	vmul.f32 v4, v3;
	(pc) =	sbr.rel @p2 .LBB2_54-.Ltmp26, $4  }
0x3ff: {  	_ = 	snop  }
0x400: {  	[tilespmem:v2+s7+$0x0 ss:$0x1] =	vst.idx.msk $0xffff, v4  }
0x401: {  	[tilespmem:s7+$0x19F70] =	vst v0;
	s7 =	sshra.s32 s15, $0x2  }
0x402: {  	s15 =	sadd.s32 $0x40, s15;
	v4 =	vld.idx.msk [tilespmem:v2+s7+$0x0 ss:$0x1], $0xffff  }
0x403: {  	v5 =	vld [tilespmem:s7+$0x19F70];
	_ =	sdelay $0x4  }
0x404: {  	v4 =	vadd.f32 v5, v4;
	_ =	sdelay $0x1  }
0x405: {  	v3 =	vmul.f32 v4, v3;
	_ =	sdelay $0x1  }
0x406: {  	s17 =	rddreg [dreg:$0xb];
	[tilespmem:v2+s7+$0x0 ss:$0x1] =	vst.idx.msk $0xffff, v3  }
0x407: {  	s15 =	rddreg [dreg:$0x1d];
	[tilespmem:s7+$0x19F70] =	vst v0  }
0x408: {  	[hbm4b:s17+s3] =	stream.linear.scatter [tilespmem:s15], [sflag:$0x8], $0x1870, $0x38;
	[tilespmem:$0x1F9F0] =	vst v63  }
0x409: {  	_ =	swait.ge [sflag:s31], $0x1870  }
0x40a: {  	[sflag:s31] =	ssyncset.done $0x0  }
0x40b: {  	s15 =	rddreg [dreg:$0x1c];
	[sflag:s31] =	ssyncadd.s32 $0xFFFFE790  }
0x40c: {  	[spmem:s15] =	stream.linear.scatter [tilespmem:s22], [sflag:$0x8], $0x1870, $0x38;
	[tilespmem:$0x1F9F0] =	vst v63  }
0x40d: {  	_ =	swait.ge [sflag:s31], $0x1870  }
0x40e: {  	[sflag:s31] =	ssyncset.done $0x0  }
0x40f: {  	[sflag:s31] =	ssyncadd.s32 $0xFFFFE790  }
0x410: {  	[bflag:$0x0] =	sbarrier.arrive $0xFFFF  }
0x411: {  	s17 =	rddreg [dreg:$0xa]  }
0x412: {  	[tilespmem:s8], [sflag:$0x8] =	stream.linear.gather [hbm4b:s17+s3], $0x18700, $0x38;
	[tilespmem:$0x1F9F0] =	vst v63  }
0x413: {  	_ =	swait.ge [sflag:s31], $0x18700  }
0x414: {  	[sflag:s31] =	ssyncset.done $0x0  }
0x415: {  	s22 =	rddreg [dreg:$0x18];
	[sflag:s31] =	ssyncadd.s32 $0xFFFE7900;
	s31 =	simm.s32 $0x1B8F0  }
0x416: {  	[tilespmem:s31], [sflag:$0x2] =	stream.linear.gather [hbm4b:s22+s3], $0x640, $0x38;
	[tilespmem:$0x1F9F0] =	vst v63  }
0x417: {  	s17 =	rddreg [dreg:$0x19]  }
0x418: {  	[tilespmem:s16], [sflag:$0x2] =	stream.linear.gather [hbm4b:s17+s3], $0x640, $0x38;
	[tilespmem:$0x1F9F0] =	vst v63  }
0x419: {  	s22 =	rddreg [dreg:$0x12];
	s31 =	simm.s32 $0x1BF70  }
0x41a: {  	[tilespmem:s31], [sflag:$0x3] =	stream.linear.gather [hbm4b:s22+s3], $0x640, $0x38;
	[tilespmem:$0x1F9F0] =	vst v63  }
0x41b: {  	s17 =	rddreg [dreg:$0x13]  }
0x41c: {  	[tilespmem:s10], [sflag:$0x3] =	stream.linear.gather [hbm4b:s17+s3], $0x640, $0x38;
	[tilespmem:$0x1F9F0] =	vst v63  }
0x41d: {  	_ =	swait.ge [sflag:s11], $0x640  }
0x41e: {  	[sflag:s11] =	ssyncset.done $0x0  }
0x41f: {  	[sflag:s11] =	ssyncadd.s32 $0xFFFFF9C0  }
0x420: {  	_ =	swait.ge [sflag:s11], $0x640  }
0x421: {  	[sflag:s11] =	ssyncset.done $0x0  }
0x422: {  	s22 =	simm.s32 $0x1B910;
	[sflag:s11] =	ssyncadd.s32 $0xFFFFF9C0  }
0x423: {  	v3 =	vld [tilespmem:s22+$0x10];
	_ =	sdelay $0x1  }
0x424: {  	v5 =	vld [tilespmem:s22+$0xFFFFFFE0]  }
0x425: {  	v6 =	vld [tilespmem:s22+$0xFFFFFFF0]  }
0x426: {  	s31 =	simm.s32 $0x1B950;
	v7 =	vld [tilespmem:s22+$0x0]  }
0x427: {  	v10 =	vld [tilespmem:s31+$0x10]  }
0x428: {  	v4 =	vld [tilespmem:s31+$0xFFFFFFF0]  }
0x429: {  	v9 =	vld [tilespmem:s31+$0xFFFFFFE0]  }
0x42a: {  	v11 =	vld.idx.msk [tilespmem:v3+s8+$0x0], $0xffff  }
0x42b: {  	v3 =	vld [tilespmem:s31+$0x0]  }
0x42c: {  	v8 =	vld.idx.msk [tilespmem:v5+s8+$0x0], $0xffff  }
0x42d: {  	v5 =	vld.idx.msk [tilespmem:v6+s8+$0x0], $0xffff  }
0x42e: {  	s17 =	simm.s32 $0x1ED10;
	v6 =	vld.idx.msk [tilespmem:v7+s8+$0x0], $0xffff  }
0x42f: {  	s7 =	simm.s32 $0x1B990;
	s15 =	simm.s32 $0x40;
	v7 =	vld.idx.msk [tilespmem:v10+s8+$0x0], $0xffff;
	[tilespmem:s17+$0x10] =	vst v11  }
.LBB2_56:
0x430: {  	v10 =	vld [tilespmem:s7+$0x10];
	s15 =	sadd.s32 $0x40, s15  }
0x431: {  	v11 =	vld [tilespmem:s7+$0xFFFFFFF0];
	p2 =	slt.u32 s15, $0x600;
	[tilespmem:s17+$0xFFFFFFE0] =	vst v8  }
0x432: {  	v12 =	vld [tilespmem:s7+$0x0];
	[tilespmem:s17+$0xFFFFFFF0] =	vst v5  }
0x433: {  	v13 =	vld [tilespmem:s7+$0xFFFFFFE0];
	[tilespmem:s17+$0x0] =	vst v6  }
.Ltmp27:
0x434: {  	s17 =	sadd.s32 $0x40, s17;
	v8 =	vld.idx.msk [tilespmem:v9+s8+$0x0], $0xffff;
	(pc) =	sbr.rel @p2 .LBB2_56-.Ltmp27, $4  }
0x435: {  	v5 =	vld.idx.msk [tilespmem:v4+s8+$0x0], $0xffff;
	[tilespmem:s17+$0x10] =	vst v7  }
0x436: {  	v6 =	vld.idx.msk [tilespmem:v3+s8+$0x0], $0xffff;
	v4 =	vmov v11  }
0x437: {  	v3 =	vmov v12  }
0x438: {  	s7 =	sadd.s32 $0x40, s7;
	v7 =	vld.idx.msk [tilespmem:v10+s8+$0x0], $0xffff;
	v9 =	vmov v13  }
0x439: {  	_ =	sdelay $0x3  }
0x43a: {  	v9 =	vld.idx.msk [tilespmem:v9+s8+$0x0], $0xffff  }
0x43b: {  	[tilespmem:s17+$0xFFFFFFE0] =	vst v8;
	v4 =	vld.idx.msk [tilespmem:v4+s8+$0x0], $0xffff  }
0x43c: {  	v3 =	vld.idx.msk [tilespmem:v3+s8+$0x0], $0xffff;
	[tilespmem:s17+$0xFFFFFFF0] =	vst v5  }
0x43d: {  	s7 =	sadd.s32 $0x40, s17;
	[tilespmem:s17+$0x0] =	vst v6  }
0x43e: {  	[tilespmem:s7+$0x10] =	vst v7  }
0x43f: {  	[tilespmem:s7+$0xFFFFFFE0] =	vst v9  }
0x440: {  	[tilespmem:s7+$0xFFFFFFF0] =	vst v4  }
0x441: {  	[tilespmem:s7+$0x0] =	vst v3  }
0x442: {  	[spmem:s2] =	stream.indirect.scatter.add.f32 [tilespmem:s21], [sflag:$0x6], $0x1, s16, s20, $0xb8;
	[tilespmem:$0x1F9F0] =	vst v63  }
0x443: {  	s15 =	simm.s32 $0x1C5F0;
	s7 =	rddreg [dreg:$0x14]  }
0x444: {  	[tilespmem:s15], [sflag:$0x4] =	stream.linear.gather [hbm4b:s7+s3], $0x640, $0x38;
	[tilespmem:$0x1F9F0] =	vst v63  }
0x445: {  	s17 =	rddreg [dreg:$0x15]  }
0x446: {  	[tilespmem:s23], [sflag:$0x4] =	stream.linear.gather [hbm4b:s17+s3], $0x640, $0x38;
	[tilespmem:$0x1F9F0] =	vst v63  }
0x447: {  	_ =	swait.ge [sflag:s24], $0x640  }
0x448: {  	[sflag:s24] =	ssyncset.done $0x0  }
0x449: {  	[sflag:s24] =	ssyncadd.s32 $0xFFFFF9C0  }
0x44a: {  	_ =	swait.ge [sflag:s24], $0x640  }
0x44b: {  	[sflag:s24] =	ssyncset.done $0x0  }
0x44c: {  	s22 =	simm.s32 $0x1BF90;
	[sflag:s24] =	ssyncadd.s32 $0xFFFFF9C0  }
0x44d: {  	v3 =	vld [tilespmem:s22+$0x10];
	_ =	sdelay $0x1  }
0x44e: {  	v5 =	vld [tilespmem:s22+$0xFFFFFFE0]  }
0x44f: {  	v6 =	vld [tilespmem:s22+$0xFFFFFFF0]  }
0x450: {  	s31 =	simm.s32 $0x1BFD0;
	v7 =	vld [tilespmem:s22+$0x0]  }
0x451: {  	v10 =	vld [tilespmem:s31+$0x10]  }
0x452: {  	v4 =	vld [tilespmem:s31+$0xFFFFFFF0]  }
0x453: {  	v9 =	vld [tilespmem:s31+$0xFFFFFFE0]  }
0x454: {  	v11 =	vld.idx.msk [tilespmem:v3+s8+$0x0], $0xffff  }
0x455: {  	v3 =	vld [tilespmem:s31+$0x0]  }
0x456: {  	v8 =	vld.idx.msk [tilespmem:v5+s8+$0x0], $0xffff  }
0x457: {  	v5 =	vld.idx.msk [tilespmem:v6+s8+$0x0], $0xffff  }
0x458: {  	s17 =	simm.s32 $0x1F390;
	v6 =	vld.idx.msk [tilespmem:v7+s8+$0x0], $0xffff  }
0x459: {  	s15 =	simm.s32 $0x40;
	s7 =	simm.s32 $0x1C010;
	v7 =	vld.idx.msk [tilespmem:v10+s8+$0x0], $0xffff;
	[tilespmem:s17+$0x10] =	vst v11  }
.LBB2_58:
0x45a: {  	v10 =	vld [tilespmem:s7+$0x10];
	s15 =	sadd.s32 $0x40, s15  }
0x45b: {  	v11 =	vld [tilespmem:s7+$0xFFFFFFF0];
	p2 =	slt.u32 s15, $0x600;
	[tilespmem:s17+$0xFFFFFFE0] =	vst v8  }
0x45c: {  	v12 =	vld [tilespmem:s7+$0x0];
	[tilespmem:s17+$0xFFFFFFF0] =	vst v5  }
0x45d: {  	v13 =	vld [tilespmem:s7+$0xFFFFFFE0];
	[tilespmem:s17+$0x0] =	vst v6  }
.Ltmp28:
0x45e: {  	s17 =	sadd.s32 $0x40, s17;
	v8 =	vld.idx.msk [tilespmem:v9+s8+$0x0], $0xffff;
	(pc) =	sbr.rel @p2 .LBB2_58-.Ltmp28, $4  }
0x45f: {  	v5 =	vld.idx.msk [tilespmem:v4+s8+$0x0], $0xffff;
	[tilespmem:s17+$0x10] =	vst v7  }
0x460: {  	v6 =	vld.idx.msk [tilespmem:v3+s8+$0x0], $0xffff;
	v4 =	vmov v11  }
0x461: {  	v3 =	vmov v12  }
0x462: {  	s7 =	sadd.s32 $0x40, s7;
	v7 =	vld.idx.msk [tilespmem:v10+s8+$0x0], $0xffff;
	v9 =	vmov v13  }
0x463: {  	_ =	sdelay $0x3  }
0x464: {  	v9 =	vld.idx.msk [tilespmem:v9+s8+$0x0], $0xffff  }
0x465: {  	[tilespmem:s17+$0xFFFFFFE0] =	vst v8;
	v4 =	vld.idx.msk [tilespmem:v4+s8+$0x0], $0xffff  }
0x466: {  	v3 =	vld.idx.msk [tilespmem:v3+s8+$0x0], $0xffff;
	[tilespmem:s17+$0xFFFFFFF0] =	vst v5  }
0x467: {  	s7 =	sadd.s32 $0x40, s17;
	[tilespmem:s17+$0x0] =	vst v6  }
0x468: {  	[tilespmem:s7+$0x10] =	vst v7  }
0x469: {  	[tilespmem:s7+$0xFFFFFFE0] =	vst v9  }
0x46a: {  	[tilespmem:s7+$0xFFFFFFF0] =	vst v4  }
0x46b: {  	[tilespmem:s7+$0x0] =	vst v3  }
0x46c: {  	[spmem:s2] =	stream.indirect.scatter.add.f32 [tilespmem:s25], [sflag:$0x7], $0x1, s10, s20, $0xb8;
	[tilespmem:$0x1F9F0] =	vst v63  }
0x46d: {  	s15 =	simm.s32 $0x1CC70;
	s17 =	simm.s32 $0x0;
	s7 =	rddreg [dreg:$0x16]  }
0x46e: {  	[tilespmem:s15], [sflag:$0x5] =	stream.linear.gather [hbm4b:s7+s17], $0x640, $0x38;
	[tilespmem:$0x1F9F0] =	vst v63  }
0x46f: {  	s31 =	rddreg [dreg:$0x17]  }
0x470: {  	[tilespmem:s0], [sflag:$0x5] =	stream.linear.gather [hbm4b:s31+s17], $0x640, $0x38;
	[tilespmem:$0x1F9F0] =	vst v63  }
.LBB2_60:
0x471: {  	_ =	swait.ge [sflag:s1], $0x640  }
0x472: {  	[sflag:s1] =	ssyncset.done $0x0  }
0x473: {  	[sflag:s1] =	ssyncadd.s32 $0xFFFFF9C0  }
0x474: {  	_ =	swait.ge [sflag:s1], $0x640  }
0x475: {  	[sflag:s1] =	ssyncset.done $0x0  }
0x476: {  	[sflag:s1] =	ssyncadd.s32 $0xFFFFF9C0  }
0x477: {  	_ =	swait.ge [sflag:s4], $0x640  }
0x478: {  	[sflag:s4] =	ssyncset.done $0x0  }
0x479: {  	s7 =	simm.s32 $0x1C610;
	[sflag:s4] =	ssyncadd.s32 $0xFFFFF9C0  }
0x47a: {  	v3 =	vld [tilespmem:s7+$0x10];
	_ =	sdelay $0x1  }
0x47b: {  	v5 =	vld [tilespmem:s7+$0xFFFFFFE0]  }
0x47c: {  	v6 =	vld [tilespmem:s7+$0xFFFFFFF0]  }
0x47d: {  	s31 =	simm.s32 $0x1C650;
	v7 =	vld [tilespmem:s7+$0x0]  }
0x47e: {  	v10 =	vld [tilespmem:s31+$0x10]  }
0x47f: {  	v4 =	vld [tilespmem:s31+$0xFFFFFFF0]  }
0x480: {  	v9 =	vld [tilespmem:s31+$0xFFFFFFE0]  }
0x481: {  	v11 =	vld.idx.msk [tilespmem:v3+s8+$0x0], $0xffff  }
0x482: {  	v3 =	vld [tilespmem:s31+$0x0]  }
0x483: {  	v8 =	vld.idx.msk [tilespmem:v5+s8+$0x0], $0xffff  }
0x484: {  	v5 =	vld.idx.msk [tilespmem:v6+s8+$0x0], $0xffff  }
0x485: {  	s22 =	simm.s32 $0x1ED10;
	v6 =	vld.idx.msk [tilespmem:v7+s8+$0x0], $0xffff  }
0x486: {  	s15 =	simm.s32 $0x40;
	s7 =	simm.s32 $0x1C690;
	v7 =	vld.idx.msk [tilespmem:v10+s8+$0x0], $0xffff;
	[tilespmem:s22+$0x10] =	vst v11  }
.LBB2_61:
0x487: {  	v10 =	vld [tilespmem:s7+$0x10];
	s15 =	sadd.s32 $0x40, s15  }
0x488: {  	v11 =	vld [tilespmem:s7+$0xFFFFFFF0];
	p2 =	slt.u32 s15, $0x600;
	[tilespmem:s22+$0xFFFFFFE0] =	vst v8  }
0x489: {  	v12 =	vld [tilespmem:s7+$0x0];
	[tilespmem:s22+$0xFFFFFFF0] =	vst v5  }
0x48a: {  	v13 =	vld [tilespmem:s7+$0xFFFFFFE0];
	[tilespmem:s22+$0x0] =	vst v6  }
.Ltmp29:
0x48b: {  	s22 =	sadd.s32 $0x40, s22;
	v8 =	vld.idx.msk [tilespmem:v9+s8+$0x0], $0xffff;
	(pc) =	sbr.rel @p2 .LBB2_61-.Ltmp29, $4  }
0x48c: {  	v5 =	vld.idx.msk [tilespmem:v4+s8+$0x0], $0xffff;
	[tilespmem:s22+$0x10] =	vst v7  }
0x48d: {  	v6 =	vld.idx.msk [tilespmem:v3+s8+$0x0], $0xffff;
	v4 =	vmov v11  }
0x48e: {  	v3 =	vmov v12  }
0x48f: {  	s7 =	sadd.s32 $0x40, s7;
	v7 =	vld.idx.msk [tilespmem:v10+s8+$0x0], $0xffff;
	v9 =	vmov v13  }
0x490: {  	_ =	sdelay $0x3  }
0x491: {  	v9 =	vld.idx.msk [tilespmem:v9+s8+$0x0], $0xffff  }
0x492: {  	[tilespmem:s22+$0xFFFFFFE0] =	vst v8;
	v4 =	vld.idx.msk [tilespmem:v4+s8+$0x0], $0xffff  }
0x493: {  	v3 =	vld.idx.msk [tilespmem:v3+s8+$0x0], $0xffff;
	[tilespmem:s22+$0xFFFFFFF0] =	vst v5  }
0x494: {  	s7 =	sadd.s32 $0x40, s22;
	[tilespmem:s22+$0x0] =	vst v6  }
0x495: {  	s22 =	smul.u32 $0x1900, s17;
	[tilespmem:s7+$0x10] =	vst v7  }
0x496: {  	[tilespmem:s7+$0xFFFFFFE0] =	vst v9  }
0x497: {  	s15 =	sadd.s32 s22, s26;
	[tilespmem:s7+$0xFFFFFFF0] =	vst v4  }
0x498: {  	[tilespmem:s7+$0x0] =	vst v3;
	s7 =	sshrl.u32 s15, $0x3  }
0x499: {  	[spmem:s2] =	stream.indirect.scatter.add.f32 [tilespmem:s21], [sflag:$0x6], $0x1, s23, s20, $0xb8;
	[tilespmem:$0x1F9F0] =	vst v63  }
0x49a: {  	s31 =	simm.s32 $0x1B8F0;
	s15 =	sadd.s32 s18, s7  }
0x49b: {  	[tilespmem:s31], [sflag:$0x2] =	stream.linear.gather [hbm4b:s15+s3], $0x640, $0x38;
	[tilespmem:$0x1F9F0] =	vst v63  }
0x49c: {  	s7 =	sadd.s32 s19, s7  }
0x49d: {  	[tilespmem:s16], [sflag:$0x2] =	stream.linear.gather [hbm4b:s7+s3], $0x640, $0x38;
	[tilespmem:$0x1F9F0] =	vst v63  }
0x49e: {  	_ =	swait.ge [sflag:s6], $0x640  }
0x49f: {  	[sflag:s6] =	ssyncset.done $0x0  }
0x4a0: {  	[sflag:s6] =	ssyncadd.s32 $0xFFFFF9C0  }
0x4a1: {  	_ =	swait.ge [sflag:s6], $0x640  }
0x4a2: {  	[sflag:s6] =	ssyncset.done $0x0  }
0x4a3: {  	[sflag:s6] =	ssyncadd.s32 $0xFFFFF9C0  }
0x4a4: {  	_ =	swait.ge [sflag:s5], $0x640  }
0x4a5: {  	[sflag:s5] =	ssyncset.done $0x0  }
0x4a6: {  	s15 =	simm.s32 $0x1CC90;
	[sflag:s5] =	ssyncadd.s32 $0xFFFFF9C0  }
0x4a7: {  	v3 =	vld [tilespmem:s15+$0x10];
	_ =	sdelay $0x1  }
0x4a8: {  	v5 =	vld [tilespmem:s15+$0xFFFFFFE0]  }
0x4a9: {  	v6 =	vld [tilespmem:s15+$0xFFFFFFF0]  }
0x4aa: {  	v7 =	vld [tilespmem:s15+$0x0];
	s15 =	simm.s32 $0x1CCD0  }
0x4ab: {  	v10 =	vld [tilespmem:s15+$0x10]  }
0x4ac: {  	v4 =	vld [tilespmem:s15+$0xFFFFFFF0]  }
0x4ad: {  	v9 =	vld [tilespmem:s15+$0xFFFFFFE0]  }
0x4ae: {  	v11 =	vld.idx.msk [tilespmem:v3+s8+$0x0], $0xffff  }
0x4af: {  	v3 =	vld [tilespmem:s15+$0x0]  }
0x4b0: {  	v8 =	vld.idx.msk [tilespmem:v5+s8+$0x0], $0xffff  }
0x4b1: {  	v5 =	vld.idx.msk [tilespmem:v6+s8+$0x0], $0xffff  }
0x4b2: {  	s31 =	simm.s32 $0x1F390;
	v6 =	vld.idx.msk [tilespmem:v7+s8+$0x0], $0xffff  }
0x4b3: {  	s7 =	simm.s32 $0x1CD10;
	s15 =	simm.s32 $0x40;
	v7 =	vld.idx.msk [tilespmem:v10+s8+$0x0], $0xffff;
	[tilespmem:s31+$0x10] =	vst v11  }
.LBB2_63:
0x4b4: {  	v10 =	vld [tilespmem:s7+$0x10];
	s15 =	sadd.s32 $0x40, s15  }
0x4b5: {  	v11 =	vld [tilespmem:s7+$0xFFFFFFF0];
	p2 =	slt.u32 s15, $0x600;
	[tilespmem:s31+$0xFFFFFFE0] =	vst v8  }
0x4b6: {  	v12 =	vld [tilespmem:s7+$0x0];
	[tilespmem:s31+$0xFFFFFFF0] =	vst v5  }
0x4b7: {  	v13 =	vld [tilespmem:s7+$0xFFFFFFE0];
	[tilespmem:s31+$0x0] =	vst v6  }
.Ltmp30:
0x4b8: {  	s31 =	sadd.s32 $0x40, s31;
	v8 =	vld.idx.msk [tilespmem:v9+s8+$0x0], $0xffff;
	(pc) =	sbr.rel @p2 .LBB2_63-.Ltmp30, $4  }
0x4b9: {  	v5 =	vld.idx.msk [tilespmem:v4+s8+$0x0], $0xffff;
	[tilespmem:s31+$0x10] =	vst v7  }
0x4ba: {  	v6 =	vld.idx.msk [tilespmem:v3+s8+$0x0], $0xffff;
	v4 =	vmov v11  }
0x4bb: {  	v3 =	vmov v12  }
0x4bc: {  	s7 =	sadd.s32 $0x40, s7;
	v7 =	vld.idx.msk [tilespmem:v10+s8+$0x0], $0xffff;
	v9 =	vmov v13  }
0x4bd: {  	_ =	sdelay $0x3  }
0x4be: {  	v9 =	vld.idx.msk [tilespmem:v9+s8+$0x0], $0xffff  }
0x4bf: {  	[tilespmem:s31+$0xFFFFFFE0] =	vst v8;
	v4 =	vld.idx.msk [tilespmem:v4+s8+$0x0], $0xffff  }
0x4c0: {  	v3 =	vld.idx.msk [tilespmem:v3+s8+$0x0], $0xffff;
	[tilespmem:s31+$0xFFFFFFF0] =	vst v5  }
0x4c1: {  	s7 =	sadd.s32 $0x40, s31;
	[tilespmem:s31+$0x0] =	vst v6  }
0x4c2: {  	[tilespmem:s7+$0x10] =	vst v7  }
0x4c3: {  	[tilespmem:s7+$0xFFFFFFE0] =	vst v9  }
0x4c4: {  	s15 =	sadd.s32 s22, s28;
	[tilespmem:s7+$0xFFFFFFF0] =	vst v4  }
0x4c5: {  	[tilespmem:s7+$0x0] =	vst v3;
	s7 =	sshrl.u32 s15, $0x3  }
0x4c6: {  	[spmem:s2] =	stream.indirect.scatter.add.f32 [tilespmem:s25], [sflag:$0x7], $0x1, s0, s20, $0xb8;
	[tilespmem:$0x1F9F0] =	vst v63  }
0x4c7: {  	s31 =	simm.s32 $0x1BF70;
	s15 =	sadd.s32 s18, s7  }
0x4c8: {  	[tilespmem:s31], [sflag:$0x3] =	stream.linear.gather [hbm4b:s15+s3], $0x640, $0x38;
	[tilespmem:$0x1F9F0] =	vst v63  }
0x4c9: {  	s7 =	sadd.s32 s19, s7  }
0x4ca: {  	[tilespmem:s10], [sflag:$0x3] =	stream.linear.gather [hbm4b:s7+s3], $0x640, $0x38;
	[tilespmem:$0x1F9F0] =	vst v63  }
0x4cb: {  	_ =	swait.ge [sflag:s11], $0x640  }
0x4cc: {  	[sflag:s11] =	ssyncset.done $0x0  }
0x4cd: {  	[sflag:s11] =	ssyncadd.s32 $0xFFFFF9C0  }
0x4ce: {  	_ =	swait.ge [sflag:s11], $0x640  }
0x4cf: {  	[sflag:s11] =	ssyncset.done $0x0  }
0x4d0: {  	[sflag:s11] =	ssyncadd.s32 $0xFFFFF9C0  }
0x4d1: {  	_ =	swait.ge [sflag:s4], $0x640  }
0x4d2: {  	[sflag:s4] =	ssyncset.done $0x0  }
0x4d3: {  	s15 =	simm.s32 $0x1B910;
	[sflag:s4] =	ssyncadd.s32 $0xFFFFF9C0  }
0x4d4: {  	v3 =	vld [tilespmem:s15+$0x10];
	_ =	sdelay $0x1  }
0x4d5: {  	v5 =	vld [tilespmem:s15+$0xFFFFFFE0]  }
0x4d6: {  	v6 =	vld [tilespmem:s15+$0xFFFFFFF0]  }
0x4d7: {  	v7 =	vld [tilespmem:s15+$0x0];
	s15 =	simm.s32 $0x1B950  }
0x4d8: {  	v10 =	vld [tilespmem:s15+$0x10]  }
0x4d9: {  	v4 =	vld [tilespmem:s15+$0xFFFFFFF0]  }
0x4da: {  	v9 =	vld [tilespmem:s15+$0xFFFFFFE0]  }
0x4db: {  	v11 =	vld.idx.msk [tilespmem:v3+s8+$0x0], $0xffff  }
0x4dc: {  	v3 =	vld [tilespmem:s15+$0x0]  }
0x4dd: {  	v8 =	vld.idx.msk [tilespmem:v5+s8+$0x0], $0xffff  }
0x4de: {  	v5 =	vld.idx.msk [tilespmem:v6+s8+$0x0], $0xffff  }
0x4df: {  	s31 =	simm.s32 $0x1ED10;
	v6 =	vld.idx.msk [tilespmem:v7+s8+$0x0], $0xffff  }
0x4e0: {  	s7 =	simm.s32 $0x1B990;
	s15 =	simm.s32 $0x40;
	v7 =	vld.idx.msk [tilespmem:v10+s8+$0x0], $0xffff;
	[tilespmem:s31+$0x10] =	vst v11  }
.LBB2_65:
0x4e1: {  	v10 =	vld [tilespmem:s7+$0x10];
	s15 =	sadd.s32 $0x40, s15  }
0x4e2: {  	v11 =	vld [tilespmem:s7+$0xFFFFFFF0];
	p2 =	slt.u32 s15, $0x600;
	[tilespmem:s31+$0xFFFFFFE0] =	vst v8  }
0x4e3: {  	v12 =	vld [tilespmem:s7+$0x0];
	[tilespmem:s31+$0xFFFFFFF0] =	vst v5  }
0x4e4: {  	v13 =	vld [tilespmem:s7+$0xFFFFFFE0];
	[tilespmem:s31+$0x0] =	vst v6  }
.Ltmp31:
0x4e5: {  	s31 =	sadd.s32 $0x40, s31;
	v8 =	vld.idx.msk [tilespmem:v9+s8+$0x0], $0xffff;
	(pc) =	sbr.rel @p2 .LBB2_65-.Ltmp31, $4  }
0x4e6: {  	v5 =	vld.idx.msk [tilespmem:v4+s8+$0x0], $0xffff;
	[tilespmem:s31+$0x10] =	vst v7  }
0x4e7: {  	v6 =	vld.idx.msk [tilespmem:v3+s8+$0x0], $0xffff;
	v4 =	vmov v11  }
0x4e8: {  	v3 =	vmov v12  }
0x4e9: {  	s7 =	sadd.s32 $0x40, s7;
	v7 =	vld.idx.msk [tilespmem:v10+s8+$0x0], $0xffff;
	v9 =	vmov v13  }
0x4ea: {  	_ =	sdelay $0x3  }
0x4eb: {  	v9 =	vld.idx.msk [tilespmem:v9+s8+$0x0], $0xffff  }
0x4ec: {  	[tilespmem:s31+$0xFFFFFFE0] =	vst v8;
	v4 =	vld.idx.msk [tilespmem:v4+s8+$0x0], $0xffff  }
0x4ed: {  	v3 =	vld.idx.msk [tilespmem:v3+s8+$0x0], $0xffff;
	[tilespmem:s31+$0xFFFFFFF0] =	vst v5  }
0x4ee: {  	s7 =	sadd.s32 $0x40, s31;
	[tilespmem:s31+$0x0] =	vst v6  }
0x4ef: {  	[tilespmem:s7+$0x10] =	vst v7  }
0x4f0: {  	[tilespmem:s7+$0xFFFFFFE0] =	vst v9  }
0x4f1: {  	s15 =	sadd.s32 s22, s29;
	[tilespmem:s7+$0xFFFFFFF0] =	vst v4  }
0x4f2: {  	[tilespmem:s7+$0x0] =	vst v3;
	s7 =	sshrl.u32 s15, $0x3  }
0x4f3: {  	[spmem:s2] =	stream.indirect.scatter.add.f32 [tilespmem:s21], [sflag:$0x6], $0x1, s16, s20, $0xb8;
	[tilespmem:$0x1F9F0] =	vst v63  }
0x4f4: {  	s31 =	simm.s32 $0x1C5F0;
	s15 =	sadd.s32 s18, s7  }
0x4f5: {  	[tilespmem:s31], [sflag:$0x4] =	stream.linear.gather [hbm4b:s15+s3], $0x640, $0x38;
	[tilespmem:$0x1F9F0] =	vst v63  }
0x4f6: {  	s7 =	sadd.s32 s19, s7  }
0x4f7: {  	[tilespmem:s23], [sflag:$0x4] =	stream.linear.gather [hbm4b:s7+s3], $0x640, $0x38;
	[tilespmem:$0x1F9F0] =	vst v63  }
0x4f8: {  	_ =	swait.ge [sflag:s24], $0x640  }
0x4f9: {  	[sflag:s24] =	ssyncset.done $0x0  }
0x4fa: {  	[sflag:s24] =	ssyncadd.s32 $0xFFFFF9C0  }
0x4fb: {  	_ =	swait.ge [sflag:s24], $0x640  }
0x4fc: {  	[sflag:s24] =	ssyncset.done $0x0  }
0x4fd: {  	[sflag:s24] =	ssyncadd.s32 $0xFFFFF9C0  }
0x4fe: {  	_ =	swait.ge [sflag:s5], $0x640  }
0x4ff: {  	[sflag:s5] =	ssyncset.done $0x0  }
0x500: {  	s15 =	simm.s32 $0x1BF90;
	[sflag:s5] =	ssyncadd.s32 $0xFFFFF9C0  }
0x501: {  	v3 =	vld [tilespmem:s15+$0x10];
	_ =	sdelay $0x1  }
0x502: {  	v5 =	vld [tilespmem:s15+$0xFFFFFFE0]  }
0x503: {  	v6 =	vld [tilespmem:s15+$0xFFFFFFF0]  }
0x504: {  	v7 =	vld [tilespmem:s15+$0x0];
	s15 =	simm.s32 $0x1BFD0  }
0x505: {  	v10 =	vld [tilespmem:s15+$0x10]  }
0x506: {  	v4 =	vld [tilespmem:s15+$0xFFFFFFF0]  }
0x507: {  	v9 =	vld [tilespmem:s15+$0xFFFFFFE0]  }
0x508: {  	v11 =	vld.idx.msk [tilespmem:v3+s8+$0x0], $0xffff  }
0x509: {  	v3 =	vld [tilespmem:s15+$0x0]  }
0x50a: {  	v8 =	vld.idx.msk [tilespmem:v5+s8+$0x0], $0xffff  }
0x50b: {  	v5 =	vld.idx.msk [tilespmem:v6+s8+$0x0], $0xffff  }
0x50c: {  	s31 =	simm.s32 $0x1F390;
	v6 =	vld.idx.msk [tilespmem:v7+s8+$0x0], $0xffff  }
0x50d: {  	s7 =	simm.s32 $0x1C010;
	s15 =	simm.s32 $0x40;
	v7 =	vld.idx.msk [tilespmem:v10+s8+$0x0], $0xffff;
	[tilespmem:s31+$0x10] =	vst v11  }
.LBB2_67:
0x50e: {  	v10 =	vld [tilespmem:s7+$0x10];
	s15 =	sadd.s32 $0x40, s15  }
0x50f: {  	v11 =	vld [tilespmem:s7+$0xFFFFFFF0];
	p2 =	slt.u32 s15, $0x600;
	[tilespmem:s31+$0xFFFFFFE0] =	vst v8  }
0x510: {  	v12 =	vld [tilespmem:s7+$0x0];
	[tilespmem:s31+$0xFFFFFFF0] =	vst v5  }
0x511: {  	v13 =	vld [tilespmem:s7+$0xFFFFFFE0];
	[tilespmem:s31+$0x0] =	vst v6  }
.Ltmp32:
0x512: {  	s31 =	sadd.s32 $0x40, s31;
	v8 =	vld.idx.msk [tilespmem:v9+s8+$0x0], $0xffff;
	(pc) =	sbr.rel @p2 .LBB2_67-.Ltmp32, $4  }
0x513: {  	v5 =	vld.idx.msk [tilespmem:v4+s8+$0x0], $0xffff;
	[tilespmem:s31+$0x10] =	vst v7  }
0x514: {  	v6 =	vld.idx.msk [tilespmem:v3+s8+$0x0], $0xffff;
	v4 =	vmov v11  }
0x515: {  	v3 =	vmov v12  }
0x516: {  	s7 =	sadd.s32 $0x40, s7;
	v7 =	vld.idx.msk [tilespmem:v10+s8+$0x0], $0xffff;
	v9 =	vmov v13  }
0x517: {  	_ =	sdelay $0x3  }
0x518: {  	v9 =	vld.idx.msk [tilespmem:v9+s8+$0x0], $0xffff  }
0x519: {  	[tilespmem:s31+$0xFFFFFFE0] =	vst v8;
	v4 =	vld.idx.msk [tilespmem:v4+s8+$0x0], $0xffff  }
0x51a: {  	v3 =	vld.idx.msk [tilespmem:v3+s8+$0x0], $0xffff;
	[tilespmem:s31+$0xFFFFFFF0] =	vst v5  }
0x51b: {  	s7 =	sadd.s32 $0x40, s31;
	[tilespmem:s31+$0x0] =	vst v6  }
0x51c: {  	[tilespmem:s7+$0x10] =	vst v7  }
0x51d: {  	[tilespmem:s7+$0xFFFFFFE0] =	vst v9  }
0x51e: {  	s17 =	sadd.s32 $0x1, s17;
	[tilespmem:s7+$0xFFFFFFF0] =	vst v4  }
0x51f: {  	s22 =	sadd.s32 s22, s30;
	p2 =	sne.s32 s17, $0x1E;
	[tilespmem:s7+$0x0] =	vst v3  }
0x520: {  	[spmem:s2] =	stream.indirect.scatter.add.f32 [tilespmem:s25], [sflag:$0x7], $0x1, s10, s20, $0xb8;
	[tilespmem:$0x1F9F0] =	vst v63  }
.Ltmp33:
0x521: {  	s7 =	sshrl.u32 s22, $0x3;
	(pc) =	sbr.rel @p2 .LBB2_60-.Ltmp33, $4  }
0x522: {  	s31 =	simm.s32 $0x1CC70;
	s15 =	sadd.s32 s18, s7  }
0x523: {  	[tilespmem:s31], [sflag:$0x5] =	stream.linear.gather [hbm4b:s15+s3], $0x640, $0x38;
	[tilespmem:$0x1F9F0] =	vst v63  }
0x524: {  	s7 =	sadd.s32 s19, s7  }
0x525: {  	[tilespmem:s0], [sflag:$0x5] =	stream.linear.gather [hbm4b:s7+s3], $0x640, $0x38;
	[tilespmem:$0x1F9F0] =	vst v63  }
0x526: {  	_ =	swait.ge [sflag:s1], $0x640  }
0x527: {  	[sflag:s1] =	ssyncset.done $0x0  }
0x528: {  	[sflag:s1] =	ssyncadd.s32 $0xFFFFF9C0  }
0x529: {  	_ =	swait.ge [sflag:s1], $0x640  }
0x52a: {  	[sflag:s1] =	ssyncset.done $0x0  }
0x52b: {  	[sflag:s1] =	ssyncadd.s32 $0xFFFFF9C0  }
0x52c: {  	_ =	swait.ge [sflag:s4], $0x640  }
0x52d: {  	[sflag:s4] =	ssyncset.done $0x0  }
0x52e: {  	s7 =	simm.s32 $0x1C610;
	[sflag:s4] =	ssyncadd.s32 $0xFFFFF9C0  }
0x52f: {  	v3 =	vld [tilespmem:s7+$0x10];
	_ =	sdelay $0x1  }
0x530: {  	v5 =	vld [tilespmem:s7+$0xFFFFFFE0]  }
0x531: {  	v6 =	vld [tilespmem:s7+$0xFFFFFFF0]  }
0x532: {  	s31 =	simm.s32 $0x1C650;
	v7 =	vld [tilespmem:s7+$0x0]  }
0x533: {  	v10 =	vld [tilespmem:s31+$0x10]  }
0x534: {  	v4 =	vld [tilespmem:s31+$0xFFFFFFF0]  }
0x535: {  	v9 =	vld [tilespmem:s31+$0xFFFFFFE0]  }
0x536: {  	v11 =	vld.idx.msk [tilespmem:v3+s8+$0x0], $0xffff  }
0x537: {  	v3 =	vld [tilespmem:s31+$0x0]  }
0x538: {  	v8 =	vld.idx.msk [tilespmem:v5+s8+$0x0], $0xffff  }
0x539: {  	v5 =	vld.idx.msk [tilespmem:v6+s8+$0x0], $0xffff  }
0x53a: {  	s17 =	simm.s32 $0x1ED10;
	v6 =	vld.idx.msk [tilespmem:v7+s8+$0x0], $0xffff  }
0x53b: {  	s15 =	simm.s32 $0x40;
	s7 =	simm.s32 $0x1C690;
	v7 =	vld.idx.msk [tilespmem:v10+s8+$0x0], $0xffff;
	[tilespmem:s17+$0x10] =	vst v11  }
.LBB2_70:
0x53c: {  	v10 =	vld [tilespmem:s7+$0x10];
	s15 =	sadd.s32 $0x40, s15  }
0x53d: {  	v11 =	vld [tilespmem:s7+$0xFFFFFFF0];
	p2 =	slt.u32 s15, $0x600;
	[tilespmem:s17+$0xFFFFFFE0] =	vst v8  }
0x53e: {  	v12 =	vld [tilespmem:s7+$0x0];
	[tilespmem:s17+$0xFFFFFFF0] =	vst v5  }
0x53f: {  	v13 =	vld [tilespmem:s7+$0xFFFFFFE0];
	[tilespmem:s17+$0x0] =	vst v6  }
.Ltmp34:
0x540: {  	s17 =	sadd.s32 $0x40, s17;
	v8 =	vld.idx.msk [tilespmem:v9+s8+$0x0], $0xffff;
	(pc) =	sbr.rel @p2 .LBB2_70-.Ltmp34, $4  }
0x541: {  	v5 =	vld.idx.msk [tilespmem:v4+s8+$0x0], $0xffff;
	[tilespmem:s17+$0x10] =	vst v7  }
0x542: {  	v6 =	vld.idx.msk [tilespmem:v3+s8+$0x0], $0xffff;
	v4 =	vmov v11  }
0x543: {  	v3 =	vmov v12  }
0x544: {  	s7 =	sadd.s32 $0x40, s7;
	v7 =	vld.idx.msk [tilespmem:v10+s8+$0x0], $0xffff;
	v9 =	vmov v13  }
0x545: {  	_ =	sdelay $0x3  }
0x546: {  	v9 =	vld.idx.msk [tilespmem:v9+s8+$0x0], $0xffff  }
0x547: {  	[tilespmem:s17+$0xFFFFFFE0] =	vst v8;
	v4 =	vld.idx.msk [tilespmem:v4+s8+$0x0], $0xffff  }
0x548: {  	v3 =	vld.idx.msk [tilespmem:v3+s8+$0x0], $0xffff;
	[tilespmem:s17+$0xFFFFFFF0] =	vst v5  }
0x549: {  	s7 =	sadd.s32 $0x40, s17;
	[tilespmem:s17+$0x0] =	vst v6  }
0x54a: {  	[tilespmem:s7+$0x10] =	vst v7  }
0x54b: {  	[tilespmem:s7+$0xFFFFFFE0] =	vst v9  }
0x54c: {  	[tilespmem:s7+$0xFFFFFFF0] =	vst v4  }
0x54d: {  	[tilespmem:s7+$0x0] =	vst v3  }
0x54e: {  	[spmem:s2] =	stream.indirect.scatter.add.f32 [tilespmem:s21], [sflag:$0x6], $0x1, s23, s20, $0xb8;
	[tilespmem:$0x1F9F0] =	vst v63  }
0x54f: {  	s15 =	simm.s32 $0x1B8F0;
	s7 =	rddreg [dreg:$0x1a]  }
0x550: {  	[tilespmem:s15], [sflag:$0x2] =	stream.linear.gather [hbm4b:s7+s3], $0x640, $0x38;
	[tilespmem:$0x1F9F0] =	vst v63  }
0x551: {  	s15 =	rddreg [dreg:$0x1b]  }
0x552: {  	[tilespmem:s16], [sflag:$0x2] =	stream.linear.gather [hbm4b:s15+s3], $0x640, $0x38;
	[tilespmem:$0x1F9F0] =	vst v63  }
0x553: {  	_ =	swait.ge [sflag:s6], $0x640  }
0x554: {  	[sflag:s6] =	ssyncset.done $0x0  }
0x555: {  	[sflag:s6] =	ssyncadd.s32 $0xFFFFF9C0  }
0x556: {  	_ =	swait.ge [sflag:s6], $0x640  }
0x557: {  	[sflag:s6] =	ssyncset.done $0x0  }
0x558: {  	[sflag:s6] =	ssyncadd.s32 $0xFFFFF9C0  }
0x559: {  	_ =	swait.ge [sflag:s5], $0x640  }
0x55a: {  	[sflag:s5] =	ssyncset.done $0x0  }
0x55b: {  	s17 =	simm.s32 $0x1CC90;
	[sflag:s5] =	ssyncadd.s32 $0xFFFFF9C0  }
0x55c: {  	v3 =	vld [tilespmem:s17+$0x10];
	_ =	sdelay $0x2  }
0x55d: {  	v5 =	vld [tilespmem:s17+$0xFFFFFFE0]  }
0x55e: {  	v6 =	vld [tilespmem:s17+$0xFFFFFFF0]  }
0x55f: {  	s22 =	simm.s32 $0x1CCD0;
	v7 =	vld [tilespmem:s17+$0x0]  }
0x560: {  	v10 =	vld [tilespmem:s22+$0x10]  }
0x561: {  	v4 =	vld [tilespmem:s22+$0xFFFFFFF0]  }
0x562: {  	v11 =	vld.idx.msk [tilespmem:v3+s8+$0x0], $0xffff  }
0x563: {  	v9 =	vld [tilespmem:s22+$0xFFFFFFE0]  }
0x564: {  	v3 =	vld [tilespmem:s22+$0x0]  }
0x565: {  	v8 =	vld.idx.msk [tilespmem:v5+s8+$0x0], $0xffff  }
0x566: {  	s17 =	simm.s32 $0x1F390;
	v5 =	vld.idx.msk [tilespmem:v6+s8+$0x0], $0xffff  }
0x567: {  	s31 =	simm.s32 $0x8;
	v6 =	vld.idx.msk [tilespmem:v7+s8+$0x0], $0xffff;
	[tilespmem:s17+$0x10] =	vst v11  }
0x568: {  	s7 =	simm.s32 $0x1CD10;
	s15 =	simm.s32 $0x40;
	v7 =	vld.idx.msk [tilespmem:v10+s8+$0x0], $0xffff;
	s22 =	rddreg [dreg:$0x1c]  }
.LBB2_72:
0x569: {  	v10 =	vld [tilespmem:s7+$0x10];
	s15 =	sadd.s32 $0x40, s15  }
0x56a: {  	v11 =	vld [tilespmem:s7+$0xFFFFFFF0];
	p2 =	slt.u32 s15, $0x600;
	[tilespmem:s17+$0xFFFFFFE0] =	vst v8  }
0x56b: {  	v12 =	vld [tilespmem:s7+$0x0];
	[tilespmem:s17+$0xFFFFFFF0] =	vst v5  }
0x56c: {  	v13 =	vld [tilespmem:s7+$0xFFFFFFE0];
	[tilespmem:s17+$0x0] =	vst v6  }
.Ltmp35:
0x56d: {  	s17 =	sadd.s32 $0x40, s17;
	v8 =	vld.idx.msk [tilespmem:v9+s8+$0x0], $0xffff;
	(pc) =	sbr.rel @p2 .LBB2_72-.Ltmp35, $4  }
0x56e: {  	v5 =	vld.idx.msk [tilespmem:v4+s8+$0x0], $0xffff;
	[tilespmem:s17+$0x10] =	vst v7  }
0x56f: {  	v6 =	vld.idx.msk [tilespmem:v3+s8+$0x0], $0xffff;
	v4 =	vmov v11  }
0x570: {  	v3 =	vmov v12  }
0x571: {  	s7 =	sadd.s32 $0x40, s7;
	v7 =	vld.idx.msk [tilespmem:v10+s8+$0x0], $0xffff;
	v9 =	vmov v13  }
0x572: {  	_ =	sdelay $0x3  }
0x573: {  	v9 =	vld.idx.msk [tilespmem:v9+s8+$0x0], $0xffff  }
0x574: {  	[tilespmem:s17+$0xFFFFFFE0] =	vst v8;
	v4 =	vld.idx.msk [tilespmem:v4+s8+$0x0], $0xffff  }
0x575: {  	v3 =	vld.idx.msk [tilespmem:v3+s8+$0x0], $0xffff;
	[tilespmem:s17+$0xFFFFFFF0] =	vst v5  }
0x576: {  	s7 =	sadd.s32 $0x40, s17;
	[tilespmem:s17+$0x0] =	vst v6  }
0x577: {  	[tilespmem:s7+$0x10] =	vst v7  }
0x578: {  	[tilespmem:s7+$0xFFFFFFE0] =	vst v9  }
0x579: {  	[tilespmem:s7+$0xFFFFFFF0] =	vst v4  }
0x57a: {  	[tilespmem:s7+$0x0] =	vst v3  }
0x57b: {  	[spmem:s2] =	stream.indirect.scatter.add.f32 [tilespmem:s25], [sflag:$0x7], $0x1, s0, s20, $0xb8;
	[tilespmem:$0x1F9F0] =	vst v63  }
0x57c: {  	_ =	swait.ge [sflag:s11], $0x640  }
0x57d: {  	[sflag:s11] =	ssyncset.done $0x0  }
0x57e: {  	[sflag:s11] =	ssyncadd.s32 $0xFFFFF9C0  }
0x57f: {  	_ =	swait.ge [sflag:s11], $0x640  }
0x580: {  	[sflag:s11] =	ssyncset.done $0x0  }
0x581: {  	[sflag:s11] =	ssyncadd.s32 $0xFFFFF9C0  }
0x582: {  	_ =	swait.ge [sflag:s4], $0x640  }
0x583: {  	[sflag:s4] =	ssyncset.done $0x0  }
0x584: {  	s15 =	simm.s32 $0x1B910;
	[sflag:s4] =	ssyncadd.s32 $0xFFFFF9C0  }
0x585: {  	v3 =	vld [tilespmem:s15+$0x10];
	_ =	sdelay $0x1  }
0x586: {  	v5 =	vld [tilespmem:s15+$0xFFFFFFE0]  }
0x587: {  	v6 =	vld [tilespmem:s15+$0xFFFFFFF0]  }
0x588: {  	s17 =	simm.s32 $0x1B950;
	v7 =	vld [tilespmem:s15+$0x0]  }
0x589: {  	v10 =	vld [tilespmem:s17+$0x10]  }
0x58a: {  	v4 =	vld [tilespmem:s17+$0xFFFFFFF0]  }
0x58b: {  	v9 =	vld [tilespmem:s17+$0xFFFFFFE0]  }
0x58c: {  	v11 =	vld.idx.msk [tilespmem:v3+s8+$0x0], $0xffff  }
0x58d: {  	v3 =	vld [tilespmem:s17+$0x0]  }
0x58e: {  	v8 =	vld.idx.msk [tilespmem:v5+s8+$0x0], $0xffff  }
0x58f: {  	v5 =	vld.idx.msk [tilespmem:v6+s8+$0x0], $0xffff  }
0x590: {  	s17 =	simm.s32 $0x1ED10;
	v6 =	vld.idx.msk [tilespmem:v7+s8+$0x0], $0xffff  }
0x591: {  	s7 =	simm.s32 $0x1B990;
	s15 =	simm.s32 $0x40;
	v7 =	vld.idx.msk [tilespmem:v10+s8+$0x0], $0xffff;
	[tilespmem:s17+$0x10] =	vst v11  }
.LBB2_74:
0x592: {  	v10 =	vld [tilespmem:s7+$0x10];
	s15 =	sadd.s32 $0x40, s15  }
0x593: {  	v11 =	vld [tilespmem:s7+$0xFFFFFFF0];
	p2 =	slt.u32 s15, $0x600;
	[tilespmem:s17+$0xFFFFFFE0] =	vst v8  }
0x594: {  	v12 =	vld [tilespmem:s7+$0x0];
	[tilespmem:s17+$0xFFFFFFF0] =	vst v5  }
0x595: {  	v13 =	vld [tilespmem:s7+$0xFFFFFFE0];
	[tilespmem:s17+$0x0] =	vst v6  }
.Ltmp36:
0x596: {  	s17 =	sadd.s32 $0x40, s17;
	v8 =	vld.idx.msk [tilespmem:v9+s8+$0x0], $0xffff;
	(pc) =	sbr.rel @p2 .LBB2_74-.Ltmp36, $4  }
0x597: {  	v5 =	vld.idx.msk [tilespmem:v4+s8+$0x0], $0xffff;
	[tilespmem:s17+$0x10] =	vst v7  }
0x598: {  	v6 =	vld.idx.msk [tilespmem:v3+s8+$0x0], $0xffff;
	v4 =	vmov v11  }
0x599: {  	v3 =	vmov v12  }
0x59a: {  	s7 =	sadd.s32 $0x40, s7;
	v7 =	vld.idx.msk [tilespmem:v10+s8+$0x0], $0xffff;
	v9 =	vmov v13  }
0x59b: {  	_ =	sdelay $0x3  }
0x59c: {  	v9 =	vld.idx.msk [tilespmem:v9+s8+$0x0], $0xffff  }
0x59d: {  	[tilespmem:s17+$0xFFFFFFE0] =	vst v8;
	v4 =	vld.idx.msk [tilespmem:v4+s8+$0x0], $0xffff  }
0x59e: {  	v3 =	vld.idx.msk [tilespmem:v3+s8+$0x0], $0xffff;
	[tilespmem:s17+$0xFFFFFFF0] =	vst v5  }
0x59f: {  	s7 =	sadd.s32 $0x40, s17;
	[tilespmem:s17+$0x0] =	vst v6  }
0x5a0: {  	[tilespmem:s7+$0x10] =	vst v7  }
0x5a1: {  	[tilespmem:s7+$0xFFFFFFE0] =	vst v9  }
0x5a2: {  	[tilespmem:s7+$0xFFFFFFF0] =	vst v4  }
0x5a3: {  	[tilespmem:s7+$0x0] =	vst v3  }
0x5a4: {  	[spmem:s2] =	stream.indirect.scatter.add.f32 [tilespmem:s21], [sflag:$0x6], $0x1, s16, s20, $0xb8;
	[tilespmem:$0x1F9F0] =	vst v63  }
0x5a5: {  	_ =	swait.ge [sflag:s5], $0x640  }
0x5a6: {  	[sflag:s5] =	ssyncset.done $0x0  }
0x5a7: {  	[sflag:s5] =	ssyncadd.s32 $0xFFFFF9C0  }
0x5a8: {  	_ =	swait.ge [sflag:s4], $0x640  }
0x5a9: {  	[sflag:s4] =	ssyncset.done $0x0  }
0x5aa: {  	[sflag:s4] =	ssyncadd.s32 $0xFFFFF9C0  }
0x5ab: {  	s15 =	simm.s32 $0x19F70;
	[bflag:$0x0] =	sbarrier.arrive $0xFFFF  }
0x5ac: {  	[tilespmem:s15], [sflag:$0x8] =	stream.linear.gather [spmem:s22], $0x1870, $0x38;
	[tilespmem:$0x1F9F0] =	vst v63  }
0x5ad: {  	_ =	swait.ge [sflag:s31], $0x1870  }
0x5ae: {  	[sflag:s31] =	ssyncset.done $0x0  }
0x5af: {  	s17 =	rddreg [dreg:$0xf];
	[sflag:s31] =	ssyncadd.s32 $0xFFFFE790  }
0x5b0: {  	[hbm4b:s17+s3] =	stream.linear.scatter [tilespmem:s15], [sflag:$0x8], $0x1870, $0x38;
	[tilespmem:$0x1F9F0] =	vst v63  }
0x5b1: {  	_ =	swait.ge [sflag:s31], $0x1870  }
0x5b2: {  	[sflag:s31] =	ssyncset.done $0x0  }
0x5b3: {  	[sflag:s31] =	ssyncadd.s32 $0xFFFFE790  }
0x5b4: {  	v3 =	vimm.s32 @!p0 $0x3;
	[bflag:$0x0] =	sbarrier.arrive $0xFFFF  }
0x5b5: {  	s7 =	simm.s32 @!p0 $0x0;
	s15 =	simm.s32 @!p0 $0x1B870;
	[tilespmem:$0x1B870] =	vst @!p0 v3;
	s17 =	rddreg [dreg:$0x1f]  }
0x5b6: {  	[hbm4b:s17+s7] =	stream.linear.scatter @!p0 [tilespmem:s15], [sflag:$0x8], $0x10, $0x38;
	[tilespmem:$0x1F9F0] =	vst v63  }
0x5b7: {  	s7 =	simm.s32 @!p0 $0x8  }
0x5b8: {  	_ =	swait.ge @!p0 [sflag:s7], $0x10  }
0x5b9: {  	[sflag:s7] =	ssyncset.done @!p0 $0x0  }
0x5ba: {  	s22 =	simm.s32 $0x19F70;
	[sflag:s7] =	ssyncadd.s32 @!p0 $0xFFFFFFF0;
	s7 =	simm.s32 $0x0  }
.LBB2_76:
0x5bb: {  	[tilespmem:s14], [sflag:$0x1] =	stream.linear.gather [hbm4b:s13+s3], $0x10, $0x38;
	[tilespmem:$0x1F9F0] =	vst v63  }
0x5bc: {  	_ =	swait.ge [sflag:s9], $0x10  }
0x5bd: {  	[sflag:s9] =	ssyncset.done $0x0  }
0x5be: {  	[sflag:s9] =	ssyncadd.s32 $0xFFFFFFF0  }
0x5bf: {  	v3 =	vld [tilespmem:$0x1B870];
	_ =	sdelay $0x4  }
0x5c0: {  	vm0 =	veq.s32 v3, $0x3  }
0x5c1: {  	v3 =	vsel vm0, $0x1, v1  }
0x5c2: {  	v3 =	vor.u32 $0x80000000, v3  }
0x5c3: {  	(xrf0) =	vmax.scan.msk.u32 $0xffff, v3;
	_ =	sdelay $0x5  }
0x5c4: {  	v3, _, _ =	vpop (xrf0)  }
0x5c5: {  	(v2sf) =	vpush v3, $0xF;
	_ =	sdelay $0xe  }
0x5c6: {  	p2 =	sgt.u32 s7, $0x30D3E;
	s15 =	spop (v2sf)  }
0x5c7: {  	p3 =	seq.s32 @!p2 s15, $0x80000000  }
0x5c8: {  	p2 =	por p2, !p3  }
.Ltmp37:
0x5c9: {  	_ = 	snop;
	(pc) =	sbr.rel @!p2 .LBB2_76-.Ltmp37, $2  }
0x5ca: {  	_ =	sdelay $0x2  }
0x5cb: {  	s7 =	sadd.s32 $0x1, s7  }
0x5cc: {  	s15 =	sld [smem:$0x7FD];
	_ =	sdelay $0x1  }
0x5cd: {  	s7 =	simm.s32 $0x0;
	s17 =	simm.s32 $0x1B7F0  }
0x5ce: {  	[tilespmem:s17], [sflag:$0x8] =	stream.linear.gather [hbm4b:s15+s7], $0x10, $0x38;
	[tilespmem:$0x1F9F0] =	vst v63  }
0x5cf: {  	_ =	swait.ge [sflag:s31], $0x10  }
0x5d0: {  	[sflag:s31] =	ssyncset.done $0x0  }
0x5d1: {  	s17 =	rddreg [dreg:$0x11];
	[sflag:s31] =	ssyncadd.s32 $0xFFFFFFF0  }
0x5d2: {  	[tilespmem:s22], [sflag:$0x8] =	stream.linear.gather [hbm4b:s17+s7], $0x1870, $0x38;
	[tilespmem:$0x1F9F0] =	vst v63  }
0x5d3: {  	_ =	swait.ge [sflag:s31], $0x1870  }
0x5d4: {  	[sflag:s31] =	ssyncset.done $0x0  }
0x5d5: {  	s15 =	simm.s32 $0x40;
	s7 =	simm.s32 $0x0;
	[sflag:s31] =	ssyncadd.s32 $0xFFFFE790  }
.LBB2_78:
0x5d6: {  	p2 =	sne.s32 s15, $0x6180;
	v3 =	vld.idx.msk [tilespmem:v2+s7+$0x0 ss:$0x1], $0xffff  }
0x5d7: {  	v4 =	vld [tilespmem:s7+$0x19F70];
	_ =	sdelay $0x2  }
.Ltmp38:
0x5d8: {  	(pc) =	sbr.rel @p2 .LBB2_78-.Ltmp38, $3  }
0x5d9: {  	_ = 	snop  }
0x5da: {  	v3 =	vadd.f32 v4, v3;
	_ =	sdelay $0x1  }
0x5db: {  	[tilespmem:v2+s7+$0x0 ss:$0x1] =	vst.idx.msk $0xffff, v3;
	s7 =	sshra.s32 s15, $0x2;
	s15 =	sadd.s32 $0x40, s15  }
0x5dc: {  	_ =	sdelay $0x3  }
0x5dd: {  	v3 =	vld.idx.msk [tilespmem:v2+s7+$0x0 ss:$0x1], $0xffff  }
0x5de: {  	v4 =	vld [tilespmem:s7+$0x19F70];
	_ =	sdelay $0x4  }
0x5df: {  	v3 =	vadd.f32 v4, v3;
	_ =	sdelay $0x1  }
0x5e0: {  	s17 =	simm.s32 $0x0;
	s15 =	rddreg [dreg:$0x10];
	[tilespmem:v2+s7+$0x0 ss:$0x1] =	vst.idx.msk $0xffff, v3  }
0x5e1: {  	[tilespmem:s22], [sflag:$0x8] =	stream.linear.gather [hbm4b:s15+s17], $0x1870, $0x38;
	[tilespmem:$0x1F9F0] =	vst v63  }
0x5e2: {  	_ =	swait.ge [sflag:s31], $0x1870  }
0x5e3: {  	[sflag:s31] =	ssyncset.done $0x0  }
0x5e4: {  	[sflag:s31] =	ssyncadd.s32 $0xFFFFE790  }
0x5e5: {  	s7 =	simm.s32 $0x0;
	v3 =	vld [tilespmem:$0x1B7F0]  }
0x5e6: {  	s15 =	simm.s32 $0x40;
	v4 =	vld.idx.msk [tilespmem:v2+s7+$0x0 ss:$0x1], $0xffff  }
.LBB2_80:
0x5e7: {  	p2 =	sne.s32 s15, $0x6180;
	v5 =	vld [tilespmem:s7+$0x19F70];
	_ =	sdelay $0x4  }
0x5e8: {  	v4 =	vadd.f32 v5, v4;
	_ =	sdelay $0x1  }
.Ltmp39:
0x5e9: {  	v4 =	vmul.f32 v4, v3;
	(pc) =	sbr.rel @p2 .LBB2_80-.Ltmp39, $4  }
0x5ea: {  	_ = 	snop  }
0x5eb: {  	[tilespmem:v2+s7+$0x0 ss:$0x1] =	vst.idx.msk $0xffff, v4  }
0x5ec: {  	[tilespmem:s7+$0x19F70] =	vst v0;
	s7 =	sshra.s32 s15, $0x2  }
0x5ed: {  	s15 =	sadd.s32 $0x40, s15;
	v4 =	vld.idx.msk [tilespmem:v2+s7+$0x0 ss:$0x1], $0xffff  }
0x5ee: {  	v5 =	vld [tilespmem:s7+$0x19F70];
	_ =	sdelay $0x4  }
0x5ef: {  	v4 =	vadd.f32 v5, v4;
	_ =	sdelay $0x1  }
0x5f0: {  	v3 =	vmul.f32 v4, v3  }
0x5f1: {  	s17 =	sld [smem:$0x7FA]  }
0x5f2: {  	[tilespmem:v2+s7+$0x0 ss:$0x1] =	vst.idx.msk $0xffff, v3  }
0x5f3: {  	s15 =	rddreg [dreg:$0x1d];
	[tilespmem:s7+$0x19F70] =	vst v0;
	s7 =	simm.s32 @!p1 $0x0  }
0x5f4: {  	[hbm4b:s17+s7] =	stream.linear.scatter @!p1 [tilespmem:s15], [sflag:$0x8], $0x1870, $0x38;
	[tilespmem:$0x1F9F0] =	vst v63  }
0x5f5: {  	s7 =	simm.s32 @!p1 $0x8  }
0x5f6: {  	_ =	swait.ge @!p1 [sflag:s7], $0x1870  }
0x5f7: {  	s15 =	sld [smem:$0x7F9];
	_ =	sdelay $0x2  }
0x5f8: {  	s17 =	sadd.s32 $0x1, s15;
	s15 =	sld [smem:$0x7FB];
	_ =	sdelay $0x2  }
0x5f9: {  	p2 =	sne.s32 s17, s15  }
.Ltmp40:
0x5fa: {  	_ = 	snop;
	(pc) =	sbr.rel @p2 .LBB2_1-.Ltmp40, $3  }
0x5fb: {  	_ =	sdelay $0x1  }
0x5fc: {  	[sflag:s7] =	ssyncset.done @!p1 $0x0  }
0x5fd: {  	[sflag:s7] =	ssyncadd.s32 @!p1 $0xFFFFE790  }
0x5fe: {  	_ =	sfence.sel $0x180000  }
0x5ff: {  	[bflag:$0x0] =	sbarrier.arrive $0xFFFF  }
0x600: {  	_ =	strace $0x90000047  }
0x601: {  	[bflag:$0x2] =	sbarrier.arrive $0xFFFF  }
0x602: {  	s0 =	rddreg [dreg:$0x3]  }
0x603: {  	s0 =	sadd.s32 @!p0 $0x100000, s0  }
0x604: {  	[sflag:s0] =	ssyncadd.tile.s32 @!p0 $0x1;
	_ =	shalt  }
.Lfunc_end2:
_tile_overlayer_lowered:
.L_overlay_start_2:
0x605: {  	(tag) =	ssettag $0x2  }
0x606: {  	s0 =	rddreg [dreg:$0x0];
	s2 =	stileid.u32  }
0x607: {  	s1 =	rddreg [dreg:$0x1];
	p0 =	sne.s32 s2, $0x0  }
0x608: {  	s3 =	rddreg [dreg:$0x2];
	[bflag:$0x3] =	sbarrier.arrive $0xFFFF;
	s2 =	simm.s32 @!p0 $0x1C08  }
0x609: {  	[timem:s3], [sflag:s2] =	dma.local @!p0 [hbm:s0], s1  }
0x60a: {  	s0 =	simm.s32 @!p0 $0x8  }
0x60b: {  	_ =	swait.ge @!p0 [sflag:s0], s1  }
0x60c: {  	s1 =	ssub.s32 @!p0 $0x0, s1;
	[sflag:s0] =	ssyncset.done @!p0 $0x0  }
0x60d: {  	[sflag:s0] =	ssyncadd.s32 @!p0 s1  }
0x60e: {  	[bflag:$0x3] =	sbarrier.arrive $0xFFFF  }
0x60f: {  	_ =	shalt  }

</sc_bundles>
